<compile_context>
chip_gen: v7x
topology: tpu7x:2x2x1
jax: 0.10.2.dev20260603
libtpu: 0.0.44.dev20260713+nightly
codegen_flags: <defaults>
</compile_context>

<pallas_src>
import functools

import jax
import jax.numpy as jnp
from jax import lax
from jax.experimental import pallas as pl
from jax.experimental.pallas import tpu as pltpu
from jax.experimental.pallas import tpu_sc as plsc

N = 10000
D = 128
E = 640000
P = 100000
EPS = 1e-5

NC = 2
NS = 16
NW = NC * NS

SEG_C = 128
SEG_CH0 = 160
SEG_CH1 = 160
EPAD = NS * (SEG_CH0 + SEG_CH1) * SEG_C
NPAD = 10240
RPT = NPAD // NS
ZITER = RPT // SEG_C

PG_C = 80
PG_CH0 = 40
PG_CH1 = 40
PPAD = NS * (PG_CH0 + PG_CH1) * PG_C

_SC_PARAMS = pltpu.CompilerParams(use_tc_tiling_on_sc=False,
                                  needs_layout_passes=False)


def _sc_segsum_body(compute_deg, *refs):
    if compute_deg:
        (feats, src, dst, zfeat, parts, degflat,
         acc, is0, is1, is2, is3, id0, id1, id2, id3, rows0, rows1, dpriv,
         semis, semid, semg, semc) = refs
    else:
        (feats, src, dst, zfeat, parts,
         acc, is0, is1, is2, is3, id0, id1, id2, id3, rows0, rows1,
         semis, semid, semg, semc) = refs
    ISS = [is0, is1, is2, is3]
    IDS = [id0, id1, id2, id3]
    ROWS = [rows0, rows1]
    cid = lax.axis_index("c")
    sid = lax.axis_index("s")
    wid = cid * NS + sid
    cc = jnp.where(cid == 0, SEG_CH0, SEG_CH1)
    base = SEG_C * (cid * NS * SEG_CH0 + sid * cc)
    g4 = cc // 4

    pltpu.sync_copy(zfeat, rows0)
    for j in range(ZITER):
        pltpu.sync_copy(rows0, acc.at[pl.ds(sid * RPT + j * SEG_C, SEG_C)])
    if compute_deg:
        def zero_deg(i, carry):
            dpriv[pl.ds(i * 16, 16)] = jnp.zeros((16,), jnp.float32)
            return carry
        lax.fori_loop(0, NPAD // 16, zero_deg, 0)
    plsc.subcore_barrier()

    ones16 = jnp.ones((16,), jnp.float32)

    def off_of(g):
        return pl.multiple_of(base + g * SEG_C, 8)

    pltpu.sync_copy(src.at[pl.ds(off_of(0), SEG_C)], ISS[0])
    pltpu.sync_copy(dst.at[pl.ds(off_of(0), SEG_C)], IDS[0])
    pltpu.async_copy(src.at[pl.ds(off_of(1), SEG_C)], ISS[1], semis.at[1])
    pltpu.async_copy(dst.at[pl.ds(off_of(1), SEG_C)], IDS[1], semid.at[1])
    pltpu.async_copy(feats.at[ISS[0]], ROWS[0], semg.at[0])

    def quad(t, carry):
        for u in range(4):
            b2 = u % 2
            g = 4 * t + u
            pltpu.make_async_copy(feats.at[ISS[u]], ROWS[b2],
                                  semg.at[b2]).wait()
            pltpu.async_copy(ROWS[b2], acc.at[IDS[u]], semc, add=True)
            if compute_deg:
                for k in range(SEG_C // 16):
                    dv = IDS[u][pl.ds(k * 16, 16)]
                    plsc.addupdate_scatter(dpriv, [dv], ones16)
            def wait_sc():
                pltpu.make_async_copy(ROWS[(u - 1) % 2],
                                      acc.at[IDS[(u - 1) % 4]], semc).wait()
            if u == 0:
                pl.when(t > 0)(wait_sc)
            else:
                wait_sc()
            def pref():
                off2 = off_of(g + 2)
                pltpu.async_copy(src.at[pl.ds(off2, SEG_C)],
                                 ISS[(u + 2) % 4], semis.at[(u + 2) % 4])
                pltpu.async_copy(dst.at[pl.ds(off2, SEG_C)],
                                 IDS[(u + 2) % 4], semid.at[(u + 2) % 4])
            if u < 2:
                pref()
            else:
                pl.when(t < g4 - 1)(pref)
            def nxt():
                off1 = off_of(g + 1)
                pltpu.make_async_copy(src.at[pl.ds(off1, SEG_C)],
                                      ISS[(u + 1) % 4],
                                      semis.at[(u + 1) % 4]).wait()
                pltpu.make_async_copy(dst.at[pl.ds(off1, SEG_C)],
                                      IDS[(u + 1) % 4],
                                      semid.at[(u + 1) % 4]).wait()
                pltpu.async_copy(feats.at[ISS[(u + 1) % 4]], ROWS[(u + 1) % 2],
                                 semg.at[(u + 1) % 2])
            if u == 3:
                pl.when(t < g4 - 1)(nxt)
            else:
                nxt()
        return carry

    lax.fori_loop(0, g4, quad, 0)
    pltpu.make_async_copy(ROWS[1], acc.at[IDS[3]], semc).wait()
    plsc.subcore_barrier()

    for j in range(ZITER):
        sl = pl.ds(sid * RPT + j * SEG_C, SEG_C)
        pltpu.sync_copy(acc.at[sl], rows0)
        pltpu.sync_copy(rows0, parts.at[cid].at[sl])
    if compute_deg:
        pltpu.sync_copy(dpriv, degflat.at[pl.ds(wid * NPAD, NPAD)])


@functools.lru_cache(maxsize=None)
def _get_segsum(compute_deg):
    mesh = plsc.VectorSubcoreMesh(core_axis_name="c", subcore_axis_name="s")
    out_type = [jax.ShapeDtypeStruct((NC, NPAD, D), jnp.float32)]
    if compute_deg:
        out_type.append(jax.ShapeDtypeStruct((NW * NPAD,), jnp.float32))
    scratch = [pltpu.VMEM_SHARED((NPAD, D), jnp.float32)]
    scratch += [pltpu.VMEM((SEG_C,), jnp.int32)] * 8
    scratch += [pltpu.VMEM((SEG_C, D), jnp.float32)] * 2
    if compute_deg:
        scratch.append(pltpu.VMEM((NPAD,), jnp.float32))
    scratch += [
        pltpu.SemaphoreType.DMA((4,)),
        pltpu.SemaphoreType.DMA((4,)),
        pltpu.SemaphoreType.DMA((2,)),
        pltpu.SemaphoreType.DMA,
    ]
    return pl.kernel(
        functools.partial(_sc_segsum_body, compute_deg),
        out_type=out_type,
        mesh=mesh,
        scratch_types=scratch,
        compiler_params=_SC_PARAMS,
    )


def _sc_pairs_body(u, v, p0, p1, gu, gv,
                   i00, i01, i02, i03, i10, i11, i12, i13,
                   bu0, bu1, bv0, bv1,
                   sem0, sem1, semgu, semgv, semw):
    I0 = [i00, i01, i02, i03]
    I1 = [i10, i11, i12, i13]
    BU = [bu0, bu1]
    BV = [bv0, bv1]
    cid = lax.axis_index("c")
    sid = lax.axis_index("s")
    cc = jnp.where(cid == 0, PG_CH0, PG_CH1)
    base = PG_C * (cid * NS * PG_CH0 + sid * cc)
    g4 = cc // 4

    def off_of(g):
        return pl.multiple_of(base + g * PG_C, 8)

    pltpu.sync_copy(p0.at[pl.ds(off_of(0), PG_C)], I0[0])
    pltpu.sync_copy(p1.at[pl.ds(off_of(0), PG_C)], I1[0])
    pltpu.async_copy(p0.at[pl.ds(off_of(1), PG_C)], I0[1], sem0.at[1])
    pltpu.async_copy(p1.at[pl.ds(off_of(1), PG_C)], I1[1], sem1.at[1])
    pltpu.async_copy(u.at[I0[0]], BU[0], semgu.at[0])
    pltpu.async_copy(v.at[I1[0]], BV[0], semgv.at[0])

    def quad(t, carry):
        for uu in range(4):
            b2 = uu % 2
            g = 4 * t + uu
            sl = pl.ds(off_of(g), PG_C)
            pltpu.make_async_copy(u.at[I0[uu]], BU[b2], semgu.at[b2]).wait()
            pltpu.make_async_copy(v.at[I1[uu]], BV[b2], semgv.at[b2]).wait()
            pltpu.async_copy(BU[b2], gu.at[sl], semw)
            pltpu.async_copy(BV[b2], gv.at[sl], semw)
            def wait_w():
                slp = pl.ds(off_of(g - 1), PG_C)
                pltpu.make_async_copy(BU[(uu - 1) % 2], gu.at[slp],
                                      semw).wait()
                pltpu.make_async_copy(BV[(uu - 1) % 2], gv.at[slp],
                                      semw).wait()
            if uu == 0:
                pl.when(t > 0)(wait_w)
            else:
                wait_w()
            def pref():
                off2 = off_of(g + 2)
                pltpu.async_copy(p0.at[pl.ds(off2, PG_C)], I0[(uu + 2) % 4],
                                 sem0.at[(uu + 2) % 4])
                pltpu.async_copy(p1.at[pl.ds(off2, PG_C)], I1[(uu + 2) % 4],
                                 sem1.at[(uu + 2) % 4])
            if uu < 2:
                pref()
            else:
                pl.when(t < g4 - 1)(pref)
            def nxt():
                off1 = off_of(g + 1)
                pltpu.make_async_copy(p0.at[pl.ds(off1, PG_C)],
                                      I0[(uu + 1) % 4],
                                      sem0.at[(uu + 1) % 4]).wait()
                pltpu.make_async_copy(p1.at[pl.ds(off1, PG_C)],
                                      I1[(uu + 1) % 4],
                                      sem1.at[(uu + 1) % 4]).wait()
                pltpu.async_copy(u.at[I0[(uu + 1) % 4]], BU[(uu + 1) % 2],
                                 semgu.at[(uu + 1) % 2])
                pltpu.async_copy(v.at[I1[(uu + 1) % 4]], BV[(uu + 1) % 2],
                                 semgv.at[(uu + 1) % 2])
            if uu == 3:
                pl.when(t < g4 - 1)(nxt)
            else:
                nxt()
        return carry

    lax.fori_loop(0, g4, quad, 0)
    slp = pl.ds(off_of(cc - 1), PG_C)
    pltpu.make_async_copy(BU[1], gu.at[slp], semw).wait()
    pltpu.make_async_copy(BV[1], gv.at[slp], semw).wait()


@functools.lru_cache(maxsize=None)
def _get_pair_gather():
    mesh = plsc.VectorSubcoreMesh(core_axis_name="c", subcore_axis_name="s")
    return pl.kernel(
        _sc_pairs_body,
        out_type=[
            jax.ShapeDtypeStruct((PPAD, D), jnp.float32),
            jax.ShapeDtypeStruct((PPAD, D), jnp.float32),
        ],
        mesh=mesh,
        scratch_types=(
            [pltpu.VMEM((PG_C,), jnp.int32)] * 8
            + [pltpu.VMEM((PG_C, D), jnp.float32)] * 4
            + [pltpu.SemaphoreType.DMA((4,)),
               pltpu.SemaphoreType.DMA((4,)),
               pltpu.SemaphoreType.DMA((2,)),
               pltpu.SemaphoreType.DMA((2,)),
               pltpu.SemaphoreType.DMA]
        ),
        compiler_params=_SC_PARAMS,
    )


def _dot_t(a, b):
    return lax.dot_general(a, b, (((1,), (1,)), ((), ())),
                           preferred_element_type=jnp.float32)


def _tc_layer1_body(parts, dcol, x, w1l, b1l, w1r, gamma, beta, h):
    s = parts[0, :N] + parts[1, :N]
    agg = s / jnp.maximum(dcol[...], 1.0)
    t = _dot_t(agg, w1l[...]) + b1l[...] + _dot_t(x[...], w1r[...])
    mu = jnp.mean(t, axis=0, keepdims=True)
    var = jnp.mean((t - mu) ** 2, axis=0, keepdims=True)
    hh = gamma[...] * (t - mu) * lax.rsqrt(var + EPS) + beta[...]
    h[...] = jnp.maximum(hh, 0.0)


def _tc_layer2_body(parts, dcol, h, w2l, b2l, w2r, w3a, w3b, b3, u, v):
    s = parts[0, :N] + parts[1, :N]
    agg = s / jnp.maximum(dcol[...], 1.0)
    z = _dot_t(agg, w2l[...]) + b2l[...] + _dot_t(h[...], w2r[...])
    u[...] = _dot_t(z, w3a[...]) + b3[...]
    v[...] = _dot_t(z, w3b[...])


HBLK = 2048


def _tc_head_body(gu, gv, w4p, b4p, w5a, o):
    h1 = jnp.maximum(gu[...] + gv[...], 0.0)
    h2 = jnp.maximum(_dot_t(h1, w4p[...]) + b4p[...], 0.0)
    o[...] = jax.nn.sigmoid(_dot_t(h2, w5a[...]))


def kernel(x, edge_index, edge_pairs, W1l, b1l, W1r, gamma, beta,
           W2l, b2l, W2r, W3, b3, W4, b4, W5, b5):
    npd = EPAD - E
    src = jnp.concatenate([edge_index[0], jnp.arange(npd, dtype=jnp.int32) % N])
    dst = jnp.concatenate(
        [edge_index[1], N + jnp.arange(npd, dtype=jnp.int32) % (NPAD - N)])
    zfeat = jnp.zeros((SEG_C, D), jnp.float32)

    parts1, degflat = _get_segsum(True)(x, src, dst, zfeat)
    dcol = degflat.reshape(NW, NPAD).sum(axis=0)[:N, None]

    h = pl.pallas_call(
        _tc_layer1_body,
        out_shape=jax.ShapeDtypeStruct((N, D), jnp.float32),
    )(parts1, dcol, x, W1l, b1l.reshape(1, D), W1r,
      gamma.reshape(1, D), beta.reshape(1, D))

    (parts2,) = _get_segsum(False)(h, src, dst, zfeat)

    u, v = pl.pallas_call(
        _tc_layer2_body,
        out_shape=[
            jax.ShapeDtypeStruct((N, D), jnp.float32),
            jax.ShapeDtypeStruct((N, D), jnp.float32),
        ],
    )(parts2, dcol, h, W2l, b2l.reshape(1, D), W2r,
      W3[:, :D], W3[:, D:], b3.reshape(1, D))

    pad = jnp.arange(PPAD - P, dtype=jnp.int32) % N
    p0 = jnp.concatenate([edge_pairs[0], pad])
    p1 = jnp.concatenate([edge_pairs[1], pad])
    gu, gv = _get_pair_gather()(u, v, p0, p1)

    w4p = jnp.concatenate([W4, jnp.zeros((D // 2, D), jnp.float32)], axis=0)
    b4p = jnp.concatenate(
        [b4, jnp.ones((1,), jnp.float32),
         jnp.zeros((D // 2 - 1,), jnp.float32)]).reshape(1, D)
    w5a = jnp.concatenate(
        [W5, b5.reshape(1, 1), jnp.zeros((1, D // 2 - 1), jnp.float32)],
        axis=1)

    o = pl.pallas_call(
        _tc_head_body,
        grid=(PPAD // HBLK,),
        in_specs=[
            pl.BlockSpec((HBLK, D), lambda i: (i, 0)),
            pl.BlockSpec((HBLK, D), lambda i: (i, 0)),
            pl.BlockSpec((D, D), lambda i: (0, 0)),
            pl.BlockSpec((1, D), lambda i: (0, 0)),
            pl.BlockSpec((1, D), lambda i: (0, 0)),
        ],
        out_specs=pl.BlockSpec((HBLK, 1), lambda i: (i, 0)),
        out_shape=jax.ShapeDtypeStruct((PPAD, 1), jnp.float32),
    )(gu, gv, w4p, b4p, w5a)

    return o[:P]

# --- scband reference (transcript-rebuilt; emitter-appended) ---
"""Pipeline reference for scband-career-tree-model-30889404793607 (READ-ONLY COPY).

The authoritative reference and input builder live on the scoring server;
editing this copy changes nothing except your own understanding.
"""

import jax, jax.numpy as jnp
import numpy as np

N = 10000
D = 128
E = 640000
P = 100000
EPS = 1e-5


def _sage(x, ei, Wl, bl, Wr):
    # PyG SAGEConv (mean aggr): out = lin_l(mean_j x_j) + lin_r(x)
    src = ei[0]
    dst = ei[1]
    msg = x[src]
    s = jax.ops.segment_sum(msg, dst, num_segments=N)
    deg = jax.ops.segment_sum(jnp.ones((ei.shape[1],), dtype=x.dtype), dst, num_segments=N)
    agg = s / jnp.clip(deg, 1.0)[:, None]
    return agg @ Wl.T + bl + x @ Wr.T


def _bn(x, gamma, beta):
    # BatchNorm1d, training-mode batch statistics (biased var), eps=1e-5
    mu = jnp.mean(x, axis=0)
    var = jnp.mean((x - mu) ** 2, axis=0)
    return gamma * (x - mu) / jnp.sqrt(var + EPS) + beta


def setup_inputs(seed: int = 0):
    key = jax.random.key(seed)
    ks = jax.random.split(key, 18)
    inp = {}
    inp["x"] = jax.random.normal(ks[0], (N, D), dtype=jnp.float32)
    inp["edge_index"] = jax.random.randint(ks[1], (2, E), 0, N, dtype=jnp.int32)
    inp["edge_pairs"] = jax.random.randint(ks[2], (2, P), 0, N, dtype=jnp.int32)
    # SAGEConv 1 (input_dim=128 -> hidden_dim=128)
    inp["W1l"] = jax.random.normal(ks[3], (D, D), dtype=jnp.float32) * 0.05
    inp["b1l"] = jnp.zeros((D,), dtype=jnp.float32)
    inp["W1r"] = jax.random.normal(ks[4], (D, D), dtype=jnp.float32) * 0.05
    # BatchNorm1d
    inp["gamma"] = jnp.ones((D,), dtype=jnp.float32)
    inp["beta"] = jnp.zeros((D,), dtype=jnp.float32)
    # SAGEConv 2 (hidden_dim=128 -> output_dim=128)
    inp["W2l"] = jax.random.normal(ks[5], (D, D), dtype=jnp.float32) * 0.05
    inp["b2l"] = jnp.zeros((D,), dtype=jnp.float32)
    inp["W2r"] = jax.random.normal(ks[6], (D, D), dtype=jnp.float32) * 0.05
    # EdgeRegHead MLP: Linear(256,128) -> ReLU -> (Dropout eval) -> Linear(128,64) -> ReLU -> Linear(64,1) -> Sigmoid
    inp["W3"] = jax.random.normal(ks[7], (D, 2 * D), dtype=jnp.float32) * 0.05
    inp["b3"] = jnp.zeros((D,), dtype=jnp.float32)
    inp["W4"] = jax.random.normal(ks[8], (D // 2, D), dtype=jnp.float32) * 0.05
    inp["b4"] = jnp.zeros((D // 2,), dtype=jnp.float32)
    inp["W5"] = jax.random.normal(ks[9], (1, D // 2), dtype=jnp.float32) * 0.05
    inp["b5"] = jnp.zeros((1,), dtype=jnp.float32)
    return inp


def reference(x, edge_index, edge_pairs, W1l, b1l, W1r, gamma, beta, W2l, b2l, W2r, W3, b3, W4, b4, W5, b5):
    h = _sage(x, edge_index, W1l, b1l, W1r)
    h = _bn(h, gamma, beta)
    h = jax.nn.relu(h)
    # dropout inactive (eval / deterministic)
    z = _sage(h, edge_index, W2l, b2l, W2r)
    zi = z[edge_pairs[0]]
    zj = z[edge_pairs[1]]
    e = jnp.concatenate([zi, zj], axis=-1)
    h1 = jax.nn.relu(e @ W3.T + b3)
    h2 = jax.nn.relu(h1 @ W4.T + b4)
    out = jax.nn.sigmoid(h2 @ W5.T + b5)
    return out

if __name__ == "__main__":
    import jax
    _d = setup_inputs()
    print(jax.jit(kernel)(*tuple(_d.values())))

</pallas_src>

<mosaic_0001>
#map = affine_map<(d0, d1) -> (0, 0)>
#map1 = affine_map<(d0, d1) -> (0)>
module attributes {stable_mosaic.version = 14 : i64} {
  func.func @_sc_pairs_body(%arg0: i32, %arg1: i32, %arg2: memref<10000x128xf32, #tpu.memory_space<hbm>>, %arg3: memref<10000x128xf32, #tpu.memory_space<hbm>>, %arg4: memref<102400xi32, #tpu.memory_space<hbm>>, %arg5: memref<102400xi32, #tpu.memory_space<hbm>>, %arg6: memref<102400x128xf32, #tpu.memory_space<hbm>>, %arg7: memref<102400x128xf32, #tpu.memory_space<hbm>>, %arg8: memref<80xi32, #tpu.memory_space<vmem>>, %arg9: memref<80xi32, #tpu.memory_space<vmem>>, %arg10: memref<80xi32, #tpu.memory_space<vmem>>, %arg11: memref<80xi32, #tpu.memory_space<vmem>>, %arg12: memref<80xi32, #tpu.memory_space<vmem>>, %arg13: memref<80xi32, #tpu.memory_space<vmem>>, %arg14: memref<80xi32, #tpu.memory_space<vmem>>, %arg15: memref<80xi32, #tpu.memory_space<vmem>>, %arg16: memref<80x128xf32, #tpu.memory_space<vmem>>, %arg17: memref<80x128xf32, #tpu.memory_space<vmem>>, %arg18: memref<80x128xf32, #tpu.memory_space<vmem>>, %arg19: memref<80x128xf32, #tpu.memory_space<vmem>>, %arg20: memref<4x!tpu.dma_semaphore, #tpu.memory_space<semaphore_mem>>, %arg21: memref<4x!tpu.dma_semaphore, #tpu.memory_space<semaphore_mem>>, %arg22: memref<2x!tpu.dma_semaphore, #tpu.memory_space<semaphore_mem>>, %arg23: memref<2x!tpu.dma_semaphore, #tpu.memory_space<semaphore_mem>>, %arg24: memref<!tpu.dma_semaphore, #tpu.memory_space<semaphore_mem>>) attributes {dimension_semantics = [#tpu.dimension_semantics<core_parallel>, #tpu.dimension_semantics<subcore_parallel>], iteration_bounds = array<i64: 2, 16>, scalar_prefetch = 0 : i64, scratch_operands = 17 : i64, tpu.core_type = #tpu.core_type<sc_vector_subcore>, window_params = [{transform_indices = #map}, {transform_indices = #map}, {transform_indices = #map1}, {transform_indices = #map1}, {transform_indices = #map}, {transform_indices = #map}]} {
    %eq3A = arith.constant 0 : i32
    %eq3A_0 = arith.cmpi eq, %arg0, %eq3A : i32
    %jit3A = arith.constant 40 : i32
    %jit3A_1 = arith.constant 40 : i32
    %select_n3A = arith.select %eq3A_0, %jit3A, %jit3A_1 : i32
    %mul3A = arith.constant 16 : i32
    %mul3A_2 = arith.muli %arg0, %mul3A : i32
    %mul3A_3 = arith.constant 40 : i32
    %mul3A_4 = arith.muli %mul3A_2, %mul3A_3 : i32
    %mul3A_5 = arith.muli %arg1, %select_n3A : i32
    %add3A = arith.addi %mul3A_4, %mul3A_5 : i32
    %mul3A_6 = arith.constant 80 : i32
    %mul3A_7 = arith.muli %mul3A_6, %add3A : i32
    %jit3A_8 = arith.constant 4 : i32
    %div3A = arith.divsi %select_n3A, %jit3A_8 : i32
    %sign3A = arith.constant 0 : i32
    %sign3A_9 = arith.cmpi sgt, %select_n3A, %sign3A : i32
    %sign3A_10 = arith.extui %sign3A_9 : i1 to i32
    %sign3A_11 = arith.constant 0 : i32
    %sign3A_12 = arith.cmpi slt, %select_n3A, %sign3A_11 : i32
    %sign3A_13 = arith.extui %sign3A_12 : i1 to i32
    %sign3A_14 = arith.subi %sign3A_10, %sign3A_13 : i32
    %sign3A_15 = arith.constant 0 : i32
    %sign3A_16 = arith.cmpi sgt, %jit3A_8, %sign3A_15 : i32
    %sign3A_17 = arith.extui %sign3A_16 : i1 to i32
    %sign3A_18 = arith.constant 0 : i32
    %sign3A_19 = arith.cmpi slt, %jit3A_8, %sign3A_18 : i32
    %sign3A_20 = arith.extui %sign3A_19 : i1 to i32
    %sign3A_21 = arith.subi %sign3A_17, %sign3A_20 : i32
    %ne3A = arith.cmpi ne, %sign3A_14, %sign3A_21 : i32
    %rem3A = arith.remsi %select_n3A, %jit3A_8 : i32
    %ne3A_22 = arith.constant 0 : i32
    %ne3A_23 = arith.cmpi ne, %rem3A, %ne3A_22 : i32
    %and3A = arith.andi %ne3A, %ne3A_23 : i1
    %sub3A = arith.constant 1 : i32
    %sub3A_24 = arith.subi %div3A, %sub3A : i32
    %select_n3A_25 = arith.select %and3A, %sub3A_24, %div3A : i32
    %add3A_26 = arith.constant 0 : i32
    %add3A_27 = arith.addi %mul3A_7, %add3A_26 : i32
    %multiple_of3A = tpu.assume_multiple %add3A_27, 8 : i32
    "tpu.region"() ({
      %run_scoped3A = tpu.sem_alloc : memref<!tpu.dma_semaphore, #tpu.memory_space<semaphore_mem>>
      %dma_start3A_80 = tpu.memref_slice %arg4[%multiple_of3A] : memref<102400xi32, #tpu.memory_space<hbm>> -> memref<80xi32, #tpu.memory_space<hbm>>
      %dma_start3A_81 = tpu.memref_slice %arg4[%multiple_of3A] : memref<102400xi32, #tpu.memory_space<hbm>> -> memref<80xi32, #tpu.memory_space<hbm>>
      tpu.enqueue_dma source(%dma_start3A_81 : memref<80xi32, #tpu.memory_space<hbm>>) target(%arg8 : memref<80xi32, #tpu.memory_space<vmem>>) target_semaphore(%run_scoped3A : memref<!tpu.dma_semaphore, #tpu.memory_space<semaphore_mem>>)
      %dma_wait3A_82 = tpu.memref_slice %arg4[%multiple_of3A] : memref<102400xi32, #tpu.memory_space<hbm>> -> memref<80xi32, #tpu.memory_space<hbm>>
      %dma_wait3A_83 = tpu.memref_slice %arg4[%multiple_of3A] : memref<102400xi32, #tpu.memory_space<hbm>> -> memref<80xi32, #tpu.memory_space<hbm>>
      tpu.wait_dma2 semaphore(%run_scoped3A : memref<!tpu.dma_semaphore, #tpu.memory_space<semaphore_mem>>) src(%dma_wait3A_83 : memref<80xi32, #tpu.memory_space<hbm>>) dst(%arg8 : memref<80xi32, #tpu.memory_space<vmem>>)
      tpu.yield
    }) : () -> ()
    %add3A_28 = arith.constant 0 : i32
    %add3A_29 = arith.addi %mul3A_7, %add3A_28 : i32
    %multiple_of3A_30 = tpu.assume_multiple %add3A_29, 8 : i32
    "tpu.region"() ({
      %run_scoped3A = tpu.sem_alloc : memref<!tpu.dma_semaphore, #tpu.memory_space<semaphore_mem>>
      %dma_start3A_80 = tpu.memref_slice %arg5[%multiple_of3A_30] : memref<102400xi32, #tpu.memory_space<hbm>> -> memref<80xi32, #tpu.memory_space<hbm>>
      %dma_start3A_81 = tpu.memref_slice %arg5[%multiple_of3A_30] : memref<102400xi32, #tpu.memory_space<hbm>> -> memref<80xi32, #tpu.memory_space<hbm>>
      tpu.enqueue_dma source(%dma_start3A_81 : memref<80xi32, #tpu.memory_space<hbm>>) target(%arg12 : memref<80xi32, #tpu.memory_space<vmem>>) target_semaphore(%run_scoped3A : memref<!tpu.dma_semaphore, #tpu.memory_space<semaphore_mem>>)
      %dma_wait3A_82 = tpu.memref_slice %arg5[%multiple_of3A_30] : memref<102400xi32, #tpu.memory_space<hbm>> -> memref<80xi32, #tpu.memory_space<hbm>>
      %dma_wait3A_83 = tpu.memref_slice %arg5[%multiple_of3A_30] : memref<102400xi32, #tpu.memory_space<hbm>> -> memref<80xi32, #tpu.memory_space<hbm>>
      tpu.wait_dma2 semaphore(%run_scoped3A : memref<!tpu.dma_semaphore, #tpu.memory_space<semaphore_mem>>) src(%dma_wait3A_83 : memref<80xi32, #tpu.memory_space<hbm>>) dst(%arg12 : memref<80xi32, #tpu.memory_space<vmem>>)
      tpu.yield
    }) : () -> ()
    %add3A_31 = arith.constant 80 : i32
    %add3A_32 = arith.addi %mul3A_7, %add3A_31 : i32
    %multiple_of3A_33 = tpu.assume_multiple %add3A_32, 8 : i32
    %dma_start3A = arith.constant 1 : i32
    %dma_start3A_34 = tpu.memref_slice %arg4[%multiple_of3A_33] : memref<102400xi32, #tpu.memory_space<hbm>> -> memref<80xi32, #tpu.memory_space<hbm>>
    %dma_start3A_35 = tpu.memref_slice %arg20[%dma_start3A] : memref<4x!tpu.dma_semaphore, #tpu.memory_space<semaphore_mem>> -> memref<1x!tpu.dma_semaphore, #tpu.memory_space<semaphore_mem>>
    %dma_start3A_36 = tpu.memref_squeeze %dma_start3A_35 : memref<1x!tpu.dma_semaphore, #tpu.memory_space<semaphore_mem>> -> memref<!tpu.dma_semaphore, #tpu.memory_space<semaphore_mem>>
    %dma_start3A_37 = tpu.memref_slice %arg4[%multiple_of3A_33] : memref<102400xi32, #tpu.memory_space<hbm>> -> memref<80xi32, #tpu.memory_space<hbm>>
    tpu.enqueue_dma source(%dma_start3A_37 : memref<80xi32, #tpu.memory_space<hbm>>) target(%arg9 : memref<80xi32, #tpu.memory_space<vmem>>) target_semaphore(%dma_start3A_36 : memref<!tpu.dma_semaphore, #tpu.memory_space<semaphore_mem>>)
    %add3A_38 = arith.constant 80 : i32
    %add3A_39 = arith.addi %mul3A_7, %add3A_38 : i32
    %multiple_of3A_40 = tpu.assume_multiple %add3A_39, 8 : i32
    %dma_start3A_41 = arith.constant 1 : i32
    %dma_start3A_42 = tpu.memref_slice %arg5[%multiple_of3A_40] : memref<102400xi32, #tpu.memory_space<hbm>> -> memref<80xi32, #tpu.memory_space<hbm>>
    %dma_start3A_43 = tpu.memref_slice %arg21[%dma_start3A_41] : memref<4x!tpu.dma_semaphore, #tpu.memory_space<semaphore_mem>> -> memref<1x!tpu.dma_semaphore, #tpu.memory_space<semaphore_mem>>
    %dma_start3A_44 = tpu.memref_squeeze %dma_start3A_43 : memref<1x!tpu.dma_semaphore, #tpu.memory_space<semaphore_mem>> -> memref<!tpu.dma_semaphore, #tpu.memory_space<semaphore_mem>>
    %dma_start3A_45 = tpu.memref_slice %arg5[%multiple_of3A_40] : memref<102400xi32, #tpu.memory_space<hbm>> -> memref<80xi32, #tpu.memory_space<hbm>>
    tpu.enqueue_dma source(%dma_start3A_45 : memref<80xi32, #tpu.memory_space<hbm>>) target(%arg13 : memref<80xi32, #tpu.memory_space<vmem>>) target_semaphore(%dma_start3A_44 : memref<!tpu.dma_semaphore, #tpu.memory_space<semaphore_mem>>)
    %dma_start3A_46 = arith.constant 0 : i32
    %dma_start3A_47 = arith.constant 0 : i32
    %dma_start3A_48 = arith.constant 0 : i32
    %dma_start3A_49 = tpu.memref_slice %arg2[%dma_start3A_47, %dma_start3A_48] : memref<10000x128xf32, #tpu.memory_space<hbm>> -> memref<10000x128xf32, #tpu.memory_space<hbm>>
    %dma_start3A_50 = tpu.memref_slice %arg22[%dma_start3A_46] : memref<2x!tpu.dma_semaphore, #tpu.memory_space<semaphore_mem>> -> memref<1x!tpu.dma_semaphore, #tpu.memory_space<semaphore_mem>>
    %dma_start3A_51 = tpu.memref_squeeze %dma_start3A_50 : memref<1x!tpu.dma_semaphore, #tpu.memory_space<semaphore_mem>> -> memref<!tpu.dma_semaphore, #tpu.memory_space<semaphore_mem>>
    tpu.enqueue_indirect_dma source(%dma_start3A_49 : memref<10000x128xf32, #tpu.memory_space<hbm>>) target(%arg16 : memref<80x128xf32, #tpu.memory_space<vmem>>) offsets(%arg8 : memref<80xi32, #tpu.memory_space<vmem>>) semaphore(%dma_start3A_51 : memref<!tpu.dma_semaphore, #tpu.memory_space<semaphore_mem>>)
    %dma_start3A_52 = arith.constant 0 : i32
    %dma_start3A_53 = arith.constant 0 : i32
    %dma_start3A_54 = arith.constant 0 : i32
    %dma_start3A_55 = tpu.memref_slice %arg3[%dma_start3A_53, %dma_start3A_54] : memref<10000x128xf32, #tpu.memory_space<hbm>> -> memref<10000x128xf32, #tpu.memory_space<hbm>>
    %dma_start3A_56 = tpu.memref_slice %arg23[%dma_start3A_52] : memref<2x!tpu.dma_semaphore, #tpu.memory_space<semaphore_mem>> -> memref<1x!tpu.dma_semaphore, #tpu.memory_space<semaphore_mem>>
    %dma_start3A_57 = tpu.memref_squeeze %dma_start3A_56 : memref<1x!tpu.dma_semaphore, #tpu.memory_space<semaphore_mem>> -> memref<!tpu.dma_semaphore, #tpu.memory_space<semaphore_mem>>
    tpu.enqueue_indirect_dma source(%dma_start3A_55 : memref<10000x128xf32, #tpu.memory_space<hbm>>) target(%arg18 : memref<80x128xf32, #tpu.memory_space<vmem>>) offsets(%arg12 : memref<80xi32, #tpu.memory_space<vmem>>) semaphore(%dma_start3A_57 : memref<!tpu.dma_semaphore, #tpu.memory_space<semaphore_mem>>)
    %while3A = arith.constant 0 : i32
    %while3A_58 = arith.constant 0 : i32
    %while3A_59 = arith.subi %select_n3A_25, %while3A_58 : i32
    %while3A_60 = arith.addi %while3A_58, %while3A_59 : i32
    %while3A_61 = arith.constant 1 : i32
    %while3A_62 = arith.divsi %while3A_59, %while3A_61 : i32
    %while3A_63 = arith.muli %while3A_62, %while3A_61 : i32
    %while3A_64 = arith.addi %while3A_58, %while3A_63 : i32
    %while3A_65 = arith.constant 1 : i32
    scf.for %while3A_80 = %while3A_58 to %while3A_64 step %while3A_65  : i32 {
      %mul3A_81 = arith.constant 4 : i32
      %mul3A_82 = arith.muli %mul3A_81, %while3A_80 : i32
      %add3A_83 = arith.constant 0 : i32
      %add3A_84 = arith.addi %mul3A_82, %add3A_83 : i32
      %mul3A_85 = arith.constant 80 : i32
      %mul3A_86 = arith.muli %add3A_84, %mul3A_85 : i32
      %add3A_87 = arith.addi %mul3A_7, %mul3A_86 : i32
      %multiple_of3A_88 = tpu.assume_multiple %add3A_87, 8 : i32
      %dma_wait3A_89 = arith.constant 0 : i32
      %dma_wait3A_90 = arith.constant 0 : i32
      %dma_wait3A_91 = arith.constant 0 : i32
      %dma_wait3A_92 = tpu.memref_slice %arg2[%dma_wait3A_90, %dma_wait3A_91] : memref<10000x128xf32, #tpu.memory_space<hbm>> -> memref<10000x128xf32, #tpu.memory_space<hbm>>
      %dma_wait3A_93 = tpu.memref_slice %arg22[%dma_wait3A_89] : memref<2x!tpu.dma_semaphore, #tpu.memory_space<semaphore_mem>> -> memref<1x!tpu.dma_semaphore, #tpu.memory_space<semaphore_mem>>
      %dma_wait3A_94 = tpu.memref_squeeze %dma_wait3A_93 : memref<1x!tpu.dma_semaphore, #tpu.memory_space<semaphore_mem>> -> memref<!tpu.dma_semaphore, #tpu.memory_space<semaphore_mem>>
      tpu.wait_indirect_dma semaphore(%dma_wait3A_94 : memref<!tpu.dma_semaphore, #tpu.memory_space<semaphore_mem>>) src(%dma_wait3A_92 : memref<10000x128xf32, #tpu.memory_space<hbm>>) dst(%arg16 : memref<80x128xf32, #tpu.memory_space<vmem>>)
      %dma_wait3A_95 = arith.constant 0 : i32
      %dma_wait3A_96 = arith.constant 0 : i32
      %dma_wait3A_97 = arith.constant 0 : i32
      %dma_wait3A_98 = tpu.memref_slice %arg3[%dma_wait3A_96, %dma_wait3A_97] : memref<10000x128xf32, #tpu.memory_space<hbm>> -> memref<10000x128xf32, #tpu.memory_space<hbm>>
      %dma_wait3A_99 = tpu.memref_slice %arg23[%dma_wait3A_95] : memref<2x!tpu.dma_semaphore, #tpu.memory_space<semaphore_mem>> -> memref<1x!tpu.dma_semaphore, #tpu.memory_space<semaphore_mem>>
      %dma_wait3A_100 = tpu.memref_squeeze %dma_wait3A_99 : memref<1x!tpu.dma_semaphore, #tpu.memory_space<semaphore_mem>> -> memref<!tpu.dma_semaphore, #tpu.memory_space<semaphore_mem>>
      tpu.wait_indirect_dma semaphore(%dma_wait3A_100 : memref<!tpu.dma_semaphore, #tpu.memory_space<semaphore_mem>>) src(%dma_wait3A_98 : memref<10000x128xf32, #tpu.memory_space<hbm>>) dst(%arg18 : memref<80x128xf32, #tpu.memory_space<vmem>>)
      %dma_start3A_101 = arith.constant 0 : i32
      %dma_start3A_102 = tpu.memref_slice %arg6[%multiple_of3A_88, %dma_start3A_101] : memref<102400x128xf32, #tpu.memory_space<hbm>> -> memref<80x128xf32, #tpu.memory_space<hbm>>
      %dma_start3A_103 = arith.constant 0 : i32
      %dma_start3A_104 = tpu.memref_slice %arg6[%multiple_of3A_88, %dma_start3A_103] : memref<102400x128xf32, #tpu.memory_space<hbm>> -> memref<80x128xf32, #tpu.memory_space<hbm>>
      tpu.enqueue_dma source(%arg16 : memref<80x128xf32, #tpu.memory_space<vmem>>) target(%dma_start3A_104 : memref<80x128xf32, #tpu.memory_space<hbm>>) target_semaphore(%arg24 : memref<!tpu.dma_semaphore, #tpu.memory_space<semaphore_mem>>)
      %dma_start3A_105 = arith.constant 0 : i32
      %dma_start3A_106 = tpu.memref_slice %arg7[%multiple_of3A_88, %dma_start3A_105] : memref<102400x128xf32, #tpu.memory_space<hbm>> -> memref<80x128xf32, #tpu.memory_space<hbm>>
      %dma_start3A_107 = arith.constant 0 : i32
      %dma_start3A_108 = tpu.memref_slice %arg7[%multiple_of3A_88, %dma_start3A_107] : memref<102400x128xf32, #tpu.memory_space<hbm>> -> memref<80x128xf32, #tpu.memory_space<hbm>>
      tpu.enqueue_dma source(%arg18 : memref<80x128xf32, #tpu.memory_space<vmem>>) target(%dma_start3A_108 : memref<80x128xf32, #tpu.memory_space<hbm>>) target_semaphore(%arg24 : memref<!tpu.dma_semaphore, #tpu.memory_space<semaphore_mem>>)
      %gt3A = arith.constant 0 : i32
      %gt3A_109 = arith.cmpi sgt, %while3A_80, %gt3A : i32
      %convert_element_type3A = arith.extui %gt3A_109 : i1 to i32
      %cond3A = arith.constant 0 : i32
      %cond3A_110 = arith.cmpi ne, %convert_element_type3A, %cond3A : i32
      scf.if %cond3A_110 {
        %sub3A_370 = arith.constant 1 : i32
        %sub3A_371 = arith.subi %add3A_84, %sub3A_370 : i32
        %mul3A_372 = arith.constant 80 : i32
        %mul3A_373 = arith.muli %sub3A_371, %mul3A_372 : i32
        %add3A_374 = arith.addi %mul3A_7, %mul3A_373 : i32
        %multiple_of3A_375 = tpu.assume_multiple %add3A_374, 8 : i32
        %dma_wait3A_376 = arith.constant 0 : i32
        %dma_wait3A_377 = tpu.memref_slice %arg6[%multiple_of3A_375, %dma_wait3A_376] : memref<102400x128xf32, #tpu.memory_space<hbm>> -> memref<80x128xf32, #tpu.memory_space<hbm>>
        %dma_wait3A_378 = arith.constant 0 : i32
        %dma_wait3A_379 = tpu.memref_slice %arg6[%multiple_of3A_375, %dma_wait3A_378] : memref<102400x128xf32, #tpu.memory_space<hbm>> -> memref<80x128xf32, #tpu.memory_space<hbm>>
        tpu.wait_dma2 semaphore(%arg24 : memref<!tpu.dma_semaphore, #tpu.memory_space<semaphore_mem>>) src(%arg17 : memref<80x128xf32, #tpu.memory_space<vmem>>) dst(%dma_wait3A_379 : memref<80x128xf32, #tpu.memory_space<hbm>>)
        %dma_wait3A_380 = arith.constant 0 : i32
        %dma_wait3A_381 = tpu.memref_slice %arg7[%multiple_of3A_375, %dma_wait3A_380] : memref<102400x128xf32, #tpu.memory_space<hbm>> -> memref<80x128xf32, #tpu.memory_space<hbm>>
        %dma_wait3A_382 = arith.constant 0 : i32
        %dma_wait3A_383 = tpu.memref_slice %arg7[%multiple_of3A_375, %dma_wait3A_382] : memref<102400x128xf32, #tpu.memory_space<hbm>> -> memref<80x128xf32, #tpu.memory_space<hbm>>
        tpu.wait_dma2 semaphore(%arg24 : memref<!tpu.dma_semaphore, #tpu.memory_space<semaphore_mem>>) src(%arg19 : memref<80x128xf32, #tpu.memory_space<vmem>>) dst(%dma_wait3A_383 : memref<80x128xf32, #tpu.memory_space<hbm>>)
      } else {
      }
      %add3A_111 = arith.constant 2 : i32
      %add3A_112 = arith.addi %add3A_84, %add3A_111 : i32
      %mul3A_113 = arith.constant 80 : i32
      %mul3A_114 = arith.muli %add3A_112, %mul3A_113 : i32
      %add3A_115 = arith.addi %mul3A_7, %mul3A_114 : i32
      %multiple_of3A_116 = tpu.assume_multiple %add3A_115, 8 : i32
      %dma_start3A_117 = arith.constant 2 : i32
      %dma_start3A_118 = tpu.memref_slice %arg4[%multiple_of3A_116] : memref<102400xi32, #tpu.memory_space<hbm>> -> memref<80xi32, #tpu.memory_space<hbm>>
      %dma_start3A_119 = tpu.memref_slice %arg20[%dma_start3A_117] : memref<4x!tpu.dma_semaphore, #tpu.memory_space<semaphore_mem>> -> memref<1x!tpu.dma_semaphore, #tpu.memory_space<semaphore_mem>>
      %dma_start3A_120 = tpu.memref_squeeze %dma_start3A_119 : memref<1x!tpu.dma_semaphore, #tpu.memory_space<semaphore_mem>> -> memref<!tpu.dma_semaphore, #tpu.memory_space<semaphore_mem>>
      %dma_start3A_121 = tpu.memref_slice %arg4[%multiple_of3A_116] : memref<102400xi32, #tpu.memory_space<hbm>> -> memref<80xi32, #tpu.memory_space<hbm>>
      tpu.enqueue_dma source(%dma_start3A_121 : memref<80xi32, #tpu.memory_space<hbm>>) target(%arg10 : memref<80xi32, #tpu.memory_space<vmem>>) target_semaphore(%dma_start3A_120 : memref<!tpu.dma_semaphore, #tpu.memory_space<semaphore_mem>>)
      %dma_start3A_122 = arith.constant 2 : i32
      %dma_start3A_123 = tpu.memref_slice %arg5[%multiple_of3A_116] : memref<102400xi32, #tpu.memory_space<hbm>> -> memref<80xi32, #tpu.memory_space<hbm>>
      %dma_start3A_124 = tpu.memref_slice %arg21[%dma_start3A_122] : memref<4x!tpu.dma_semaphore, #tpu.memory_space<semaphore_mem>> -> memref<1x!tpu.dma_semaphore, #tpu.memory_space<semaphore_mem>>
      %dma_start3A_125 = tpu.memref_squeeze %dma_start3A_124 : memref<1x!tpu.dma_semaphore, #tpu.memory_space<semaphore_mem>> -> memref<!tpu.dma_semaphore, #tpu.memory_space<semaphore_mem>>
      %dma_start3A_126 = tpu.memref_slice %arg5[%multiple_of3A_116] : memref<102400xi32, #tpu.memory_space<hbm>> -> memref<80xi32, #tpu.memory_space<hbm>>
      tpu.enqueue_dma source(%dma_start3A_126 : memref<80xi32, #tpu.memory_space<hbm>>) target(%arg14 : memref<80xi32, #tpu.memory_space<vmem>>) target_semaphore(%dma_start3A_125 : memref<!tpu.dma_semaphore, #tpu.memory_space<semaphore_mem>>)
      %add3A_127 = arith.constant 1 : i32
      %add3A_128 = arith.addi %add3A_84, %add3A_127 : i32
      %mul3A_129 = arith.constant 80 : i32
      %mul3A_130 = arith.muli %add3A_128, %mul3A_129 : i32
      %add3A_131 = arith.addi %mul3A_7, %mul3A_130 : i32
      %multiple_of3A_132 = tpu.assume_multiple %add3A_131, 8 : i32
      %dma_wait3A_133 = arith.constant 1 : i32
      %dma_wait3A_134 = tpu.memref_slice %arg4[%multiple_of3A_132] : memref<102400xi32, #tpu.memory_space<hbm>> -> memref<80xi32, #tpu.memory_space<hbm>>
      %dma_wait3A_135 = tpu.memref_slice %arg20[%dma_wait3A_133] : memref<4x!tpu.dma_semaphore, #tpu.memory_space<semaphore_mem>> -> memref<1x!tpu.dma_semaphore, #tpu.memory_space<semaphore_mem>>
      %dma_wait3A_136 = tpu.memref_squeeze %dma_wait3A_135 : memref<1x!tpu.dma_semaphore, #tpu.memory_space<semaphore_mem>> -> memref<!tpu.dma_semaphore, #tpu.memory_space<semaphore_mem>>
      %dma_wait3A_137 = tpu.memref_slice %arg4[%multiple_of3A_132] : memref<102400xi32, #tpu.memory_space<hbm>> -> memref<80xi32, #tpu.memory_space<hbm>>
      tpu.wait_dma2 semaphore(%dma_wait3A_136 : memref<!tpu.dma_semaphore, #tpu.memory_space<semaphore_mem>>) src(%dma_wait3A_137 : memref<80xi32, #tpu.memory_space<hbm>>) dst(%arg9 : memref<80xi32, #tpu.memory_space<vmem>>)
      %dma_wait3A_138 = arith.constant 1 : i32
      %dma_wait3A_139 = tpu.memref_slice %arg5[%multiple_of3A_132] : memref<102400xi32, #tpu.memory_space<hbm>> -> memref<80xi32, #tpu.memory_space<hbm>>
      %dma_wait3A_140 = tpu.memref_slice %arg21[%dma_wait3A_138] : memref<4x!tpu.dma_semaphore, #tpu.memory_space<semaphore_mem>> -> memref<1x!tpu.dma_semaphore, #tpu.memory_space<semaphore_mem>>
      %dma_wait3A_141 = tpu.memref_squeeze %dma_wait3A_140 : memref<1x!tpu.dma_semaphore, #tpu.memory_space<semaphore_mem>> -> memref<!tpu.dma_semaphore, #tpu.memory_space<semaphore_mem>>
      %dma_wait3A_142 = tpu.memref_slice %arg5[%multiple_of3A_132] : memref<102400xi32, #tpu.memory_space<hbm>> -> memref<80xi32, #tpu.memory_space<hbm>>
      tpu.wait_dma2 semaphore(%dma_wait3A_141 : memref<!tpu.dma_semaphore, #tpu.memory_space<semaphore_mem>>) src(%dma_wait3A_142 : memref<80xi32, #tpu.memory_space<hbm>>) dst(%arg13 : memref<80xi32, #tpu.memory_space<vmem>>)
      %dma_start3A_143 = arith.constant 1 : i32
      %dma_start3A_144 = arith.constant 0 : i32
      %dma_start3A_145 = arith.constant 0 : i32
      %dma_start3A_146 = tpu.memref_slice %arg2[%dma_start3A_144, %dma_start3A_145] : memref<10000x128xf32, #tpu.memory_space<hbm>> -> memref<10000x128xf32, #tpu.memory_space<hbm>>
      %dma_start3A_147 = tpu.memref_slice %arg22[%dma_start3A_143] : memref<2x!tpu.dma_semaphore, #tpu.memory_space<semaphore_mem>> -> memref<1x!tpu.dma_semaphore, #tpu.memory_space<semaphore_mem>>
      %dma_start3A_148 = tpu.memref_squeeze %dma_start3A_147 : memref<1x!tpu.dma_semaphore, #tpu.memory_space<semaphore_mem>> -> memref<!tpu.dma_semaphore, #tpu.memory_space<semaphore_mem>>
      tpu.enqueue_indirect_dma source(%dma_start3A_146 : memref<10000x128xf32, #tpu.memory_space<hbm>>) target(%arg17 : memref<80x128xf32, #tpu.memory_space<vmem>>) offsets(%arg9 : memref<80xi32, #tpu.memory_space<vmem>>) semaphore(%dma_start3A_148 : memref<!tpu.dma_semaphore, #tpu.memory_space<semaphore_mem>>)
      %dma_start3A_149 = arith.constant 1 : i32
      %dma_start3A_150 = arith.constant 0 : i32
      %dma_start3A_151 = arith.constant 0 : i32
      %dma_start3A_152 = tpu.memref_slice %arg3[%dma_start3A_150, %dma_start3A_151] : memref<10000x128xf32, #tpu.memory_space<hbm>> -> memref<10000x128xf32, #tpu.memory_space<hbm>>
      %dma_start3A_153 = tpu.memref_slice %arg23[%dma_start3A_149] : memref<2x!tpu.dma_semaphore, #tpu.memory_space<semaphore_mem>> -> memref<1x!tpu.dma_semaphore, #tpu.memory_space<semaphore_mem>>
      %dma_start3A_154 = tpu.memref_squeeze %dma_start3A_153 : memref<1x!tpu.dma_semaphore, #tpu.memory_space<semaphore_mem>> -> memref<!tpu.dma_semaphore, #tpu.memory_space<semaphore_mem>>
      tpu.enqueue_indirect_dma source(%dma_start3A_152 : memref<10000x128xf32, #tpu.memory_space<hbm>>) target(%arg19 : memref<80x128xf32, #tpu.memory_space<vmem>>) offsets(%arg13 : memref<80xi32, #tpu.memory_space<vmem>>) semaphore(%dma_start3A_154 : memref<!tpu.dma_semaphore, #tpu.memory_space<semaphore_mem>>)
      %mul3A_155 = arith.constant 4 : i32
      %mul3A_156 = arith.muli %mul3A_155, %while3A_80 : i32
      %add3A_157 = arith.constant 1 : i32
      %add3A_158 = arith.addi %mul3A_156, %add3A_157 : i32
      %mul3A_159 = arith.constant 80 : i32
      %mul3A_160 = arith.muli %add3A_158, %mul3A_159 : i32
      %add3A_161 = arith.addi %mul3A_7, %mul3A_160 : i32
      %multiple_of3A_162 = tpu.assume_multiple %add3A_161, 8 : i32
      %dma_wait3A_163 = arith.constant 1 : i32
      %dma_wait3A_164 = arith.constant 0 : i32
      %dma_wait3A_165 = arith.constant 0 : i32
      %dma_wait3A_166 = tpu.memref_slice %arg2[%dma_wait3A_164, %dma_wait3A_165] : memref<10000x128xf32, #tpu.memory_space<hbm>> -> memref<10000x128xf32, #tpu.memory_space<hbm>>
      %dma_wait3A_167 = tpu.memref_slice %arg22[%dma_wait3A_163] : memref<2x!tpu.dma_semaphore, #tpu.memory_space<semaphore_mem>> -> memref<1x!tpu.dma_semaphore, #tpu.memory_space<semaphore_mem>>
      %dma_wait3A_168 = tpu.memref_squeeze %dma_wait3A_167 : memref<1x!tpu.dma_semaphore, #tpu.memory_space<semaphore_mem>> -> memref<!tpu.dma_semaphore, #tpu.memory_space<semaphore_mem>>
      tpu.wait_indirect_dma semaphore(%dma_wait3A_168 : memref<!tpu.dma_semaphore, #tpu.memory_space<semaphore_mem>>) src(%dma_wait3A_166 : memref<10000x128xf32, #tpu.memory_space<hbm>>) dst(%arg17 : memref<80x128xf32, #tpu.memory_space<vmem>>)
      %dma_wait3A_169 = arith.constant 1 : i32
      %dma_wait3A_170 = arith.constant 0 : i32
      %dma_wait3A_171 = arith.constant 0 : i32
      %dma_wait3A_172 = tpu.memref_slice %arg3[%dma_wait3A_170, %dma_wait3A_171] : memref<10000x128xf32, #tpu.memory_space<hbm>> -> memref<10000x128xf32, #tpu.memory_space<hbm>>
      %dma_wait3A_173 = tpu.memref_slice %arg23[%dma_wait3A_169] : memref<2x!tpu.dma_semaphore, #tpu.memory_space<semaphore_mem>> -> memref<1x!tpu.dma_semaphore, #tpu.memory_space<semaphore_mem>>
      %dma_wait3A_174 = tpu.memref_squeeze %dma_wait3A_173 : memref<1x!tpu.dma_semaphore, #tpu.memory_space<semaphore_mem>> -> memref<!tpu.dma_semaphore, #tpu.memory_space<semaphore_mem>>
      tpu.wait_indirect_dma semaphore(%dma_wait3A_174 : memref<!tpu.dma_semaphore, #tpu.memory_space<semaphore_mem>>) src(%dma_wait3A_172 : memref<10000x128xf32, #tpu.memory_space<hbm>>) dst(%arg19 : memref<80x128xf32, #tpu.memory_space<vmem>>)
      %dma_start3A_175 = arith.constant 0 : i32
      %dma_start3A_176 = tpu.memref_slice %arg6[%multiple_of3A_162, %dma_start3A_175] : memref<102400x128xf32, #tpu.memory_space<hbm>> -> memref<80x128xf32, #tpu.memory_space<hbm>>
      %dma_start3A_177 = arith.constant 0 : i32
      %dma_start3A_178 = tpu.memref_slice %arg6[%multiple_of3A_162, %dma_start3A_177] : memref<102400x128xf32, #tpu.memory_space<hbm>> -> memref<80x128xf32, #tpu.memory_space<hbm>>
      tpu.enqueue_dma source(%arg17 : memref<80x128xf32, #tpu.memory_space<vmem>>) target(%dma_start3A_178 : memref<80x128xf32, #tpu.memory_space<hbm>>) target_semaphore(%arg24 : memref<!tpu.dma_semaphore, #tpu.memory_space<semaphore_mem>>)
      %dma_start3A_179 = arith.constant 0 : i32
      %dma_start3A_180 = tpu.memref_slice %arg7[%multiple_of3A_162, %dma_start3A_179] : memref<102400x128xf32, #tpu.memory_space<hbm>> -> memref<80x128xf32, #tpu.memory_space<hbm>>
      %dma_start3A_181 = arith.constant 0 : i32
      %dma_start3A_182 = tpu.memref_slice %arg7[%multiple_of3A_162, %dma_start3A_181] : memref<102400x128xf32, #tpu.memory_space<hbm>> -> memref<80x128xf32, #tpu.memory_space<hbm>>
      tpu.enqueue_dma source(%arg19 : memref<80x128xf32, #tpu.memory_space<vmem>>) target(%dma_start3A_182 : memref<80x128xf32, #tpu.memory_space<hbm>>) target_semaphore(%arg24 : memref<!tpu.dma_semaphore, #tpu.memory_space<semaphore_mem>>)
      %sub3A_183 = arith.constant 1 : i32
      %sub3A_184 = arith.subi %add3A_158, %sub3A_183 : i32
      %mul3A_185 = arith.constant 80 : i32
      %mul3A_186 = arith.muli %sub3A_184, %mul3A_185 : i32
      %add3A_187 = arith.addi %mul3A_7, %mul3A_186 : i32
      %multiple_of3A_188 = tpu.assume_multiple %add3A_187, 8 : i32
      %dma_wait3A_189 = arith.constant 0 : i32
      %dma_wait3A_190 = tpu.memref_slice %arg6[%multiple_of3A_188, %dma_wait3A_189] : memref<102400x128xf32, #tpu.memory_space<hbm>> -> memref<80x128xf32, #tpu.memory_space<hbm>>
      %dma_wait3A_191 = arith.constant 0 : i32
      %dma_wait3A_192 = tpu.memref_slice %arg6[%multiple_of3A_188, %dma_wait3A_191] : memref<102400x128xf32, #tpu.memory_space<hbm>> -> memref<80x128xf32, #tpu.memory_space<hbm>>
      tpu.wait_dma2 semaphore(%arg24 : memref<!tpu.dma_semaphore, #tpu.memory_space<semaphore_mem>>) src(%arg16 : memref<80x128xf32, #tpu.memory_space<vmem>>) dst(%dma_wait3A_192 : memref<80x128xf32, #tpu.memory_space<hbm>>)
      %dma_wait3A_193 = arith.constant 0 : i32
      %dma_wait3A_194 = tpu.memref_slice %arg7[%multiple_of3A_188, %dma_wait3A_193] : memref<102400x128xf32, #tpu.memory_space<hbm>> -> memref<80x128xf32, #tpu.memory_space<hbm>>
      %dma_wait3A_195 = arith.constant 0 : i32
      %dma_wait3A_196 = tpu.memref_slice %arg7[%multiple_of3A_188, %dma_wait3A_195] : memref<102400x128xf32, #tpu.memory_space<hbm>> -> memref<80x128xf32, #tpu.memory_space<hbm>>
      tpu.wait_dma2 semaphore(%arg24 : memref<!tpu.dma_semaphore, #tpu.memory_space<semaphore_mem>>) src(%arg18 : memref<80x128xf32, #tpu.memory_space<vmem>>) dst(%dma_wait3A_196 : memref<80x128xf32, #tpu.memory_space<hbm>>)
      %add3A_197 = arith.constant 2 : i32
      %add3A_198 = arith.addi %add3A_158, %add3A_197 : i32
      %mul3A_199 = arith.constant 80 : i32
      %mul3A_200 = arith.muli %add3A_198, %mul3A_199 : i32
      %add3A_201 = arith.addi %mul3A_7, %mul3A_200 : i32
      %multiple_of3A_202 = tpu.assume_multiple %add3A_201, 8 : i32
      %dma_start3A_203 = arith.constant 3 : i32
      %dma_start3A_204 = tpu.memref_slice %arg4[%multiple_of3A_202] : memref<102400xi32, #tpu.memory_space<hbm>> -> memref<80xi32, #tpu.memory_space<hbm>>
      %dma_start3A_205 = tpu.memref_slice %arg20[%dma_start3A_203] : memref<4x!tpu.dma_semaphore, #tpu.memory_space<semaphore_mem>> -> memref<1x!tpu.dma_semaphore, #tpu.memory_space<semaphore_mem>>
      %dma_start3A_206 = tpu.memref_squeeze %dma_start3A_205 : memref<1x!tpu.dma_semaphore, #tpu.memory_space<semaphore_mem>> -> memref<!tpu.dma_semaphore, #tpu.memory_space<semaphore_mem>>
      %dma_start3A_207 = tpu.memref_slice %arg4[%multiple_of3A_202] : memref<102400xi32, #tpu.memory_space<hbm>> -> memref<80xi32, #tpu.memory_space<hbm>>
      tpu.enqueue_dma source(%dma_start3A_207 : memref<80xi32, #tpu.memory_space<hbm>>) target(%arg11 : memref<80xi32, #tpu.memory_space<vmem>>) target_semaphore(%dma_start3A_206 : memref<!tpu.dma_semaphore, #tpu.memory_space<semaphore_mem>>)
      %dma_start3A_208 = arith.constant 3 : i32
      %dma_start3A_209 = tpu.memref_slice %arg5[%multiple_of3A_202] : memref<102400xi32, #tpu.memory_space<hbm>> -> memref<80xi32, #tpu.memory_space<hbm>>
      %dma_start3A_210 = tpu.memref_slice %arg21[%dma_start3A_208] : memref<4x!tpu.dma_semaphore, #tpu.memory_space<semaphore_mem>> -> memref<1x!tpu.dma_semaphore, #tpu.memory_space<semaphore_mem>>
      %dma_start3A_211 = tpu.memref_squeeze %dma_start3A_210 : memref<1x!tpu.dma_semaphore, #tpu.memory_space<semaphore_mem>> -> memref<!tpu.dma_semaphore, #tpu.memory_space<semaphore_mem>>
      %dma_start3A_212 = tpu.memref_slice %arg5[%multiple_of3A_202] : memref<102400xi32, #tpu.memory_space<hbm>> -> memref<80xi32, #tpu.memory_space<hbm>>
      tpu.enqueue_dma source(%dma_start3A_212 : memref<80xi32, #tpu.memory_space<hbm>>) target(%arg15 : memref<80xi32, #tpu.memory_space<vmem>>) target_semaphore(%dma_start3A_211 : memref<!tpu.dma_semaphore, #tpu.memory_space<semaphore_mem>>)
      %add3A_213 = arith.constant 1 : i32
      %add3A_214 = arith.addi %add3A_158, %add3A_213 : i32
      %mul3A_215 = arith.constant 80 : i32
      %mul3A_216 = arith.muli %add3A_214, %mul3A_215 : i32
      %add3A_217 = arith.addi %mul3A_7, %mul3A_216 : i32
      %multiple_of3A_218 = tpu.assume_multiple %add3A_217, 8 : i32
      %dma_wait3A_219 = arith.constant 2 : i32
      %dma_wait3A_220 = tpu.memref_slice %arg4[%multiple_of3A_218] : memref<102400xi32, #tpu.memory_space<hbm>> -> memref<80xi32, #tpu.memory_space<hbm>>
      %dma_wait3A_221 = tpu.memref_slice %arg20[%dma_wait3A_219] : memref<4x!tpu.dma_semaphore, #tpu.memory_space<semaphore_mem>> -> memref<1x!tpu.dma_semaphore, #tpu.memory_space<semaphore_mem>>
      %dma_wait3A_222 = tpu.memref_squeeze %dma_wait3A_221 : memref<1x!tpu.dma_semaphore, #tpu.memory_space<semaphore_mem>> -> memref<!tpu.dma_semaphore, #tpu.memory_space<semaphore_mem>>
      %dma_wait3A_223 = tpu.memref_slice %arg4[%multiple_of3A_218] : memref<102400xi32, #tpu.memory_space<hbm>> -> memref<80xi32, #tpu.memory_space<hbm>>
      tpu.wait_dma2 semaphore(%dma_wait3A_222 : memref<!tpu.dma_semaphore, #tpu.memory_space<semaphore_mem>>) src(%dma_wait3A_223 : memref<80xi32, #tpu.memory_space<hbm>>) dst(%arg10 : memref<80xi32, #tpu.memory_space<vmem>>)
      %dma_wait3A_224 = arith.constant 2 : i32
      %dma_wait3A_225 = tpu.memref_slice %arg5[%multiple_of3A_218] : memref<102400xi32, #tpu.memory_space<hbm>> -> memref<80xi32, #tpu.memory_space<hbm>>
      %dma_wait3A_226 = tpu.memref_slice %arg21[%dma_wait3A_224] : memref<4x!tpu.dma_semaphore, #tpu.memory_space<semaphore_mem>> -> memref<1x!tpu.dma_semaphore, #tpu.memory_space<semaphore_mem>>
      %dma_wait3A_227 = tpu.memref_squeeze %dma_wait3A_226 : memref<1x!tpu.dma_semaphore, #tpu.memory_space<semaphore_mem>> -> memref<!tpu.dma_semaphore, #tpu.memory_space<semaphore_mem>>
      %dma_wait3A_228 = tpu.memref_slice %arg5[%multiple_of3A_218] : memref<102400xi32, #tpu.memory_space<hbm>> -> memref<80xi32, #tpu.memory_space<hbm>>
      tpu.wait_dma2 semaphore(%dma_wait3A_227 : memref<!tpu.dma_semaphore, #tpu.memory_space<semaphore_mem>>) src(%dma_wait3A_228 : memref<80xi32, #tpu.memory_space<hbm>>) dst(%arg14 : memref<80xi32, #tpu.memory_space<vmem>>)
      %dma_start3A_229 = arith.constant 0 : i32
      %dma_start3A_230 = arith.constant 0 : i32
      %dma_start3A_231 = arith.constant 0 : i32
      %dma_start3A_232 = tpu.memref_slice %arg2[%dma_start3A_230, %dma_start3A_231] : memref<10000x128xf32, #tpu.memory_space<hbm>> -> memref<10000x128xf32, #tpu.memory_space<hbm>>
      %dma_start3A_233 = tpu.memref_slice %arg22[%dma_start3A_229] : memref<2x!tpu.dma_semaphore, #tpu.memory_space<semaphore_mem>> -> memref<1x!tpu.dma_semaphore, #tpu.memory_space<semaphore_mem>>
      %dma_start3A_234 = tpu.memref_squeeze %dma_start3A_233 : memref<1x!tpu.dma_semaphore, #tpu.memory_space<semaphore_mem>> -> memref<!tpu.dma_semaphore, #tpu.memory_space<semaphore_mem>>
      tpu.enqueue_indirect_dma source(%dma_start3A_232 : memref<10000x128xf32, #tpu.memory_space<hbm>>) target(%arg16 : memref<80x128xf32, #tpu.memory_space<vmem>>) offsets(%arg10 : memref<80xi32, #tpu.memory_space<vmem>>) semaphore(%dma_start3A_234 : memref<!tpu.dma_semaphore, #tpu.memory_space<semaphore_mem>>)
      %dma_start3A_235 = arith.constant 0 : i32
      %dma_start3A_236 = arith.constant 0 : i32
      %dma_start3A_237 = arith.constant 0 : i32
      %dma_start3A_238 = tpu.memref_slice %arg3[%dma_start3A_236, %dma_start3A_237] : memref<10000x128xf32, #tpu.memory_space<hbm>> -> memref<10000x128xf32, #tpu.memory_space<hbm>>
      %dma_start3A_239 = tpu.memref_slice %arg23[%dma_start3A_235] : memref<2x!tpu.dma_semaphore, #tpu.memory_space<semaphore_mem>> -> memref<1x!tpu.dma_semaphore, #tpu.memory_space<semaphore_mem>>
      %dma_start3A_240 = tpu.memref_squeeze %dma_start3A_239 : memref<1x!tpu.dma_semaphore, #tpu.memory_space<semaphore_mem>> -> memref<!tpu.dma_semaphore, #tpu.memory_space<semaphore_mem>>
      tpu.enqueue_indirect_dma source(%dma_start3A_238 : memref<10000x128xf32, #tpu.memory_space<hbm>>) target(%arg18 : memref<80x128xf32, #tpu.memory_space<vmem>>) offsets(%arg14 : memref<80xi32, #tpu.memory_space<vmem>>) semaphore(%dma_start3A_240 : memref<!tpu.dma_semaphore, #tpu.memory_space<semaphore_mem>>)
      %mul3A_241 = arith.constant 4 : i32
      %mul3A_242 = arith.muli %mul3A_241, %while3A_80 : i32
      %add3A_243 = arith.constant 2 : i32
      %add3A_244 = arith.addi %mul3A_242, %add3A_243 : i32
      %mul3A_245 = arith.constant 80 : i32
      %mul3A_246 = arith.muli %add3A_244, %mul3A_245 : i32
      %add3A_247 = arith.addi %mul3A_7, %mul3A_246 : i32
      %multiple_of3A_248 = tpu.assume_multiple %add3A_247, 8 : i32
      %dma_wait3A_249 = arith.constant 0 : i32
      %dma_wait3A_250 = arith.constant 0 : i32
      %dma_wait3A_251 = arith.constant 0 : i32
      %dma_wait3A_252 = tpu.memref_slice %arg2[%dma_wait3A_250, %dma_wait3A_251] : memref<10000x128xf32, #tpu.memory_space<hbm>> -> memref<10000x128xf32, #tpu.memory_space<hbm>>
      %dma_wait3A_253 = tpu.memref_slice %arg22[%dma_wait3A_249] : memref<2x!tpu.dma_semaphore, #tpu.memory_space<semaphore_mem>> -> memref<1x!tpu.dma_semaphore, #tpu.memory_space<semaphore_mem>>
      %dma_wait3A_254 = tpu.memref_squeeze %dma_wait3A_253 : memref<1x!tpu.dma_semaphore, #tpu.memory_space<semaphore_mem>> -> memref<!tpu.dma_semaphore, #tpu.memory_space<semaphore_mem>>
      tpu.wait_indirect_dma semaphore(%dma_wait3A_254 : memref<!tpu.dma_semaphore, #tpu.memory_space<semaphore_mem>>) src(%dma_wait3A_252 : memref<10000x128xf32, #tpu.memory_space<hbm>>) dst(%arg16 : memref<80x128xf32, #tpu.memory_space<vmem>>)
      %dma_wait3A_255 = arith.constant 0 : i32
      %dma_wait3A_256 = arith.constant 0 : i32
      %dma_wait3A_257 = arith.constant 0 : i32
      %dma_wait3A_258 = tpu.memref_slice %arg3[%dma_wait3A_256, %dma_wait3A_257] : memref<10000x128xf32, #tpu.memory_space<hbm>> -> memref<10000x128xf32, #tpu.memory_space<hbm>>
      %dma_wait3A_259 = tpu.memref_slice %arg23[%dma_wait3A_255] : memref<2x!tpu.dma_semaphore, #tpu.memory_space<semaphore_mem>> -> memref<1x!tpu.dma_semaphore, #tpu.memory_space<semaphore_mem>>
      %dma_wait3A_260 = tpu.memref_squeeze %dma_wait3A_259 : memref<1x!tpu.dma_semaphore, #tpu.memory_space<semaphore_mem>> -> memref<!tpu.dma_semaphore, #tpu.memory_space<semaphore_mem>>
      tpu.wait_indirect_dma semaphore(%dma_wait3A_260 : memref<!tpu.dma_semaphore, #tpu.memory_space<semaphore_mem>>) src(%dma_wait3A_258 : memref<10000x128xf32, #tpu.memory_space<hbm>>) dst(%arg18 : memref<80x128xf32, #tpu.memory_space<vmem>>)
      %dma_start3A_261 = arith.constant 0 : i32
      %dma_start3A_262 = tpu.memref_slice %arg6[%multiple_of3A_248, %dma_start3A_261] : memref<102400x128xf32, #tpu.memory_space<hbm>> -> memref<80x128xf32, #tpu.memory_space<hbm>>
      %dma_start3A_263 = arith.constant 0 : i32
      %dma_start3A_264 = tpu.memref_slice %arg6[%multiple_of3A_248, %dma_start3A_263] : memref<102400x128xf32, #tpu.memory_space<hbm>> -> memref<80x128xf32, #tpu.memory_space<hbm>>
      tpu.enqueue_dma source(%arg16 : memref<80x128xf32, #tpu.memory_space<vmem>>) target(%dma_start3A_264 : memref<80x128xf32, #tpu.memory_space<hbm>>) target_semaphore(%arg24 : memref<!tpu.dma_semaphore, #tpu.memory_space<semaphore_mem>>)
      %dma_start3A_265 = arith.constant 0 : i32
      %dma_start3A_266 = tpu.memref_slice %arg7[%multiple_of3A_248, %dma_start3A_265] : memref<102400x128xf32, #tpu.memory_space<hbm>> -> memref<80x128xf32, #tpu.memory_space<hbm>>
      %dma_start3A_267 = arith.constant 0 : i32
      %dma_start3A_268 = tpu.memref_slice %arg7[%multiple_of3A_248, %dma_start3A_267] : memref<102400x128xf32, #tpu.memory_space<hbm>> -> memref<80x128xf32, #tpu.memory_space<hbm>>
      tpu.enqueue_dma source(%arg18 : memref<80x128xf32, #tpu.memory_space<vmem>>) target(%dma_start3A_268 : memref<80x128xf32, #tpu.memory_space<hbm>>) target_semaphore(%arg24 : memref<!tpu.dma_semaphore, #tpu.memory_space<semaphore_mem>>)
      %sub3A_269 = arith.constant 1 : i32
      %sub3A_270 = arith.subi %add3A_244, %sub3A_269 : i32
      %mul3A_271 = arith.constant 80 : i32
      %mul3A_272 = arith.muli %sub3A_270, %mul3A_271 : i32
      %add3A_273 = arith.addi %mul3A_7, %mul3A_272 : i32
      %multiple_of3A_274 = tpu.assume_multiple %add3A_273, 8 : i32
      %dma_wait3A_275 = arith.constant 0 : i32
      %dma_wait3A_276 = tpu.memref_slice %arg6[%multiple_of3A_274, %dma_wait3A_275] : memref<102400x128xf32, #tpu.memory_space<hbm>> -> memref<80x128xf32, #tpu.memory_space<hbm>>
      %dma_wait3A_277 = arith.constant 0 : i32
      %dma_wait3A_278 = tpu.memref_slice %arg6[%multiple_of3A_274, %dma_wait3A_277] : memref<102400x128xf32, #tpu.memory_space<hbm>> -> memref<80x128xf32, #tpu.memory_space<hbm>>
      tpu.wait_dma2 semaphore(%arg24 : memref<!tpu.dma_semaphore, #tpu.memory_space<semaphore_mem>>) src(%arg17 : memref<80x128xf32, #tpu.memory_space<vmem>>) dst(%dma_wait3A_278 : memref<80x128xf32, #tpu.memory_space<hbm>>)
      %dma_wait3A_279 = arith.constant 0 : i32
      %dma_wait3A_280 = tpu.memref_slice %arg7[%multiple_of3A_274, %dma_wait3A_279] : memref<102400x128xf32, #tpu.memory_space<hbm>> -> memref<80x128xf32, #tpu.memory_space<hbm>>
      %dma_wait3A_281 = arith.constant 0 : i32
      %dma_wait3A_282 = tpu.memref_slice %arg7[%multiple_of3A_274, %dma_wait3A_281] : memref<102400x128xf32, #tpu.memory_space<hbm>> -> memref<80x128xf32, #tpu.memory_space<hbm>>
      tpu.wait_dma2 semaphore(%arg24 : memref<!tpu.dma_semaphore, #tpu.memory_space<semaphore_mem>>) src(%arg19 : memref<80x128xf32, #tpu.memory_space<vmem>>) dst(%dma_wait3A_282 : memref<80x128xf32, #tpu.memory_space<hbm>>)
      %sub3A_283 = arith.constant 1 : i32
      %sub3A_284 = arith.subi %select_n3A_25, %sub3A_283 : i32
      %lt3A = arith.cmpi slt, %while3A_80, %sub3A_284 : i32
      %convert_element_type3A_285 = arith.extui %lt3A : i1 to i32
      %cond3A_286 = arith.constant 0 : i32
      %cond3A_287 = arith.cmpi ne, %convert_element_type3A_285, %cond3A_286 : i32
      scf.if %cond3A_287 {
        %add3A_370 = arith.constant 2 : i32
        %add3A_371 = arith.addi %add3A_244, %add3A_370 : i32
        %mul3A_372 = arith.constant 80 : i32
        %mul3A_373 = arith.muli %add3A_371, %mul3A_372 : i32
        %add3A_374 = arith.addi %mul3A_7, %mul3A_373 : i32
        %multiple_of3A_375 = tpu.assume_multiple %add3A_374, 8 : i32
        %dma_start3A_376 = arith.constant 0 : i32
        %dma_start3A_377 = tpu.memref_slice %arg4[%multiple_of3A_375] : memref<102400xi32, #tpu.memory_space<hbm>> -> memref<80xi32, #tpu.memory_space<hbm>>
        %dma_start3A_378 = tpu.memref_slice %arg20[%dma_start3A_376] : memref<4x!tpu.dma_semaphore, #tpu.memory_space<semaphore_mem>> -> memref<1x!tpu.dma_semaphore, #tpu.memory_space<semaphore_mem>>
        %dma_start3A_379 = tpu.memref_squeeze %dma_start3A_378 : memref<1x!tpu.dma_semaphore, #tpu.memory_space<semaphore_mem>> -> memref<!tpu.dma_semaphore, #tpu.memory_space<semaphore_mem>>
        %dma_start3A_380 = tpu.memref_slice %arg4[%multiple_of3A_375] : memref<102400xi32, #tpu.memory_space<hbm>> -> memref<80xi32, #tpu.memory_space<hbm>>
        tpu.enqueue_dma source(%dma_start3A_380 : memref<80xi32, #tpu.memory_space<hbm>>) target(%arg8 : memref<80xi32, #tpu.memory_space<vmem>>) target_semaphore(%dma_start3A_379 : memref<!tpu.dma_semaphore, #tpu.memory_space<semaphore_mem>>)
        %dma_start3A_381 = arith.constant 0 : i32
        %dma_start3A_382 = tpu.memref_slice %arg5[%multiple_of3A_375] : memref<102400xi32, #tpu.memory_space<hbm>> -> memref<80xi32, #tpu.memory_space<hbm>>
        %dma_start3A_383 = tpu.memref_slice %arg21[%dma_start3A_381] : memref<4x!tpu.dma_semaphore, #tpu.memory_space<semaphore_mem>> -> memref<1x!tpu.dma_semaphore, #tpu.memory_space<semaphore_mem>>
        %dma_start3A_384 = tpu.memref_squeeze %dma_start3A_383 : memref<1x!tpu.dma_semaphore, #tpu.memory_space<semaphore_mem>> -> memref<!tpu.dma_semaphore, #tpu.memory_space<semaphore_mem>>
        %dma_start3A_385 = tpu.memref_slice %arg5[%multiple_of3A_375] : memref<102400xi32, #tpu.memory_space<hbm>> -> memref<80xi32, #tpu.memory_space<hbm>>
        tpu.enqueue_dma source(%dma_start3A_385 : memref<80xi32, #tpu.memory_space<hbm>>) target(%arg12 : memref<80xi32, #tpu.memory_space<vmem>>) target_semaphore(%dma_start3A_384 : memref<!tpu.dma_semaphore, #tpu.memory_space<semaphore_mem>>)
      } else {
      }
      %add3A_288 = arith.constant 1 : i32
      %add3A_289 = arith.addi %add3A_244, %add3A_288 : i32
      %mul3A_290 = arith.constant 80 : i32
      %mul3A_291 = arith.muli %add3A_289, %mul3A_290 : i32
      %add3A_292 = arith.addi %mul3A_7, %mul3A_291 : i32
      %multiple_of3A_293 = tpu.assume_multiple %add3A_292, 8 : i32
      %dma_wait3A_294 = arith.constant 3 : i32
      %dma_wait3A_295 = tpu.memref_slice %arg4[%multiple_of3A_293] : memref<102400xi32, #tpu.memory_space<hbm>> -> memref<80xi32, #tpu.memory_space<hbm>>
      %dma_wait3A_296 = tpu.memref_slice %arg20[%dma_wait3A_294] : memref<4x!tpu.dma_semaphore, #tpu.memory_space<semaphore_mem>> -> memref<1x!tpu.dma_semaphore, #tpu.memory_space<semaphore_mem>>
      %dma_wait3A_297 = tpu.memref_squeeze %dma_wait3A_296 : memref<1x!tpu.dma_semaphore, #tpu.memory_space<semaphore_mem>> -> memref<!tpu.dma_semaphore, #tpu.memory_space<semaphore_mem>>
      %dma_wait3A_298 = tpu.memref_slice %arg4[%multiple_of3A_293] : memref<102400xi32, #tpu.memory_space<hbm>> -> memref<80xi32, #tpu.memory_space<hbm>>
      tpu.wait_dma2 semaphore(%dma_wait3A_297 : memref<!tpu.dma_semaphore, #tpu.memory_space<semaphore_mem>>) src(%dma_wait3A_298 : memref<80xi32, #tpu.memory_space<hbm>>) dst(%arg11 : memref<80xi32, #tpu.memory_space<vmem>>)
      %dma_wait3A_299 = arith.constant 3 : i32
      %dma_wait3A_300 = tpu.memref_slice %arg5[%multiple_of3A_293] : memref<102400xi32, #tpu.memory_space<hbm>> -> memref<80xi32, #tpu.memory_space<hbm>>
      %dma_wait3A_301 = tpu.memref_slice %arg21[%dma_wait3A_299] : memref<4x!tpu.dma_semaphore, #tpu.memory_space<semaphore_mem>> -> memref<1x!tpu.dma_semaphore, #tpu.memory_space<semaphore_mem>>
      %dma_wait3A_302 = tpu.memref_squeeze %dma_wait3A_301 : memref<1x!tpu.dma_semaphore, #tpu.memory_space<semaphore_mem>> -> memref<!tpu.dma_semaphore, #tpu.memory_space<semaphore_mem>>
      %dma_wait3A_303 = tpu.memref_slice %arg5[%multiple_of3A_293] : memref<102400xi32, #tpu.memory_space<hbm>> -> memref<80xi32, #tpu.memory_space<hbm>>
      tpu.wait_dma2 semaphore(%dma_wait3A_302 : memref<!tpu.dma_semaphore, #tpu.memory_space<semaphore_mem>>) src(%dma_wait3A_303 : memref<80xi32, #tpu.memory_space<hbm>>) dst(%arg15 : memref<80xi32, #tpu.memory_space<vmem>>)
      %dma_start3A_304 = arith.constant 1 : i32
      %dma_start3A_305 = arith.constant 0 : i32
      %dma_start3A_306 = arith.constant 0 : i32
      %dma_start3A_307 = tpu.memref_slice %arg2[%dma_start3A_305, %dma_start3A_306] : memref<10000x128xf32, #tpu.memory_space<hbm>> -> memref<10000x128xf32, #tpu.memory_space<hbm>>
      %dma_start3A_308 = tpu.memref_slice %arg22[%dma_start3A_304] : memref<2x!tpu.dma_semaphore, #tpu.memory_space<semaphore_mem>> -> memref<1x!tpu.dma_semaphore, #tpu.memory_space<semaphore_mem>>
      %dma_start3A_309 = tpu.memref_squeeze %dma_start3A_308 : memref<1x!tpu.dma_semaphore, #tpu.memory_space<semaphore_mem>> -> memref<!tpu.dma_semaphore, #tpu.memory_space<semaphore_mem>>
      tpu.enqueue_indirect_dma source(%dma_start3A_307 : memref<10000x128xf32, #tpu.memory_space<hbm>>) target(%arg17 : memref<80x128xf32, #tpu.memory_space<vmem>>) offsets(%arg11 : memref<80xi32, #tpu.memory_space<vmem>>) semaphore(%dma_start3A_309 : memref<!tpu.dma_semaphore, #tpu.memory_space<semaphore_mem>>)
      %dma_start3A_310 = arith.constant 1 : i32
      %dma_start3A_311 = arith.constant 0 : i32
      %dma_start3A_312 = arith.constant 0 : i32
      %dma_start3A_313 = tpu.memref_slice %arg3[%dma_start3A_311, %dma_start3A_312] : memref<10000x128xf32, #tpu.memory_space<hbm>> -> memref<10000x128xf32, #tpu.memory_space<hbm>>
      %dma_start3A_314 = tpu.memref_slice %arg23[%dma_start3A_310] : memref<2x!tpu.dma_semaphore, #tpu.memory_space<semaphore_mem>> -> memref<1x!tpu.dma_semaphore, #tpu.memory_space<semaphore_mem>>
      %dma_start3A_315 = tpu.memref_squeeze %dma_start3A_314 : memref<1x!tpu.dma_semaphore, #tpu.memory_space<semaphore_mem>> -> memref<!tpu.dma_semaphore, #tpu.memory_space<semaphore_mem>>
      tpu.enqueue_indirect_dma source(%dma_start3A_313 : memref<10000x128xf32, #tpu.memory_space<hbm>>) target(%arg19 : memref<80x128xf32, #tpu.memory_space<vmem>>) offsets(%arg15 : memref<80xi32, #tpu.memory_space<vmem>>) semaphore(%dma_start3A_315 : memref<!tpu.dma_semaphore, #tpu.memory_space<semaphore_mem>>)
      %mul3A_316 = arith.constant 4 : i32
      %mul3A_317 = arith.muli %mul3A_316, %while3A_80 : i32
      %add3A_318 = arith.constant 3 : i32
      %add3A_319 = arith.addi %mul3A_317, %add3A_318 : i32
      %mul3A_320 = arith.constant 80 : i32
      %mul3A_321 = arith.muli %add3A_319, %mul3A_320 : i32
      %add3A_322 = arith.addi %mul3A_7, %mul3A_321 : i32
      %multiple_of3A_323 = tpu.assume_multiple %add3A_322, 8 : i32
      %dma_wait3A_324 = arith.constant 1 : i32
      %dma_wait3A_325 = arith.constant 0 : i32
      %dma_wait3A_326 = arith.constant 0 : i32
      %dma_wait3A_327 = tpu.memref_slice %arg2[%dma_wait3A_325, %dma_wait3A_326] : memref<10000x128xf32, #tpu.memory_space<hbm>> -> memref<10000x128xf32, #tpu.memory_space<hbm>>
      %dma_wait3A_328 = tpu.memref_slice %arg22[%dma_wait3A_324] : memref<2x!tpu.dma_semaphore, #tpu.memory_space<semaphore_mem>> -> memref<1x!tpu.dma_semaphore, #tpu.memory_space<semaphore_mem>>
      %dma_wait3A_329 = tpu.memref_squeeze %dma_wait3A_328 : memref<1x!tpu.dma_semaphore, #tpu.memory_space<semaphore_mem>> -> memref<!tpu.dma_semaphore, #tpu.memory_space<semaphore_mem>>
      tpu.wait_indirect_dma semaphore(%dma_wait3A_329 : memref<!tpu.dma_semaphore, #tpu.memory_space<semaphore_mem>>) src(%dma_wait3A_327 : memref<10000x128xf32, #tpu.memory_space<hbm>>) dst(%arg17 : memref<80x128xf32, #tpu.memory_space<vmem>>)
      %dma_wait3A_330 = arith.constant 1 : i32
      %dma_wait3A_331 = arith.constant 0 : i32
      %dma_wait3A_332 = arith.constant 0 : i32
      %dma_wait3A_333 = tpu.memref_slice %arg3[%dma_wait3A_331, %dma_wait3A_332] : memref<10000x128xf32, #tpu.memory_space<hbm>> -> memref<10000x128xf32, #tpu.memory_space<hbm>>
      %dma_wait3A_334 = tpu.memref_slice %arg23[%dma_wait3A_330] : memref<2x!tpu.dma_semaphore, #tpu.memory_space<semaphore_mem>> -> memref<1x!tpu.dma_semaphore, #tpu.memory_space<semaphore_mem>>
      %dma_wait3A_335 = tpu.memref_squeeze %dma_wait3A_334 : memref<1x!tpu.dma_semaphore, #tpu.memory_space<semaphore_mem>> -> memref<!tpu.dma_semaphore, #tpu.memory_space<semaphore_mem>>
      tpu.wait_indirect_dma semaphore(%dma_wait3A_335 : memref<!tpu.dma_semaphore, #tpu.memory_space<semaphore_mem>>) src(%dma_wait3A_333 : memref<10000x128xf32, #tpu.memory_space<hbm>>) dst(%arg19 : memref<80x128xf32, #tpu.memory_space<vmem>>)
      %dma_start3A_336 = arith.constant 0 : i32
      %dma_start3A_337 = tpu.memref_slice %arg6[%multiple_of3A_323, %dma_start3A_336] : memref<102400x128xf32, #tpu.memory_space<hbm>> -> memref<80x128xf32, #tpu.memory_space<hbm>>
      %dma_start3A_338 = arith.constant 0 : i32
      %dma_start3A_339 = tpu.memref_slice %arg6[%multiple_of3A_323, %dma_start3A_338] : memref<102400x128xf32, #tpu.memory_space<hbm>> -> memref<80x128xf32, #tpu.memory_space<hbm>>
      tpu.enqueue_dma source(%arg17 : memref<80x128xf32, #tpu.memory_space<vmem>>) target(%dma_start3A_339 : memref<80x128xf32, #tpu.memory_space<hbm>>) target_semaphore(%arg24 : memref<!tpu.dma_semaphore, #tpu.memory_space<semaphore_mem>>)
      %dma_start3A_340 = arith.constant 0 : i32
      %dma_start3A_341 = tpu.memref_slice %arg7[%multiple_of3A_323, %dma_start3A_340] : memref<102400x128xf32, #tpu.memory_space<hbm>> -> memref<80x128xf32, #tpu.memory_space<hbm>>
      %dma_start3A_342 = arith.constant 0 : i32
      %dma_start3A_343 = tpu.memref_slice %arg7[%multiple_of3A_323, %dma_start3A_342] : memref<102400x128xf32, #tpu.memory_space<hbm>> -> memref<80x128xf32, #tpu.memory_space<hbm>>
      tpu.enqueue_dma source(%arg19 : memref<80x128xf32, #tpu.memory_space<vmem>>) target(%dma_start3A_343 : memref<80x128xf32, #tpu.memory_space<hbm>>) target_semaphore(%arg24 : memref<!tpu.dma_semaphore, #tpu.memory_space<semaphore_mem>>)
      %sub3A_344 = arith.constant 1 : i32
      %sub3A_345 = arith.subi %add3A_319, %sub3A_344 : i32
      %mul3A_346 = arith.constant 80 : i32
      %mul3A_347 = arith.muli %sub3A_345, %mul3A_346 : i32
      %add3A_348 = arith.addi %mul3A_7, %mul3A_347 : i32
      %multiple_of3A_349 = tpu.assume_multiple %add3A_348, 8 : i32
      %dma_wait3A_350 = arith.constant 0 : i32
      %dma_wait3A_351 = tpu.memref_slice %arg6[%multiple_of3A_349, %dma_wait3A_350] : memref<102400x128xf32, #tpu.memory_space<hbm>> -> memref<80x128xf32, #tpu.memory_space<hbm>>
      %dma_wait3A_352 = arith.constant 0 : i32
      %dma_wait3A_353 = tpu.memref_slice %arg6[%multiple_of3A_349, %dma_wait3A_352] : memref<102400x128xf32, #tpu.memory_space<hbm>> -> memref<80x128xf32, #tpu.memory_space<hbm>>
      tpu.wait_dma2 semaphore(%arg24 : memref<!tpu.dma_semaphore, #tpu.memory_space<semaphore_mem>>) src(%arg16 : memref<80x128xf32, #tpu.memory_space<vmem>>) dst(%dma_wait3A_353 : memref<80x128xf32, #tpu.memory_space<hbm>>)
      %dma_wait3A_354 = arith.constant 0 : i32
      %dma_wait3A_355 = tpu.memref_slice %arg7[%multiple_of3A_349, %dma_wait3A_354] : memref<102400x128xf32, #tpu.memory_space<hbm>> -> memref<80x128xf32, #tpu.memory_space<hbm>>
      %dma_wait3A_356 = arith.constant 0 : i32
      %dma_wait3A_357 = tpu.memref_slice %arg7[%multiple_of3A_349, %dma_wait3A_356] : memref<102400x128xf32, #tpu.memory_space<hbm>> -> memref<80x128xf32, #tpu.memory_space<hbm>>
      tpu.wait_dma2 semaphore(%arg24 : memref<!tpu.dma_semaphore, #tpu.memory_space<semaphore_mem>>) src(%arg18 : memref<80x128xf32, #tpu.memory_space<vmem>>) dst(%dma_wait3A_357 : memref<80x128xf32, #tpu.memory_space<hbm>>)
      %sub3A_358 = arith.constant 1 : i32
      %sub3A_359 = arith.subi %select_n3A_25, %sub3A_358 : i32
      %lt3A_360 = arith.cmpi slt, %while3A_80, %sub3A_359 : i32
      %convert_element_type3A_361 = arith.extui %lt3A_360 : i1 to i32
      %cond3A_362 = arith.constant 0 : i32
      %cond3A_363 = arith.cmpi ne, %convert_element_type3A_361, %cond3A_362 : i32
      scf.if %cond3A_363 {
        %add3A_370 = arith.constant 2 : i32
        %add3A_371 = arith.addi %add3A_319, %add3A_370 : i32
        %mul3A_372 = arith.constant 80 : i32
        %mul3A_373 = arith.muli %add3A_371, %mul3A_372 : i32
        %add3A_374 = arith.addi %mul3A_7, %mul3A_373 : i32
        %multiple_of3A_375 = tpu.assume_multiple %add3A_374, 8 : i32
        %dma_start3A_376 = arith.constant 1 : i32
        %dma_start3A_377 = tpu.memref_slice %arg4[%multiple_of3A_375] : memref<102400xi32, #tpu.memory_space<hbm>> -> memref<80xi32, #tpu.memory_space<hbm>>
        %dma_start3A_378 = tpu.memref_slice %arg20[%dma_start3A_376] : memref<4x!tpu.dma_semaphore, #tpu.memory_space<semaphore_mem>> -> memref<1x!tpu.dma_semaphore, #tpu.memory_space<semaphore_mem>>
        %dma_start3A_379 = tpu.memref_squeeze %dma_start3A_378 : memref<1x!tpu.dma_semaphore, #tpu.memory_space<semaphore_mem>> -> memref<!tpu.dma_semaphore, #tpu.memory_space<semaphore_mem>>
        %dma_start3A_380 = tpu.memref_slice %arg4[%multiple_of3A_375] : memref<102400xi32, #tpu.memory_space<hbm>> -> memref<80xi32, #tpu.memory_space<hbm>>
        tpu.enqueue_dma source(%dma_start3A_380 : memref<80xi32, #tpu.memory_space<hbm>>) target(%arg9 : memref<80xi32, #tpu.memory_space<vmem>>) target_semaphore(%dma_start3A_379 : memref<!tpu.dma_semaphore, #tpu.memory_space<semaphore_mem>>)
        %dma_start3A_381 = arith.constant 1 : i32
        %dma_start3A_382 = tpu.memref_slice %arg5[%multiple_of3A_375] : memref<102400xi32, #tpu.memory_space<hbm>> -> memref<80xi32, #tpu.memory_space<hbm>>
        %dma_start3A_383 = tpu.memref_slice %arg21[%dma_start3A_381] : memref<4x!tpu.dma_semaphore, #tpu.memory_space<semaphore_mem>> -> memref<1x!tpu.dma_semaphore, #tpu.memory_space<semaphore_mem>>
        %dma_start3A_384 = tpu.memref_squeeze %dma_start3A_383 : memref<1x!tpu.dma_semaphore, #tpu.memory_space<semaphore_mem>> -> memref<!tpu.dma_semaphore, #tpu.memory_space<semaphore_mem>>
        %dma_start3A_385 = tpu.memref_slice %arg5[%multiple_of3A_375] : memref<102400xi32, #tpu.memory_space<hbm>> -> memref<80xi32, #tpu.memory_space<hbm>>
        tpu.enqueue_dma source(%dma_start3A_385 : memref<80xi32, #tpu.memory_space<hbm>>) target(%arg13 : memref<80xi32, #tpu.memory_space<vmem>>) target_semaphore(%dma_start3A_384 : memref<!tpu.dma_semaphore, #tpu.memory_space<semaphore_mem>>)
      } else {
      }
      %sub3A_364 = arith.constant 1 : i32
      %sub3A_365 = arith.subi %select_n3A_25, %sub3A_364 : i32
      %lt3A_366 = arith.cmpi slt, %while3A_80, %sub3A_365 : i32
      %convert_element_type3A_367 = arith.extui %lt3A_366 : i1 to i32
      %cond3A_368 = arith.constant 0 : i32
      %cond3A_369 = arith.cmpi ne, %convert_element_type3A_367, %cond3A_368 : i32
      scf.if %cond3A_369 {
        %add3A_370 = arith.constant 1 : i32
        %add3A_371 = arith.addi %add3A_319, %add3A_370 : i32
        %mul3A_372 = arith.constant 80 : i32
        %mul3A_373 = arith.muli %add3A_371, %mul3A_372 : i32
        %add3A_374 = arith.addi %mul3A_7, %mul3A_373 : i32
        %multiple_of3A_375 = tpu.assume_multiple %add3A_374, 8 : i32
        %dma_wait3A_376 = arith.constant 0 : i32
        %dma_wait3A_377 = tpu.memref_slice %arg4[%multiple_of3A_375] : memref<102400xi32, #tpu.memory_space<hbm>> -> memref<80xi32, #tpu.memory_space<hbm>>
        %dma_wait3A_378 = tpu.memref_slice %arg20[%dma_wait3A_376] : memref<4x!tpu.dma_semaphore, #tpu.memory_space<semaphore_mem>> -> memref<1x!tpu.dma_semaphore, #tpu.memory_space<semaphore_mem>>
        %dma_wait3A_379 = tpu.memref_squeeze %dma_wait3A_378 : memref<1x!tpu.dma_semaphore, #tpu.memory_space<semaphore_mem>> -> memref<!tpu.dma_semaphore, #tpu.memory_space<semaphore_mem>>
        %dma_wait3A_380 = tpu.memref_slice %arg4[%multiple_of3A_375] : memref<102400xi32, #tpu.memory_space<hbm>> -> memref<80xi32, #tpu.memory_space<hbm>>
        tpu.wait_dma2 semaphore(%dma_wait3A_379 : memref<!tpu.dma_semaphore, #tpu.memory_space<semaphore_mem>>) src(%dma_wait3A_380 : memref<80xi32, #tpu.memory_space<hbm>>) dst(%arg8 : memref<80xi32, #tpu.memory_space<vmem>>)
        %dma_wait3A_381 = arith.constant 0 : i32
        %dma_wait3A_382 = tpu.memref_slice %arg5[%multiple_of3A_375] : memref<102400xi32, #tpu.memory_space<hbm>> -> memref<80xi32, #tpu.memory_space<hbm>>
        %dma_wait3A_383 = tpu.memref_slice %arg21[%dma_wait3A_381] : memref<4x!tpu.dma_semaphore, #tpu.memory_space<semaphore_mem>> -> memref<1x!tpu.dma_semaphore, #tpu.memory_space<semaphore_mem>>
        %dma_wait3A_384 = tpu.memref_squeeze %dma_wait3A_383 : memref<1x!tpu.dma_semaphore, #tpu.memory_space<semaphore_mem>> -> memref<!tpu.dma_semaphore, #tpu.memory_space<semaphore_mem>>
        %dma_wait3A_385 = tpu.memref_slice %arg5[%multiple_of3A_375] : memref<102400xi32, #tpu.memory_space<hbm>> -> memref<80xi32, #tpu.memory_space<hbm>>
        tpu.wait_dma2 semaphore(%dma_wait3A_384 : memref<!tpu.dma_semaphore, #tpu.memory_space<semaphore_mem>>) src(%dma_wait3A_385 : memref<80xi32, #tpu.memory_space<hbm>>) dst(%arg12 : memref<80xi32, #tpu.memory_space<vmem>>)
        %dma_start3A_386 = arith.constant 0 : i32
        %dma_start3A_387 = arith.constant 0 : i32
        %dma_start3A_388 = arith.constant 0 : i32
        %dma_start3A_389 = tpu.memref_slice %arg2[%dma_start3A_387, %dma_start3A_388] : memref<10000x128xf32, #tpu.memory_space<hbm>> -> memref<10000x128xf32, #tpu.memory_space<hbm>>
        %dma_start3A_390 = tpu.memref_slice %arg22[%dma_start3A_386] : memref<2x!tpu.dma_semaphore, #tpu.memory_space<semaphore_mem>> -> memref<1x!tpu.dma_semaphore, #tpu.memory_space<semaphore_mem>>
        %dma_start3A_391 = tpu.memref_squeeze %dma_start3A_390 : memref<1x!tpu.dma_semaphore, #tpu.memory_space<semaphore_mem>> -> memref<!tpu.dma_semaphore, #tpu.memory_space<semaphore_mem>>
        tpu.enqueue_indirect_dma source(%dma_start3A_389 : memref<10000x128xf32, #tpu.memory_space<hbm>>) target(%arg16 : memref<80x128xf32, #tpu.memory_space<vmem>>) offsets(%arg8 : memref<80xi32, #tpu.memory_space<vmem>>) semaphore(%dma_start3A_391 : memref<!tpu.dma_semaphore, #tpu.memory_space<semaphore_mem>>)
        %dma_start3A_392 = arith.constant 0 : i32
        %dma_start3A_393 = arith.constant 0 : i32
        %dma_start3A_394 = arith.constant 0 : i32
        %dma_start3A_395 = tpu.memref_slice %arg3[%dma_start3A_393, %dma_start3A_394] : memref<10000x128xf32, #tpu.memory_space<hbm>> -> memref<10000x128xf32, #tpu.memory_space<hbm>>
        %dma_start3A_396 = tpu.memref_slice %arg23[%dma_start3A_392] : memref<2x!tpu.dma_semaphore, #tpu.memory_space<semaphore_mem>> -> memref<1x!tpu.dma_semaphore, #tpu.memory_space<semaphore_mem>>
        %dma_start3A_397 = tpu.memref_squeeze %dma_start3A_396 : memref<1x!tpu.dma_semaphore, #tpu.memory_space<semaphore_mem>> -> memref<!tpu.dma_semaphore, #tpu.memory_space<semaphore_mem>>
        tpu.enqueue_indirect_dma source(%dma_start3A_395 : memref<10000x128xf32, #tpu.memory_space<hbm>>) target(%arg18 : memref<80x128xf32, #tpu.memory_space<vmem>>) offsets(%arg12 : memref<80xi32, #tpu.memory_space<vmem>>) semaphore(%dma_start3A_397 : memref<!tpu.dma_semaphore, #tpu.memory_space<semaphore_mem>>)
      } else {
      }
    }
    %while3A_66 = arith.constant 1 : i32
    scf.for %while3A_80 = %while3A_64 to %while3A_60 step %while3A_66  : i32 {
      %mul3A_81 = arith.constant 4 : i32
      %mul3A_82 = arith.muli %mul3A_81, %while3A_80 : i32
      %add3A_83 = arith.constant 0 : i32
      %add3A_84 = arith.addi %mul3A_82, %add3A_83 : i32
      %mul3A_85 = arith.constant 80 : i32
      %mul3A_86 = arith.muli %add3A_84, %mul3A_85 : i32
      %add3A_87 = arith.addi %mul3A_7, %mul3A_86 : i32
      %multiple_of3A_88 = tpu.assume_multiple %add3A_87, 8 : i32
      %dma_wait3A_89 = arith.constant 0 : i32
      %dma_wait3A_90 = arith.constant 0 : i32
      %dma_wait3A_91 = arith.constant 0 : i32
      %dma_wait3A_92 = tpu.memref_slice %arg2[%dma_wait3A_90, %dma_wait3A_91] : memref<10000x128xf32, #tpu.memory_space<hbm>> -> memref<10000x128xf32, #tpu.memory_space<hbm>>
      %dma_wait3A_93 = tpu.memref_slice %arg22[%dma_wait3A_89] : memref<2x!tpu.dma_semaphore, #tpu.memory_space<semaphore_mem>> -> memref<1x!tpu.dma_semaphore, #tpu.memory_space<semaphore_mem>>
      %dma_wait3A_94 = tpu.memref_squeeze %dma_wait3A_93 : memref<1x!tpu.dma_semaphore, #tpu.memory_space<semaphore_mem>> -> memref<!tpu.dma_semaphore, #tpu.memory_space<semaphore_mem>>
      tpu.wait_indirect_dma semaphore(%dma_wait3A_94 : memref<!tpu.dma_semaphore, #tpu.memory_space<semaphore_mem>>) src(%dma_wait3A_92 : memref<10000x128xf32, #tpu.memory_space<hbm>>) dst(%arg16 : memref<80x128xf32, #tpu.memory_space<vmem>>)
      %dma_wait3A_95 = arith.constant 0 : i32
      %dma_wait3A_96 = arith.constant 0 : i32
      %dma_wait3A_97 = arith.constant 0 : i32
      %dma_wait3A_98 = tpu.memref_slice %arg3[%dma_wait3A_96, %dma_wait3A_97] : memref<10000x128xf32, #tpu.memory_space<hbm>> -> memref<10000x128xf32, #tpu.memory_space<hbm>>
      %dma_wait3A_99 = tpu.memref_slice %arg23[%dma_wait3A_95] : memref<2x!tpu.dma_semaphore, #tpu.memory_space<semaphore_mem>> -> memref<1x!tpu.dma_semaphore, #tpu.memory_space<semaphore_mem>>
      %dma_wait3A_100 = tpu.memref_squeeze %dma_wait3A_99 : memref<1x!tpu.dma_semaphore, #tpu.memory_space<semaphore_mem>> -> memref<!tpu.dma_semaphore, #tpu.memory_space<semaphore_mem>>
      tpu.wait_indirect_dma semaphore(%dma_wait3A_100 : memref<!tpu.dma_semaphore, #tpu.memory_space<semaphore_mem>>) src(%dma_wait3A_98 : memref<10000x128xf32, #tpu.memory_space<hbm>>) dst(%arg18 : memref<80x128xf32, #tpu.memory_space<vmem>>)
      %dma_start3A_101 = arith.constant 0 : i32
      %dma_start3A_102 = tpu.memref_slice %arg6[%multiple_of3A_88, %dma_start3A_101] : memref<102400x128xf32, #tpu.memory_space<hbm>> -> memref<80x128xf32, #tpu.memory_space<hbm>>
      %dma_start3A_103 = arith.constant 0 : i32
      %dma_start3A_104 = tpu.memref_slice %arg6[%multiple_of3A_88, %dma_start3A_103] : memref<102400x128xf32, #tpu.memory_space<hbm>> -> memref<80x128xf32, #tpu.memory_space<hbm>>
      tpu.enqueue_dma source(%arg16 : memref<80x128xf32, #tpu.memory_space<vmem>>) target(%dma_start3A_104 : memref<80x128xf32, #tpu.memory_space<hbm>>) target_semaphore(%arg24 : memref<!tpu.dma_semaphore, #tpu.memory_space<semaphore_mem>>)
      %dma_start3A_105 = arith.constant 0 : i32
      %dma_start3A_106 = tpu.memref_slice %arg7[%multiple_of3A_88, %dma_start3A_105] : memref<102400x128xf32, #tpu.memory_space<hbm>> -> memref<80x128xf32, #tpu.memory_space<hbm>>
      %dma_start3A_107 = arith.constant 0 : i32
      %dma_start3A_108 = tpu.memref_slice %arg7[%multiple_of3A_88, %dma_start3A_107] : memref<102400x128xf32, #tpu.memory_space<hbm>> -> memref<80x128xf32, #tpu.memory_space<hbm>>
      tpu.enqueue_dma source(%arg18 : memref<80x128xf32, #tpu.memory_space<vmem>>) target(%dma_start3A_108 : memref<80x128xf32, #tpu.memory_space<hbm>>) target_semaphore(%arg24 : memref<!tpu.dma_semaphore, #tpu.memory_space<semaphore_mem>>)
      %gt3A = arith.constant 0 : i32
      %gt3A_109 = arith.cmpi sgt, %while3A_80, %gt3A : i32
      %convert_element_type3A = arith.extui %gt3A_109 : i1 to i32
      %cond3A = arith.constant 0 : i32
      %cond3A_110 = arith.cmpi ne, %convert_element_type3A, %cond3A : i32
      scf.if %cond3A_110 {
        %sub3A_370 = arith.constant 1 : i32
        %sub3A_371 = arith.subi %add3A_84, %sub3A_370 : i32
        %mul3A_372 = arith.constant 80 : i32
        %mul3A_373 = arith.muli %sub3A_371, %mul3A_372 : i32
        %add3A_374 = arith.addi %mul3A_7, %mul3A_373 : i32
        %multiple_of3A_375 = tpu.assume_multiple %add3A_374, 8 : i32
        %dma_wait3A_376 = arith.constant 0 : i32
        %dma_wait3A_377 = tpu.memref_slice %arg6[%multiple_of3A_375, %dma_wait3A_376] : memref<102400x128xf32, #tpu.memory_space<hbm>> -> memref<80x128xf32, #tpu.memory_space<hbm>>
        %dma_wait3A_378 = arith.constant 0 : i32
        %dma_wait3A_379 = tpu.memref_slice %arg6[%multiple_of3A_375, %dma_wait3A_378] : memref<102400x128xf32, #tpu.memory_space<hbm>> -> memref<80x128xf32, #tpu.memory_space<hbm>>
        tpu.wait_dma2 semaphore(%arg24 : memref<!tpu.dma_semaphore, #tpu.memory_space<semaphore_mem>>) src(%arg17 : memref<80x128xf32, #tpu.memory_space<vmem>>) dst(%dma_wait3A_379 : memref<80x128xf32, #tpu.memory_space<hbm>>)
        %dma_wait3A_380 = arith.constant 0 : i32
        %dma_wait3A_381 = tpu.memref_slice %arg7[%multiple_of3A_375, %dma_wait3A_380] : memref<102400x128xf32, #tpu.memory_space<hbm>> -> memref<80x128xf32, #tpu.memory_space<hbm>>
        %dma_wait3A_382 = arith.constant 0 : i32
        %dma_wait3A_383 = tpu.memref_slice %arg7[%multiple_of3A_375, %dma_wait3A_382] : memref<102400x128xf32, #tpu.memory_space<hbm>> -> memref<80x128xf32, #tpu.memory_space<hbm>>
        tpu.wait_dma2 semaphore(%arg24 : memref<!tpu.dma_semaphore, #tpu.memory_space<semaphore_mem>>) src(%arg19 : memref<80x128xf32, #tpu.memory_space<vmem>>) dst(%dma_wait3A_383 : memref<80x128xf32, #tpu.memory_space<hbm>>)
      } else {
      }
      %add3A_111 = arith.constant 2 : i32
      %add3A_112 = arith.addi %add3A_84, %add3A_111 : i32
      %mul3A_113 = arith.constant 80 : i32
      %mul3A_114 = arith.muli %add3A_112, %mul3A_113 : i32
      %add3A_115 = arith.addi %mul3A_7, %mul3A_114 : i32
      %multiple_of3A_116 = tpu.assume_multiple %add3A_115, 8 : i32
      %dma_start3A_117 = arith.constant 2 : i32
      %dma_start3A_118 = tpu.memref_slice %arg4[%multiple_of3A_116] : memref<102400xi32, #tpu.memory_space<hbm>> -> memref<80xi32, #tpu.memory_space<hbm>>
      %dma_start3A_119 = tpu.memref_slice %arg20[%dma_start3A_117] : memref<4x!tpu.dma_semaphore, #tpu.memory_space<semaphore_mem>> -> memref<1x!tpu.dma_semaphore, #tpu.memory_space<semaphore_mem>>
      %dma_start3A_120 = tpu.memref_squeeze %dma_start3A_119 : memref<1x!tpu.dma_semaphore, #tpu.memory_space<semaphore_mem>> -> memref<!tpu.dma_semaphore, #tpu.memory_space<semaphore_mem>>
      %dma_start3A_121 = tpu.memref_slice %arg4[%multiple_of3A_116] : memref<102400xi32, #tpu.memory_space<hbm>> -> memref<80xi32, #tpu.memory_space<hbm>>
      tpu.enqueue_dma source(%dma_start3A_121 : memref<80xi32, #tpu.memory_space<hbm>>) target(%arg10 : memref<80xi32, #tpu.memory_space<vmem>>) target_semaphore(%dma_start3A_120 : memref<!tpu.dma_semaphore, #tpu.memory_space<semaphore_mem>>)
      %dma_start3A_122 = arith.constant 2 : i32
      %dma_start3A_123 = tpu.memref_slice %arg5[%multiple_of3A_116] : memref<102400xi32, #tpu.memory_space<hbm>> -> memref<80xi32, #tpu.memory_space<hbm>>
      %dma_start3A_124 = tpu.memref_slice %arg21[%dma_start3A_122] : memref<4x!tpu.dma_semaphore, #tpu.memory_space<semaphore_mem>> -> memref<1x!tpu.dma_semaphore, #tpu.memory_space<semaphore_mem>>
      %dma_start3A_125 = tpu.memref_squeeze %dma_start3A_124 : memref<1x!tpu.dma_semaphore, #tpu.memory_space<semaphore_mem>> -> memref<!tpu.dma_semaphore, #tpu.memory_space<semaphore_mem>>
      %dma_start3A_126 = tpu.memref_slice %arg5[%multiple_of3A_116] : memref<102400xi32, #tpu.memory_space<hbm>> -> memref<80xi32, #tpu.memory_space<hbm>>
      tpu.enqueue_dma source(%dma_start3A_126 : memref<80xi32, #tpu.memory_space<hbm>>) target(%arg14 : memref<80xi32, #tpu.memory_space<vmem>>) target_semaphore(%dma_start3A_125 : memref<!tpu.dma_semaphore, #tpu.memory_space<semaphore_mem>>)
      %add3A_127 = arith.constant 1 : i32
      %add3A_128 = arith.addi %add3A_84, %add3A_127 : i32
      %mul3A_129 = arith.constant 80 : i32
      %mul3A_130 = arith.muli %add3A_128, %mul3A_129 : i32
      %add3A_131 = arith.addi %mul3A_7, %mul3A_130 : i32
      %multiple_of3A_132 = tpu.assume_multiple %add3A_131, 8 : i32
      %dma_wait3A_133 = arith.constant 1 : i32
      %dma_wait3A_134 = tpu.memref_slice %arg4[%multiple_of3A_132] : memref<102400xi32, #tpu.memory_space<hbm>> -> memref<80xi32, #tpu.memory_space<hbm>>
      %dma_wait3A_135 = tpu.memref_slice %arg20[%dma_wait3A_133] : memref<4x!tpu.dma_semaphore, #tpu.memory_space<semaphore_mem>> -> memref<1x!tpu.dma_semaphore, #tpu.memory_space<semaphore_mem>>
      %dma_wait3A_136 = tpu.memref_squeeze %dma_wait3A_135 : memref<1x!tpu.dma_semaphore, #tpu.memory_space<semaphore_mem>> -> memref<!tpu.dma_semaphore, #tpu.memory_space<semaphore_mem>>
      %dma_wait3A_137 = tpu.memref_slice %arg4[%multiple_of3A_132] : memref<102400xi32, #tpu.memory_space<hbm>> -> memref<80xi32, #tpu.memory_space<hbm>>
      tpu.wait_dma2 semaphore(%dma_wait3A_136 : memref<!tpu.dma_semaphore, #tpu.memory_space<semaphore_mem>>) src(%dma_wait3A_137 : memref<80xi32, #tpu.memory_space<hbm>>) dst(%arg9 : memref<80xi32, #tpu.memory_space<vmem>>)
      %dma_wait3A_138 = arith.constant 1 : i32
      %dma_wait3A_139 = tpu.memref_slice %arg5[%multiple_of3A_132] : memref<102400xi32, #tpu.memory_space<hbm>> -> memref<80xi32, #tpu.memory_space<hbm>>
      %dma_wait3A_140 = tpu.memref_slice %arg21[%dma_wait3A_138] : memref<4x!tpu.dma_semaphore, #tpu.memory_space<semaphore_mem>> -> memref<1x!tpu.dma_semaphore, #tpu.memory_space<semaphore_mem>>
      %dma_wait3A_141 = tpu.memref_squeeze %dma_wait3A_140 : memref<1x!tpu.dma_semaphore, #tpu.memory_space<semaphore_mem>> -> memref<!tpu.dma_semaphore, #tpu.memory_space<semaphore_mem>>
      %dma_wait3A_142 = tpu.memref_slice %arg5[%multiple_of3A_132] : memref<102400xi32, #tpu.memory_space<hbm>> -> memref<80xi32, #tpu.memory_space<hbm>>
      tpu.wait_dma2 semaphore(%dma_wait3A_141 : memref<!tpu.dma_semaphore, #tpu.memory_space<semaphore_mem>>) src(%dma_wait3A_142 : memref<80xi32, #tpu.memory_space<hbm>>) dst(%arg13 : memref<80xi32, #tpu.memory_space<vmem>>)
      %dma_start3A_143 = arith.constant 1 : i32
      %dma_start3A_144 = arith.constant 0 : i32
      %dma_start3A_145 = arith.constant 0 : i32
      %dma_start3A_146 = tpu.memref_slice %arg2[%dma_start3A_144, %dma_start3A_145] : memref<10000x128xf32, #tpu.memory_space<hbm>> -> memref<10000x128xf32, #tpu.memory_space<hbm>>
      %dma_start3A_147 = tpu.memref_slice %arg22[%dma_start3A_143] : memref<2x!tpu.dma_semaphore, #tpu.memory_space<semaphore_mem>> -> memref<1x!tpu.dma_semaphore, #tpu.memory_space<semaphore_mem>>
      %dma_start3A_148 = tpu.memref_squeeze %dma_start3A_147 : memref<1x!tpu.dma_semaphore, #tpu.memory_space<semaphore_mem>> -> memref<!tpu.dma_semaphore, #tpu.memory_space<semaphore_mem>>
      tpu.enqueue_indirect_dma source(%dma_start3A_146 : memref<10000x128xf32, #tpu.memory_space<hbm>>) target(%arg17 : memref<80x128xf32, #tpu.memory_space<vmem>>) offsets(%arg9 : memref<80xi32, #tpu.memory_space<vmem>>) semaphore(%dma_start3A_148 : memref<!tpu.dma_semaphore, #tpu.memory_space<semaphore_mem>>)
      %dma_start3A_149 = arith.constant 1 : i32
      %dma_start3A_150 = arith.constant 0 : i32
      %dma_start3A_151 = arith.constant 0 : i32
      %dma_start3A_152 = tpu.memref_slice %arg3[%dma_start3A_150, %dma_start3A_151] : memref<10000x128xf32, #tpu.memory_space<hbm>> -> memref<10000x128xf32, #tpu.memory_space<hbm>>
      %dma_start3A_153 = tpu.memref_slice %arg23[%dma_start3A_149] : memref<2x!tpu.dma_semaphore, #tpu.memory_space<semaphore_mem>> -> memref<1x!tpu.dma_semaphore, #tpu.memory_space<semaphore_mem>>
      %dma_start3A_154 = tpu.memref_squeeze %dma_start3A_153 : memref<1x!tpu.dma_semaphore, #tpu.memory_space<semaphore_mem>> -> memref<!tpu.dma_semaphore, #tpu.memory_space<semaphore_mem>>
      tpu.enqueue_indirect_dma source(%dma_start3A_152 : memref<10000x128xf32, #tpu.memory_space<hbm>>) target(%arg19 : memref<80x128xf32, #tpu.memory_space<vmem>>) offsets(%arg13 : memref<80xi32, #tpu.memory_space<vmem>>) semaphore(%dma_start3A_154 : memref<!tpu.dma_semaphore, #tpu.memory_space<semaphore_mem>>)
      %mul3A_155 = arith.constant 4 : i32
      %mul3A_156 = arith.muli %mul3A_155, %while3A_80 : i32
      %add3A_157 = arith.constant 1 : i32
      %add3A_158 = arith.addi %mul3A_156, %add3A_157 : i32
      %mul3A_159 = arith.constant 80 : i32
      %mul3A_160 = arith.muli %add3A_158, %mul3A_159 : i32
      %add3A_161 = arith.addi %mul3A_7, %mul3A_160 : i32
      %multiple_of3A_162 = tpu.assume_multiple %add3A_161, 8 : i32
      %dma_wait3A_163 = arith.constant 1 : i32
      %dma_wait3A_164 = arith.constant 0 : i32
      %dma_wait3A_165 = arith.constant 0 : i32
      %dma_wait3A_166 = tpu.memref_slice %arg2[%dma_wait3A_164, %dma_wait3A_165] : memref<10000x128xf32, #tpu.memory_space<hbm>> -> memref<10000x128xf32, #tpu.memory_space<hbm>>
      %dma_wait3A_167 = tpu.memref_slice %arg22[%dma_wait3A_163] : memref<2x!tpu.dma_semaphore, #tpu.memory_space<semaphore_mem>> -> memref<1x!tpu.dma_semaphore, #tpu.memory_space<semaphore_mem>>
      %dma_wait3A_168 = tpu.memref_squeeze %dma_wait3A_167 : memref<1x!tpu.dma_semaphore, #tpu.memory_space<semaphore_mem>> -> memref<!tpu.dma_semaphore, #tpu.memory_space<semaphore_mem>>
      tpu.wait_indirect_dma semaphore(%dma_wait3A_168 : memref<!tpu.dma_semaphore, #tpu.memory_space<semaphore_mem>>) src(%dma_wait3A_166 : memref<10000x128xf32, #tpu.memory_space<hbm>>) dst(%arg17 : memref<80x128xf32, #tpu.memory_space<vmem>>)
      %dma_wait3A_169 = arith.constant 1 : i32
      %dma_wait3A_170 = arith.constant 0 : i32
      %dma_wait3A_171 = arith.constant 0 : i32
      %dma_wait3A_172 = tpu.memref_slice %arg3[%dma_wait3A_170, %dma_wait3A_171] : memref<10000x128xf32, #tpu.memory_space<hbm>> -> memref<10000x128xf32, #tpu.memory_space<hbm>>
      %dma_wait3A_173 = tpu.memref_slice %arg23[%dma_wait3A_169] : memref<2x!tpu.dma_semaphore, #tpu.memory_space<semaphore_mem>> -> memref<1x!tpu.dma_semaphore, #tpu.memory_space<semaphore_mem>>
      %dma_wait3A_174 = tpu.memref_squeeze %dma_wait3A_173 : memref<1x!tpu.dma_semaphore, #tpu.memory_space<semaphore_mem>> -> memref<!tpu.dma_semaphore, #tpu.memory_space<semaphore_mem>>
      tpu.wait_indirect_dma semaphore(%dma_wait3A_174 : memref<!tpu.dma_semaphore, #tpu.memory_space<semaphore_mem>>) src(%dma_wait3A_172 : memref<10000x128xf32, #tpu.memory_space<hbm>>) dst(%arg19 : memref<80x128xf32, #tpu.memory_space<vmem>>)
      %dma_start3A_175 = arith.constant 0 : i32
      %dma_start3A_176 = tpu.memref_slice %arg6[%multiple_of3A_162, %dma_start3A_175] : memref<102400x128xf32, #tpu.memory_space<hbm>> -> memref<80x128xf32, #tpu.memory_space<hbm>>
      %dma_start3A_177 = arith.constant 0 : i32
      %dma_start3A_178 = tpu.memref_slice %arg6[%multiple_of3A_162, %dma_start3A_177] : memref<102400x128xf32, #tpu.memory_space<hbm>> -> memref<80x128xf32, #tpu.memory_space<hbm>>
      tpu.enqueue_dma source(%arg17 : memref<80x128xf32, #tpu.memory_space<vmem>>) target(%dma_start3A_178 : memref<80x128xf32, #tpu.memory_space<hbm>>) target_semaphore(%arg24 : memref<!tpu.dma_semaphore, #tpu.memory_space<semaphore_mem>>)
      %dma_start3A_179 = arith.constant 0 : i32
      %dma_start3A_180 = tpu.memref_slice %arg7[%multiple_of3A_162, %dma_start3A_179] : memref<102400x128xf32, #tpu.memory_space<hbm>> -> memref<80x128xf32, #tpu.memory_space<hbm>>
      %dma_start3A_181 = arith.constant 0 : i32
      %dma_start3A_182 = tpu.memref_slice %arg7[%multiple_of3A_162, %dma_start3A_181] : memref<102400x128xf32, #tpu.memory_space<hbm>> -> memref<80x128xf32, #tpu.memory_space<hbm>>
      tpu.enqueue_dma source(%arg19 : memref<80x128xf32, #tpu.memory_space<vmem>>) target(%dma_start3A_182 : memref<80x128xf32, #tpu.memory_space<hbm>>) target_semaphore(%arg24 : memref<!tpu.dma_semaphore, #tpu.memory_space<semaphore_mem>>)
      %sub3A_183 = arith.constant 1 : i32
      %sub3A_184 = arith.subi %add3A_158, %sub3A_183 : i32
      %mul3A_185 = arith.constant 80 : i32
      %mul3A_186 = arith.muli %sub3A_184, %mul3A_185 : i32
      %add3A_187 = arith.addi %mul3A_7, %mul3A_186 : i32
      %multiple_of3A_188 = tpu.assume_multiple %add3A_187, 8 : i32
      %dma_wait3A_189 = arith.constant 0 : i32
      %dma_wait3A_190 = tpu.memref_slice %arg6[%multiple_of3A_188, %dma_wait3A_189] : memref<102400x128xf32, #tpu.memory_space<hbm>> -> memref<80x128xf32, #tpu.memory_space<hbm>>
      %dma_wait3A_191 = arith.constant 0 : i32
      %dma_wait3A_192 = tpu.memref_slice %arg6[%multiple_of3A_188, %dma_wait3A_191] : memref<102400x128xf32, #tpu.memory_space<hbm>> -> memref<80x128xf32, #tpu.memory_space<hbm>>
      tpu.wait_dma2 semaphore(%arg24 : memref<!tpu.dma_semaphore, #tpu.memory_space<semaphore_mem>>) src(%arg16 : memref<80x128xf32, #tpu.memory_space<vmem>>) dst(%dma_wait3A_192 : memref<80x128xf32, #tpu.memory_space<hbm>>)
      %dma_wait3A_193 = arith.constant 0 : i32
      %dma_wait3A_194 = tpu.memref_slice %arg7[%multiple_of3A_188, %dma_wait3A_193] : memref<102400x128xf32, #tpu.memory_space<hbm>> -> memref<80x128xf32, #tpu.memory_space<hbm>>
      %dma_wait3A_195 = arith.constant 0 : i32
      %dma_wait3A_196 = tpu.memref_slice %arg7[%multiple_of3A_188, %dma_wait3A_195] : memref<102400x128xf32, #tpu.memory_space<hbm>> -> memref<80x128xf32, #tpu.memory_space<hbm>>
      tpu.wait_dma2 semaphore(%arg24 : memref<!tpu.dma_semaphore, #tpu.memory_space<semaphore_mem>>) src(%arg18 : memref<80x128xf32, #tpu.memory_space<vmem>>) dst(%dma_wait3A_196 : memref<80x128xf32, #tpu.memory_space<hbm>>)
      %add3A_197 = arith.constant 2 : i32
      %add3A_198 = arith.addi %add3A_158, %add3A_197 : i32
      %mul3A_199 = arith.constant 80 : i32
      %mul3A_200 = arith.muli %add3A_198, %mul3A_199 : i32
      %add3A_201 = arith.addi %mul3A_7, %mul3A_200 : i32
      %multiple_of3A_202 = tpu.assume_multiple %add3A_201, 8 : i32
      %dma_start3A_203 = arith.constant 3 : i32
      %dma_start3A_204 = tpu.memref_slice %arg4[%multiple_of3A_202] : memref<102400xi32, #tpu.memory_space<hbm>> -> memref<80xi32, #tpu.memory_space<hbm>>
      %dma_start3A_205 = tpu.memref_slice %arg20[%dma_start3A_203] : memref<4x!tpu.dma_semaphore, #tpu.memory_space<semaphore_mem>> -> memref<1x!tpu.dma_semaphore, #tpu.memory_space<semaphore_mem>>
      %dma_start3A_206 = tpu.memref_squeeze %dma_start3A_205 : memref<1x!tpu.dma_semaphore, #tpu.memory_space<semaphore_mem>> -> memref<!tpu.dma_semaphore, #tpu.memory_space<semaphore_mem>>
      %dma_start3A_207 = tpu.memref_slice %arg4[%multiple_of3A_202] : memref<102400xi32, #tpu.memory_space<hbm>> -> memref<80xi32, #tpu.memory_space<hbm>>
      tpu.enqueue_dma source(%dma_start3A_207 : memref<80xi32, #tpu.memory_space<hbm>>) target(%arg11 : memref<80xi32, #tpu.memory_space<vmem>>) target_semaphore(%dma_start3A_206 : memref<!tpu.dma_semaphore, #tpu.memory_space<semaphore_mem>>)
      %dma_start3A_208 = arith.constant 3 : i32
      %dma_start3A_209 = tpu.memref_slice %arg5[%multiple_of3A_202] : memref<102400xi32, #tpu.memory_space<hbm>> -> memref<80xi32, #tpu.memory_space<hbm>>
      %dma_start3A_210 = tpu.memref_slice %arg21[%dma_start3A_208] : memref<4x!tpu.dma_semaphore, #tpu.memory_space<semaphore_mem>> -> memref<1x!tpu.dma_semaphore, #tpu.memory_space<semaphore_mem>>
      %dma_start3A_211 = tpu.memref_squeeze %dma_start3A_210 : memref<1x!tpu.dma_semaphore, #tpu.memory_space<semaphore_mem>> -> memref<!tpu.dma_semaphore, #tpu.memory_space<semaphore_mem>>
      %dma_start3A_212 = tpu.memref_slice %arg5[%multiple_of3A_202] : memref<102400xi32, #tpu.memory_space<hbm>> -> memref<80xi32, #tpu.memory_space<hbm>>
      tpu.enqueue_dma source(%dma_start3A_212 : memref<80xi32, #tpu.memory_space<hbm>>) target(%arg15 : memref<80xi32, #tpu.memory_space<vmem>>) target_semaphore(%dma_start3A_211 : memref<!tpu.dma_semaphore, #tpu.memory_space<semaphore_mem>>)
      %add3A_213 = arith.constant 1 : i32
      %add3A_214 = arith.addi %add3A_158, %add3A_213 : i32
      %mul3A_215 = arith.constant 80 : i32
      %mul3A_216 = arith.muli %add3A_214, %mul3A_215 : i32
      %add3A_217 = arith.addi %mul3A_7, %mul3A_216 : i32
      %multiple_of3A_218 = tpu.assume_multiple %add3A_217, 8 : i32
      %dma_wait3A_219 = arith.constant 2 : i32
      %dma_wait3A_220 = tpu.memref_slice %arg4[%multiple_of3A_218] : memref<102400xi32, #tpu.memory_space<hbm>> -> memref<80xi32, #tpu.memory_space<hbm>>
      %dma_wait3A_221 = tpu.memref_slice %arg20[%dma_wait3A_219] : memref<4x!tpu.dma_semaphore, #tpu.memory_space<semaphore_mem>> -> memref<1x!tpu.dma_semaphore, #tpu.memory_space<semaphore_mem>>
      %dma_wait3A_222 = tpu.memref_squeeze %dma_wait3A_221 : memref<1x!tpu.dma_semaphore, #tpu.memory_space<semaphore_mem>> -> memref<!tpu.dma_semaphore, #tpu.memory_space<semaphore_mem>>
      %dma_wait3A_223 = tpu.memref_slice %arg4[%multiple_of3A_218] : memref<102400xi32, #tpu.memory_space<hbm>> -> memref<80xi32, #tpu.memory_space<hbm>>
      tpu.wait_dma2 semaphore(%dma_wait3A_222 : memref<!tpu.dma_semaphore, #tpu.memory_space<semaphore_mem>>) src(%dma_wait3A_223 : memref<80xi32, #tpu.memory_space<hbm>>) dst(%arg10 : memref<80xi32, #tpu.memory_space<vmem>>)
      %dma_wait3A_224 = arith.constant 2 : i32
      %dma_wait3A_225 = tpu.memref_slice %arg5[%multiple_of3A_218] : memref<102400xi32, #tpu.memory_space<hbm>> -> memref<80xi32, #tpu.memory_space<hbm>>
      %dma_wait3A_226 = tpu.memref_slice %arg21[%dma_wait3A_224] : memref<4x!tpu.dma_semaphore, #tpu.memory_space<semaphore_mem>> -> memref<1x!tpu.dma_semaphore, #tpu.memory_space<semaphore_mem>>
      %dma_wait3A_227 = tpu.memref_squeeze %dma_wait3A_226 : memref<1x!tpu.dma_semaphore, #tpu.memory_space<semaphore_mem>> -> memref<!tpu.dma_semaphore, #tpu.memory_space<semaphore_mem>>
      %dma_wait3A_228 = tpu.memref_slice %arg5[%multiple_of3A_218] : memref<102400xi32, #tpu.memory_space<hbm>> -> memref<80xi32, #tpu.memory_space<hbm>>
      tpu.wait_dma2 semaphore(%dma_wait3A_227 : memref<!tpu.dma_semaphore, #tpu.memory_space<semaphore_mem>>) src(%dma_wait3A_228 : memref<80xi32, #tpu.memory_space<hbm>>) dst(%arg14 : memref<80xi32, #tpu.memory_space<vmem>>)
      %dma_start3A_229 = arith.constant 0 : i32
      %dma_start3A_230 = arith.constant 0 : i32
      %dma_start3A_231 = arith.constant 0 : i32
      %dma_start3A_232 = tpu.memref_slice %arg2[%dma_start3A_230, %dma_start3A_231] : memref<10000x128xf32, #tpu.memory_space<hbm>> -> memref<10000x128xf32, #tpu.memory_space<hbm>>
      %dma_start3A_233 = tpu.memref_slice %arg22[%dma_start3A_229] : memref<2x!tpu.dma_semaphore, #tpu.memory_space<semaphore_mem>> -> memref<1x!tpu.dma_semaphore, #tpu.memory_space<semaphore_mem>>
      %dma_start3A_234 = tpu.memref_squeeze %dma_start3A_233 : memref<1x!tpu.dma_semaphore, #tpu.memory_space<semaphore_mem>> -> memref<!tpu.dma_semaphore, #tpu.memory_space<semaphore_mem>>
      tpu.enqueue_indirect_dma source(%dma_start3A_232 : memref<10000x128xf32, #tpu.memory_space<hbm>>) target(%arg16 : memref<80x128xf32, #tpu.memory_space<vmem>>) offsets(%arg10 : memref<80xi32, #tpu.memory_space<vmem>>) semaphore(%dma_start3A_234 : memref<!tpu.dma_semaphore, #tpu.memory_space<semaphore_mem>>)
      %dma_start3A_235 = arith.constant 0 : i32
      %dma_start3A_236 = arith.constant 0 : i32
      %dma_start3A_237 = arith.constant 0 : i32
      %dma_start3A_238 = tpu.memref_slice %arg3[%dma_start3A_236, %dma_start3A_237] : memref<10000x128xf32, #tpu.memory_space<hbm>> -> memref<10000x128xf32, #tpu.memory_space<hbm>>
      %dma_start3A_239 = tpu.memref_slice %arg23[%dma_start3A_235] : memref<2x!tpu.dma_semaphore, #tpu.memory_space<semaphore_mem>> -> memref<1x!tpu.dma_semaphore, #tpu.memory_space<semaphore_mem>>
      %dma_start3A_240 = tpu.memref_squeeze %dma_start3A_239 : memref<1x!tpu.dma_semaphore, #tpu.memory_space<semaphore_mem>> -> memref<!tpu.dma_semaphore, #tpu.memory_space<semaphore_mem>>
      tpu.enqueue_indirect_dma source(%dma_start3A_238 : memref<10000x128xf32, #tpu.memory_space<hbm>>) target(%arg18 : memref<80x128xf32, #tpu.memory_space<vmem>>) offsets(%arg14 : memref<80xi32, #tpu.memory_space<vmem>>) semaphore(%dma_start3A_240 : memref<!tpu.dma_semaphore, #tpu.memory_space<semaphore_mem>>)
      %mul3A_241 = arith.constant 4 : i32
      %mul3A_242 = arith.muli %mul3A_241, %while3A_80 : i32
      %add3A_243 = arith.constant 2 : i32
      %add3A_244 = arith.addi %mul3A_242, %add3A_243 : i32
      %mul3A_245 = arith.constant 80 : i32
      %mul3A_246 = arith.muli %add3A_244, %mul3A_245 : i32
      %add3A_247 = arith.addi %mul3A_7, %mul3A_246 : i32
      %multiple_of3A_248 = tpu.assume_multiple %add3A_247, 8 : i32
      %dma_wait3A_249 = arith.constant 0 : i32
      %dma_wait3A_250 = arith.constant 0 : i32
      %dma_wait3A_251 = arith.constant 0 : i32
      %dma_wait3A_252 = tpu.memref_slice %arg2[%dma_wait3A_250, %dma_wait3A_251] : memref<10000x128xf32, #tpu.memory_space<hbm>> -> memref<10000x128xf32, #tpu.memory_space<hbm>>
      %dma_wait3A_253 = tpu.memref_slice %arg22[%dma_wait3A_249] : memref<2x!tpu.dma_semaphore, #tpu.memory_space<semaphore_mem>> -> memref<1x!tpu.dma_semaphore, #tpu.memory_space<semaphore_mem>>
      %dma_wait3A_254 = tpu.memref_squeeze %dma_wait3A_253 : memref<1x!tpu.dma_semaphore, #tpu.memory_space<semaphore_mem>> -> memref<!tpu.dma_semaphore, #tpu.memory_space<semaphore_mem>>
      tpu.wait_indirect_dma semaphore(%dma_wait3A_254 : memref<!tpu.dma_semaphore, #tpu.memory_space<semaphore_mem>>) src(%dma_wait3A_252 : memref<10000x128xf32, #tpu.memory_space<hbm>>) dst(%arg16 : memref<80x128xf32, #tpu.memory_space<vmem>>)
      %dma_wait3A_255 = arith.constant 0 : i32
      %dma_wait3A_256 = arith.constant 0 : i32
      %dma_wait3A_257 = arith.constant 0 : i32
      %dma_wait3A_258 = tpu.memref_slice %arg3[%dma_wait3A_256, %dma_wait3A_257] : memref<10000x128xf32, #tpu.memory_space<hbm>> -> memref<10000x128xf32, #tpu.memory_space<hbm>>
      %dma_wait3A_259 = tpu.memref_slice %arg23[%dma_wait3A_255] : memref<2x!tpu.dma_semaphore, #tpu.memory_space<semaphore_mem>> -> memref<1x!tpu.dma_semaphore, #tpu.memory_space<semaphore_mem>>
      %dma_wait3A_260 = tpu.memref_squeeze %dma_wait3A_259 : memref<1x!tpu.dma_semaphore, #tpu.memory_space<semaphore_mem>> -> memref<!tpu.dma_semaphore, #tpu.memory_space<semaphore_mem>>
      tpu.wait_indirect_dma semaphore(%dma_wait3A_260 : memref<!tpu.dma_semaphore, #tpu.memory_space<semaphore_mem>>) src(%dma_wait3A_258 : memref<10000x128xf32, #tpu.memory_space<hbm>>) dst(%arg18 : memref<80x128xf32, #tpu.memory_space<vmem>>)
      %dma_start3A_261 = arith.constant 0 : i32
      %dma_start3A_262 = tpu.memref_slice %arg6[%multiple_of3A_248, %dma_start3A_261] : memref<102400x128xf32, #tpu.memory_space<hbm>> -> memref<80x128xf32, #tpu.memory_space<hbm>>
      %dma_start3A_263 = arith.constant 0 : i32
      %dma_start3A_264 = tpu.memref_slice %arg6[%multiple_of3A_248, %dma_start3A_263] : memref<102400x128xf32, #tpu.memory_space<hbm>> -> memref<80x128xf32, #tpu.memory_space<hbm>>
      tpu.enqueue_dma source(%arg16 : memref<80x128xf32, #tpu.memory_space<vmem>>) target(%dma_start3A_264 : memref<80x128xf32, #tpu.memory_space<hbm>>) target_semaphore(%arg24 : memref<!tpu.dma_semaphore, #tpu.memory_space<semaphore_mem>>)
      %dma_start3A_265 = arith.constant 0 : i32
      %dma_start3A_266 = tpu.memref_slice %arg7[%multiple_of3A_248, %dma_start3A_265] : memref<102400x128xf32, #tpu.memory_space<hbm>> -> memref<80x128xf32, #tpu.memory_space<hbm>>
      %dma_start3A_267 = arith.constant 0 : i32
      %dma_start3A_268 = tpu.memref_slice %arg7[%multiple_of3A_248, %dma_start3A_267] : memref<102400x128xf32, #tpu.memory_space<hbm>> -> memref<80x128xf32, #tpu.memory_space<hbm>>
      tpu.enqueue_dma source(%arg18 : memref<80x128xf32, #tpu.memory_space<vmem>>) target(%dma_start3A_268 : memref<80x128xf32, #tpu.memory_space<hbm>>) target_semaphore(%arg24 : memref<!tpu.dma_semaphore, #tpu.memory_space<semaphore_mem>>)
      %sub3A_269 = arith.constant 1 : i32
      %sub3A_270 = arith.subi %add3A_244, %sub3A_269 : i32
      %mul3A_271 = arith.constant 80 : i32
      %mul3A_272 = arith.muli %sub3A_270, %mul3A_271 : i32
      %add3A_273 = arith.addi %mul3A_7, %mul3A_272 : i32
      %multiple_of3A_274 = tpu.assume_multiple %add3A_273, 8 : i32
      %dma_wait3A_275 = arith.constant 0 : i32
      %dma_wait3A_276 = tpu.memref_slice %arg6[%multiple_of3A_274, %dma_wait3A_275] : memref<102400x128xf32, #tpu.memory_space<hbm>> -> memref<80x128xf32, #tpu.memory_space<hbm>>
      %dma_wait3A_277 = arith.constant 0 : i32
      %dma_wait3A_278 = tpu.memref_slice %arg6[%multiple_of3A_274, %dma_wait3A_277] : memref<102400x128xf32, #tpu.memory_space<hbm>> -> memref<80x128xf32, #tpu.memory_space<hbm>>
      tpu.wait_dma2 semaphore(%arg24 : memref<!tpu.dma_semaphore, #tpu.memory_space<semaphore_mem>>) src(%arg17 : memref<80x128xf32, #tpu.memory_space<vmem>>) dst(%dma_wait3A_278 : memref<80x128xf32, #tpu.memory_space<hbm>>)
      %dma_wait3A_279 = arith.constant 0 : i32
      %dma_wait3A_280 = tpu.memref_slice %arg7[%multiple_of3A_274, %dma_wait3A_279] : memref<102400x128xf32, #tpu.memory_space<hbm>> -> memref<80x128xf32, #tpu.memory_space<hbm>>
      %dma_wait3A_281 = arith.constant 0 : i32
      %dma_wait3A_282 = tpu.memref_slice %arg7[%multiple_of3A_274, %dma_wait3A_281] : memref<102400x128xf32, #tpu.memory_space<hbm>> -> memref<80x128xf32, #tpu.memory_space<hbm>>
      tpu.wait_dma2 semaphore(%arg24 : memref<!tpu.dma_semaphore, #tpu.memory_space<semaphore_mem>>) src(%arg19 : memref<80x128xf32, #tpu.memory_space<vmem>>) dst(%dma_wait3A_282 : memref<80x128xf32, #tpu.memory_space<hbm>>)
      %sub3A_283 = arith.constant 1 : i32
      %sub3A_284 = arith.subi %select_n3A_25, %sub3A_283 : i32
      %lt3A = arith.cmpi slt, %while3A_80, %sub3A_284 : i32
      %convert_element_type3A_285 = arith.extui %lt3A : i1 to i32
      %cond3A_286 = arith.constant 0 : i32
      %cond3A_287 = arith.cmpi ne, %convert_element_type3A_285, %cond3A_286 : i32
      scf.if %cond3A_287 {
        %add3A_370 = arith.constant 2 : i32
        %add3A_371 = arith.addi %add3A_244, %add3A_370 : i32
        %mul3A_372 = arith.constant 80 : i32
        %mul3A_373 = arith.muli %add3A_371, %mul3A_372 : i32
        %add3A_374 = arith.addi %mul3A_7, %mul3A_373 : i32
        %multiple_of3A_375 = tpu.assume_multiple %add3A_374, 8 : i32
        %dma_start3A_376 = arith.constant 0 : i32
        %dma_start3A_377 = tpu.memref_slice %arg4[%multiple_of3A_375] : memref<102400xi32, #tpu.memory_space<hbm>> -> memref<80xi32, #tpu.memory_space<hbm>>
        %dma_start3A_378 = tpu.memref_slice %arg20[%dma_start3A_376] : memref<4x!tpu.dma_semaphore, #tpu.memory_space<semaphore_mem>> -> memref<1x!tpu.dma_semaphore, #tpu.memory_space<semaphore_mem>>
        %dma_start3A_379 = tpu.memref_squeeze %dma_start3A_378 : memref<1x!tpu.dma_semaphore, #tpu.memory_space<semaphore_mem>> -> memref<!tpu.dma_semaphore, #tpu.memory_space<semaphore_mem>>
        %dma_start3A_380 = tpu.memref_slice %arg4[%multiple_of3A_375] : memref<102400xi32, #tpu.memory_space<hbm>> -> memref<80xi32, #tpu.memory_space<hbm>>
        tpu.enqueue_dma source(%dma_start3A_380 : memref<80xi32, #tpu.memory_space<hbm>>) target(%arg8 : memref<80xi32, #tpu.memory_space<vmem>>) target_semaphore(%dma_start3A_379 : memref<!tpu.dma_semaphore, #tpu.memory_space<semaphore_mem>>)
        %dma_start3A_381 = arith.constant 0 : i32
        %dma_start3A_382 = tpu.memref_slice %arg5[%multiple_of3A_375] : memref<102400xi32, #tpu.memory_space<hbm>> -> memref<80xi32, #tpu.memory_space<hbm>>
        %dma_start3A_383 = tpu.memref_slice %arg21[%dma_start3A_381] : memref<4x!tpu.dma_semaphore, #tpu.memory_space<semaphore_mem>> -> memref<1x!tpu.dma_semaphore, #tpu.memory_space<semaphore_mem>>
        %dma_start3A_384 = tpu.memref_squeeze %dma_start3A_383 : memref<1x!tpu.dma_semaphore, #tpu.memory_space<semaphore_mem>> -> memref<!tpu.dma_semaphore, #tpu.memory_space<semaphore_mem>>
        %dma_start3A_385 = tpu.memref_slice %arg5[%multiple_of3A_375] : memref<102400xi32, #tpu.memory_space<hbm>> -> memref<80xi32, #tpu.memory_space<hbm>>
        tpu.enqueue_dma source(%dma_start3A_385 : memref<80xi32, #tpu.memory_space<hbm>>) target(%arg12 : memref<80xi32, #tpu.memory_space<vmem>>) target_semaphore(%dma_start3A_384 : memref<!tpu.dma_semaphore, #tpu.memory_space<semaphore_mem>>)
      } else {
      }
      %add3A_288 = arith.constant 1 : i32
      %add3A_289 = arith.addi %add3A_244, %add3A_288 : i32
      %mul3A_290 = arith.constant 80 : i32
      %mul3A_291 = arith.muli %add3A_289, %mul3A_290 : i32
      %add3A_292 = arith.addi %mul3A_7, %mul3A_291 : i32
      %multiple_of3A_293 = tpu.assume_multiple %add3A_292, 8 : i32
      %dma_wait3A_294 = arith.constant 3 : i32
      %dma_wait3A_295 = tpu.memref_slice %arg4[%multiple_of3A_293] : memref<102400xi32, #tpu.memory_space<hbm>> -> memref<80xi32, #tpu.memory_space<hbm>>
      %dma_wait3A_296 = tpu.memref_slice %arg20[%dma_wait3A_294] : memref<4x!tpu.dma_semaphore, #tpu.memory_space<semaphore_mem>> -> memref<1x!tpu.dma_semaphore, #tpu.memory_space<semaphore_mem>>
      %dma_wait3A_297 = tpu.memref_squeeze %dma_wait3A_296 : memref<1x!tpu.dma_semaphore, #tpu.memory_space<semaphore_mem>> -> memref<!tpu.dma_semaphore, #tpu.memory_space<semaphore_mem>>
      %dma_wait3A_298 = tpu.memref_slice %arg4[%multiple_of3A_293] : memref<102400xi32, #tpu.memory_space<hbm>> -> memref<80xi32, #tpu.memory_space<hbm>>
      tpu.wait_dma2 semaphore(%dma_wait3A_297 : memref<!tpu.dma_semaphore, #tpu.memory_space<semaphore_mem>>) src(%dma_wait3A_298 : memref<80xi32, #tpu.memory_space<hbm>>) dst(%arg11 : memref<80xi32, #tpu.memory_space<vmem>>)
      %dma_wait3A_299 = arith.constant 3 : i32
      %dma_wait3A_300 = tpu.memref_slice %arg5[%multiple_of3A_293] : memref<102400xi32, #tpu.memory_space<hbm>> -> memref<80xi32, #tpu.memory_space<hbm>>
      %dma_wait3A_301 = tpu.memref_slice %arg21[%dma_wait3A_299] : memref<4x!tpu.dma_semaphore, #tpu.memory_space<semaphore_mem>> -> memref<1x!tpu.dma_semaphore, #tpu.memory_space<semaphore_mem>>
      %dma_wait3A_302 = tpu.memref_squeeze %dma_wait3A_301 : memref<1x!tpu.dma_semaphore, #tpu.memory_space<semaphore_mem>> -> memref<!tpu.dma_semaphore, #tpu.memory_space<semaphore_mem>>
      %dma_wait3A_303 = tpu.memref_slice %arg5[%multiple_of3A_293] : memref<102400xi32, #tpu.memory_space<hbm>> -> memref<80xi32, #tpu.memory_space<hbm>>
      tpu.wait_dma2 semaphore(%dma_wait3A_302 : memref<!tpu.dma_semaphore, #tpu.memory_space<semaphore_mem>>) src(%dma_wait3A_303 : memref<80xi32, #tpu.memory_space<hbm>>) dst(%arg15 : memref<80xi32, #tpu.memory_space<vmem>>)
      %dma_start3A_304 = arith.constant 1 : i32
      %dma_start3A_305 = arith.constant 0 : i32
      %dma_start3A_306 = arith.constant 0 : i32
      %dma_start3A_307 = tpu.memref_slice %arg2[%dma_start3A_305, %dma_start3A_306] : memref<10000x128xf32, #tpu.memory_space<hbm>> -> memref<10000x128xf32, #tpu.memory_space<hbm>>
      %dma_start3A_308 = tpu.memref_slice %arg22[%dma_start3A_304] : memref<2x!tpu.dma_semaphore, #tpu.memory_space<semaphore_mem>> -> memref<1x!tpu.dma_semaphore, #tpu.memory_space<semaphore_mem>>
      %dma_start3A_309 = tpu.memref_squeeze %dma_start3A_308 : memref<1x!tpu.dma_semaphore, #tpu.memory_space<semaphore_mem>> -> memref<!tpu.dma_semaphore, #tpu.memory_space<semaphore_mem>>
      tpu.enqueue_indirect_dma source(%dma_start3A_307 : memref<10000x128xf32, #tpu.memory_space<hbm>>) target(%arg17 : memref<80x128xf32, #tpu.memory_space<vmem>>) offsets(%arg11 : memref<80xi32, #tpu.memory_space<vmem>>) semaphore(%dma_start3A_309 : memref<!tpu.dma_semaphore, #tpu.memory_space<semaphore_mem>>)
      %dma_start3A_310 = arith.constant 1 : i32
      %dma_start3A_311 = arith.constant 0 : i32
      %dma_start3A_312 = arith.constant 0 : i32
      %dma_start3A_313 = tpu.memref_slice %arg3[%dma_start3A_311, %dma_start3A_312] : memref<10000x128xf32, #tpu.memory_space<hbm>> -> memref<10000x128xf32, #tpu.memory_space<hbm>>
      %dma_start3A_314 = tpu.memref_slice %arg23[%dma_start3A_310] : memref<2x!tpu.dma_semaphore, #tpu.memory_space<semaphore_mem>> -> memref<1x!tpu.dma_semaphore, #tpu.memory_space<semaphore_mem>>
      %dma_start3A_315 = tpu.memref_squeeze %dma_start3A_314 : memref<1x!tpu.dma_semaphore, #tpu.memory_space<semaphore_mem>> -> memref<!tpu.dma_semaphore, #tpu.memory_space<semaphore_mem>>
      tpu.enqueue_indirect_dma source(%dma_start3A_313 : memref<10000x128xf32, #tpu.memory_space<hbm>>) target(%arg19 : memref<80x128xf32, #tpu.memory_space<vmem>>) offsets(%arg15 : memref<80xi32, #tpu.memory_space<vmem>>) semaphore(%dma_start3A_315 : memref<!tpu.dma_semaphore, #tpu.memory_space<semaphore_mem>>)
      %mul3A_316 = arith.constant 4 : i32
      %mul3A_317 = arith.muli %mul3A_316, %while3A_80 : i32
      %add3A_318 = arith.constant 3 : i32
      %add3A_319 = arith.addi %mul3A_317, %add3A_318 : i32
      %mul3A_320 = arith.constant 80 : i32
      %mul3A_321 = arith.muli %add3A_319, %mul3A_320 : i32
      %add3A_322 = arith.addi %mul3A_7, %mul3A_321 : i32
      %multiple_of3A_323 = tpu.assume_multiple %add3A_322, 8 : i32
      %dma_wait3A_324 = arith.constant 1 : i32
      %dma_wait3A_325 = arith.constant 0 : i32
      %dma_wait3A_326 = arith.constant 0 : i32
      %dma_wait3A_327 = tpu.memref_slice %arg2[%dma_wait3A_325, %dma_wait3A_326] : memref<10000x128xf32, #tpu.memory_space<hbm>> -> memref<10000x128xf32, #tpu.memory_space<hbm>>
      %dma_wait3A_328 = tpu.memref_slice %arg22[%dma_wait3A_324] : memref<2x!tpu.dma_semaphore, #tpu.memory_space<semaphore_mem>> -> memref<1x!tpu.dma_semaphore, #tpu.memory_space<semaphore_mem>>
      %dma_wait3A_329 = tpu.memref_squeeze %dma_wait3A_328 : memref<1x!tpu.dma_semaphore, #tpu.memory_space<semaphore_mem>> -> memref<!tpu.dma_semaphore, #tpu.memory_space<semaphore_mem>>
      tpu.wait_indirect_dma semaphore(%dma_wait3A_329 : memref<!tpu.dma_semaphore, #tpu.memory_space<semaphore_mem>>) src(%dma_wait3A_327 : memref<10000x128xf32, #tpu.memory_space<hbm>>) dst(%arg17 : memref<80x128xf32, #tpu.memory_space<vmem>>)
      %dma_wait3A_330 = arith.constant 1 : i32
      %dma_wait3A_331 = arith.constant 0 : i32
      %dma_wait3A_332 = arith.constant 0 : i32
      %dma_wait3A_333 = tpu.memref_slice %arg3[%dma_wait3A_331, %dma_wait3A_332] : memref<10000x128xf32, #tpu.memory_space<hbm>> -> memref<10000x128xf32, #tpu.memory_space<hbm>>
      %dma_wait3A_334 = tpu.memref_slice %arg23[%dma_wait3A_330] : memref<2x!tpu.dma_semaphore, #tpu.memory_space<semaphore_mem>> -> memref<1x!tpu.dma_semaphore, #tpu.memory_space<semaphore_mem>>
      %dma_wait3A_335 = tpu.memref_squeeze %dma_wait3A_334 : memref<1x!tpu.dma_semaphore, #tpu.memory_space<semaphore_mem>> -> memref<!tpu.dma_semaphore, #tpu.memory_space<semaphore_mem>>
      tpu.wait_indirect_dma semaphore(%dma_wait3A_335 : memref<!tpu.dma_semaphore, #tpu.memory_space<semaphore_mem>>) src(%dma_wait3A_333 : memref<10000x128xf32, #tpu.memory_space<hbm>>) dst(%arg19 : memref<80x128xf32, #tpu.memory_space<vmem>>)
      %dma_start3A_336 = arith.constant 0 : i32
      %dma_start3A_337 = tpu.memref_slice %arg6[%multiple_of3A_323, %dma_start3A_336] : memref<102400x128xf32, #tpu.memory_space<hbm>> -> memref<80x128xf32, #tpu.memory_space<hbm>>
      %dma_start3A_338 = arith.constant 0 : i32
      %dma_start3A_339 = tpu.memref_slice %arg6[%multiple_of3A_323, %dma_start3A_338] : memref<102400x128xf32, #tpu.memory_space<hbm>> -> memref<80x128xf32, #tpu.memory_space<hbm>>
      tpu.enqueue_dma source(%arg17 : memref<80x128xf32, #tpu.memory_space<vmem>>) target(%dma_start3A_339 : memref<80x128xf32, #tpu.memory_space<hbm>>) target_semaphore(%arg24 : memref<!tpu.dma_semaphore, #tpu.memory_space<semaphore_mem>>)
      %dma_start3A_340 = arith.constant 0 : i32
      %dma_start3A_341 = tpu.memref_slice %arg7[%multiple_of3A_323, %dma_start3A_340] : memref<102400x128xf32, #tpu.memory_space<hbm>> -> memref<80x128xf32, #tpu.memory_space<hbm>>
      %dma_start3A_342 = arith.constant 0 : i32
      %dma_start3A_343 = tpu.memref_slice %arg7[%multiple_of3A_323, %dma_start3A_342] : memref<102400x128xf32, #tpu.memory_space<hbm>> -> memref<80x128xf32, #tpu.memory_space<hbm>>
      tpu.enqueue_dma source(%arg19 : memref<80x128xf32, #tpu.memory_space<vmem>>) target(%dma_start3A_343 : memref<80x128xf32, #tpu.memory_space<hbm>>) target_semaphore(%arg24 : memref<!tpu.dma_semaphore, #tpu.memory_space<semaphore_mem>>)
      %sub3A_344 = arith.constant 1 : i32
      %sub3A_345 = arith.subi %add3A_319, %sub3A_344 : i32
      %mul3A_346 = arith.constant 80 : i32
      %mul3A_347 = arith.muli %sub3A_345, %mul3A_346 : i32
      %add3A_348 = arith.addi %mul3A_7, %mul3A_347 : i32
      %multiple_of3A_349 = tpu.assume_multiple %add3A_348, 8 : i32
      %dma_wait3A_350 = arith.constant 0 : i32
      %dma_wait3A_351 = tpu.memref_slice %arg6[%multiple_of3A_349, %dma_wait3A_350] : memref<102400x128xf32, #tpu.memory_space<hbm>> -> memref<80x128xf32, #tpu.memory_space<hbm>>
      %dma_wait3A_352 = arith.constant 0 : i32
      %dma_wait3A_353 = tpu.memref_slice %arg6[%multiple_of3A_349, %dma_wait3A_352] : memref<102400x128xf32, #tpu.memory_space<hbm>> -> memref<80x128xf32, #tpu.memory_space<hbm>>
      tpu.wait_dma2 semaphore(%arg24 : memref<!tpu.dma_semaphore, #tpu.memory_space<semaphore_mem>>) src(%arg16 : memref<80x128xf32, #tpu.memory_space<vmem>>) dst(%dma_wait3A_353 : memref<80x128xf32, #tpu.memory_space<hbm>>)
      %dma_wait3A_354 = arith.constant 0 : i32
      %dma_wait3A_355 = tpu.memref_slice %arg7[%multiple_of3A_349, %dma_wait3A_354] : memref<102400x128xf32, #tpu.memory_space<hbm>> -> memref<80x128xf32, #tpu.memory_space<hbm>>
      %dma_wait3A_356 = arith.constant 0 : i32
      %dma_wait3A_357 = tpu.memref_slice %arg7[%multiple_of3A_349, %dma_wait3A_356] : memref<102400x128xf32, #tpu.memory_space<hbm>> -> memref<80x128xf32, #tpu.memory_space<hbm>>
      tpu.wait_dma2 semaphore(%arg24 : memref<!tpu.dma_semaphore, #tpu.memory_space<semaphore_mem>>) src(%arg18 : memref<80x128xf32, #tpu.memory_space<vmem>>) dst(%dma_wait3A_357 : memref<80x128xf32, #tpu.memory_space<hbm>>)
      %sub3A_358 = arith.constant 1 : i32
      %sub3A_359 = arith.subi %select_n3A_25, %sub3A_358 : i32
      %lt3A_360 = arith.cmpi slt, %while3A_80, %sub3A_359 : i32
      %convert_element_type3A_361 = arith.extui %lt3A_360 : i1 to i32
      %cond3A_362 = arith.constant 0 : i32
      %cond3A_363 = arith.cmpi ne, %convert_element_type3A_361, %cond3A_362 : i32
      scf.if %cond3A_363 {
        %add3A_370 = arith.constant 2 : i32
        %add3A_371 = arith.addi %add3A_319, %add3A_370 : i32
        %mul3A_372 = arith.constant 80 : i32
        %mul3A_373 = arith.muli %add3A_371, %mul3A_372 : i32
        %add3A_374 = arith.addi %mul3A_7, %mul3A_373 : i32
        %multiple_of3A_375 = tpu.assume_multiple %add3A_374, 8 : i32
        %dma_start3A_376 = arith.constant 1 : i32
        %dma_start3A_377 = tpu.memref_slice %arg4[%multiple_of3A_375] : memref<102400xi32, #tpu.memory_space<hbm>> -> memref<80xi32, #tpu.memory_space<hbm>>
        %dma_start3A_378 = tpu.memref_slice %arg20[%dma_start3A_376] : memref<4x!tpu.dma_semaphore, #tpu.memory_space<semaphore_mem>> -> memref<1x!tpu.dma_semaphore, #tpu.memory_space<semaphore_mem>>
        %dma_start3A_379 = tpu.memref_squeeze %dma_start3A_378 : memref<1x!tpu.dma_semaphore, #tpu.memory_space<semaphore_mem>> -> memref<!tpu.dma_semaphore, #tpu.memory_space<semaphore_mem>>
        %dma_start3A_380 = tpu.memref_slice %arg4[%multiple_of3A_375] : memref<102400xi32, #tpu.memory_space<hbm>> -> memref<80xi32, #tpu.memory_space<hbm>>
        tpu.enqueue_dma source(%dma_start3A_380 : memref<80xi32, #tpu.memory_space<hbm>>) target(%arg9 : memref<80xi32, #tpu.memory_space<vmem>>) target_semaphore(%dma_start3A_379 : memref<!tpu.dma_semaphore, #tpu.memory_space<semaphore_mem>>)
        %dma_start3A_381 = arith.constant 1 : i32
        %dma_start3A_382 = tpu.memref_slice %arg5[%multiple_of3A_375] : memref<102400xi32, #tpu.memory_space<hbm>> -> memref<80xi32, #tpu.memory_space<hbm>>
        %dma_start3A_383 = tpu.memref_slice %arg21[%dma_start3A_381] : memref<4x!tpu.dma_semaphore, #tpu.memory_space<semaphore_mem>> -> memref<1x!tpu.dma_semaphore, #tpu.memory_space<semaphore_mem>>
        %dma_start3A_384 = tpu.memref_squeeze %dma_start3A_383 : memref<1x!tpu.dma_semaphore, #tpu.memory_space<semaphore_mem>> -> memref<!tpu.dma_semaphore, #tpu.memory_space<semaphore_mem>>
        %dma_start3A_385 = tpu.memref_slice %arg5[%multiple_of3A_375] : memref<102400xi32, #tpu.memory_space<hbm>> -> memref<80xi32, #tpu.memory_space<hbm>>
        tpu.enqueue_dma source(%dma_start3A_385 : memref<80xi32, #tpu.memory_space<hbm>>) target(%arg13 : memref<80xi32, #tpu.memory_space<vmem>>) target_semaphore(%dma_start3A_384 : memref<!tpu.dma_semaphore, #tpu.memory_space<semaphore_mem>>)
      } else {
      }
      %sub3A_364 = arith.constant 1 : i32
      %sub3A_365 = arith.subi %select_n3A_25, %sub3A_364 : i32
      %lt3A_366 = arith.cmpi slt, %while3A_80, %sub3A_365 : i32
      %convert_element_type3A_367 = arith.extui %lt3A_366 : i1 to i32
      %cond3A_368 = arith.constant 0 : i32
      %cond3A_369 = arith.cmpi ne, %convert_element_type3A_367, %cond3A_368 : i32
      scf.if %cond3A_369 {
        %add3A_370 = arith.constant 1 : i32
        %add3A_371 = arith.addi %add3A_319, %add3A_370 : i32
        %mul3A_372 = arith.constant 80 : i32
        %mul3A_373 = arith.muli %add3A_371, %mul3A_372 : i32
        %add3A_374 = arith.addi %mul3A_7, %mul3A_373 : i32
        %multiple_of3A_375 = tpu.assume_multiple %add3A_374, 8 : i32
        %dma_wait3A_376 = arith.constant 0 : i32
        %dma_wait3A_377 = tpu.memref_slice %arg4[%multiple_of3A_375] : memref<102400xi32, #tpu.memory_space<hbm>> -> memref<80xi32, #tpu.memory_space<hbm>>
        %dma_wait3A_378 = tpu.memref_slice %arg20[%dma_wait3A_376] : memref<4x!tpu.dma_semaphore, #tpu.memory_space<semaphore_mem>> -> memref<1x!tpu.dma_semaphore, #tpu.memory_space<semaphore_mem>>
        %dma_wait3A_379 = tpu.memref_squeeze %dma_wait3A_378 : memref<1x!tpu.dma_semaphore, #tpu.memory_space<semaphore_mem>> -> memref<!tpu.dma_semaphore, #tpu.memory_space<semaphore_mem>>
        %dma_wait3A_380 = tpu.memref_slice %arg4[%multiple_of3A_375] : memref<102400xi32, #tpu.memory_space<hbm>> -> memref<80xi32, #tpu.memory_space<hbm>>
        tpu.wait_dma2 semaphore(%dma_wait3A_379 : memref<!tpu.dma_semaphore, #tpu.memory_space<semaphore_mem>>) src(%dma_wait3A_380 : memref<80xi32, #tpu.memory_space<hbm>>) dst(%arg8 : memref<80xi32, #tpu.memory_space<vmem>>)
        %dma_wait3A_381 = arith.constant 0 : i32
        %dma_wait3A_382 = tpu.memref_slice %arg5[%multiple_of3A_375] : memref<102400xi32, #tpu.memory_space<hbm>> -> memref<80xi32, #tpu.memory_space<hbm>>
        %dma_wait3A_383 = tpu.memref_slice %arg21[%dma_wait3A_381] : memref<4x!tpu.dma_semaphore, #tpu.memory_space<semaphore_mem>> -> memref<1x!tpu.dma_semaphore, #tpu.memory_space<semaphore_mem>>
        %dma_wait3A_384 = tpu.memref_squeeze %dma_wait3A_383 : memref<1x!tpu.dma_semaphore, #tpu.memory_space<semaphore_mem>> -> memref<!tpu.dma_semaphore, #tpu.memory_space<semaphore_mem>>
        %dma_wait3A_385 = tpu.memref_slice %arg5[%multiple_of3A_375] : memref<102400xi32, #tpu.memory_space<hbm>> -> memref<80xi32, #tpu.memory_space<hbm>>
        tpu.wait_dma2 semaphore(%dma_wait3A_384 : memref<!tpu.dma_semaphore, #tpu.memory_space<semaphore_mem>>) src(%dma_wait3A_385 : memref<80xi32, #tpu.memory_space<hbm>>) dst(%arg12 : memref<80xi32, #tpu.memory_space<vmem>>)
        %dma_start3A_386 = arith.constant 0 : i32
        %dma_start3A_387 = arith.constant 0 : i32
        %dma_start3A_388 = arith.constant 0 : i32
        %dma_start3A_389 = tpu.memref_slice %arg2[%dma_start3A_387, %dma_start3A_388] : memref<10000x128xf32, #tpu.memory_space<hbm>> -> memref<10000x128xf32, #tpu.memory_space<hbm>>
        %dma_start3A_390 = tpu.memref_slice %arg22[%dma_start3A_386] : memref<2x!tpu.dma_semaphore, #tpu.memory_space<semaphore_mem>> -> memref<1x!tpu.dma_semaphore, #tpu.memory_space<semaphore_mem>>
        %dma_start3A_391 = tpu.memref_squeeze %dma_start3A_390 : memref<1x!tpu.dma_semaphore, #tpu.memory_space<semaphore_mem>> -> memref<!tpu.dma_semaphore, #tpu.memory_space<semaphore_mem>>
        tpu.enqueue_indirect_dma source(%dma_start3A_389 : memref<10000x128xf32, #tpu.memory_space<hbm>>) target(%arg16 : memref<80x128xf32, #tpu.memory_space<vmem>>) offsets(%arg8 : memref<80xi32, #tpu.memory_space<vmem>>) semaphore(%dma_start3A_391 : memref<!tpu.dma_semaphore, #tpu.memory_space<semaphore_mem>>)
        %dma_start3A_392 = arith.constant 0 : i32
        %dma_start3A_393 = arith.constant 0 : i32
        %dma_start3A_394 = arith.constant 0 : i32
        %dma_start3A_395 = tpu.memref_slice %arg3[%dma_start3A_393, %dma_start3A_394] : memref<10000x128xf32, #tpu.memory_space<hbm>> -> memref<10000x128xf32, #tpu.memory_space<hbm>>
        %dma_start3A_396 = tpu.memref_slice %arg23[%dma_start3A_392] : memref<2x!tpu.dma_semaphore, #tpu.memory_space<semaphore_mem>> -> memref<1x!tpu.dma_semaphore, #tpu.memory_space<semaphore_mem>>
        %dma_start3A_397 = tpu.memref_squeeze %dma_start3A_396 : memref<1x!tpu.dma_semaphore, #tpu.memory_space<semaphore_mem>> -> memref<!tpu.dma_semaphore, #tpu.memory_space<semaphore_mem>>
        tpu.enqueue_indirect_dma source(%dma_start3A_395 : memref<10000x128xf32, #tpu.memory_space<hbm>>) target(%arg18 : memref<80x128xf32, #tpu.memory_space<vmem>>) offsets(%arg12 : memref<80xi32, #tpu.memory_space<vmem>>) semaphore(%dma_start3A_397 : memref<!tpu.dma_semaphore, #tpu.memory_space<semaphore_mem>>)
      } else {
      }
    }
    %sub3A_67 = arith.constant 1 : i32
    %sub3A_68 = arith.subi %select_n3A, %sub3A_67 : i32
    %mul3A_69 = arith.constant 80 : i32
    %mul3A_70 = arith.muli %sub3A_68, %mul3A_69 : i32
    %add3A_71 = arith.addi %mul3A_7, %mul3A_70 : i32
    %multiple_of3A_72 = tpu.assume_multiple %add3A_71, 8 : i32
    %dma_wait3A = arith.constant 0 : i32
    %dma_wait3A_73 = tpu.memref_slice %arg6[%multiple_of3A_72, %dma_wait3A] : memref<102400x128xf32, #tpu.memory_space<hbm>> -> memref<80x128xf32, #tpu.memory_space<hbm>>
    %dma_wait3A_74 = arith.constant 0 : i32
    %dma_wait3A_75 = tpu.memref_slice %arg6[%multiple_of3A_72, %dma_wait3A_74] : memref<102400x128xf32, #tpu.memory_space<hbm>> -> memref<80x128xf32, #tpu.memory_space<hbm>>
    tpu.wait_dma2 semaphore(%arg24 : memref<!tpu.dma_semaphore, #tpu.memory_space<semaphore_mem>>) src(%arg17 : memref<80x128xf32, #tpu.memory_space<vmem>>) dst(%dma_wait3A_75 : memref<80x128xf32, #tpu.memory_space<hbm>>)
    %dma_wait3A_76 = arith.constant 0 : i32
    %dma_wait3A_77 = tpu.memref_slice %arg7[%multiple_of3A_72, %dma_wait3A_76] : memref<102400x128xf32, #tpu.memory_space<hbm>> -> memref<80x128xf32, #tpu.memory_space<hbm>>
    %dma_wait3A_78 = arith.constant 0 : i32
    %dma_wait3A_79 = tpu.memref_slice %arg7[%multiple_of3A_72, %dma_wait3A_78] : memref<102400x128xf32, #tpu.memory_space<hbm>> -> memref<80x128xf32, #tpu.memory_space<hbm>>
    tpu.wait_dma2 semaphore(%arg24 : memref<!tpu.dma_semaphore, #tpu.memory_space<semaphore_mem>>) src(%arg19 : memref<80x128xf32, #tpu.memory_space<vmem>>) dst(%dma_wait3A_79 : memref<80x128xf32, #tpu.memory_space<hbm>>)
    return
  }
}

#map = affine_map<(d0, d1) -> (0, 0)>
#map1 = affine_map<(d0, d1) -> (0)>
#map2 = affine_map<(d0, d1) -> (0, 0, 0)>
module attributes {stable_mosaic.version = 14 : i64} {
  func.func @_sc_segsum_body(%arg0: i32, %arg1: i32, %arg2: memref<10000x128xf32, #tpu.memory_space<hbm>>, %arg3: memref<655360xi32, #tpu.memory_space<hbm>>, %arg4: memref<655360xi32, #tpu.memory_space<hbm>>, %arg5: memref<128x128xf32, #tpu.memory_space<hbm>>, %arg6: memref<2x10240x128xf32, #tpu.memory_space<hbm>>, %arg7: memref<10240x128xf32, #tpu.memory_space<vmem_shared>>, %arg8: memref<128xi32, #tpu.memory_space<vmem>>, %arg9: memref<128xi32, #tpu.memory_space<vmem>>, %arg10: memref<128xi32, #tpu.memory_space<vmem>>, %arg11: memref<128xi32, #tpu.memory_space<vmem>>, %arg12: memref<128xi32, #tpu.memory_space<vmem>>, %arg13: memref<128xi32, #tpu.memory_space<vmem>>, %arg14: memref<128xi32, #tpu.memory_space<vmem>>, %arg15: memref<128xi32, #tpu.memory_space<vmem>>, %arg16: memref<128x128xf32, #tpu.memory_space<vmem>>, %arg17: memref<128x128xf32, #tpu.memory_space<vmem>>, %arg18: memref<4x!tpu.dma_semaphore, #tpu.memory_space<semaphore_mem>>, %arg19: memref<4x!tpu.dma_semaphore, #tpu.memory_space<semaphore_mem>>, %arg20: memref<2x!tpu.dma_semaphore, #tpu.memory_space<semaphore_mem>>, %arg21: memref<!tpu.dma_semaphore, #tpu.memory_space<semaphore_mem>>) attributes {dimension_semantics = [#tpu.dimension_semantics<core_parallel>, #tpu.dimension_semantics<subcore_parallel>], iteration_bounds = array<i64: 2, 16>, scalar_prefetch = 0 : i64, scratch_operands = 15 : i64, tpu.core_type = #tpu.core_type<sc_vector_subcore>, window_params = [{transform_indices = #map}, {transform_indices = #map1}, {transform_indices = #map1}, {transform_indices = #map}, {transform_indices = #map2}]} {
    %mul3A = arith.constant 16 : i32
    %mul3A_0 = arith.muli %arg0, %mul3A : i32
    %add3A = arith.addi %mul3A_0, %arg1 : i32
    %eq3A = arith.constant 0 : i32
    %eq3A_1 = arith.cmpi eq, %arg0, %eq3A : i32
    %jit3A = arith.constant 160 : i32
    %jit3A_2 = arith.constant 160 : i32
    %select_n3A = arith.select %eq3A_1, %jit3A, %jit3A_2 : i32
    %mul3A_3 = arith.constant 16 : i32
    %mul3A_4 = arith.muli %arg0, %mul3A_3 : i32
    %mul3A_5 = arith.constant 160 : i32
    %mul3A_6 = arith.muli %mul3A_4, %mul3A_5 : i32
    %mul3A_7 = arith.muli %arg1, %select_n3A : i32
    %add3A_8 = arith.addi %mul3A_6, %mul3A_7 : i32
    %mul3A_9 = arith.constant 128 : i32
    %mul3A_10 = arith.muli %mul3A_9, %add3A_8 : i32
    %jit3A_11 = arith.constant 4 : i32
    %div3A = arith.divsi %select_n3A, %jit3A_11 : i32
    %sign3A = arith.constant 0 : i32
    %sign3A_12 = arith.cmpi sgt, %select_n3A, %sign3A : i32
    %sign3A_13 = arith.extui %sign3A_12 : i1 to i32
    %sign3A_14 = arith.constant 0 : i32
    %sign3A_15 = arith.cmpi slt, %select_n3A, %sign3A_14 : i32
    %sign3A_16 = arith.extui %sign3A_15 : i1 to i32
    %sign3A_17 = arith.subi %sign3A_13, %sign3A_16 : i32
    %sign3A_18 = arith.constant 0 : i32
    %sign3A_19 = arith.cmpi sgt, %jit3A_11, %sign3A_18 : i32
    %sign3A_20 = arith.extui %sign3A_19 : i1 to i32
    %sign3A_21 = arith.constant 0 : i32
    %sign3A_22 = arith.cmpi slt, %jit3A_11, %sign3A_21 : i32
    %sign3A_23 = arith.extui %sign3A_22 : i1 to i32
    %sign3A_24 = arith.subi %sign3A_20, %sign3A_23 : i32
    %ne3A = arith.cmpi ne, %sign3A_17, %sign3A_24 : i32
    %rem3A = arith.remsi %select_n3A, %jit3A_11 : i32
    %ne3A_25 = arith.constant 0 : i32
    %ne3A_26 = arith.cmpi ne, %rem3A, %ne3A_25 : i32
    %and3A = arith.andi %ne3A, %ne3A_26 : i1
    %sub3A = arith.constant 1 : i32
    %sub3A_27 = arith.subi %div3A, %sub3A : i32
    %select_n3A_28 = arith.select %and3A, %sub3A_27, %div3A : i32
    "tpu.region"() ({
      %run_scoped3A = tpu.sem_alloc : memref<!tpu.dma_semaphore, #tpu.memory_space<semaphore_mem>>
      tpu.enqueue_dma source(%arg5 : memref<128x128xf32, #tpu.memory_space<hbm>>) target(%arg16 : memref<128x128xf32, #tpu.memory_space<vmem>>) target_semaphore(%run_scoped3A : memref<!tpu.dma_semaphore, #tpu.memory_space<semaphore_mem>>)
      tpu.wait_dma2 semaphore(%run_scoped3A : memref<!tpu.dma_semaphore, #tpu.memory_space<semaphore_mem>>) src(%arg5 : memref<128x128xf32, #tpu.memory_space<hbm>>) dst(%arg16 : memref<128x128xf32, #tpu.memory_space<vmem>>)
      tpu.yield
    }) : () -> ()
    %mul3A_29 = arith.constant 640 : i32
    %mul3A_30 = arith.muli %arg1, %mul3A_29 : i32
    %add3A_31 = arith.constant 0 : i32
    %add3A_32 = arith.addi %mul3A_30, %add3A_31 : i32
    "tpu.region"() ({
      %run_scoped3A = tpu.sem_alloc : memref<!tpu.dma_semaphore, #tpu.memory_space<semaphore_mem>>
      %dma_start3A_108 = arith.constant 0 : i32
      %dma_start3A_109 = tpu.memref_slice %arg7[%add3A_32, %dma_start3A_108] : memref<10240x128xf32, #tpu.memory_space<vmem_shared>> -> memref<128x128xf32, #tpu.memory_space<vmem_shared>>
      %dma_start3A_110 = arith.constant 0 : i32
      %dma_start3A_111 = tpu.memref_slice %arg7[%add3A_32, %dma_start3A_110] : memref<10240x128xf32, #tpu.memory_space<vmem_shared>> -> memref<128x128xf32, #tpu.memory_space<vmem_shared>>
      tpu.enqueue_dma source(%arg16 : memref<128x128xf32, #tpu.memory_space<vmem>>) target(%dma_start3A_111 : memref<128x128xf32, #tpu.memory_space<vmem_shared>>) target_semaphore(%run_scoped3A : memref<!tpu.dma_semaphore, #tpu.memory_space<semaphore_mem>>)
      %dma_wait3A_112 = arith.constant 0 : i32
      %dma_wait3A_113 = tpu.memref_slice %arg7[%add3A_32, %dma_wait3A_112] : memref<10240x128xf32, #tpu.memory_space<vmem_shared>> -> memref<128x128xf32, #tpu.memory_space<vmem_shared>>
      %dma_wait3A_114 = arith.constant 0 : i32
      %dma_wait3A_115 = tpu.memref_slice %arg7[%add3A_32, %dma_wait3A_114] : memref<10240x128xf32, #tpu.memory_space<vmem_shared>> -> memref<128x128xf32, #tpu.memory_space<vmem_shared>>
      tpu.wait_dma2 semaphore(%run_scoped3A : memref<!tpu.dma_semaphore, #tpu.memory_space<semaphore_mem>>) src(%arg16 : memref<128x128xf32, #tpu.memory_space<vmem>>) dst(%dma_wait3A_115 : memref<128x128xf32, #tpu.memory_space<vmem_shared>>)
      tpu.yield
    }) : () -> ()
    %mul3A_33 = arith.constant 640 : i32
    %mul3A_34 = arith.muli %arg1, %mul3A_33 : i32
    %add3A_35 = arith.constant 128 : i32
    %add3A_36 = arith.addi %mul3A_34, %add3A_35 : i32
    "tpu.region"() ({
      %run_scoped3A = tpu.sem_alloc : memref<!tpu.dma_semaphore, #tpu.memory_space<semaphore_mem>>
      %dma_start3A_108 = arith.constant 0 : i32
      %dma_start3A_109 = tpu.memref_slice %arg7[%add3A_36, %dma_start3A_108] : memref<10240x128xf32, #tpu.memory_space<vmem_shared>> -> memref<128x128xf32, #tpu.memory_space<vmem_shared>>
      %dma_start3A_110 = arith.constant 0 : i32
      %dma_start3A_111 = tpu.memref_slice %arg7[%add3A_36, %dma_start3A_110] : memref<10240x128xf32, #tpu.memory_space<vmem_shared>> -> memref<128x128xf32, #tpu.memory_space<vmem_shared>>
      tpu.enqueue_dma source(%arg16 : memref<128x128xf32, #tpu.memory_space<vmem>>) target(%dma_start3A_111 : memref<128x128xf32, #tpu.memory_space<vmem_shared>>) target_semaphore(%run_scoped3A : memref<!tpu.dma_semaphore, #tpu.memory_space<semaphore_mem>>)
      %dma_wait3A_112 = arith.constant 0 : i32
      %dma_wait3A_113 = tpu.memref_slice %arg7[%add3A_36, %dma_wait3A_112] : memref<10240x128xf32, #tpu.memory_space<vmem_shared>> -> memref<128x128xf32, #tpu.memory_space<vmem_shared>>
      %dma_wait3A_114 = arith.constant 0 : i32
      %dma_wait3A_115 = tpu.memref_slice %arg7[%add3A_36, %dma_wait3A_114] : memref<10240x128xf32, #tpu.memory_space<vmem_shared>> -> memref<128x128xf32, #tpu.memory_space<vmem_shared>>
      tpu.wait_dma2 semaphore(%run_scoped3A : memref<!tpu.dma_semaphore, #tpu.memory_space<semaphore_mem>>) src(%arg16 : memref<128x128xf32, #tpu.memory_space<vmem>>) dst(%dma_wait3A_115 : memref<128x128xf32, #tpu.memory_space<vmem_shared>>)
      tpu.yield
    }) : () -> ()
    %mul3A_37 = arith.constant 640 : i32
    %mul3A_38 = arith.muli %arg1, %mul3A_37 : i32
    %add3A_39 = arith.constant 256 : i32
    %add3A_40 = arith.addi %mul3A_38, %add3A_39 : i32
    "tpu.region"() ({
      %run_scoped3A = tpu.sem_alloc : memref<!tpu.dma_semaphore, #tpu.memory_space<semaphore_mem>>
      %dma_start3A_108 = arith.constant 0 : i32
      %dma_start3A_109 = tpu.memref_slice %arg7[%add3A_40, %dma_start3A_108] : memref<10240x128xf32, #tpu.memory_space<vmem_shared>> -> memref<128x128xf32, #tpu.memory_space<vmem_shared>>
      %dma_start3A_110 = arith.constant 0 : i32
      %dma_start3A_111 = tpu.memref_slice %arg7[%add3A_40, %dma_start3A_110] : memref<10240x128xf32, #tpu.memory_space<vmem_shared>> -> memref<128x128xf32, #tpu.memory_space<vmem_shared>>
      tpu.enqueue_dma source(%arg16 : memref<128x128xf32, #tpu.memory_space<vmem>>) target(%dma_start3A_111 : memref<128x128xf32, #tpu.memory_space<vmem_shared>>) target_semaphore(%run_scoped3A : memref<!tpu.dma_semaphore, #tpu.memory_space<semaphore_mem>>)
      %dma_wait3A_112 = arith.constant 0 : i32
      %dma_wait3A_113 = tpu.memref_slice %arg7[%add3A_40, %dma_wait3A_112] : memref<10240x128xf32, #tpu.memory_space<vmem_shared>> -> memref<128x128xf32, #tpu.memory_space<vmem_shared>>
      %dma_wait3A_114 = arith.constant 0 : i32
      %dma_wait3A_115 = tpu.memref_slice %arg7[%add3A_40, %dma_wait3A_114] : memref<10240x128xf32, #tpu.memory_space<vmem_shared>> -> memref<128x128xf32, #tpu.memory_space<vmem_shared>>
      tpu.wait_dma2 semaphore(%run_scoped3A : memref<!tpu.dma_semaphore, #tpu.memory_space<semaphore_mem>>) src(%arg16 : memref<128x128xf32, #tpu.memory_space<vmem>>) dst(%dma_wait3A_115 : memref<128x128xf32, #tpu.memory_space<vmem_shared>>)
      tpu.yield
    }) : () -> ()
    %mul3A_41 = arith.constant 640 : i32
    %mul3A_42 = arith.muli %arg1, %mul3A_41 : i32
    %add3A_43 = arith.constant 384 : i32
    %add3A_44 = arith.addi %mul3A_42, %add3A_43 : i32
    "tpu.region"() ({
      %run_scoped3A = tpu.sem_alloc : memref<!tpu.dma_semaphore, #tpu.memory_space<semaphore_mem>>
      %dma_start3A_108 = arith.constant 0 : i32
      %dma_start3A_109 = tpu.memref_slice %arg7[%add3A_44, %dma_start3A_108] : memref<10240x128xf32, #tpu.memory_space<vmem_shared>> -> memref<128x128xf32, #tpu.memory_space<vmem_shared>>
      %dma_start3A_110 = arith.constant 0 : i32
      %dma_start3A_111 = tpu.memref_slice %arg7[%add3A_44, %dma_start3A_110] : memref<10240x128xf32, #tpu.memory_space<vmem_shared>> -> memref<128x128xf32, #tpu.memory_space<vmem_shared>>
      tpu.enqueue_dma source(%arg16 : memref<128x128xf32, #tpu.memory_space<vmem>>) target(%dma_start3A_111 : memref<128x128xf32, #tpu.memory_space<vmem_shared>>) target_semaphore(%run_scoped3A : memref<!tpu.dma_semaphore, #tpu.memory_space<semaphore_mem>>)
      %dma_wait3A_112 = arith.constant 0 : i32
      %dma_wait3A_113 = tpu.memref_slice %arg7[%add3A_44, %dma_wait3A_112] : memref<10240x128xf32, #tpu.memory_space<vmem_shared>> -> memref<128x128xf32, #tpu.memory_space<vmem_shared>>
      %dma_wait3A_114 = arith.constant 0 : i32
      %dma_wait3A_115 = tpu.memref_slice %arg7[%add3A_44, %dma_wait3A_114] : memref<10240x128xf32, #tpu.memory_space<vmem_shared>> -> memref<128x128xf32, #tpu.memory_space<vmem_shared>>
      tpu.wait_dma2 semaphore(%run_scoped3A : memref<!tpu.dma_semaphore, #tpu.memory_space<semaphore_mem>>) src(%arg16 : memref<128x128xf32, #tpu.memory_space<vmem>>) dst(%dma_wait3A_115 : memref<128x128xf32, #tpu.memory_space<vmem_shared>>)
      tpu.yield
    }) : () -> ()
    %mul3A_45 = arith.constant 640 : i32
    %mul3A_46 = arith.muli %arg1, %mul3A_45 : i32
    %add3A_47 = arith.constant 512 : i32
    %add3A_48 = arith.addi %mul3A_46, %add3A_47 : i32
    "tpu.region"() ({
      %run_scoped3A = tpu.sem_alloc : memref<!tpu.dma_semaphore, #tpu.memory_space<semaphore_mem>>
      %dma_start3A_108 = arith.constant 0 : i32
      %dma_start3A_109 = tpu.memref_slice %arg7[%add3A_48, %dma_start3A_108] : memref<10240x128xf32, #tpu.memory_space<vmem_shared>> -> memref<128x128xf32, #tpu.memory_space<vmem_shared>>
      %dma_start3A_110 = arith.constant 0 : i32
      %dma_start3A_111 = tpu.memref_slice %arg7[%add3A_48, %dma_start3A_110] : memref<10240x128xf32, #tpu.memory_space<vmem_shared>> -> memref<128x128xf32, #tpu.memory_space<vmem_shared>>
      tpu.enqueue_dma source(%arg16 : memref<128x128xf32, #tpu.memory_space<vmem>>) target(%dma_start3A_111 : memref<128x128xf32, #tpu.memory_space<vmem_shared>>) target_semaphore(%run_scoped3A : memref<!tpu.dma_semaphore, #tpu.memory_space<semaphore_mem>>)
      %dma_wait3A_112 = arith.constant 0 : i32
      %dma_wait3A_113 = tpu.memref_slice %arg7[%add3A_48, %dma_wait3A_112] : memref<10240x128xf32, #tpu.memory_space<vmem_shared>> -> memref<128x128xf32, #tpu.memory_space<vmem_shared>>
      %dma_wait3A_114 = arith.constant 0 : i32
      %dma_wait3A_115 = tpu.memref_slice %arg7[%add3A_48, %dma_wait3A_114] : memref<10240x128xf32, #tpu.memory_space<vmem_shared>> -> memref<128x128xf32, #tpu.memory_space<vmem_shared>>
      tpu.wait_dma2 semaphore(%run_scoped3A : memref<!tpu.dma_semaphore, #tpu.memory_space<semaphore_mem>>) src(%arg16 : memref<128x128xf32, #tpu.memory_space<vmem>>) dst(%dma_wait3A_115 : memref<128x128xf32, #tpu.memory_space<vmem_shared>>)
      tpu.yield
    }) : () -> ()
    %barrier3A = arith.constant 0 : index
    tpu.barrier barrier_id(%barrier3A)
    %broadcast_in_dim3A = arith.constant 1.000000e+00 : f32
    %broadcast_in_dim3A_49 = vector.broadcast %broadcast_in_dim3A : f32 to vector<16xf32>
    %add3A_50 = arith.constant 0 : i32
    %add3A_51 = arith.addi %mul3A_10, %add3A_50 : i32
    %multiple_of3A = tpu.assume_multiple %add3A_51, 8 : i32
    "tpu.region"() ({
      %run_scoped3A = tpu.sem_alloc : memref<!tpu.dma_semaphore, #tpu.memory_space<semaphore_mem>>
      %dma_start3A_108 = tpu.memref_slice %arg3[%multiple_of3A] : memref<655360xi32, #tpu.memory_space<hbm>> -> memref<128xi32, #tpu.memory_space<hbm>>
      %dma_start3A_109 = tpu.memref_slice %arg3[%multiple_of3A] : memref<655360xi32, #tpu.memory_space<hbm>> -> memref<128xi32, #tpu.memory_space<hbm>>
      tpu.enqueue_dma source(%dma_start3A_109 : memref<128xi32, #tpu.memory_space<hbm>>) target(%arg8 : memref<128xi32, #tpu.memory_space<vmem>>) target_semaphore(%run_scoped3A : memref<!tpu.dma_semaphore, #tpu.memory_space<semaphore_mem>>)
      %dma_wait3A_110 = tpu.memref_slice %arg3[%multiple_of3A] : memref<655360xi32, #tpu.memory_space<hbm>> -> memref<128xi32, #tpu.memory_space<hbm>>
      %dma_wait3A_111 = tpu.memref_slice %arg3[%multiple_of3A] : memref<655360xi32, #tpu.memory_space<hbm>> -> memref<128xi32, #tpu.memory_space<hbm>>
      tpu.wait_dma2 semaphore(%run_scoped3A : memref<!tpu.dma_semaphore, #tpu.memory_space<semaphore_mem>>) src(%dma_wait3A_111 : memref<128xi32, #tpu.memory_space<hbm>>) dst(%arg8 : memref<128xi32, #tpu.memory_space<vmem>>)
      tpu.yield
    }) : () -> ()
    %add3A_52 = arith.constant 0 : i32
    %add3A_53 = arith.addi %mul3A_10, %add3A_52 : i32
    %multiple_of3A_54 = tpu.assume_multiple %add3A_53, 8 : i32
    "tpu.region"() ({
      %run_scoped3A = tpu.sem_alloc : memref<!tpu.dma_semaphore, #tpu.memory_space<semaphore_mem>>
      %dma_start3A_108 = tpu.memref_slice %arg4[%multiple_of3A_54] : memref<655360xi32, #tpu.memory_space<hbm>> -> memref<128xi32, #tpu.memory_space<hbm>>
      %dma_start3A_109 = tpu.memref_slice %arg4[%multiple_of3A_54] : memref<655360xi32, #tpu.memory_space<hbm>> -> memref<128xi32, #tpu.memory_space<hbm>>
      tpu.enqueue_dma source(%dma_start3A_109 : memref<128xi32, #tpu.memory_space<hbm>>) target(%arg12 : memref<128xi32, #tpu.memory_space<vmem>>) target_semaphore(%run_scoped3A : memref<!tpu.dma_semaphore, #tpu.memory_space<semaphore_mem>>)
      %dma_wait3A_110 = tpu.memref_slice %arg4[%multiple_of3A_54] : memref<655360xi32, #tpu.memory_space<hbm>> -> memref<128xi32, #tpu.memory_space<hbm>>
      %dma_wait3A_111 = tpu.memref_slice %arg4[%multiple_of3A_54] : memref<655360xi32, #tpu.memory_space<hbm>> -> memref<128xi32, #tpu.memory_space<hbm>>
      tpu.wait_dma2 semaphore(%run_scoped3A : memref<!tpu.dma_semaphore, #tpu.memory_space<semaphore_mem>>) src(%dma_wait3A_111 : memref<128xi32, #tpu.memory_space<hbm>>) dst(%arg12 : memref<128xi32, #tpu.memory_space<vmem>>)
      tpu.yield
    }) : () -> ()
    %add3A_55 = arith.constant 128 : i32
    %add3A_56 = arith.addi %mul3A_10, %add3A_55 : i32
    %multiple_of3A_57 = tpu.assume_multiple %add3A_56, 8 : i32
    %dma_start3A = arith.constant 1 : i32
    %dma_start3A_58 = tpu.memref_slice %arg3[%multiple_of3A_57] : memref<655360xi32, #tpu.memory_space<hbm>> -> memref<128xi32, #tpu.memory_space<hbm>>
    %dma_start3A_59 = tpu.memref_slice %arg18[%dma_start3A] : memref<4x!tpu.dma_semaphore, #tpu.memory_space<semaphore_mem>> -> memref<1x!tpu.dma_semaphore, #tpu.memory_space<semaphore_mem>>
    %dma_start3A_60 = tpu.memref_squeeze %dma_start3A_59 : memref<1x!tpu.dma_semaphore, #tpu.memory_space<semaphore_mem>> -> memref<!tpu.dma_semaphore, #tpu.memory_space<semaphore_mem>>
    %dma_start3A_61 = tpu.memref_slice %arg3[%multiple_of3A_57] : memref<655360xi32, #tpu.memory_space<hbm>> -> memref<128xi32, #tpu.memory_space<hbm>>
    tpu.enqueue_dma source(%dma_start3A_61 : memref<128xi32, #tpu.memory_space<hbm>>) target(%arg9 : memref<128xi32, #tpu.memory_space<vmem>>) target_semaphore(%dma_start3A_60 : memref<!tpu.dma_semaphore, #tpu.memory_space<semaphore_mem>>)
    %add3A_62 = arith.constant 128 : i32
    %add3A_63 = arith.addi %mul3A_10, %add3A_62 : i32
    %multiple_of3A_64 = tpu.assume_multiple %add3A_63, 8 : i32
    %dma_start3A_65 = arith.constant 1 : i32
    %dma_start3A_66 = tpu.memref_slice %arg4[%multiple_of3A_64] : memref<655360xi32, #tpu.memory_space<hbm>> -> memref<128xi32, #tpu.memory_space<hbm>>
    %dma_start3A_67 = tpu.memref_slice %arg19[%dma_start3A_65] : memref<4x!tpu.dma_semaphore, #tpu.memory_space<semaphore_mem>> -> memref<1x!tpu.dma_semaphore, #tpu.memory_space<semaphore_mem>>
    %dma_start3A_68 = tpu.memref_squeeze %dma_start3A_67 : memref<1x!tpu.dma_semaphore, #tpu.memory_space<semaphore_mem>> -> memref<!tpu.dma_semaphore, #tpu.memory_space<semaphore_mem>>
    %dma_start3A_69 = tpu.memref_slice %arg4[%multiple_of3A_64] : memref<655360xi32, #tpu.memory_space<hbm>> -> memref<128xi32, #tpu.memory_space<hbm>>
    tpu.enqueue_dma source(%dma_start3A_69 : memref<128xi32, #tpu.memory_space<hbm>>) target(%arg13 : memref<128xi32, #tpu.memory_space<vmem>>) target_semaphore(%dma_start3A_68 : memref<!tpu.dma_semaphore, #tpu.memory_space<semaphore_mem>>)
    %dma_start3A_70 = arith.constant 0 : i32
    %dma_start3A_71 = arith.constant 0 : i32
    %dma_start3A_72 = arith.constant 0 : i32
    %dma_start3A_73 = tpu.memref_slice %arg2[%dma_start3A_71, %dma_start3A_72] : memref<10000x128xf32, #tpu.memory_space<hbm>> -> memref<10000x128xf32, #tpu.memory_space<hbm>>
    %dma_start3A_74 = tpu.memref_slice %arg20[%dma_start3A_70] : memref<2x!tpu.dma_semaphore, #tpu.memory_space<semaphore_mem>> -> memref<1x!tpu.dma_semaphore, #tpu.memory_space<semaphore_mem>>
    %dma_start3A_75 = tpu.memref_squeeze %dma_start3A_74 : memref<1x!tpu.dma_semaphore, #tpu.memory_space<semaphore_mem>> -> memref<!tpu.dma_semaphore, #tpu.memory_space<semaphore_mem>>
    tpu.enqueue_indirect_dma source(%dma_start3A_73 : memref<10000x128xf32, #tpu.memory_space<hbm>>) target(%arg16 : memref<128x128xf32, #tpu.memory_space<vmem>>) offsets(%arg8 : memref<128xi32, #tpu.memory_space<vmem>>) semaphore(%dma_start3A_75 : memref<!tpu.dma_semaphore, #tpu.memory_space<semaphore_mem>>)
    %while3A = arith.constant 0 : i32
    %while3A_76 = arith.constant 0 : i32
    %while3A_77 = arith.subi %select_n3A_28, %while3A_76 : i32
    %while3A_78 = arith.addi %while3A_76, %while3A_77 : i32
    %while3A_79 = arith.constant 1 : i32
    %while3A_80 = arith.divsi %while3A_77, %while3A_79 : i32
    %while3A_81 = arith.muli %while3A_80, %while3A_79 : i32
    %while3A_82 = arith.addi %while3A_76, %while3A_81 : i32
    %while3A_83 = arith.constant 1 : i32
    scf.for %while3A_108 = %while3A_76 to %while3A_82 step %while3A_83  : i32 {
      %mul3A_109 = arith.constant 4 : i32
      %mul3A_110 = arith.muli %mul3A_109, %while3A_108 : i32
      %add3A_111 = arith.constant 0 : i32
      %add3A_112 = arith.addi %mul3A_110, %add3A_111 : i32
      %dma_wait3A_113 = arith.constant 0 : i32
      %dma_wait3A_114 = arith.constant 0 : i32
      %dma_wait3A_115 = arith.constant 0 : i32
      %dma_wait3A_116 = tpu.memref_slice %arg2[%dma_wait3A_114, %dma_wait3A_115] : memref<10000x128xf32, #tpu.memory_space<hbm>> -> memref<10000x128xf32, #tpu.memory_space<hbm>>
      %dma_wait3A_117 = tpu.memref_slice %arg20[%dma_wait3A_113] : memref<2x!tpu.dma_semaphore, #tpu.memory_space<semaphore_mem>> -> memref<1x!tpu.dma_semaphore, #tpu.memory_space<semaphore_mem>>
      %dma_wait3A_118 = tpu.memref_squeeze %dma_wait3A_117 : memref<1x!tpu.dma_semaphore, #tpu.memory_space<semaphore_mem>> -> memref<!tpu.dma_semaphore, #tpu.memory_space<semaphore_mem>>
      tpu.wait_indirect_dma semaphore(%dma_wait3A_118 : memref<!tpu.dma_semaphore, #tpu.memory_space<semaphore_mem>>) src(%dma_wait3A_116 : memref<10000x128xf32, #tpu.memory_space<hbm>>) dst(%arg16 : memref<128x128xf32, #tpu.memory_space<vmem>>)
      %dma_start3A_119 = arith.constant 0 : i32
      %dma_start3A_120 = arith.constant 0 : i32
      %dma_start3A_121 = tpu.memref_slice %arg7[%dma_start3A_119, %dma_start3A_120] : memref<10240x128xf32, #tpu.memory_space<vmem_shared>> -> memref<10240x128xf32, #tpu.memory_space<vmem_shared>>
      tpu.enqueue_indirect_dma source(%arg16 : memref<128x128xf32, #tpu.memory_space<vmem>>) target(%dma_start3A_121 : memref<10240x128xf32, #tpu.memory_space<vmem_shared>>) offsets(%arg12 : memref<128xi32, #tpu.memory_space<vmem>>) semaphore(%arg21 : memref<!tpu.dma_semaphore, #tpu.memory_space<semaphore_mem>>) {add = true}
      %gt3A = arith.constant 0 : i32
      %gt3A_122 = arith.cmpi sgt, %while3A_108, %gt3A : i32
      %convert_element_type3A = arith.extui %gt3A_122 : i1 to i32
      %cond3A = arith.constant 0 : i32
      %cond3A_123 = arith.cmpi ne, %convert_element_type3A, %cond3A : i32
      scf.if %cond3A_123 {
        %dma_wait3A_287 = arith.constant 0 : i32
        %dma_wait3A_288 = arith.constant 0 : i32
        %dma_wait3A_289 = tpu.memref_slice %arg7[%dma_wait3A_287, %dma_wait3A_288] : memref<10240x128xf32, #tpu.memory_space<vmem_shared>> -> memref<10240x128xf32, #tpu.memory_space<vmem_shared>>
        tpu.wait_indirect_dma semaphore(%arg21 : memref<!tpu.dma_semaphore, #tpu.memory_space<semaphore_mem>>) src(%arg17 : memref<128x128xf32, #tpu.memory_space<vmem>>) dst(%dma_wait3A_289 : memref<10240x128xf32, #tpu.memory_space<vmem_shared>>)
      } else {
      }
      %add3A_124 = arith.constant 2 : i32
      %add3A_125 = arith.addi %add3A_112, %add3A_124 : i32
      %mul3A_126 = arith.constant 128 : i32
      %mul3A_127 = arith.muli %add3A_125, %mul3A_126 : i32
      %add3A_128 = arith.addi %mul3A_10, %mul3A_127 : i32
      %multiple_of3A_129 = tpu.assume_multiple %add3A_128, 8 : i32
      %dma_start3A_130 = arith.constant 2 : i32
      %dma_start3A_131 = tpu.memref_slice %arg3[%multiple_of3A_129] : memref<655360xi32, #tpu.memory_space<hbm>> -> memref<128xi32, #tpu.memory_space<hbm>>
      %dma_start3A_132 = tpu.memref_slice %arg18[%dma_start3A_130] : memref<4x!tpu.dma_semaphore, #tpu.memory_space<semaphore_mem>> -> memref<1x!tpu.dma_semaphore, #tpu.memory_space<semaphore_mem>>
      %dma_start3A_133 = tpu.memref_squeeze %dma_start3A_132 : memref<1x!tpu.dma_semaphore, #tpu.memory_space<semaphore_mem>> -> memref<!tpu.dma_semaphore, #tpu.memory_space<semaphore_mem>>
      %dma_start3A_134 = tpu.memref_slice %arg3[%multiple_of3A_129] : memref<655360xi32, #tpu.memory_space<hbm>> -> memref<128xi32, #tpu.memory_space<hbm>>
      tpu.enqueue_dma source(%dma_start3A_134 : memref<128xi32, #tpu.memory_space<hbm>>) target(%arg10 : memref<128xi32, #tpu.memory_space<vmem>>) target_semaphore(%dma_start3A_133 : memref<!tpu.dma_semaphore, #tpu.memory_space<semaphore_mem>>)
      %dma_start3A_135 = arith.constant 2 : i32
      %dma_start3A_136 = tpu.memref_slice %arg4[%multiple_of3A_129] : memref<655360xi32, #tpu.memory_space<hbm>> -> memref<128xi32, #tpu.memory_space<hbm>>
      %dma_start3A_137 = tpu.memref_slice %arg19[%dma_start3A_135] : memref<4x!tpu.dma_semaphore, #tpu.memory_space<semaphore_mem>> -> memref<1x!tpu.dma_semaphore, #tpu.memory_space<semaphore_mem>>
      %dma_start3A_138 = tpu.memref_squeeze %dma_start3A_137 : memref<1x!tpu.dma_semaphore, #tpu.memory_space<semaphore_mem>> -> memref<!tpu.dma_semaphore, #tpu.memory_space<semaphore_mem>>
      %dma_start3A_139 = tpu.memref_slice %arg4[%multiple_of3A_129] : memref<655360xi32, #tpu.memory_space<hbm>> -> memref<128xi32, #tpu.memory_space<hbm>>
      tpu.enqueue_dma source(%dma_start3A_139 : memref<128xi32, #tpu.memory_space<hbm>>) target(%arg14 : memref<128xi32, #tpu.memory_space<vmem>>) target_semaphore(%dma_start3A_138 : memref<!tpu.dma_semaphore, #tpu.memory_space<semaphore_mem>>)
      %add3A_140 = arith.constant 1 : i32
      %add3A_141 = arith.addi %add3A_112, %add3A_140 : i32
      %mul3A_142 = arith.constant 128 : i32
      %mul3A_143 = arith.muli %add3A_141, %mul3A_142 : i32
      %add3A_144 = arith.addi %mul3A_10, %mul3A_143 : i32
      %multiple_of3A_145 = tpu.assume_multiple %add3A_144, 8 : i32
      %dma_wait3A_146 = arith.constant 1 : i32
      %dma_wait3A_147 = tpu.memref_slice %arg3[%multiple_of3A_145] : memref<655360xi32, #tpu.memory_space<hbm>> -> memref<128xi32, #tpu.memory_space<hbm>>
      %dma_wait3A_148 = tpu.memref_slice %arg18[%dma_wait3A_146] : memref<4x!tpu.dma_semaphore, #tpu.memory_space<semaphore_mem>> -> memref<1x!tpu.dma_semaphore, #tpu.memory_space<semaphore_mem>>
      %dma_wait3A_149 = tpu.memref_squeeze %dma_wait3A_148 : memref<1x!tpu.dma_semaphore, #tpu.memory_space<semaphore_mem>> -> memref<!tpu.dma_semaphore, #tpu.memory_space<semaphore_mem>>
      %dma_wait3A_150 = tpu.memref_slice %arg3[%multiple_of3A_145] : memref<655360xi32, #tpu.memory_space<hbm>> -> memref<128xi32, #tpu.memory_space<hbm>>
      tpu.wait_dma2 semaphore(%dma_wait3A_149 : memref<!tpu.dma_semaphore, #tpu.memory_space<semaphore_mem>>) src(%dma_wait3A_150 : memref<128xi32, #tpu.memory_space<hbm>>) dst(%arg9 : memref<128xi32, #tpu.memory_space<vmem>>)
      %dma_wait3A_151 = arith.constant 1 : i32
      %dma_wait3A_152 = tpu.memref_slice %arg4[%multiple_of3A_145] : memref<655360xi32, #tpu.memory_space<hbm>> -> memref<128xi32, #tpu.memory_space<hbm>>
      %dma_wait3A_153 = tpu.memref_slice %arg19[%dma_wait3A_151] : memref<4x!tpu.dma_semaphore, #tpu.memory_space<semaphore_mem>> -> memref<1x!tpu.dma_semaphore, #tpu.memory_space<semaphore_mem>>
      %dma_wait3A_154 = tpu.memref_squeeze %dma_wait3A_153 : memref<1x!tpu.dma_semaphore, #tpu.memory_space<semaphore_mem>> -> memref<!tpu.dma_semaphore, #tpu.memory_space<semaphore_mem>>
      %dma_wait3A_155 = tpu.memref_slice %arg4[%multiple_of3A_145] : memref<655360xi32, #tpu.memory_space<hbm>> -> memref<128xi32, #tpu.memory_space<hbm>>
      tpu.wait_dma2 semaphore(%dma_wait3A_154 : memref<!tpu.dma_semaphore, #tpu.memory_space<semaphore_mem>>) src(%dma_wait3A_155 : memref<128xi32, #tpu.memory_space<hbm>>) dst(%arg13 : memref<128xi32, #tpu.memory_space<vmem>>)
      %dma_start3A_156 = arith.constant 1 : i32
      %dma_start3A_157 = arith.constant 0 : i32
      %dma_start3A_158 = arith.constant 0 : i32
      %dma_start3A_159 = tpu.memref_slice %arg2[%dma_start3A_157, %dma_start3A_158] : memref<10000x128xf32, #tpu.memory_space<hbm>> -> memref<10000x128xf32, #tpu.memory_space<hbm>>
      %dma_start3A_160 = tpu.memref_slice %arg20[%dma_start3A_156] : memref<2x!tpu.dma_semaphore, #tpu.memory_space<semaphore_mem>> -> memref<1x!tpu.dma_semaphore, #tpu.memory_space<semaphore_mem>>
      %dma_start3A_161 = tpu.memref_squeeze %dma_start3A_160 : memref<1x!tpu.dma_semaphore, #tpu.memory_space<semaphore_mem>> -> memref<!tpu.dma_semaphore, #tpu.memory_space<semaphore_mem>>
      tpu.enqueue_indirect_dma source(%dma_start3A_159 : memref<10000x128xf32, #tpu.memory_space<hbm>>) target(%arg17 : memref<128x128xf32, #tpu.memory_space<vmem>>) offsets(%arg9 : memref<128xi32, #tpu.memory_space<vmem>>) semaphore(%dma_start3A_161 : memref<!tpu.dma_semaphore, #tpu.memory_space<semaphore_mem>>)
      %mul3A_162 = arith.constant 4 : i32
      %mul3A_163 = arith.muli %mul3A_162, %while3A_108 : i32
      %add3A_164 = arith.constant 1 : i32
      %add3A_165 = arith.addi %mul3A_163, %add3A_164 : i32
      %dma_wait3A_166 = arith.constant 1 : i32
      %dma_wait3A_167 = arith.constant 0 : i32
      %dma_wait3A_168 = arith.constant 0 : i32
      %dma_wait3A_169 = tpu.memref_slice %arg2[%dma_wait3A_167, %dma_wait3A_168] : memref<10000x128xf32, #tpu.memory_space<hbm>> -> memref<10000x128xf32, #tpu.memory_space<hbm>>
      %dma_wait3A_170 = tpu.memref_slice %arg20[%dma_wait3A_166] : memref<2x!tpu.dma_semaphore, #tpu.memory_space<semaphore_mem>> -> memref<1x!tpu.dma_semaphore, #tpu.memory_space<semaphore_mem>>
      %dma_wait3A_171 = tpu.memref_squeeze %dma_wait3A_170 : memref<1x!tpu.dma_semaphore, #tpu.memory_space<semaphore_mem>> -> memref<!tpu.dma_semaphore, #tpu.memory_space<semaphore_mem>>
      tpu.wait_indirect_dma semaphore(%dma_wait3A_171 : memref<!tpu.dma_semaphore, #tpu.memory_space<semaphore_mem>>) src(%dma_wait3A_169 : memref<10000x128xf32, #tpu.memory_space<hbm>>) dst(%arg17 : memref<128x128xf32, #tpu.memory_space<vmem>>)
      %dma_start3A_172 = arith.constant 0 : i32
      %dma_start3A_173 = arith.constant 0 : i32
      %dma_start3A_174 = tpu.memref_slice %arg7[%dma_start3A_172, %dma_start3A_173] : memref<10240x128xf32, #tpu.memory_space<vmem_shared>> -> memref<10240x128xf32, #tpu.memory_space<vmem_shared>>
      tpu.enqueue_indirect_dma source(%arg17 : memref<128x128xf32, #tpu.memory_space<vmem>>) target(%dma_start3A_174 : memref<10240x128xf32, #tpu.memory_space<vmem_shared>>) offsets(%arg13 : memref<128xi32, #tpu.memory_space<vmem>>) semaphore(%arg21 : memref<!tpu.dma_semaphore, #tpu.memory_space<semaphore_mem>>) {add = true}
      %dma_wait3A_175 = arith.constant 0 : i32
      %dma_wait3A_176 = arith.constant 0 : i32
      %dma_wait3A_177 = tpu.memref_slice %arg7[%dma_wait3A_175, %dma_wait3A_176] : memref<10240x128xf32, #tpu.memory_space<vmem_shared>> -> memref<10240x128xf32, #tpu.memory_space<vmem_shared>>
      tpu.wait_indirect_dma semaphore(%arg21 : memref<!tpu.dma_semaphore, #tpu.memory_space<semaphore_mem>>) src(%arg16 : memref<128x128xf32, #tpu.memory_space<vmem>>) dst(%dma_wait3A_177 : memref<10240x128xf32, #tpu.memory_space<vmem_shared>>)
      %add3A_178 = arith.constant 2 : i32
      %add3A_179 = arith.addi %add3A_165, %add3A_178 : i32
      %mul3A_180 = arith.constant 128 : i32
      %mul3A_181 = arith.muli %add3A_179, %mul3A_180 : i32
      %add3A_182 = arith.addi %mul3A_10, %mul3A_181 : i32
      %multiple_of3A_183 = tpu.assume_multiple %add3A_182, 8 : i32
      %dma_start3A_184 = arith.constant 3 : i32
      %dma_start3A_185 = tpu.memref_slice %arg3[%multiple_of3A_183] : memref<655360xi32, #tpu.memory_space<hbm>> -> memref<128xi32, #tpu.memory_space<hbm>>
      %dma_start3A_186 = tpu.memref_slice %arg18[%dma_start3A_184] : memref<4x!tpu.dma_semaphore, #tpu.memory_space<semaphore_mem>> -> memref<1x!tpu.dma_semaphore, #tpu.memory_space<semaphore_mem>>
      %dma_start3A_187 = tpu.memref_squeeze %dma_start3A_186 : memref<1x!tpu.dma_semaphore, #tpu.memory_space<semaphore_mem>> -> memref<!tpu.dma_semaphore, #tpu.memory_space<semaphore_mem>>
      %dma_start3A_188 = tpu.memref_slice %arg3[%multiple_of3A_183] : memref<655360xi32, #tpu.memory_space<hbm>> -> memref<128xi32, #tpu.memory_space<hbm>>
      tpu.enqueue_dma source(%dma_start3A_188 : memref<128xi32, #tpu.memory_space<hbm>>) target(%arg11 : memref<128xi32, #tpu.memory_space<vmem>>) target_semaphore(%dma_start3A_187 : memref<!tpu.dma_semaphore, #tpu.memory_space<semaphore_mem>>)
      %dma_start3A_189 = arith.constant 3 : i32
      %dma_start3A_190 = tpu.memref_slice %arg4[%multiple_of3A_183] : memref<655360xi32, #tpu.memory_space<hbm>> -> memref<128xi32, #tpu.memory_space<hbm>>
      %dma_start3A_191 = tpu.memref_slice %arg19[%dma_start3A_189] : memref<4x!tpu.dma_semaphore, #tpu.memory_space<semaphore_mem>> -> memref<1x!tpu.dma_semaphore, #tpu.memory_space<semaphore_mem>>
      %dma_start3A_192 = tpu.memref_squeeze %dma_start3A_191 : memref<1x!tpu.dma_semaphore, #tpu.memory_space<semaphore_mem>> -> memref<!tpu.dma_semaphore, #tpu.memory_space<semaphore_mem>>
      %dma_start3A_193 = tpu.memref_slice %arg4[%multiple_of3A_183] : memref<655360xi32, #tpu.memory_space<hbm>> -> memref<128xi32, #tpu.memory_space<hbm>>
      tpu.enqueue_dma source(%dma_start3A_193 : memref<128xi32, #tpu.memory_space<hbm>>) target(%arg15 : memref<128xi32, #tpu.memory_space<vmem>>) target_semaphore(%dma_start3A_192 : memref<!tpu.dma_semaphore, #tpu.memory_space<semaphore_mem>>)
      %add3A_194 = arith.constant 1 : i32
      %add3A_195 = arith.addi %add3A_165, %add3A_194 : i32
      %mul3A_196 = arith.constant 128 : i32
      %mul3A_197 = arith.muli %add3A_195, %mul3A_196 : i32
      %add3A_198 = arith.addi %mul3A_10, %mul3A_197 : i32
      %multiple_of3A_199 = tpu.assume_multiple %add3A_198, 8 : i32
      %dma_wait3A_200 = arith.constant 2 : i32
      %dma_wait3A_201 = tpu.memref_slice %arg3[%multiple_of3A_199] : memref<655360xi32, #tpu.memory_space<hbm>> -> memref<128xi32, #tpu.memory_space<hbm>>
      %dma_wait3A_202 = tpu.memref_slice %arg18[%dma_wait3A_200] : memref<4x!tpu.dma_semaphore, #tpu.memory_space<semaphore_mem>> -> memref<1x!tpu.dma_semaphore, #tpu.memory_space<semaphore_mem>>
      %dma_wait3A_203 = tpu.memref_squeeze %dma_wait3A_202 : memref<1x!tpu.dma_semaphore, #tpu.memory_space<semaphore_mem>> -> memref<!tpu.dma_semaphore, #tpu.memory_space<semaphore_mem>>
      %dma_wait3A_204 = tpu.memref_slice %arg3[%multiple_of3A_199] : memref<655360xi32, #tpu.memory_space<hbm>> -> memref<128xi32, #tpu.memory_space<hbm>>
      tpu.wait_dma2 semaphore(%dma_wait3A_203 : memref<!tpu.dma_semaphore, #tpu.memory_space<semaphore_mem>>) src(%dma_wait3A_204 : memref<128xi32, #tpu.memory_space<hbm>>) dst(%arg10 : memref<128xi32, #tpu.memory_space<vmem>>)
      %dma_wait3A_205 = arith.constant 2 : i32
      %dma_wait3A_206 = tpu.memref_slice %arg4[%multiple_of3A_199] : memref<655360xi32, #tpu.memory_space<hbm>> -> memref<128xi32, #tpu.memory_space<hbm>>
      %dma_wait3A_207 = tpu.memref_slice %arg19[%dma_wait3A_205] : memref<4x!tpu.dma_semaphore, #tpu.memory_space<semaphore_mem>> -> memref<1x!tpu.dma_semaphore, #tpu.memory_space<semaphore_mem>>
      %dma_wait3A_208 = tpu.memref_squeeze %dma_wait3A_207 : memref<1x!tpu.dma_semaphore, #tpu.memory_space<semaphore_mem>> -> memref<!tpu.dma_semaphore, #tpu.memory_space<semaphore_mem>>
      %dma_wait3A_209 = tpu.memref_slice %arg4[%multiple_of3A_199] : memref<655360xi32, #tpu.memory_space<hbm>> -> memref<128xi32, #tpu.memory_space<hbm>>
      tpu.wait_dma2 semaphore(%dma_wait3A_208 : memref<!tpu.dma_semaphore, #tpu.memory_space<semaphore_mem>>) src(%dma_wait3A_209 : memref<128xi32, #tpu.memory_space<hbm>>) dst(%arg14 : memref<128xi32, #tpu.memory_space<vmem>>)
      %dma_start3A_210 = arith.constant 0 : i32
      %dma_start3A_211 = arith.constant 0 : i32
      %dma_start3A_212 = arith.constant 0 : i32
      %dma_start3A_213 = tpu.memref_slice %arg2[%dma_start3A_211, %dma_start3A_212] : memref<10000x128xf32, #tpu.memory_space<hbm>> -> memref<10000x128xf32, #tpu.memory_space<hbm>>
      %dma_start3A_214 = tpu.memref_slice %arg20[%dma_start3A_210] : memref<2x!tpu.dma_semaphore, #tpu.memory_space<semaphore_mem>> -> memref<1x!tpu.dma_semaphore, #tpu.memory_space<semaphore_mem>>
      %dma_start3A_215 = tpu.memref_squeeze %dma_start3A_214 : memref<1x!tpu.dma_semaphore, #tpu.memory_space<semaphore_mem>> -> memref<!tpu.dma_semaphore, #tpu.memory_space<semaphore_mem>>
      tpu.enqueue_indirect_dma source(%dma_start3A_213 : memref<10000x128xf32, #tpu.memory_space<hbm>>) target(%arg16 : memref<128x128xf32, #tpu.memory_space<vmem>>) offsets(%arg10 : memref<128xi32, #tpu.memory_space<vmem>>) semaphore(%dma_start3A_215 : memref<!tpu.dma_semaphore, #tpu.memory_space<semaphore_mem>>)
      %mul3A_216 = arith.constant 4 : i32
      %mul3A_217 = arith.muli %mul3A_216, %while3A_108 : i32
      %add3A_218 = arith.constant 2 : i32
      %add3A_219 = arith.addi %mul3A_217, %add3A_218 : i32
      %dma_wait3A_220 = arith.constant 0 : i32
      %dma_wait3A_221 = arith.constant 0 : i32
      %dma_wait3A_222 = arith.constant 0 : i32
      %dma_wait3A_223 = tpu.memref_slice %arg2[%dma_wait3A_221, %dma_wait3A_222] : memref<10000x128xf32, #tpu.memory_space<hbm>> -> memref<10000x128xf32, #tpu.memory_space<hbm>>
      %dma_wait3A_224 = tpu.memref_slice %arg20[%dma_wait3A_220] : memref<2x!tpu.dma_semaphore, #tpu.memory_space<semaphore_mem>> -> memref<1x!tpu.dma_semaphore, #tpu.memory_space<semaphore_mem>>
      %dma_wait3A_225 = tpu.memref_squeeze %dma_wait3A_224 : memref<1x!tpu.dma_semaphore, #tpu.memory_space<semaphore_mem>> -> memref<!tpu.dma_semaphore, #tpu.memory_space<semaphore_mem>>
      tpu.wait_indirect_dma semaphore(%dma_wait3A_225 : memref<!tpu.dma_semaphore, #tpu.memory_space<semaphore_mem>>) src(%dma_wait3A_223 : memref<10000x128xf32, #tpu.memory_space<hbm>>) dst(%arg16 : memref<128x128xf32, #tpu.memory_space<vmem>>)
      %dma_start3A_226 = arith.constant 0 : i32
      %dma_start3A_227 = arith.constant 0 : i32
      %dma_start3A_228 = tpu.memref_slice %arg7[%dma_start3A_226, %dma_start3A_227] : memref<10240x128xf32, #tpu.memory_space<vmem_shared>> -> memref<10240x128xf32, #tpu.memory_space<vmem_shared>>
      tpu.enqueue_indirect_dma source(%arg16 : memref<128x128xf32, #tpu.memory_space<vmem>>) target(%dma_start3A_228 : memref<10240x128xf32, #tpu.memory_space<vmem_shared>>) offsets(%arg14 : memref<128xi32, #tpu.memory_space<vmem>>) semaphore(%arg21 : memref<!tpu.dma_semaphore, #tpu.memory_space<semaphore_mem>>) {add = true}
      %dma_wait3A_229 = arith.constant 0 : i32
      %dma_wait3A_230 = arith.constant 0 : i32
      %dma_wait3A_231 = tpu.memref_slice %arg7[%dma_wait3A_229, %dma_wait3A_230] : memref<10240x128xf32, #tpu.memory_space<vmem_shared>> -> memref<10240x128xf32, #tpu.memory_space<vmem_shared>>
      tpu.wait_indirect_dma semaphore(%arg21 : memref<!tpu.dma_semaphore, #tpu.memory_space<semaphore_mem>>) src(%arg17 : memref<128x128xf32, #tpu.memory_space<vmem>>) dst(%dma_wait3A_231 : memref<10240x128xf32, #tpu.memory_space<vmem_shared>>)
      %sub3A_232 = arith.constant 1 : i32
      %sub3A_233 = arith.subi %select_n3A_28, %sub3A_232 : i32
      %lt3A = arith.cmpi slt, %while3A_108, %sub3A_233 : i32
      %convert_element_type3A_234 = arith.extui %lt3A : i1 to i32
      %cond3A_235 = arith.constant 0 : i32
      %cond3A_236 = arith.cmpi ne, %convert_element_type3A_234, %cond3A_235 : i32
      scf.if %cond3A_236 {
        %add3A_287 = arith.constant 2 : i32
        %add3A_288 = arith.addi %add3A_219, %add3A_287 : i32
        %mul3A_289 = arith.constant 128 : i32
        %mul3A_290 = arith.muli %add3A_288, %mul3A_289 : i32
        %add3A_291 = arith.addi %mul3A_10, %mul3A_290 : i32
        %multiple_of3A_292 = tpu.assume_multiple %add3A_291, 8 : i32
        %dma_start3A_293 = arith.constant 0 : i32
        %dma_start3A_294 = tpu.memref_slice %arg3[%multiple_of3A_292] : memref<655360xi32, #tpu.memory_space<hbm>> -> memref<128xi32, #tpu.memory_space<hbm>>
        %dma_start3A_295 = tpu.memref_slice %arg18[%dma_start3A_293] : memref<4x!tpu.dma_semaphore, #tpu.memory_space<semaphore_mem>> -> memref<1x!tpu.dma_semaphore, #tpu.memory_space<semaphore_mem>>
        %dma_start3A_296 = tpu.memref_squeeze %dma_start3A_295 : memref<1x!tpu.dma_semaphore, #tpu.memory_space<semaphore_mem>> -> memref<!tpu.dma_semaphore, #tpu.memory_space<semaphore_mem>>
        %dma_start3A_297 = tpu.memref_slice %arg3[%multiple_of3A_292] : memref<655360xi32, #tpu.memory_space<hbm>> -> memref<128xi32, #tpu.memory_space<hbm>>
        tpu.enqueue_dma source(%dma_start3A_297 : memref<128xi32, #tpu.memory_space<hbm>>) target(%arg8 : memref<128xi32, #tpu.memory_space<vmem>>) target_semaphore(%dma_start3A_296 : memref<!tpu.dma_semaphore, #tpu.memory_space<semaphore_mem>>)
        %dma_start3A_298 = arith.constant 0 : i32
        %dma_start3A_299 = tpu.memref_slice %arg4[%multiple_of3A_292] : memref<655360xi32, #tpu.memory_space<hbm>> -> memref<128xi32, #tpu.memory_space<hbm>>
        %dma_start3A_300 = tpu.memref_slice %arg19[%dma_start3A_298] : memref<4x!tpu.dma_semaphore, #tpu.memory_space<semaphore_mem>> -> memref<1x!tpu.dma_semaphore, #tpu.memory_space<semaphore_mem>>
        %dma_start3A_301 = tpu.memref_squeeze %dma_start3A_300 : memref<1x!tpu.dma_semaphore, #tpu.memory_space<semaphore_mem>> -> memref<!tpu.dma_semaphore, #tpu.memory_space<semaphore_mem>>
        %dma_start3A_302 = tpu.memref_slice %arg4[%multiple_of3A_292] : memref<655360xi32, #tpu.memory_space<hbm>> -> memref<128xi32, #tpu.memory_space<hbm>>
        tpu.enqueue_dma source(%dma_start3A_302 : memref<128xi32, #tpu.memory_space<hbm>>) target(%arg12 : memref<128xi32, #tpu.memory_space<vmem>>) target_semaphore(%dma_start3A_301 : memref<!tpu.dma_semaphore, #tpu.memory_space<semaphore_mem>>)
      } else {
      }
      %add3A_237 = arith.constant 1 : i32
      %add3A_238 = arith.addi %add3A_219, %add3A_237 : i32
      %mul3A_239 = arith.constant 128 : i32
      %mul3A_240 = arith.muli %add3A_238, %mul3A_239 : i32
      %add3A_241 = arith.addi %mul3A_10, %mul3A_240 : i32
      %multiple_of3A_242 = tpu.assume_multiple %add3A_241, 8 : i32
      %dma_wait3A_243 = arith.constant 3 : i32
      %dma_wait3A_244 = tpu.memref_slice %arg3[%multiple_of3A_242] : memref<655360xi32, #tpu.memory_space<hbm>> -> memref<128xi32, #tpu.memory_space<hbm>>
      %dma_wait3A_245 = tpu.memref_slice %arg18[%dma_wait3A_243] : memref<4x!tpu.dma_semaphore, #tpu.memory_space<semaphore_mem>> -> memref<1x!tpu.dma_semaphore, #tpu.memory_space<semaphore_mem>>
      %dma_wait3A_246 = tpu.memref_squeeze %dma_wait3A_245 : memref<1x!tpu.dma_semaphore, #tpu.memory_space<semaphore_mem>> -> memref<!tpu.dma_semaphore, #tpu.memory_space<semaphore_mem>>
      %dma_wait3A_247 = tpu.memref_slice %arg3[%multiple_of3A_242] : memref<655360xi32, #tpu.memory_space<hbm>> -> memref<128xi32, #tpu.memory_space<hbm>>
      tpu.wait_dma2 semaphore(%dma_wait3A_246 : memref<!tpu.dma_semaphore, #tpu.memory_space<semaphore_mem>>) src(%dma_wait3A_247 : memref<128xi32, #tpu.memory_space<hbm>>) dst(%arg11 : memref<128xi32, #tpu.memory_space<vmem>>)
      %dma_wait3A_248 = arith.constant 3 : i32
      %dma_wait3A_249 = tpu.memref_slice %arg4[%multiple_of3A_242] : memref<655360xi32, #tpu.memory_space<hbm>> -> memref<128xi32, #tpu.memory_space<hbm>>
      %dma_wait3A_250 = tpu.memref_slice %arg19[%dma_wait3A_248] : memref<4x!tpu.dma_semaphore, #tpu.memory_space<semaphore_mem>> -> memref<1x!tpu.dma_semaphore, #tpu.memory_space<semaphore_mem>>
      %dma_wait3A_251 = tpu.memref_squeeze %dma_wait3A_250 : memref<1x!tpu.dma_semaphore, #tpu.memory_space<semaphore_mem>> -> memref<!tpu.dma_semaphore, #tpu.memory_space<semaphore_mem>>
      %dma_wait3A_252 = tpu.memref_slice %arg4[%multiple_of3A_242] : memref<655360xi32, #tpu.memory_space<hbm>> -> memref<128xi32, #tpu.memory_space<hbm>>
      tpu.wait_dma2 semaphore(%dma_wait3A_251 : memref<!tpu.dma_semaphore, #tpu.memory_space<semaphore_mem>>) src(%dma_wait3A_252 : memref<128xi32, #tpu.memory_space<hbm>>) dst(%arg15 : memref<128xi32, #tpu.memory_space<vmem>>)
      %dma_start3A_253 = arith.constant 1 : i32
      %dma_start3A_254 = arith.constant 0 : i32
      %dma_start3A_255 = arith.constant 0 : i32
      %dma_start3A_256 = tpu.memref_slice %arg2[%dma_start3A_254, %dma_start3A_255] : memref<10000x128xf32, #tpu.memory_space<hbm>> -> memref<10000x128xf32, #tpu.memory_space<hbm>>
      %dma_start3A_257 = tpu.memref_slice %arg20[%dma_start3A_253] : memref<2x!tpu.dma_semaphore, #tpu.memory_space<semaphore_mem>> -> memref<1x!tpu.dma_semaphore, #tpu.memory_space<semaphore_mem>>
      %dma_start3A_258 = tpu.memref_squeeze %dma_start3A_257 : memref<1x!tpu.dma_semaphore, #tpu.memory_space<semaphore_mem>> -> memref<!tpu.dma_semaphore, #tpu.memory_space<semaphore_mem>>
      tpu.enqueue_indirect_dma source(%dma_start3A_256 : memref<10000x128xf32, #tpu.memory_space<hbm>>) target(%arg17 : memref<128x128xf32, #tpu.memory_space<vmem>>) offsets(%arg11 : memref<128xi32, #tpu.memory_space<vmem>>) semaphore(%dma_start3A_258 : memref<!tpu.dma_semaphore, #tpu.memory_space<semaphore_mem>>)
      %mul3A_259 = arith.constant 4 : i32
      %mul3A_260 = arith.muli %mul3A_259, %while3A_108 : i32
      %add3A_261 = arith.constant 3 : i32
      %add3A_262 = arith.addi %mul3A_260, %add3A_261 : i32
      %dma_wait3A_263 = arith.constant 1 : i32
      %dma_wait3A_264 = arith.constant 0 : i32
      %dma_wait3A_265 = arith.constant 0 : i32
      %dma_wait3A_266 = tpu.memref_slice %arg2[%dma_wait3A_264, %dma_wait3A_265] : memref<10000x128xf32, #tpu.memory_space<hbm>> -> memref<10000x128xf32, #tpu.memory_space<hbm>>
      %dma_wait3A_267 = tpu.memref_slice %arg20[%dma_wait3A_263] : memref<2x!tpu.dma_semaphore, #tpu.memory_space<semaphore_mem>> -> memref<1x!tpu.dma_semaphore, #tpu.memory_space<semaphore_mem>>
      %dma_wait3A_268 = tpu.memref_squeeze %dma_wait3A_267 : memref<1x!tpu.dma_semaphore, #tpu.memory_space<semaphore_mem>> -> memref<!tpu.dma_semaphore, #tpu.memory_space<semaphore_mem>>
      tpu.wait_indirect_dma semaphore(%dma_wait3A_268 : memref<!tpu.dma_semaphore, #tpu.memory_space<semaphore_mem>>) src(%dma_wait3A_266 : memref<10000x128xf32, #tpu.memory_space<hbm>>) dst(%arg17 : memref<128x128xf32, #tpu.memory_space<vmem>>)
      %dma_start3A_269 = arith.constant 0 : i32
      %dma_start3A_270 = arith.constant 0 : i32
      %dma_start3A_271 = tpu.memref_slice %arg7[%dma_start3A_269, %dma_start3A_270] : memref<10240x128xf32, #tpu.memory_space<vmem_shared>> -> memref<10240x128xf32, #tpu.memory_space<vmem_shared>>
      tpu.enqueue_indirect_dma source(%arg17 : memref<128x128xf32, #tpu.memory_space<vmem>>) target(%dma_start3A_271 : memref<10240x128xf32, #tpu.memory_space<vmem_shared>>) offsets(%arg15 : memref<128xi32, #tpu.memory_space<vmem>>) semaphore(%arg21 : memref<!tpu.dma_semaphore, #tpu.memory_space<semaphore_mem>>) {add = true}
      %dma_wait3A_272 = arith.constant 0 : i32
      %dma_wait3A_273 = arith.constant 0 : i32
      %dma_wait3A_274 = tpu.memref_slice %arg7[%dma_wait3A_272, %dma_wait3A_273] : memref<10240x128xf32, #tpu.memory_space<vmem_shared>> -> memref<10240x128xf32, #tpu.memory_space<vmem_shared>>
      tpu.wait_indirect_dma semaphore(%arg21 : memref<!tpu.dma_semaphore, #tpu.memory_space<semaphore_mem>>) src(%arg16 : memref<128x128xf32, #tpu.memory_space<vmem>>) dst(%dma_wait3A_274 : memref<10240x128xf32, #tpu.memory_space<vmem_shared>>)
      %sub3A_275 = arith.constant 1 : i32
      %sub3A_276 = arith.subi %select_n3A_28, %sub3A_275 : i32
      %lt3A_277 = arith.cmpi slt, %while3A_108, %sub3A_276 : i32
      %convert_element_type3A_278 = arith.extui %lt3A_277 : i1 to i32
      %cond3A_279 = arith.constant 0 : i32
      %cond3A_280 = arith.cmpi ne, %convert_element_type3A_278, %cond3A_279 : i32
      scf.if %cond3A_280 {
        %add3A_287 = arith.constant 2 : i32
        %add3A_288 = arith.addi %add3A_262, %add3A_287 : i32
        %mul3A_289 = arith.constant 128 : i32
        %mul3A_290 = arith.muli %add3A_288, %mul3A_289 : i32
        %add3A_291 = arith.addi %mul3A_10, %mul3A_290 : i32
        %multiple_of3A_292 = tpu.assume_multiple %add3A_291, 8 : i32
        %dma_start3A_293 = arith.constant 1 : i32
        %dma_start3A_294 = tpu.memref_slice %arg3[%multiple_of3A_292] : memref<655360xi32, #tpu.memory_space<hbm>> -> memref<128xi32, #tpu.memory_space<hbm>>
        %dma_start3A_295 = tpu.memref_slice %arg18[%dma_start3A_293] : memref<4x!tpu.dma_semaphore, #tpu.memory_space<semaphore_mem>> -> memref<1x!tpu.dma_semaphore, #tpu.memory_space<semaphore_mem>>
        %dma_start3A_296 = tpu.memref_squeeze %dma_start3A_295 : memref<1x!tpu.dma_semaphore, #tpu.memory_space<semaphore_mem>> -> memref<!tpu.dma_semaphore, #tpu.memory_space<semaphore_mem>>
        %dma_start3A_297 = tpu.memref_slice %arg3[%multiple_of3A_292] : memref<655360xi32, #tpu.memory_space<hbm>> -> memref<128xi32, #tpu.memory_space<hbm>>
        tpu.enqueue_dma source(%dma_start3A_297 : memref<128xi32, #tpu.memory_space<hbm>>) target(%arg9 : memref<128xi32, #tpu.memory_space<vmem>>) target_semaphore(%dma_start3A_296 : memref<!tpu.dma_semaphore, #tpu.memory_space<semaphore_mem>>)
        %dma_start3A_298 = arith.constant 1 : i32
        %dma_start3A_299 = tpu.memref_slice %arg4[%multiple_of3A_292] : memref<655360xi32, #tpu.memory_space<hbm>> -> memref<128xi32, #tpu.memory_space<hbm>>
        %dma_start3A_300 = tpu.memref_slice %arg19[%dma_start3A_298] : memref<4x!tpu.dma_semaphore, #tpu.memory_space<semaphore_mem>> -> memref<1x!tpu.dma_semaphore, #tpu.memory_space<semaphore_mem>>
        %dma_start3A_301 = tpu.memref_squeeze %dma_start3A_300 : memref<1x!tpu.dma_semaphore, #tpu.memory_space<semaphore_mem>> -> memref<!tpu.dma_semaphore, #tpu.memory_space<semaphore_mem>>
        %dma_start3A_302 = tpu.memref_slice %arg4[%multiple_of3A_292] : memref<655360xi32, #tpu.memory_space<hbm>> -> memref<128xi32, #tpu.memory_space<hbm>>
        tpu.enqueue_dma source(%dma_start3A_302 : memref<128xi32, #tpu.memory_space<hbm>>) target(%arg13 : memref<128xi32, #tpu.memory_space<vmem>>) target_semaphore(%dma_start3A_301 : memref<!tpu.dma_semaphore, #tpu.memory_space<semaphore_mem>>)
      } else {
      }
      %sub3A_281 = arith.constant 1 : i32
      %sub3A_282 = arith.subi %select_n3A_28, %sub3A_281 : i32
      %lt3A_283 = arith.cmpi slt, %while3A_108, %sub3A_282 : i32
      %convert_element_type3A_284 = arith.extui %lt3A_283 : i1 to i32
      %cond3A_285 = arith.constant 0 : i32
      %cond3A_286 = arith.cmpi ne, %convert_element_type3A_284, %cond3A_285 : i32
      scf.if %cond3A_286 {
        %add3A_287 = arith.constant 1 : i32
        %add3A_288 = arith.addi %add3A_262, %add3A_287 : i32
        %mul3A_289 = arith.constant 128 : i32
        %mul3A_290 = arith.muli %add3A_288, %mul3A_289 : i32
        %add3A_291 = arith.addi %mul3A_10, %mul3A_290 : i32
        %multiple_of3A_292 = tpu.assume_multiple %add3A_291, 8 : i32
        %dma_wait3A_293 = arith.constant 0 : i32
        %dma_wait3A_294 = tpu.memref_slice %arg3[%multiple_of3A_292] : memref<655360xi32, #tpu.memory_space<hbm>> -> memref<128xi32, #tpu.memory_space<hbm>>
        %dma_wait3A_295 = tpu.memref_slice %arg18[%dma_wait3A_293] : memref<4x!tpu.dma_semaphore, #tpu.memory_space<semaphore_mem>> -> memref<1x!tpu.dma_semaphore, #tpu.memory_space<semaphore_mem>>
        %dma_wait3A_296 = tpu.memref_squeeze %dma_wait3A_295 : memref<1x!tpu.dma_semaphore, #tpu.memory_space<semaphore_mem>> -> memref<!tpu.dma_semaphore, #tpu.memory_space<semaphore_mem>>
        %dma_wait3A_297 = tpu.memref_slice %arg3[%multiple_of3A_292] : memref<655360xi32, #tpu.memory_space<hbm>> -> memref<128xi32, #tpu.memory_space<hbm>>
        tpu.wait_dma2 semaphore(%dma_wait3A_296 : memref<!tpu.dma_semaphore, #tpu.memory_space<semaphore_mem>>) src(%dma_wait3A_297 : memref<128xi32, #tpu.memory_space<hbm>>) dst(%arg8 : memref<128xi32, #tpu.memory_space<vmem>>)
        %dma_wait3A_298 = arith.constant 0 : i32
        %dma_wait3A_299 = tpu.memref_slice %arg4[%multiple_of3A_292] : memref<655360xi32, #tpu.memory_space<hbm>> -> memref<128xi32, #tpu.memory_space<hbm>>
        %dma_wait3A_300 = tpu.memref_slice %arg19[%dma_wait3A_298] : memref<4x!tpu.dma_semaphore, #tpu.memory_space<semaphore_mem>> -> memref<1x!tpu.dma_semaphore, #tpu.memory_space<semaphore_mem>>
        %dma_wait3A_301 = tpu.memref_squeeze %dma_wait3A_300 : memref<1x!tpu.dma_semaphore, #tpu.memory_space<semaphore_mem>> -> memref<!tpu.dma_semaphore, #tpu.memory_space<semaphore_mem>>
        %dma_wait3A_302 = tpu.memref_slice %arg4[%multiple_of3A_292] : memref<655360xi32, #tpu.memory_space<hbm>> -> memref<128xi32, #tpu.memory_space<hbm>>
        tpu.wait_dma2 semaphore(%dma_wait3A_301 : memref<!tpu.dma_semaphore, #tpu.memory_space<semaphore_mem>>) src(%dma_wait3A_302 : memref<128xi32, #tpu.memory_space<hbm>>) dst(%arg12 : memref<128xi32, #tpu.memory_space<vmem>>)
        %dma_start3A_303 = arith.constant 0 : i32
        %dma_start3A_304 = arith.constant 0 : i32
        %dma_start3A_305 = arith.constant 0 : i32
        %dma_start3A_306 = tpu.memref_slice %arg2[%dma_start3A_304, %dma_start3A_305] : memref<10000x128xf32, #tpu.memory_space<hbm>> -> memref<10000x128xf32, #tpu.memory_space<hbm>>
        %dma_start3A_307 = tpu.memref_slice %arg20[%dma_start3A_303] : memref<2x!tpu.dma_semaphore, #tpu.memory_space<semaphore_mem>> -> memref<1x!tpu.dma_semaphore, #tpu.memory_space<semaphore_mem>>
        %dma_start3A_308 = tpu.memref_squeeze %dma_start3A_307 : memref<1x!tpu.dma_semaphore, #tpu.memory_space<semaphore_mem>> -> memref<!tpu.dma_semaphore, #tpu.memory_space<semaphore_mem>>
        tpu.enqueue_indirect_dma source(%dma_start3A_306 : memref<10000x128xf32, #tpu.memory_space<hbm>>) target(%arg16 : memref<128x128xf32, #tpu.memory_space<vmem>>) offsets(%arg8 : memref<128xi32, #tpu.memory_space<vmem>>) semaphore(%dma_start3A_308 : memref<!tpu.dma_semaphore, #tpu.memory_space<semaphore_mem>>)
      } else {
      }
    }
    %while3A_84 = arith.constant 1 : i32
    scf.for %while3A_108 = %while3A_82 to %while3A_78 step %while3A_84  : i32 {
      %mul3A_109 = arith.constant 4 : i32
      %mul3A_110 = arith.muli %mul3A_109, %while3A_108 : i32
      %add3A_111 = arith.constant 0 : i32
      %add3A_112 = arith.addi %mul3A_110, %add3A_111 : i32
      %dma_wait3A_113 = arith.constant 0 : i32
      %dma_wait3A_114 = arith.constant 0 : i32
      %dma_wait3A_115 = arith.constant 0 : i32
      %dma_wait3A_116 = tpu.memref_slice %arg2[%dma_wait3A_114, %dma_wait3A_115] : memref<10000x128xf32, #tpu.memory_space<hbm>> -> memref<10000x128xf32, #tpu.memory_space<hbm>>
      %dma_wait3A_117 = tpu.memref_slice %arg20[%dma_wait3A_113] : memref<2x!tpu.dma_semaphore, #tpu.memory_space<semaphore_mem>> -> memref<1x!tpu.dma_semaphore, #tpu.memory_space<semaphore_mem>>
      %dma_wait3A_118 = tpu.memref_squeeze %dma_wait3A_117 : memref<1x!tpu.dma_semaphore, #tpu.memory_space<semaphore_mem>> -> memref<!tpu.dma_semaphore, #tpu.memory_space<semaphore_mem>>
      tpu.wait_indirect_dma semaphore(%dma_wait3A_118 : memref<!tpu.dma_semaphore, #tpu.memory_space<semaphore_mem>>) src(%dma_wait3A_116 : memref<10000x128xf32, #tpu.memory_space<hbm>>) dst(%arg16 : memref<128x128xf32, #tpu.memory_space<vmem>>)
      %dma_start3A_119 = arith.constant 0 : i32
      %dma_start3A_120 = arith.constant 0 : i32
      %dma_start3A_121 = tpu.memref_slice %arg7[%dma_start3A_119, %dma_start3A_120] : memref<10240x128xf32, #tpu.memory_space<vmem_shared>> -> memref<10240x128xf32, #tpu.memory_space<vmem_shared>>
      tpu.enqueue_indirect_dma source(%arg16 : memref<128x128xf32, #tpu.memory_space<vmem>>) target(%dma_start3A_121 : memref<10240x128xf32, #tpu.memory_space<vmem_shared>>) offsets(%arg12 : memref<128xi32, #tpu.memory_space<vmem>>) semaphore(%arg21 : memref<!tpu.dma_semaphore, #tpu.memory_space<semaphore_mem>>) {add = true}
      %gt3A = arith.constant 0 : i32
      %gt3A_122 = arith.cmpi sgt, %while3A_108, %gt3A : i32
      %convert_element_type3A = arith.extui %gt3A_122 : i1 to i32
      %cond3A = arith.constant 0 : i32
      %cond3A_123 = arith.cmpi ne, %convert_element_type3A, %cond3A : i32
      scf.if %cond3A_123 {
        %dma_wait3A_287 = arith.constant 0 : i32
        %dma_wait3A_288 = arith.constant 0 : i32
        %dma_wait3A_289 = tpu.memref_slice %arg7[%dma_wait3A_287, %dma_wait3A_288] : memref<10240x128xf32, #tpu.memory_space<vmem_shared>> -> memref<10240x128xf32, #tpu.memory_space<vmem_shared>>
        tpu.wait_indirect_dma semaphore(%arg21 : memref<!tpu.dma_semaphore, #tpu.memory_space<semaphore_mem>>) src(%arg17 : memref<128x128xf32, #tpu.memory_space<vmem>>) dst(%dma_wait3A_289 : memref<10240x128xf32, #tpu.memory_space<vmem_shared>>)
      } else {
      }
      %add3A_124 = arith.constant 2 : i32
      %add3A_125 = arith.addi %add3A_112, %add3A_124 : i32
      %mul3A_126 = arith.constant 128 : i32
      %mul3A_127 = arith.muli %add3A_125, %mul3A_126 : i32
      %add3A_128 = arith.addi %mul3A_10, %mul3A_127 : i32
      %multiple_of3A_129 = tpu.assume_multiple %add3A_128, 8 : i32
      %dma_start3A_130 = arith.constant 2 : i32
      %dma_start3A_131 = tpu.memref_slice %arg3[%multiple_of3A_129] : memref<655360xi32, #tpu.memory_space<hbm>> -> memref<128xi32, #tpu.memory_space<hbm>>
      %dma_start3A_132 = tpu.memref_slice %arg18[%dma_start3A_130] : memref<4x!tpu.dma_semaphore, #tpu.memory_space<semaphore_mem>> -> memref<1x!tpu.dma_semaphore, #tpu.memory_space<semaphore_mem>>
      %dma_start3A_133 = tpu.memref_squeeze %dma_start3A_132 : memref<1x!tpu.dma_semaphore, #tpu.memory_space<semaphore_mem>> -> memref<!tpu.dma_semaphore, #tpu.memory_space<semaphore_mem>>
      %dma_start3A_134 = tpu.memref_slice %arg3[%multiple_of3A_129] : memref<655360xi32, #tpu.memory_space<hbm>> -> memref<128xi32, #tpu.memory_space<hbm>>
      tpu.enqueue_dma source(%dma_start3A_134 : memref<128xi32, #tpu.memory_space<hbm>>) target(%arg10 : memref<128xi32, #tpu.memory_space<vmem>>) target_semaphore(%dma_start3A_133 : memref<!tpu.dma_semaphore, #tpu.memory_space<semaphore_mem>>)
      %dma_start3A_135 = arith.constant 2 : i32
      %dma_start3A_136 = tpu.memref_slice %arg4[%multiple_of3A_129] : memref<655360xi32, #tpu.memory_space<hbm>> -> memref<128xi32, #tpu.memory_space<hbm>>
      %dma_start3A_137 = tpu.memref_slice %arg19[%dma_start3A_135] : memref<4x!tpu.dma_semaphore, #tpu.memory_space<semaphore_mem>> -> memref<1x!tpu.dma_semaphore, #tpu.memory_space<semaphore_mem>>
      %dma_start3A_138 = tpu.memref_squeeze %dma_start3A_137 : memref<1x!tpu.dma_semaphore, #tpu.memory_space<semaphore_mem>> -> memref<!tpu.dma_semaphore, #tpu.memory_space<semaphore_mem>>
      %dma_start3A_139 = tpu.memref_slice %arg4[%multiple_of3A_129] : memref<655360xi32, #tpu.memory_space<hbm>> -> memref<128xi32, #tpu.memory_space<hbm>>
      tpu.enqueue_dma source(%dma_start3A_139 : memref<128xi32, #tpu.memory_space<hbm>>) target(%arg14 : memref<128xi32, #tpu.memory_space<vmem>>) target_semaphore(%dma_start3A_138 : memref<!tpu.dma_semaphore, #tpu.memory_space<semaphore_mem>>)
      %add3A_140 = arith.constant 1 : i32
      %add3A_141 = arith.addi %add3A_112, %add3A_140 : i32
      %mul3A_142 = arith.constant 128 : i32
      %mul3A_143 = arith.muli %add3A_141, %mul3A_142 : i32
      %add3A_144 = arith.addi %mul3A_10, %mul3A_143 : i32
      %multiple_of3A_145 = tpu.assume_multiple %add3A_144, 8 : i32
      %dma_wait3A_146 = arith.constant 1 : i32
      %dma_wait3A_147 = tpu.memref_slice %arg3[%multiple_of3A_145] : memref<655360xi32, #tpu.memory_space<hbm>> -> memref<128xi32, #tpu.memory_space<hbm>>
      %dma_wait3A_148 = tpu.memref_slice %arg18[%dma_wait3A_146] : memref<4x!tpu.dma_semaphore, #tpu.memory_space<semaphore_mem>> -> memref<1x!tpu.dma_semaphore, #tpu.memory_space<semaphore_mem>>
      %dma_wait3A_149 = tpu.memref_squeeze %dma_wait3A_148 : memref<1x!tpu.dma_semaphore, #tpu.memory_space<semaphore_mem>> -> memref<!tpu.dma_semaphore, #tpu.memory_space<semaphore_mem>>
      %dma_wait3A_150 = tpu.memref_slice %arg3[%multiple_of3A_145] : memref<655360xi32, #tpu.memory_space<hbm>> -> memref<128xi32, #tpu.memory_space<hbm>>
      tpu.wait_dma2 semaphore(%dma_wait3A_149 : memref<!tpu.dma_semaphore, #tpu.memory_space<semaphore_mem>>) src(%dma_wait3A_150 : memref<128xi32, #tpu.memory_space<hbm>>) dst(%arg9 : memref<128xi32, #tpu.memory_space<vmem>>)
      %dma_wait3A_151 = arith.constant 1 : i32
      %dma_wait3A_152 = tpu.memref_slice %arg4[%multiple_of3A_145] : memref<655360xi32, #tpu.memory_space<hbm>> -> memref<128xi32, #tpu.memory_space<hbm>>
      %dma_wait3A_153 = tpu.memref_slice %arg19[%dma_wait3A_151] : memref<4x!tpu.dma_semaphore, #tpu.memory_space<semaphore_mem>> -> memref<1x!tpu.dma_semaphore, #tpu.memory_space<semaphore_mem>>
      %dma_wait3A_154 = tpu.memref_squeeze %dma_wait3A_153 : memref<1x!tpu.dma_semaphore, #tpu.memory_space<semaphore_mem>> -> memref<!tpu.dma_semaphore, #tpu.memory_space<semaphore_mem>>
      %dma_wait3A_155 = tpu.memref_slice %arg4[%multiple_of3A_145] : memref<655360xi32, #tpu.memory_space<hbm>> -> memref<128xi32, #tpu.memory_space<hbm>>
      tpu.wait_dma2 semaphore(%dma_wait3A_154 : memref<!tpu.dma_semaphore, #tpu.memory_space<semaphore_mem>>) src(%dma_wait3A_155 : memref<128xi32, #tpu.memory_space<hbm>>) dst(%arg13 : memref<128xi32, #tpu.memory_space<vmem>>)
      %dma_start3A_156 = arith.constant 1 : i32
      %dma_start3A_157 = arith.constant 0 : i32
      %dma_start3A_158 = arith.constant 0 : i32
      %dma_start3A_159 = tpu.memref_slice %arg2[%dma_start3A_157, %dma_start3A_158] : memref<10000x128xf32, #tpu.memory_space<hbm>> -> memref<10000x128xf32, #tpu.memory_space<hbm>>
      %dma_start3A_160 = tpu.memref_slice %arg20[%dma_start3A_156] : memref<2x!tpu.dma_semaphore, #tpu.memory_space<semaphore_mem>> -> memref<1x!tpu.dma_semaphore, #tpu.memory_space<semaphore_mem>>
      %dma_start3A_161 = tpu.memref_squeeze %dma_start3A_160 : memref<1x!tpu.dma_semaphore, #tpu.memory_space<semaphore_mem>> -> memref<!tpu.dma_semaphore, #tpu.memory_space<semaphore_mem>>
      tpu.enqueue_indirect_dma source(%dma_start3A_159 : memref<10000x128xf32, #tpu.memory_space<hbm>>) target(%arg17 : memref<128x128xf32, #tpu.memory_space<vmem>>) offsets(%arg9 : memref<128xi32, #tpu.memory_space<vmem>>) semaphore(%dma_start3A_161 : memref<!tpu.dma_semaphore, #tpu.memory_space<semaphore_mem>>)
      %mul3A_162 = arith.constant 4 : i32
      %mul3A_163 = arith.muli %mul3A_162, %while3A_108 : i32
      %add3A_164 = arith.constant 1 : i32
      %add3A_165 = arith.addi %mul3A_163, %add3A_164 : i32
      %dma_wait3A_166 = arith.constant 1 : i32
      %dma_wait3A_167 = arith.constant 0 : i32
      %dma_wait3A_168 = arith.constant 0 : i32
      %dma_wait3A_169 = tpu.memref_slice %arg2[%dma_wait3A_167, %dma_wait3A_168] : memref<10000x128xf32, #tpu.memory_space<hbm>> -> memref<10000x128xf32, #tpu.memory_space<hbm>>
      %dma_wait3A_170 = tpu.memref_slice %arg20[%dma_wait3A_166] : memref<2x!tpu.dma_semaphore, #tpu.memory_space<semaphore_mem>> -> memref<1x!tpu.dma_semaphore, #tpu.memory_space<semaphore_mem>>
      %dma_wait3A_171 = tpu.memref_squeeze %dma_wait3A_170 : memref<1x!tpu.dma_semaphore, #tpu.memory_space<semaphore_mem>> -> memref<!tpu.dma_semaphore, #tpu.memory_space<semaphore_mem>>
      tpu.wait_indirect_dma semaphore(%dma_wait3A_171 : memref<!tpu.dma_semaphore, #tpu.memory_space<semaphore_mem>>) src(%dma_wait3A_169 : memref<10000x128xf32, #tpu.memory_space<hbm>>) dst(%arg17 : memref<128x128xf32, #tpu.memory_space<vmem>>)
      %dma_start3A_172 = arith.constant 0 : i32
      %dma_start3A_173 = arith.constant 0 : i32
      %dma_start3A_174 = tpu.memref_slice %arg7[%dma_start3A_172, %dma_start3A_173] : memref<10240x128xf32, #tpu.memory_space<vmem_shared>> -> memref<10240x128xf32, #tpu.memory_space<vmem_shared>>
      tpu.enqueue_indirect_dma source(%arg17 : memref<128x128xf32, #tpu.memory_space<vmem>>) target(%dma_start3A_174 : memref<10240x128xf32, #tpu.memory_space<vmem_shared>>) offsets(%arg13 : memref<128xi32, #tpu.memory_space<vmem>>) semaphore(%arg21 : memref<!tpu.dma_semaphore, #tpu.memory_space<semaphore_mem>>) {add = true}
      %dma_wait3A_175 = arith.constant 0 : i32
      %dma_wait3A_176 = arith.constant 0 : i32
      %dma_wait3A_177 = tpu.memref_slice %arg7[%dma_wait3A_175, %dma_wait3A_176] : memref<10240x128xf32, #tpu.memory_space<vmem_shared>> -> memref<10240x128xf32, #tpu.memory_space<vmem_shared>>
      tpu.wait_indirect_dma semaphore(%arg21 : memref<!tpu.dma_semaphore, #tpu.memory_space<semaphore_mem>>) src(%arg16 : memref<128x128xf32, #tpu.memory_space<vmem>>) dst(%dma_wait3A_177 : memref<10240x128xf32, #tpu.memory_space<vmem_shared>>)
      %add3A_178 = arith.constant 2 : i32
      %add3A_179 = arith.addi %add3A_165, %add3A_178 : i32
      %mul3A_180 = arith.constant 128 : i32
      %mul3A_181 = arith.muli %add3A_179, %mul3A_180 : i32
      %add3A_182 = arith.addi %mul3A_10, %mul3A_181 : i32
      %multiple_of3A_183 = tpu.assume_multiple %add3A_182, 8 : i32
      %dma_start3A_184 = arith.constant 3 : i32
      %dma_start3A_185 = tpu.memref_slice %arg3[%multiple_of3A_183] : memref<655360xi32, #tpu.memory_space<hbm>> -> memref<128xi32, #tpu.memory_space<hbm>>
      %dma_start3A_186 = tpu.memref_slice %arg18[%dma_start3A_184] : memref<4x!tpu.dma_semaphore, #tpu.memory_space<semaphore_mem>> -> memref<1x!tpu.dma_semaphore, #tpu.memory_space<semaphore_mem>>
      %dma_start3A_187 = tpu.memref_squeeze %dma_start3A_186 : memref<1x!tpu.dma_semaphore, #tpu.memory_space<semaphore_mem>> -> memref<!tpu.dma_semaphore, #tpu.memory_space<semaphore_mem>>
      %dma_start3A_188 = tpu.memref_slice %arg3[%multiple_of3A_183] : memref<655360xi32, #tpu.memory_space<hbm>> -> memref<128xi32, #tpu.memory_space<hbm>>
      tpu.enqueue_dma source(%dma_start3A_188 : memref<128xi32, #tpu.memory_space<hbm>>) target(%arg11 : memref<128xi32, #tpu.memory_space<vmem>>) target_semaphore(%dma_start3A_187 : memref<!tpu.dma_semaphore, #tpu.memory_space<semaphore_mem>>)
      %dma_start3A_189 = arith.constant 3 : i32
      %dma_start3A_190 = tpu.memref_slice %arg4[%multiple_of3A_183] : memref<655360xi32, #tpu.memory_space<hbm>> -> memref<128xi32, #tpu.memory_space<hbm>>
      %dma_start3A_191 = tpu.memref_slice %arg19[%dma_start3A_189] : memref<4x!tpu.dma_semaphore, #tpu.memory_space<semaphore_mem>> -> memref<1x!tpu.dma_semaphore, #tpu.memory_space<semaphore_mem>>
      %dma_start3A_192 = tpu.memref_squeeze %dma_start3A_191 : memref<1x!tpu.dma_semaphore, #tpu.memory_space<semaphore_mem>> -> memref<!tpu.dma_semaphore, #tpu.memory_space<semaphore_mem>>
      %dma_start3A_193 = tpu.memref_slice %arg4[%multiple_of3A_183] : memref<655360xi32, #tpu.memory_space<hbm>> -> memref<128xi32, #tpu.memory_space<hbm>>
      tpu.enqueue_dma source(%dma_start3A_193 : memref<128xi32, #tpu.memory_space<hbm>>) target(%arg15 : memref<128xi32, #tpu.memory_space<vmem>>) target_semaphore(%dma_start3A_192 : memref<!tpu.dma_semaphore, #tpu.memory_space<semaphore_mem>>)
      %add3A_194 = arith.constant 1 : i32
      %add3A_195 = arith.addi %add3A_165, %add3A_194 : i32
      %mul3A_196 = arith.constant 128 : i32
      %mul3A_197 = arith.muli %add3A_195, %mul3A_196 : i32
      %add3A_198 = arith.addi %mul3A_10, %mul3A_197 : i32
      %multiple_of3A_199 = tpu.assume_multiple %add3A_198, 8 : i32
      %dma_wait3A_200 = arith.constant 2 : i32
      %dma_wait3A_201 = tpu.memref_slice %arg3[%multiple_of3A_199] : memref<655360xi32, #tpu.memory_space<hbm>> -> memref<128xi32, #tpu.memory_space<hbm>>
      %dma_wait3A_202 = tpu.memref_slice %arg18[%dma_wait3A_200] : memref<4x!tpu.dma_semaphore, #tpu.memory_space<semaphore_mem>> -> memref<1x!tpu.dma_semaphore, #tpu.memory_space<semaphore_mem>>
      %dma_wait3A_203 = tpu.memref_squeeze %dma_wait3A_202 : memref<1x!tpu.dma_semaphore, #tpu.memory_space<semaphore_mem>> -> memref<!tpu.dma_semaphore, #tpu.memory_space<semaphore_mem>>
      %dma_wait3A_204 = tpu.memref_slice %arg3[%multiple_of3A_199] : memref<655360xi32, #tpu.memory_space<hbm>> -> memref<128xi32, #tpu.memory_space<hbm>>
      tpu.wait_dma2 semaphore(%dma_wait3A_203 : memref<!tpu.dma_semaphore, #tpu.memory_space<semaphore_mem>>) src(%dma_wait3A_204 : memref<128xi32, #tpu.memory_space<hbm>>) dst(%arg10 : memref<128xi32, #tpu.memory_space<vmem>>)
      %dma_wait3A_205 = arith.constant 2 : i32
      %dma_wait3A_206 = tpu.memref_slice %arg4[%multiple_of3A_199] : memref<655360xi32, #tpu.memory_space<hbm>> -> memref<128xi32, #tpu.memory_space<hbm>>
      %dma_wait3A_207 = tpu.memref_slice %arg19[%dma_wait3A_205] : memref<4x!tpu.dma_semaphore, #tpu.memory_space<semaphore_mem>> -> memref<1x!tpu.dma_semaphore, #tpu.memory_space<semaphore_mem>>
      %dma_wait3A_208 = tpu.memref_squeeze %dma_wait3A_207 : memref<1x!tpu.dma_semaphore, #tpu.memory_space<semaphore_mem>> -> memref<!tpu.dma_semaphore, #tpu.memory_space<semaphore_mem>>
      %dma_wait3A_209 = tpu.memref_slice %arg4[%multiple_of3A_199] : memref<655360xi32, #tpu.memory_space<hbm>> -> memref<128xi32, #tpu.memory_space<hbm>>
      tpu.wait_dma2 semaphore(%dma_wait3A_208 : memref<!tpu.dma_semaphore, #tpu.memory_space<semaphore_mem>>) src(%dma_wait3A_209 : memref<128xi32, #tpu.memory_space<hbm>>) dst(%arg14 : memref<128xi32, #tpu.memory_space<vmem>>)
      %dma_start3A_210 = arith.constant 0 : i32
      %dma_start3A_211 = arith.constant 0 : i32
      %dma_start3A_212 = arith.constant 0 : i32
      %dma_start3A_213 = tpu.memref_slice %arg2[%dma_start3A_211, %dma_start3A_212] : memref<10000x128xf32, #tpu.memory_space<hbm>> -> memref<10000x128xf32, #tpu.memory_space<hbm>>
      %dma_start3A_214 = tpu.memref_slice %arg20[%dma_start3A_210] : memref<2x!tpu.dma_semaphore, #tpu.memory_space<semaphore_mem>> -> memref<1x!tpu.dma_semaphore, #tpu.memory_space<semaphore_mem>>
      %dma_start3A_215 = tpu.memref_squeeze %dma_start3A_214 : memref<1x!tpu.dma_semaphore, #tpu.memory_space<semaphore_mem>> -> memref<!tpu.dma_semaphore, #tpu.memory_space<semaphore_mem>>
      tpu.enqueue_indirect_dma source(%dma_start3A_213 : memref<10000x128xf32, #tpu.memory_space<hbm>>) target(%arg16 : memref<128x128xf32, #tpu.memory_space<vmem>>) offsets(%arg10 : memref<128xi32, #tpu.memory_space<vmem>>) semaphore(%dma_start3A_215 : memref<!tpu.dma_semaphore, #tpu.memory_space<semaphore_mem>>)
      %mul3A_216 = arith.constant 4 : i32
      %mul3A_217 = arith.muli %mul3A_216, %while3A_108 : i32
      %add3A_218 = arith.constant 2 : i32
      %add3A_219 = arith.addi %mul3A_217, %add3A_218 : i32
      %dma_wait3A_220 = arith.constant 0 : i32
      %dma_wait3A_221 = arith.constant 0 : i32
      %dma_wait3A_222 = arith.constant 0 : i32
      %dma_wait3A_223 = tpu.memref_slice %arg2[%dma_wait3A_221, %dma_wait3A_222] : memref<10000x128xf32, #tpu.memory_space<hbm>> -> memref<10000x128xf32, #tpu.memory_space<hbm>>
      %dma_wait3A_224 = tpu.memref_slice %arg20[%dma_wait3A_220] : memref<2x!tpu.dma_semaphore, #tpu.memory_space<semaphore_mem>> -> memref<1x!tpu.dma_semaphore, #tpu.memory_space<semaphore_mem>>
      %dma_wait3A_225 = tpu.memref_squeeze %dma_wait3A_224 : memref<1x!tpu.dma_semaphore, #tpu.memory_space<semaphore_mem>> -> memref<!tpu.dma_semaphore, #tpu.memory_space<semaphore_mem>>
      tpu.wait_indirect_dma semaphore(%dma_wait3A_225 : memref<!tpu.dma_semaphore, #tpu.memory_space<semaphore_mem>>) src(%dma_wait3A_223 : memref<10000x128xf32, #tpu.memory_space<hbm>>) dst(%arg16 : memref<128x128xf32, #tpu.memory_space<vmem>>)
      %dma_start3A_226 = arith.constant 0 : i32
      %dma_start3A_227 = arith.constant 0 : i32
      %dma_start3A_228 = tpu.memref_slice %arg7[%dma_start3A_226, %dma_start3A_227] : memref<10240x128xf32, #tpu.memory_space<vmem_shared>> -> memref<10240x128xf32, #tpu.memory_space<vmem_shared>>
      tpu.enqueue_indirect_dma source(%arg16 : memref<128x128xf32, #tpu.memory_space<vmem>>) target(%dma_start3A_228 : memref<10240x128xf32, #tpu.memory_space<vmem_shared>>) offsets(%arg14 : memref<128xi32, #tpu.memory_space<vmem>>) semaphore(%arg21 : memref<!tpu.dma_semaphore, #tpu.memory_space<semaphore_mem>>) {add = true}
      %dma_wait3A_229 = arith.constant 0 : i32
      %dma_wait3A_230 = arith.constant 0 : i32
      %dma_wait3A_231 = tpu.memref_slice %arg7[%dma_wait3A_229, %dma_wait3A_230] : memref<10240x128xf32, #tpu.memory_space<vmem_shared>> -> memref<10240x128xf32, #tpu.memory_space<vmem_shared>>
      tpu.wait_indirect_dma semaphore(%arg21 : memref<!tpu.dma_semaphore, #tpu.memory_space<semaphore_mem>>) src(%arg17 : memref<128x128xf32, #tpu.memory_space<vmem>>) dst(%dma_wait3A_231 : memref<10240x128xf32, #tpu.memory_space<vmem_shared>>)
      %sub3A_232 = arith.constant 1 : i32
      %sub3A_233 = arith.subi %select_n3A_28, %sub3A_232 : i32
      %lt3A = arith.cmpi slt, %while3A_108, %sub3A_233 : i32
      %convert_element_type3A_234 = arith.extui %lt3A : i1 to i32
      %cond3A_235 = arith.constant 0 : i32
      %cond3A_236 = arith.cmpi ne, %convert_element_type3A_234, %cond3A_235 : i32
      scf.if %cond3A_236 {
        %add3A_287 = arith.constant 2 : i32
        %add3A_288 = arith.addi %add3A_219, %add3A_287 : i32
        %mul3A_289 = arith.constant 128 : i32
        %mul3A_290 = arith.muli %add3A_288, %mul3A_289 : i32
        %add3A_291 = arith.addi %mul3A_10, %mul3A_290 : i32
        %multiple_of3A_292 = tpu.assume_multiple %add3A_291, 8 : i32
        %dma_start3A_293 = arith.constant 0 : i32
        %dma_start3A_294 = tpu.memref_slice %arg3[%multiple_of3A_292] : memref<655360xi32, #tpu.memory_space<hbm>> -> memref<128xi32, #tpu.memory_space<hbm>>
        %dma_start3A_295 = tpu.memref_slice %arg18[%dma_start3A_293] : memref<4x!tpu.dma_semaphore, #tpu.memory_space<semaphore_mem>> -> memref<1x!tpu.dma_semaphore, #tpu.memory_space<semaphore_mem>>
        %dma_start3A_296 = tpu.memref_squeeze %dma_start3A_295 : memref<1x!tpu.dma_semaphore, #tpu.memory_space<semaphore_mem>> -> memref<!tpu.dma_semaphore, #tpu.memory_space<semaphore_mem>>
        %dma_start3A_297 = tpu.memref_slice %arg3[%multiple_of3A_292] : memref<655360xi32, #tpu.memory_space<hbm>> -> memref<128xi32, #tpu.memory_space<hbm>>
        tpu.enqueue_dma source(%dma_start3A_297 : memref<128xi32, #tpu.memory_space<hbm>>) target(%arg8 : memref<128xi32, #tpu.memory_space<vmem>>) target_semaphore(%dma_start3A_296 : memref<!tpu.dma_semaphore, #tpu.memory_space<semaphore_mem>>)
        %dma_start3A_298 = arith.constant 0 : i32
        %dma_start3A_299 = tpu.memref_slice %arg4[%multiple_of3A_292] : memref<655360xi32, #tpu.memory_space<hbm>> -> memref<128xi32, #tpu.memory_space<hbm>>
        %dma_start3A_300 = tpu.memref_slice %arg19[%dma_start3A_298] : memref<4x!tpu.dma_semaphore, #tpu.memory_space<semaphore_mem>> -> memref<1x!tpu.dma_semaphore, #tpu.memory_space<semaphore_mem>>
        %dma_start3A_301 = tpu.memref_squeeze %dma_start3A_300 : memref<1x!tpu.dma_semaphore, #tpu.memory_space<semaphore_mem>> -> memref<!tpu.dma_semaphore, #tpu.memory_space<semaphore_mem>>
        %dma_start3A_302 = tpu.memref_slice %arg4[%multiple_of3A_292] : memref<655360xi32, #tpu.memory_space<hbm>> -> memref<128xi32, #tpu.memory_space<hbm>>
        tpu.enqueue_dma source(%dma_start3A_302 : memref<128xi32, #tpu.memory_space<hbm>>) target(%arg12 : memref<128xi32, #tpu.memory_space<vmem>>) target_semaphore(%dma_start3A_301 : memref<!tpu.dma_semaphore, #tpu.memory_space<semaphore_mem>>)
      } else {
      }
      %add3A_237 = arith.constant 1 : i32
      %add3A_238 = arith.addi %add3A_219, %add3A_237 : i32
      %mul3A_239 = arith.constant 128 : i32
      %mul3A_240 = arith.muli %add3A_238, %mul3A_239 : i32
      %add3A_241 = arith.addi %mul3A_10, %mul3A_240 : i32
      %multiple_of3A_242 = tpu.assume_multiple %add3A_241, 8 : i32
      %dma_wait3A_243 = arith.constant 3 : i32
      %dma_wait3A_244 = tpu.memref_slice %arg3[%multiple_of3A_242] : memref<655360xi32, #tpu.memory_space<hbm>> -> memref<128xi32, #tpu.memory_space<hbm>>
      %dma_wait3A_245 = tpu.memref_slice %arg18[%dma_wait3A_243] : memref<4x!tpu.dma_semaphore, #tpu.memory_space<semaphore_mem>> -> memref<1x!tpu.dma_semaphore, #tpu.memory_space<semaphore_mem>>
      %dma_wait3A_246 = tpu.memref_squeeze %dma_wait3A_245 : memref<1x!tpu.dma_semaphore, #tpu.memory_space<semaphore_mem>> -> memref<!tpu.dma_semaphore, #tpu.memory_space<semaphore_mem>>
      %dma_wait3A_247 = tpu.memref_slice %arg3[%multiple_of3A_242] : memref<655360xi32, #tpu.memory_space<hbm>> -> memref<128xi32, #tpu.memory_space<hbm>>
      tpu.wait_dma2 semaphore(%dma_wait3A_246 : memref<!tpu.dma_semaphore, #tpu.memory_space<semaphore_mem>>) src(%dma_wait3A_247 : memref<128xi32, #tpu.memory_space<hbm>>) dst(%arg11 : memref<128xi32, #tpu.memory_space<vmem>>)
      %dma_wait3A_248 = arith.constant 3 : i32
      %dma_wait3A_249 = tpu.memref_slice %arg4[%multiple_of3A_242] : memref<655360xi32, #tpu.memory_space<hbm>> -> memref<128xi32, #tpu.memory_space<hbm>>
      %dma_wait3A_250 = tpu.memref_slice %arg19[%dma_wait3A_248] : memref<4x!tpu.dma_semaphore, #tpu.memory_space<semaphore_mem>> -> memref<1x!tpu.dma_semaphore, #tpu.memory_space<semaphore_mem>>
      %dma_wait3A_251 = tpu.memref_squeeze %dma_wait3A_250 : memref<1x!tpu.dma_semaphore, #tpu.memory_space<semaphore_mem>> -> memref<!tpu.dma_semaphore, #tpu.memory_space<semaphore_mem>>
      %dma_wait3A_252 = tpu.memref_slice %arg4[%multiple_of3A_242] : memref<655360xi32, #tpu.memory_space<hbm>> -> memref<128xi32, #tpu.memory_space<hbm>>
      tpu.wait_dma2 semaphore(%dma_wait3A_251 : memref<!tpu.dma_semaphore, #tpu.memory_space<semaphore_mem>>) src(%dma_wait3A_252 : memref<128xi32, #tpu.memory_space<hbm>>) dst(%arg15 : memref<128xi32, #tpu.memory_space<vmem>>)
      %dma_start3A_253 = arith.constant 1 : i32
      %dma_start3A_254 = arith.constant 0 : i32
      %dma_start3A_255 = arith.constant 0 : i32
      %dma_start3A_256 = tpu.memref_slice %arg2[%dma_start3A_254, %dma_start3A_255] : memref<10000x128xf32, #tpu.memory_space<hbm>> -> memref<10000x128xf32, #tpu.memory_space<hbm>>
      %dma_start3A_257 = tpu.memref_slice %arg20[%dma_start3A_253] : memref<2x!tpu.dma_semaphore, #tpu.memory_space<semaphore_mem>> -> memref<1x!tpu.dma_semaphore, #tpu.memory_space<semaphore_mem>>
      %dma_start3A_258 = tpu.memref_squeeze %dma_start3A_257 : memref<1x!tpu.dma_semaphore, #tpu.memory_space<semaphore_mem>> -> memref<!tpu.dma_semaphore, #tpu.memory_space<semaphore_mem>>
      tpu.enqueue_indirect_dma source(%dma_start3A_256 : memref<10000x128xf32, #tpu.memory_space<hbm>>) target(%arg17 : memref<128x128xf32, #tpu.memory_space<vmem>>) offsets(%arg11 : memref<128xi32, #tpu.memory_space<vmem>>) semaphore(%dma_start3A_258 : memref<!tpu.dma_semaphore, #tpu.memory_space<semaphore_mem>>)
      %mul3A_259 = arith.constant 4 : i32
      %mul3A_260 = arith.muli %mul3A_259, %while3A_108 : i32
      %add3A_261 = arith.constant 3 : i32
      %add3A_262 = arith.addi %mul3A_260, %add3A_261 : i32
      %dma_wait3A_263 = arith.constant 1 : i32
      %dma_wait3A_264 = arith.constant 0 : i32
      %dma_wait3A_265 = arith.constant 0 : i32
      %dma_wait3A_266 = tpu.memref_slice %arg2[%dma_wait3A_264, %dma_wait3A_265] : memref<10000x128xf32, #tpu.memory_space<hbm>> -> memref<10000x128xf32, #tpu.memory_space<hbm>>
      %dma_wait3A_267 = tpu.memref_slice %arg20[%dma_wait3A_263] : memref<2x!tpu.dma_semaphore, #tpu.memory_space<semaphore_mem>> -> memref<1x!tpu.dma_semaphore, #tpu.memory_space<semaphore_mem>>
      %dma_wait3A_268 = tpu.memref_squeeze %dma_wait3A_267 : memref<1x!tpu.dma_semaphore, #tpu.memory_space<semaphore_mem>> -> memref<!tpu.dma_semaphore, #tpu.memory_space<semaphore_mem>>
      tpu.wait_indirect_dma semaphore(%dma_wait3A_268 : memref<!tpu.dma_semaphore, #tpu.memory_space<semaphore_mem>>) src(%dma_wait3A_266 : memref<10000x128xf32, #tpu.memory_space<hbm>>) dst(%arg17 : memref<128x128xf32, #tpu.memory_space<vmem>>)
      %dma_start3A_269 = arith.constant 0 : i32
      %dma_start3A_270 = arith.constant 0 : i32
      %dma_start3A_271 = tpu.memref_slice %arg7[%dma_start3A_269, %dma_start3A_270] : memref<10240x128xf32, #tpu.memory_space<vmem_shared>> -> memref<10240x128xf32, #tpu.memory_space<vmem_shared>>
      tpu.enqueue_indirect_dma source(%arg17 : memref<128x128xf32, #tpu.memory_space<vmem>>) target(%dma_start3A_271 : memref<10240x128xf32, #tpu.memory_space<vmem_shared>>) offsets(%arg15 : memref<128xi32, #tpu.memory_space<vmem>>) semaphore(%arg21 : memref<!tpu.dma_semaphore, #tpu.memory_space<semaphore_mem>>) {add = true}
      %dma_wait3A_272 = arith.constant 0 : i32
      %dma_wait3A_273 = arith.constant 0 : i32
      %dma_wait3A_274 = tpu.memref_slice %arg7[%dma_wait3A_272, %dma_wait3A_273] : memref<10240x128xf32, #tpu.memory_space<vmem_shared>> -> memref<10240x128xf32, #tpu.memory_space<vmem_shared>>
      tpu.wait_indirect_dma semaphore(%arg21 : memref<!tpu.dma_semaphore, #tpu.memory_space<semaphore_mem>>) src(%arg16 : memref<128x128xf32, #tpu.memory_space<vmem>>) dst(%dma_wait3A_274 : memref<10240x128xf32, #tpu.memory_space<vmem_shared>>)
      %sub3A_275 = arith.constant 1 : i32
      %sub3A_276 = arith.subi %select_n3A_28, %sub3A_275 : i32
      %lt3A_277 = arith.cmpi slt, %while3A_108, %sub3A_276 : i32
      %convert_element_type3A_278 = arith.extui %lt3A_277 : i1 to i32
      %cond3A_279 = arith.constant 0 : i32
      %cond3A_280 = arith.cmpi ne, %convert_element_type3A_278, %cond3A_279 : i32
      scf.if %cond3A_280 {
        %add3A_287 = arith.constant 2 : i32
        %add3A_288 = arith.addi %add3A_262, %add3A_287 : i32
        %mul3A_289 = arith.constant 128 : i32
        %mul3A_290 = arith.muli %add3A_288, %mul3A_289 : i32
        %add3A_291 = arith.addi %mul3A_10, %mul3A_290 : i32
        %multiple_of3A_292 = tpu.assume_multiple %add3A_291, 8 : i32
        %dma_start3A_293 = arith.constant 1 : i32
        %dma_start3A_294 = tpu.memref_slice %arg3[%multiple_of3A_292] : memref<655360xi32, #tpu.memory_space<hbm>> -> memref<128xi32, #tpu.memory_space<hbm>>
        %dma_start3A_295 = tpu.memref_slice %arg18[%dma_start3A_293] : memref<4x!tpu.dma_semaphore, #tpu.memory_space<semaphore_mem>> -> memref<1x!tpu.dma_semaphore, #tpu.memory_space<semaphore_mem>>
        %dma_start3A_296 = tpu.memref_squeeze %dma_start3A_295 : memref<1x!tpu.dma_semaphore, #tpu.memory_space<semaphore_mem>> -> memref<!tpu.dma_semaphore, #tpu.memory_space<semaphore_mem>>
        %dma_start3A_297 = tpu.memref_slice %arg3[%multiple_of3A_292] : memref<655360xi32, #tpu.memory_space<hbm>> -> memref<128xi32, #tpu.memory_space<hbm>>
        tpu.enqueue_dma source(%dma_start3A_297 : memref<128xi32, #tpu.memory_space<hbm>>) target(%arg9 : memref<128xi32, #tpu.memory_space<vmem>>) target_semaphore(%dma_start3A_296 : memref<!tpu.dma_semaphore, #tpu.memory_space<semaphore_mem>>)
        %dma_start3A_298 = arith.constant 1 : i32
        %dma_start3A_299 = tpu.memref_slice %arg4[%multiple_of3A_292] : memref<655360xi32, #tpu.memory_space<hbm>> -> memref<128xi32, #tpu.memory_space<hbm>>
        %dma_start3A_300 = tpu.memref_slice %arg19[%dma_start3A_298] : memref<4x!tpu.dma_semaphore, #tpu.memory_space<semaphore_mem>> -> memref<1x!tpu.dma_semaphore, #tpu.memory_space<semaphore_mem>>
        %dma_start3A_301 = tpu.memref_squeeze %dma_start3A_300 : memref<1x!tpu.dma_semaphore, #tpu.memory_space<semaphore_mem>> -> memref<!tpu.dma_semaphore, #tpu.memory_space<semaphore_mem>>
        %dma_start3A_302 = tpu.memref_slice %arg4[%multiple_of3A_292] : memref<655360xi32, #tpu.memory_space<hbm>> -> memref<128xi32, #tpu.memory_space<hbm>>
        tpu.enqueue_dma source(%dma_start3A_302 : memref<128xi32, #tpu.memory_space<hbm>>) target(%arg13 : memref<128xi32, #tpu.memory_space<vmem>>) target_semaphore(%dma_start3A_301 : memref<!tpu.dma_semaphore, #tpu.memory_space<semaphore_mem>>)
      } else {
      }
      %sub3A_281 = arith.constant 1 : i32
      %sub3A_282 = arith.subi %select_n3A_28, %sub3A_281 : i32
      %lt3A_283 = arith.cmpi slt, %while3A_108, %sub3A_282 : i32
      %convert_element_type3A_284 = arith.extui %lt3A_283 : i1 to i32
      %cond3A_285 = arith.constant 0 : i32
      %cond3A_286 = arith.cmpi ne, %convert_element_type3A_284, %cond3A_285 : i32
      scf.if %cond3A_286 {
        %add3A_287 = arith.constant 1 : i32
        %add3A_288 = arith.addi %add3A_262, %add3A_287 : i32
        %mul3A_289 = arith.constant 128 : i32
        %mul3A_290 = arith.muli %add3A_288, %mul3A_289 : i32
        %add3A_291 = arith.addi %mul3A_10, %mul3A_290 : i32
        %multiple_of3A_292 = tpu.assume_multiple %add3A_291, 8 : i32
        %dma_wait3A_293 = arith.constant 0 : i32
        %dma_wait3A_294 = tpu.memref_slice %arg3[%multiple_of3A_292] : memref<655360xi32, #tpu.memory_space<hbm>> -> memref<128xi32, #tpu.memory_space<hbm>>
        %dma_wait3A_295 = tpu.memref_slice %arg18[%dma_wait3A_293] : memref<4x!tpu.dma_semaphore, #tpu.memory_space<semaphore_mem>> -> memref<1x!tpu.dma_semaphore, #tpu.memory_space<semaphore_mem>>
        %dma_wait3A_296 = tpu.memref_squeeze %dma_wait3A_295 : memref<1x!tpu.dma_semaphore, #tpu.memory_space<semaphore_mem>> -> memref<!tpu.dma_semaphore, #tpu.memory_space<semaphore_mem>>
        %dma_wait3A_297 = tpu.memref_slice %arg3[%multiple_of3A_292] : memref<655360xi32, #tpu.memory_space<hbm>> -> memref<128xi32, #tpu.memory_space<hbm>>
        tpu.wait_dma2 semaphore(%dma_wait3A_296 : memref<!tpu.dma_semaphore, #tpu.memory_space<semaphore_mem>>) src(%dma_wait3A_297 : memref<128xi32, #tpu.memory_space<hbm>>) dst(%arg8 : memref<128xi32, #tpu.memory_space<vmem>>)
        %dma_wait3A_298 = arith.constant 0 : i32
        %dma_wait3A_299 = tpu.memref_slice %arg4[%multiple_of3A_292] : memref<655360xi32, #tpu.memory_space<hbm>> -> memref<128xi32, #tpu.memory_space<hbm>>
        %dma_wait3A_300 = tpu.memref_slice %arg19[%dma_wait3A_298] : memref<4x!tpu.dma_semaphore, #tpu.memory_space<semaphore_mem>> -> memref<1x!tpu.dma_semaphore, #tpu.memory_space<semaphore_mem>>
        %dma_wait3A_301 = tpu.memref_squeeze %dma_wait3A_300 : memref<1x!tpu.dma_semaphore, #tpu.memory_space<semaphore_mem>> -> memref<!tpu.dma_semaphore, #tpu.memory_space<semaphore_mem>>
        %dma_wait3A_302 = tpu.memref_slice %arg4[%multiple_of3A_292] : memref<655360xi32, #tpu.memory_space<hbm>> -> memref<128xi32, #tpu.memory_space<hbm>>
        tpu.wait_dma2 semaphore(%dma_wait3A_301 : memref<!tpu.dma_semaphore, #tpu.memory_space<semaphore_mem>>) src(%dma_wait3A_302 : memref<128xi32, #tpu.memory_space<hbm>>) dst(%arg12 : memref<128xi32, #tpu.memory_space<vmem>>)
        %dma_start3A_303 = arith.constant 0 : i32
        %dma_start3A_304 = arith.constant 0 : i32
        %dma_start3A_305 = arith.constant 0 : i32
        %dma_start3A_306 = tpu.memref_slice %arg2[%dma_start3A_304, %dma_start3A_305] : memref<10000x128xf32, #tpu.memory_space<hbm>> -> memref<10000x128xf32, #tpu.memory_space<hbm>>
        %dma_start3A_307 = tpu.memref_slice %arg20[%dma_start3A_303] : memref<2x!tpu.dma_semaphore, #tpu.memory_space<semaphore_mem>> -> memref<1x!tpu.dma_semaphore, #tpu.memory_space<semaphore_mem>>
        %dma_start3A_308 = tpu.memref_squeeze %dma_start3A_307 : memref<1x!tpu.dma_semaphore, #tpu.memory_space<semaphore_mem>> -> memref<!tpu.dma_semaphore, #tpu.memory_space<semaphore_mem>>
        tpu.enqueue_indirect_dma source(%dma_start3A_306 : memref<10000x128xf32, #tpu.memory_space<hbm>>) target(%arg16 : memref<128x128xf32, #tpu.memory_space<vmem>>) offsets(%arg8 : memref<128xi32, #tpu.memory_space<vmem>>) semaphore(%dma_start3A_308 : memref<!tpu.dma_semaphore, #tpu.memory_space<semaphore_mem>>)
      } else {
      }
    }
    %dma_wait3A = arith.constant 0 : i32
    %dma_wait3A_85 = arith.constant 0 : i32
    %dma_wait3A_86 = tpu.memref_slice %arg7[%dma_wait3A, %dma_wait3A_85] : memref<10240x128xf32, #tpu.memory_space<vmem_shared>> -> memref<10240x128xf32, #tpu.memory_space<vmem_shared>>
    tpu.wait_indirect_dma semaphore(%arg21 : memref<!tpu.dma_semaphore, #tpu.memory_space<semaphore_mem>>) src(%arg17 : memref<128x128xf32, #tpu.memory_space<vmem>>) dst(%dma_wait3A_86 : memref<10240x128xf32, #tpu.memory_space<vmem_shared>>)
    %barrier3A_87 = arith.constant 0 : index
    tpu.barrier barrier_id(%barrier3A_87)
    %mul3A_88 = arith.constant 640 : i32
    %mul3A_89 = arith.muli %arg1, %mul3A_88 : i32
    %add3A_90 = arith.constant 0 : i32
    %add3A_91 = arith.addi %mul3A_89, %add3A_90 : i32
    "tpu.region"() ({
      %run_scoped3A = tpu.sem_alloc : memref<!tpu.dma_semaphore, #tpu.memory_space<semaphore_mem>>
      %dma_start3A_108 = arith.constant 0 : i32
      %dma_start3A_109 = tpu.memref_slice %arg7[%add3A_91, %dma_start3A_108] : memref<10240x128xf32, #tpu.memory_space<vmem_shared>> -> memref<128x128xf32, #tpu.memory_space<vmem_shared>>
      %dma_start3A_110 = arith.constant 0 : i32
      %dma_start3A_111 = tpu.memref_slice %arg7[%add3A_91, %dma_start3A_110] : memref<10240x128xf32, #tpu.memory_space<vmem_shared>> -> memref<128x128xf32, #tpu.memory_space<vmem_shared>>
      tpu.enqueue_dma source(%dma_start3A_111 : memref<128x128xf32, #tpu.memory_space<vmem_shared>>) target(%arg16 : memref<128x128xf32, #tpu.memory_space<vmem>>) target_semaphore(%run_scoped3A : memref<!tpu.dma_semaphore, #tpu.memory_space<semaphore_mem>>)
      %dma_wait3A_112 = arith.constant 0 : i32
      %dma_wait3A_113 = tpu.memref_slice %arg7[%add3A_91, %dma_wait3A_112] : memref<10240x128xf32, #tpu.memory_space<vmem_shared>> -> memref<128x128xf32, #tpu.memory_space<vmem_shared>>
      %dma_wait3A_114 = arith.constant 0 : i32
      %dma_wait3A_115 = tpu.memref_slice %arg7[%add3A_91, %dma_wait3A_114] : memref<10240x128xf32, #tpu.memory_space<vmem_shared>> -> memref<128x128xf32, #tpu.memory_space<vmem_shared>>
      tpu.wait_dma2 semaphore(%run_scoped3A : memref<!tpu.dma_semaphore, #tpu.memory_space<semaphore_mem>>) src(%dma_wait3A_115 : memref<128x128xf32, #tpu.memory_space<vmem_shared>>) dst(%arg16 : memref<128x128xf32, #tpu.memory_space<vmem>>)
      tpu.yield
    }) : () -> ()
    "tpu.region"() ({
      %run_scoped3A = tpu.sem_alloc : memref<!tpu.dma_semaphore, #tpu.memory_space<semaphore_mem>>
      %dma_start3A_108 = arith.constant 0 : i32
      %dma_start3A_109 = arith.constant 0 : i32
      %dma_start3A_110 = tpu.memref_slice %arg6[%arg0, %dma_start3A_108, %dma_start3A_109] : memref<2x10240x128xf32, #tpu.memory_space<hbm>> -> memref<1x10240x128xf32, #tpu.memory_space<hbm>>
      %dma_start3A_111 = tpu.memref_squeeze %dma_start3A_110 : memref<1x10240x128xf32, #tpu.memory_space<hbm>> -> memref<10240x128xf32, #tpu.memory_space<hbm>>
      %dma_start3A_112 = arith.constant 0 : i32
      %dma_start3A_113 = tpu.memref_slice %dma_start3A_111[%add3A_91, %dma_start3A_112] : memref<10240x128xf32, #tpu.memory_space<hbm>> -> memref<128x128xf32, #tpu.memory_space<hbm>>
      %dma_start3A_114 = arith.constant 0 : i32
      %dma_start3A_115 = arith.constant 0 : i32
      %dma_start3A_116 = tpu.memref_slice %arg6[%arg0, %dma_start3A_114, %dma_start3A_115] : memref<2x10240x128xf32, #tpu.memory_space<hbm>> -> memref<1x10240x128xf32, #tpu.memory_space<hbm>>
      %dma_start3A_117 = tpu.memref_squeeze %dma_start3A_116 : memref<1x10240x128xf32, #tpu.memory_space<hbm>> -> memref<10240x128xf32, #tpu.memory_space<hbm>>
      %dma_start3A_118 = arith.constant 0 : i32
      %dma_start3A_119 = tpu.memref_slice %dma_start3A_117[%add3A_91, %dma_start3A_118] : memref<10240x128xf32, #tpu.memory_space<hbm>> -> memref<128x128xf32, #tpu.memory_space<hbm>>
      tpu.enqueue_dma source(%arg16 : memref<128x128xf32, #tpu.memory_space<vmem>>) target(%dma_start3A_119 : memref<128x128xf32, #tpu.memory_space<hbm>>) target_semaphore(%run_scoped3A : memref<!tpu.dma_semaphore, #tpu.memory_space<semaphore_mem>>)
      %dma_wait3A_120 = arith.constant 0 : i32
      %dma_wait3A_121 = arith.constant 0 : i32
      %dma_wait3A_122 = tpu.memref_slice %arg6[%arg0, %dma_wait3A_120, %dma_wait3A_121] : memref<2x10240x128xf32, #tpu.memory_space<hbm>> -> memref<1x10240x128xf32, #tpu.memory_space<hbm>>
      %dma_wait3A_123 = tpu.memref_squeeze %dma_wait3A_122 : memref<1x10240x128xf32, #tpu.memory_space<hbm>> -> memref<10240x128xf32, #tpu.memory_space<hbm>>
      %dma_wait3A_124 = arith.constant 0 : i32
      %dma_wait3A_125 = tpu.memref_slice %dma_wait3A_123[%add3A_91, %dma_wait3A_124] : memref<10240x128xf32, #tpu.memory_space<hbm>> -> memref<128x128xf32, #tpu.memory_space<hbm>>
      %dma_wait3A_126 = arith.constant 0 : i32
      %dma_wait3A_127 = arith.constant 0 : i32
      %dma_wait3A_128 = tpu.memref_slice %arg6[%arg0, %dma_wait3A_126, %dma_wait3A_127] : memref<2x10240x128xf32, #tpu.memory_space<hbm>> -> memref<1x10240x128xf32, #tpu.memory_space<hbm>>
      %dma_wait3A_129 = tpu.memref_squeeze %dma_wait3A_128 : memref<1x10240x128xf32, #tpu.memory_space<hbm>> -> memref<10240x128xf32, #tpu.memory_space<hbm>>
      %dma_wait3A_130 = arith.constant 0 : i32
      %dma_wait3A_131 = tpu.memref_slice %dma_wait3A_129[%add3A_91, %dma_wait3A_130] : memref<10240x128xf32, #tpu.memory_space<hbm>> -> memref<128x128xf32, #tpu.memory_space<hbm>>
      tpu.wait_dma2 semaphore(%run_scoped3A : memref<!tpu.dma_semaphore, #tpu.memory_space<semaphore_mem>>) src(%arg16 : memref<128x128xf32, #tpu.memory_space<vmem>>) dst(%dma_wait3A_131 : memref<128x128xf32, #tpu.memory_space<hbm>>)
      tpu.yield
    }) : () -> ()
    %mul3A_92 = arith.constant 640 : i32
    %mul3A_93 = arith.muli %arg1, %mul3A_92 : i32
    %add3A_94 = arith.constant 128 : i32
    %add3A_95 = arith.addi %mul3A_93, %add3A_94 : i32
    "tpu.region"() ({
      %run_scoped3A = tpu.sem_alloc : memref<!tpu.dma_semaphore, #tpu.memory_space<semaphore_mem>>
      %dma_start3A_108 = arith.constant 0 : i32
      %dma_start3A_109 = tpu.memref_slice %arg7[%add3A_95, %dma_start3A_108] : memref<10240x128xf32, #tpu.memory_space<vmem_shared>> -> memref<128x128xf32, #tpu.memory_space<vmem_shared>>
      %dma_start3A_110 = arith.constant 0 : i32
      %dma_start3A_111 = tpu.memref_slice %arg7[%add3A_95, %dma_start3A_110] : memref<10240x128xf32, #tpu.memory_space<vmem_shared>> -> memref<128x128xf32, #tpu.memory_space<vmem_shared>>
      tpu.enqueue_dma source(%dma_start3A_111 : memref<128x128xf32, #tpu.memory_space<vmem_shared>>) target(%arg16 : memref<128x128xf32, #tpu.memory_space<vmem>>) target_semaphore(%run_scoped3A : memref<!tpu.dma_semaphore, #tpu.memory_space<semaphore_mem>>)
      %dma_wait3A_112 = arith.constant 0 : i32
      %dma_wait3A_113 = tpu.memref_slice %arg7[%add3A_95, %dma_wait3A_112] : memref<10240x128xf32, #tpu.memory_space<vmem_shared>> -> memref<128x128xf32, #tpu.memory_space<vmem_shared>>
      %dma_wait3A_114 = arith.constant 0 : i32
      %dma_wait3A_115 = tpu.memref_slice %arg7[%add3A_95, %dma_wait3A_114] : memref<10240x128xf32, #tpu.memory_space<vmem_shared>> -> memref<128x128xf32, #tpu.memory_space<vmem_shared>>
      tpu.wait_dma2 semaphore(%run_scoped3A : memref<!tpu.dma_semaphore, #tpu.memory_space<semaphore_mem>>) src(%dma_wait3A_115 : memref<128x128xf32, #tpu.memory_space<vmem_shared>>) dst(%arg16 : memref<128x128xf32, #tpu.memory_space<vmem>>)
      tpu.yield
    }) : () -> ()
    "tpu.region"() ({
      %run_scoped3A = tpu.sem_alloc : memref<!tpu.dma_semaphore, #tpu.memory_space<semaphore_mem>>
      %dma_start3A_108 = arith.constant 0 : i32
      %dma_start3A_109 = arith.constant 0 : i32
      %dma_start3A_110 = tpu.memref_slice %arg6[%arg0, %dma_start3A_108, %dma_start3A_109] : memref<2x10240x128xf32, #tpu.memory_space<hbm>> -> memref<1x10240x128xf32, #tpu.memory_space<hbm>>
      %dma_start3A_111 = tpu.memref_squeeze %dma_start3A_110 : memref<1x10240x128xf32, #tpu.memory_space<hbm>> -> memref<10240x128xf32, #tpu.memory_space<hbm>>
      %dma_start3A_112 = arith.constant 0 : i32
      %dma_start3A_113 = tpu.memref_slice %dma_start3A_111[%add3A_95, %dma_start3A_112] : memref<10240x128xf32, #tpu.memory_space<hbm>> -> memref<128x128xf32, #tpu.memory_space<hbm>>
      %dma_start3A_114 = arith.constant 0 : i32
      %dma_start3A_115 = arith.constant 0 : i32
      %dma_start3A_116 = tpu.memref_slice %arg6[%arg0, %dma_start3A_114, %dma_start3A_115] : memref<2x10240x128xf32, #tpu.memory_space<hbm>> -> memref<1x10240x128xf32, #tpu.memory_space<hbm>>
      %dma_start3A_117 = tpu.memref_squeeze %dma_start3A_116 : memref<1x10240x128xf32, #tpu.memory_space<hbm>> -> memref<10240x128xf32, #tpu.memory_space<hbm>>
      %dma_start3A_118 = arith.constant 0 : i32
      %dma_start3A_119 = tpu.memref_slice %dma_start3A_117[%add3A_95, %dma_start3A_118] : memref<10240x128xf32, #tpu.memory_space<hbm>> -> memref<128x128xf32, #tpu.memory_space<hbm>>
      tpu.enqueue_dma source(%arg16 : memref<128x128xf32, #tpu.memory_space<vmem>>) target(%dma_start3A_119 : memref<128x128xf32, #tpu.memory_space<hbm>>) target_semaphore(%run_scoped3A : memref<!tpu.dma_semaphore, #tpu.memory_space<semaphore_mem>>)
      %dma_wait3A_120 = arith.constant 0 : i32
      %dma_wait3A_121 = arith.constant 0 : i32
      %dma_wait3A_122 = tpu.memref_slice %arg6[%arg0, %dma_wait3A_120, %dma_wait3A_121] : memref<2x10240x128xf32, #tpu.memory_space<hbm>> -> memref<1x10240x128xf32, #tpu.memory_space<hbm>>
      %dma_wait3A_123 = tpu.memref_squeeze %dma_wait3A_122 : memref<1x10240x128xf32, #tpu.memory_space<hbm>> -> memref<10240x128xf32, #tpu.memory_space<hbm>>
      %dma_wait3A_124 = arith.constant 0 : i32
      %dma_wait3A_125 = tpu.memref_slice %dma_wait3A_123[%add3A_95, %dma_wait3A_124] : memref<10240x128xf32, #tpu.memory_space<hbm>> -> memref<128x128xf32, #tpu.memory_space<hbm>>
      %dma_wait3A_126 = arith.constant 0 : i32
      %dma_wait3A_127 = arith.constant 0 : i32
      %dma_wait3A_128 = tpu.memref_slice %arg6[%arg0, %dma_wait3A_126, %dma_wait3A_127] : memref<2x10240x128xf32, #tpu.memory_space<hbm>> -> memref<1x10240x128xf32, #tpu.memory_space<hbm>>
      %dma_wait3A_129 = tpu.memref_squeeze %dma_wait3A_128 : memref<1x10240x128xf32, #tpu.memory_space<hbm>> -> memref<10240x128xf32, #tpu.memory_space<hbm>>
      %dma_wait3A_130 = arith.constant 0 : i32
      %dma_wait3A_131 = tpu.memref_slice %dma_wait3A_129[%add3A_95, %dma_wait3A_130] : memref<10240x128xf32, #tpu.memory_space<hbm>> -> memref<128x128xf32, #tpu.memory_space<hbm>>
      tpu.wait_dma2 semaphore(%run_scoped3A : memref<!tpu.dma_semaphore, #tpu.memory_space<semaphore_mem>>) src(%arg16 : memref<128x128xf32, #tpu.memory_space<vmem>>) dst(%dma_wait3A_131 : memref<128x128xf32, #tpu.memory_space<hbm>>)
      tpu.yield
    }) : () -> ()
    %mul3A_96 = arith.constant 640 : i32
    %mul3A_97 = arith.muli %arg1, %mul3A_96 : i32
    %add3A_98 = arith.constant 256 : i32
    %add3A_99 = arith.addi %mul3A_97, %add3A_98 : i32
    "tpu.region"() ({
      %run_scoped3A = tpu.sem_alloc : memref<!tpu.dma_semaphore, #tpu.memory_space<semaphore_mem>>
      %dma_start3A_108 = arith.constant 0 : i32
      %dma_start3A_109 = tpu.memref_slice %arg7[%add3A_99, %dma_start3A_108] : memref<10240x128xf32, #tpu.memory_space<vmem_shared>> -> memref<128x128xf32, #tpu.memory_space<vmem_shared>>
      %dma_start3A_110 = arith.constant 0 : i32
      %dma_start3A_111 = tpu.memref_slice %arg7[%add3A_99, %dma_start3A_110] : memref<10240x128xf32, #tpu.memory_space<vmem_shared>> -> memref<128x128xf32, #tpu.memory_space<vmem_shared>>
      tpu.enqueue_dma source(%dma_start3A_111 : memref<128x128xf32, #tpu.memory_space<vmem_shared>>) target(%arg16 : memref<128x128xf32, #tpu.memory_space<vmem>>) target_semaphore(%run_scoped3A : memref<!tpu.dma_semaphore, #tpu.memory_space<semaphore_mem>>)
      %dma_wait3A_112 = arith.constant 0 : i32
      %dma_wait3A_113 = tpu.memref_slice %arg7[%add3A_99, %dma_wait3A_112] : memref<10240x128xf32, #tpu.memory_space<vmem_shared>> -> memref<128x128xf32, #tpu.memory_space<vmem_shared>>
      %dma_wait3A_114 = arith.constant 0 : i32
      %dma_wait3A_115 = tpu.memref_slice %arg7[%add3A_99, %dma_wait3A_114] : memref<10240x128xf32, #tpu.memory_space<vmem_shared>> -> memref<128x128xf32, #tpu.memory_space<vmem_shared>>
      tpu.wait_dma2 semaphore(%run_scoped3A : memref<!tpu.dma_semaphore, #tpu.memory_space<semaphore_mem>>) src(%dma_wait3A_115 : memref<128x128xf32, #tpu.memory_space<vmem_shared>>) dst(%arg16 : memref<128x128xf32, #tpu.memory_space<vmem>>)
      tpu.yield
    }) : () -> ()
    "tpu.region"() ({
      %run_scoped3A = tpu.sem_alloc : memref<!tpu.dma_semaphore, #tpu.memory_space<semaphore_mem>>
      %dma_start3A_108 = arith.constant 0 : i32
      %dma_start3A_109 = arith.constant 0 : i32
      %dma_start3A_110 = tpu.memref_slice %arg6[%arg0, %dma_start3A_108, %dma_start3A_109] : memref<2x10240x128xf32, #tpu.memory_space<hbm>> -> memref<1x10240x128xf32, #tpu.memory_space<hbm>>
      %dma_start3A_111 = tpu.memref_squeeze %dma_start3A_110 : memref<1x10240x128xf32, #tpu.memory_space<hbm>> -> memref<10240x128xf32, #tpu.memory_space<hbm>>
      %dma_start3A_112 = arith.constant 0 : i32
      %dma_start3A_113 = tpu.memref_slice %dma_start3A_111[%add3A_99, %dma_start3A_112] : memref<10240x128xf32, #tpu.memory_space<hbm>> -> memref<128x128xf32, #tpu.memory_space<hbm>>
      %dma_start3A_114 = arith.constant 0 : i32
      %dma_start3A_115 = arith.constant 0 : i32
      %dma_start3A_116 = tpu.memref_slice %arg6[%arg0, %dma_start3A_114, %dma_start3A_115] : memref<2x10240x128xf32, #tpu.memory_space<hbm>> -> memref<1x10240x128xf32, #tpu.memory_space<hbm>>
      %dma_start3A_117 = tpu.memref_squeeze %dma_start3A_116 : memref<1x10240x128xf32, #tpu.memory_space<hbm>> -> memref<10240x128xf32, #tpu.memory_space<hbm>>
      %dma_start3A_118 = arith.constant 0 : i32
      %dma_start3A_119 = tpu.memref_slice %dma_start3A_117[%add3A_99, %dma_start3A_118] : memref<10240x128xf32, #tpu.memory_space<hbm>> -> memref<128x128xf32, #tpu.memory_space<hbm>>
      tpu.enqueue_dma source(%arg16 : memref<128x128xf32, #tpu.memory_space<vmem>>) target(%dma_start3A_119 : memref<128x128xf32, #tpu.memory_space<hbm>>) target_semaphore(%run_scoped3A : memref<!tpu.dma_semaphore, #tpu.memory_space<semaphore_mem>>)
      %dma_wait3A_120 = arith.constant 0 : i32
      %dma_wait3A_121 = arith.constant 0 : i32
      %dma_wait3A_122 = tpu.memref_slice %arg6[%arg0, %dma_wait3A_120, %dma_wait3A_121] : memref<2x10240x128xf32, #tpu.memory_space<hbm>> -> memref<1x10240x128xf32, #tpu.memory_space<hbm>>
      %dma_wait3A_123 = tpu.memref_squeeze %dma_wait3A_122 : memref<1x10240x128xf32, #tpu.memory_space<hbm>> -> memref<10240x128xf32, #tpu.memory_space<hbm>>
      %dma_wait3A_124 = arith.constant 0 : i32
      %dma_wait3A_125 = tpu.memref_slice %dma_wait3A_123[%add3A_99, %dma_wait3A_124] : memref<10240x128xf32, #tpu.memory_space<hbm>> -> memref<128x128xf32, #tpu.memory_space<hbm>>
      %dma_wait3A_126 = arith.constant 0 : i32
      %dma_wait3A_127 = arith.constant 0 : i32
      %dma_wait3A_128 = tpu.memref_slice %arg6[%arg0, %dma_wait3A_126, %dma_wait3A_127] : memref<2x10240x128xf32, #tpu.memory_space<hbm>> -> memref<1x10240x128xf32, #tpu.memory_space<hbm>>
      %dma_wait3A_129 = tpu.memref_squeeze %dma_wait3A_128 : memref<1x10240x128xf32, #tpu.memory_space<hbm>> -> memref<10240x128xf32, #tpu.memory_space<hbm>>
      %dma_wait3A_130 = arith.constant 0 : i32
      %dma_wait3A_131 = tpu.memref_slice %dma_wait3A_129[%add3A_99, %dma_wait3A_130] : memref<10240x128xf32, #tpu.memory_space<hbm>> -> memref<128x128xf32, #tpu.memory_space<hbm>>
      tpu.wait_dma2 semaphore(%run_scoped3A : memref<!tpu.dma_semaphore, #tpu.memory_space<semaphore_mem>>) src(%arg16 : memref<128x128xf32, #tpu.memory_space<vmem>>) dst(%dma_wait3A_131 : memref<128x128xf32, #tpu.memory_space<hbm>>)
      tpu.yield
    }) : () -> ()
    %mul3A_100 = arith.constant 640 : i32
    %mul3A_101 = arith.muli %arg1, %mul3A_100 : i32
    %add3A_102 = arith.constant 384 : i32
    %add3A_103 = arith.addi %mul3A_101, %add3A_102 : i32
    "tpu.region"() ({
      %run_scoped3A = tpu.sem_alloc : memref<!tpu.dma_semaphore, #tpu.memory_space<semaphore_mem>>
      %dma_start3A_108 = arith.constant 0 : i32
      %dma_start3A_109 = tpu.memref_slice %arg7[%add3A_103, %dma_start3A_108] : memref<10240x128xf32, #tpu.memory_space<vmem_shared>> -> memref<128x128xf32, #tpu.memory_space<vmem_shared>>
      %dma_start3A_110 = arith.constant 0 : i32
      %dma_start3A_111 = tpu.memref_slice %arg7[%add3A_103, %dma_start3A_110] : memref<10240x128xf32, #tpu.memory_space<vmem_shared>> -> memref<128x128xf32, #tpu.memory_space<vmem_shared>>
      tpu.enqueue_dma source(%dma_start3A_111 : memref<128x128xf32, #tpu.memory_space<vmem_shared>>) target(%arg16 : memref<128x128xf32, #tpu.memory_space<vmem>>) target_semaphore(%run_scoped3A : memref<!tpu.dma_semaphore, #tpu.memory_space<semaphore_mem>>)
      %dma_wait3A_112 = arith.constant 0 : i32
      %dma_wait3A_113 = tpu.memref_slice %arg7[%add3A_103, %dma_wait3A_112] : memref<10240x128xf32, #tpu.memory_space<vmem_shared>> -> memref<128x128xf32, #tpu.memory_space<vmem_shared>>
      %dma_wait3A_114 = arith.constant 0 : i32
      %dma_wait3A_115 = tpu.memref_slice %arg7[%add3A_103, %dma_wait3A_114] : memref<10240x128xf32, #tpu.memory_space<vmem_shared>> -> memref<128x128xf32, #tpu.memory_space<vmem_shared>>
      tpu.wait_dma2 semaphore(%run_scoped3A : memref<!tpu.dma_semaphore, #tpu.memory_space<semaphore_mem>>) src(%dma_wait3A_115 : memref<128x128xf32, #tpu.memory_space<vmem_shared>>) dst(%arg16 : memref<128x128xf32, #tpu.memory_space<vmem>>)
      tpu.yield
    }) : () -> ()
    "tpu.region"() ({
      %run_scoped3A = tpu.sem_alloc : memref<!tpu.dma_semaphore, #tpu.memory_space<semaphore_mem>>
      %dma_start3A_108 = arith.constant 0 : i32
      %dma_start3A_109 = arith.constant 0 : i32
      %dma_start3A_110 = tpu.memref_slice %arg6[%arg0, %dma_start3A_108, %dma_start3A_109] : memref<2x10240x128xf32, #tpu.memory_space<hbm>> -> memref<1x10240x128xf32, #tpu.memory_space<hbm>>
      %dma_start3A_111 = tpu.memref_squeeze %dma_start3A_110 : memref<1x10240x128xf32, #tpu.memory_space<hbm>> -> memref<10240x128xf32, #tpu.memory_space<hbm>>
      %dma_start3A_112 = arith.constant 0 : i32
      %dma_start3A_113 = tpu.memref_slice %dma_start3A_111[%add3A_103, %dma_start3A_112] : memref<10240x128xf32, #tpu.memory_space<hbm>> -> memref<128x128xf32, #tpu.memory_space<hbm>>
      %dma_start3A_114 = arith.constant 0 : i32
      %dma_start3A_115 = arith.constant 0 : i32
      %dma_start3A_116 = tpu.memref_slice %arg6[%arg0, %dma_start3A_114, %dma_start3A_115] : memref<2x10240x128xf32, #tpu.memory_space<hbm>> -> memref<1x10240x128xf32, #tpu.memory_space<hbm>>
      %dma_start3A_117 = tpu.memref_squeeze %dma_start3A_116 : memref<1x10240x128xf32, #tpu.memory_space<hbm>> -> memref<10240x128xf32, #tpu.memory_space<hbm>>
      %dma_start3A_118 = arith.constant 0 : i32
      %dma_start3A_119 = tpu.memref_slice %dma_start3A_117[%add3A_103, %dma_start3A_118] : memref<10240x128xf32, #tpu.memory_space<hbm>> -> memref<128x128xf32, #tpu.memory_space<hbm>>
      tpu.enqueue_dma source(%arg16 : memref<128x128xf32, #tpu.memory_space<vmem>>) target(%dma_start3A_119 : memref<128x128xf32, #tpu.memory_space<hbm>>) target_semaphore(%run_scoped3A : memref<!tpu.dma_semaphore, #tpu.memory_space<semaphore_mem>>)
      %dma_wait3A_120 = arith.constant 0 : i32
      %dma_wait3A_121 = arith.constant 0 : i32
      %dma_wait3A_122 = tpu.memref_slice %arg6[%arg0, %dma_wait3A_120, %dma_wait3A_121] : memref<2x10240x128xf32, #tpu.memory_space<hbm>> -> memref<1x10240x128xf32, #tpu.memory_space<hbm>>
      %dma_wait3A_123 = tpu.memref_squeeze %dma_wait3A_122 : memref<1x10240x128xf32, #tpu.memory_space<hbm>> -> memref<10240x128xf32, #tpu.memory_space<hbm>>
      %dma_wait3A_124 = arith.constant 0 : i32
      %dma_wait3A_125 = tpu.memref_slice %dma_wait3A_123[%add3A_103, %dma_wait3A_124] : memref<10240x128xf32, #tpu.memory_space<hbm>> -> memref<128x128xf32, #tpu.memory_space<hbm>>
      %dma_wait3A_126 = arith.constant 0 : i32
      %dma_wait3A_127 = arith.constant 0 : i32
      %dma_wait3A_128 = tpu.memref_slice %arg6[%arg0, %dma_wait3A_126, %dma_wait3A_127] : memref<2x10240x128xf32, #tpu.memory_space<hbm>> -> memref<1x10240x128xf32, #tpu.memory_space<hbm>>
      %dma_wait3A_129 = tpu.memref_squeeze %dma_wait3A_128 : memref<1x10240x128xf32, #tpu.memory_space<hbm>> -> memref<10240x128xf32, #tpu.memory_space<hbm>>
      %dma_wait3A_130 = arith.constant 0 : i32
      %dma_wait3A_131 = tpu.memref_slice %dma_wait3A_129[%add3A_103, %dma_wait3A_130] : memref<10240x128xf32, #tpu.memory_space<hbm>> -> memref<128x128xf32, #tpu.memory_space<hbm>>
      tpu.wait_dma2 semaphore(%run_scoped3A : memref<!tpu.dma_semaphore, #tpu.memory_space<semaphore_mem>>) src(%arg16 : memref<128x128xf32, #tpu.memory_space<vmem>>) dst(%dma_wait3A_131 : memref<128x128xf32, #tpu.memory_space<hbm>>)
      tpu.yield
    }) : () -> ()
    %mul3A_104 = arith.constant 640 : i32
    %mul3A_105 = arith.muli %arg1, %mul3A_104 : i32
    %add3A_106 = arith.constant 512 : i32
    %add3A_107 = arith.addi %mul3A_105, %add3A_106 : i32
    "tpu.region"() ({
      %run_scoped3A = tpu.sem_alloc : memref<!tpu.dma_semaphore, #tpu.memory_space<semaphore_mem>>
      %dma_start3A_108 = arith.constant 0 : i32
      %dma_start3A_109 = tpu.memref_slice %arg7[%add3A_107, %dma_start3A_108] : memref<10240x128xf32, #tpu.memory_space<vmem_shared>> -> memref<128x128xf32, #tpu.memory_space<vmem_shared>>
      %dma_start3A_110 = arith.constant 0 : i32
      %dma_start3A_111 = tpu.memref_slice %arg7[%add3A_107, %dma_start3A_110] : memref<10240x128xf32, #tpu.memory_space<vmem_shared>> -> memref<128x128xf32, #tpu.memory_space<vmem_shared>>
      tpu.enqueue_dma source(%dma_start3A_111 : memref<128x128xf32, #tpu.memory_space<vmem_shared>>) target(%arg16 : memref<128x128xf32, #tpu.memory_space<vmem>>) target_semaphore(%run_scoped3A : memref<!tpu.dma_semaphore, #tpu.memory_space<semaphore_mem>>)
      %dma_wait3A_112 = arith.constant 0 : i32
      %dma_wait3A_113 = tpu.memref_slice %arg7[%add3A_107, %dma_wait3A_112] : memref<10240x128xf32, #tpu.memory_space<vmem_shared>> -> memref<128x128xf32, #tpu.memory_space<vmem_shared>>
      %dma_wait3A_114 = arith.constant 0 : i32
      %dma_wait3A_115 = tpu.memref_slice %arg7[%add3A_107, %dma_wait3A_114] : memref<10240x128xf32, #tpu.memory_space<vmem_shared>> -> memref<128x128xf32, #tpu.memory_space<vmem_shared>>
      tpu.wait_dma2 semaphore(%run_scoped3A : memref<!tpu.dma_semaphore, #tpu.memory_space<semaphore_mem>>) src(%dma_wait3A_115 : memref<128x128xf32, #tpu.memory_space<vmem_shared>>) dst(%arg16 : memref<128x128xf32, #tpu.memory_space<vmem>>)
      tpu.yield
    }) : () -> ()
    "tpu.region"() ({
      %run_scoped3A = tpu.sem_alloc : memref<!tpu.dma_semaphore, #tpu.memory_space<semaphore_mem>>
      %dma_start3A_108 = arith.constant 0 : i32
      %dma_start3A_109 = arith.constant 0 : i32
      %dma_start3A_110 = tpu.memref_slice %arg6[%arg0, %dma_start3A_108, %dma_start3A_109] : memref<2x10240x128xf32, #tpu.memory_space<hbm>> -> memref<1x10240x128xf32, #tpu.memory_space<hbm>>
      %dma_start3A_111 = tpu.memref_squeeze %dma_start3A_110 : memref<1x10240x128xf32, #tpu.memory_space<hbm>> -> memref<10240x128xf32, #tpu.memory_space<hbm>>
      %dma_start3A_112 = arith.constant 0 : i32
      %dma_start3A_113 = tpu.memref_slice %dma_start3A_111[%add3A_107, %dma_start3A_112] : memref<10240x128xf32, #tpu.memory_space<hbm>> -> memref<128x128xf32, #tpu.memory_space<hbm>>
      %dma_start3A_114 = arith.constant 0 : i32
      %dma_start3A_115 = arith.constant 0 : i32
      %dma_start3A_116 = tpu.memref_slice %arg6[%arg0, %dma_start3A_114, %dma_start3A_115] : memref<2x10240x128xf32, #tpu.memory_space<hbm>> -> memref<1x10240x128xf32, #tpu.memory_space<hbm>>
      %dma_start3A_117 = tpu.memref_squeeze %dma_start3A_116 : memref<1x10240x128xf32, #tpu.memory_space<hbm>> -> memref<10240x128xf32, #tpu.memory_space<hbm>>
      %dma_start3A_118 = arith.constant 0 : i32
      %dma_start3A_119 = tpu.memref_slice %dma_start3A_117[%add3A_107, %dma_start3A_118] : memref<10240x128xf32, #tpu.memory_space<hbm>> -> memref<128x128xf32, #tpu.memory_space<hbm>>
      tpu.enqueue_dma source(%arg16 : memref<128x128xf32, #tpu.memory_space<vmem>>) target(%dma_start3A_119 : memref<128x128xf32, #tpu.memory_space<hbm>>) target_semaphore(%run_scoped3A : memref<!tpu.dma_semaphore, #tpu.memory_space<semaphore_mem>>)
      %dma_wait3A_120 = arith.constant 0 : i32
      %dma_wait3A_121 = arith.constant 0 : i32
      %dma_wait3A_122 = tpu.memref_slice %arg6[%arg0, %dma_wait3A_120, %dma_wait3A_121] : memref<2x10240x128xf32, #tpu.memory_space<hbm>> -> memref<1x10240x128xf32, #tpu.memory_space<hbm>>
      %dma_wait3A_123 = tpu.memref_squeeze %dma_wait3A_122 : memref<1x10240x128xf32, #tpu.memory_space<hbm>> -> memref<10240x128xf32, #tpu.memory_space<hbm>>
      %dma_wait3A_124 = arith.constant 0 : i32
      %dma_wait3A_125 = tpu.memref_slice %dma_wait3A_123[%add3A_107, %dma_wait3A_124] : memref<10240x128xf32, #tpu.memory_space<hbm>> -> memref<128x128xf32, #tpu.memory_space<hbm>>
      %dma_wait3A_126 = arith.constant 0 : i32
      %dma_wait3A_127 = arith.constant 0 : i32
      %dma_wait3A_128 = tpu.memref_slice %arg6[%arg0, %dma_wait3A_126, %dma_wait3A_127] : memref<2x10240x128xf32, #tpu.memory_space<hbm>> -> memref<1x10240x128xf32, #tpu.memory_space<hbm>>
      %dma_wait3A_129 = tpu.memref_squeeze %dma_wait3A_128 : memref<1x10240x128xf32, #tpu.memory_space<hbm>> -> memref<10240x128xf32, #tpu.memory_space<hbm>>
      %dma_wait3A_130 = arith.constant 0 : i32
      %dma_wait3A_131 = tpu.memref_slice %dma_wait3A_129[%add3A_107, %dma_wait3A_130] : memref<10240x128xf32, #tpu.memory_space<hbm>> -> memref<128x128xf32, #tpu.memory_space<hbm>>
      tpu.wait_dma2 semaphore(%run_scoped3A : memref<!tpu.dma_semaphore, #tpu.memory_space<semaphore_mem>>) src(%arg16 : memref<128x128xf32, #tpu.memory_space<vmem>>) dst(%dma_wait3A_131 : memref<128x128xf32, #tpu.memory_space<hbm>>)
      tpu.yield
    }) : () -> ()
    return
  }
}

#map = affine_map<(d0, d1) -> (0, 0)>
#map1 = affine_map<(d0, d1) -> (0)>
#map2 = affine_map<(d0, d1) -> (0, 0, 0)>
module attributes {stable_mosaic.version = 14 : i64} {
  func.func @_sc_segsum_body(%arg0: i32, %arg1: i32, %arg2: memref<10000x128xf32, #tpu.memory_space<hbm>>, %arg3: memref<655360xi32, #tpu.memory_space<hbm>>, %arg4: memref<655360xi32, #tpu.memory_space<hbm>>, %arg5: memref<128x128xf32, #tpu.memory_space<hbm>>, %arg6: memref<2x10240x128xf32, #tpu.memory_space<hbm>>, %arg7: memref<327680xf32, #tpu.memory_space<hbm>>, %arg8: memref<10240x128xf32, #tpu.memory_space<vmem_shared>>, %arg9: memref<128xi32, #tpu.memory_space<vmem>>, %arg10: memref<128xi32, #tpu.memory_space<vmem>>, %arg11: memref<128xi32, #tpu.memory_space<vmem>>, %arg12: memref<128xi32, #tpu.memory_space<vmem>>, %arg13: memref<128xi32, #tpu.memory_space<vmem>>, %arg14: memref<128xi32, #tpu.memory_space<vmem>>, %arg15: memref<128xi32, #tpu.memory_space<vmem>>, %arg16: memref<128xi32, #tpu.memory_space<vmem>>, %arg17: memref<128x128xf32, #tpu.memory_space<vmem>>, %arg18: memref<128x128xf32, #tpu.memory_space<vmem>>, %arg19: memref<10240xf32, #tpu.memory_space<vmem>>, %arg20: memref<4x!tpu.dma_semaphore, #tpu.memory_space<semaphore_mem>>, %arg21: memref<4x!tpu.dma_semaphore, #tpu.memory_space<semaphore_mem>>, %arg22: memref<2x!tpu.dma_semaphore, #tpu.memory_space<semaphore_mem>>, %arg23: memref<!tpu.dma_semaphore, #tpu.memory_space<semaphore_mem>>) attributes {dimension_semantics = [#tpu.dimension_semantics<core_parallel>, #tpu.dimension_semantics<subcore_parallel>], iteration_bounds = array<i64: 2, 16>, scalar_prefetch = 0 : i64, scratch_operands = 16 : i64, tpu.core_type = #tpu.core_type<sc_vector_subcore>, window_params = [{transform_indices = #map}, {transform_indices = #map1}, {transform_indices = #map1}, {transform_indices = #map}, {transform_indices = #map2}, {transform_indices = #map1}]} {
    %mul3A = arith.constant 16 : i32
    %mul3A_0 = arith.muli %arg0, %mul3A : i32
    %add3A = arith.addi %mul3A_0, %arg1 : i32
    %eq3A = arith.constant 0 : i32
    %eq3A_1 = arith.cmpi eq, %arg0, %eq3A : i32
    %jit3A = arith.constant 160 : i32
    %jit3A_2 = arith.constant 160 : i32
    %select_n3A = arith.select %eq3A_1, %jit3A, %jit3A_2 : i32
    %mul3A_3 = arith.constant 16 : i32
    %mul3A_4 = arith.muli %arg0, %mul3A_3 : i32
    %mul3A_5 = arith.constant 160 : i32
    %mul3A_6 = arith.muli %mul3A_4, %mul3A_5 : i32
    %mul3A_7 = arith.muli %arg1, %select_n3A : i32
    %add3A_8 = arith.addi %mul3A_6, %mul3A_7 : i32
    %mul3A_9 = arith.constant 128 : i32
    %mul3A_10 = arith.muli %mul3A_9, %add3A_8 : i32
    %jit3A_11 = arith.constant 4 : i32
    %div3A = arith.divsi %select_n3A, %jit3A_11 : i32
    %sign3A = arith.constant 0 : i32
    %sign3A_12 = arith.cmpi sgt, %select_n3A, %sign3A : i32
    %sign3A_13 = arith.extui %sign3A_12 : i1 to i32
    %sign3A_14 = arith.constant 0 : i32
    %sign3A_15 = arith.cmpi slt, %select_n3A, %sign3A_14 : i32
    %sign3A_16 = arith.extui %sign3A_15 : i1 to i32
    %sign3A_17 = arith.subi %sign3A_13, %sign3A_16 : i32
    %sign3A_18 = arith.constant 0 : i32
    %sign3A_19 = arith.cmpi sgt, %jit3A_11, %sign3A_18 : i32
    %sign3A_20 = arith.extui %sign3A_19 : i1 to i32
    %sign3A_21 = arith.constant 0 : i32
    %sign3A_22 = arith.cmpi slt, %jit3A_11, %sign3A_21 : i32
    %sign3A_23 = arith.extui %sign3A_22 : i1 to i32
    %sign3A_24 = arith.subi %sign3A_20, %sign3A_23 : i32
    %ne3A = arith.cmpi ne, %sign3A_17, %sign3A_24 : i32
    %rem3A = arith.remsi %select_n3A, %jit3A_11 : i32
    %ne3A_25 = arith.constant 0 : i32
    %ne3A_26 = arith.cmpi ne, %rem3A, %ne3A_25 : i32
    %and3A = arith.andi %ne3A, %ne3A_26 : i1
    %sub3A = arith.constant 1 : i32
    %sub3A_27 = arith.subi %div3A, %sub3A : i32
    %select_n3A_28 = arith.select %and3A, %sub3A_27, %div3A : i32
    "tpu.region"() ({
      %run_scoped3A = tpu.sem_alloc : memref<!tpu.dma_semaphore, #tpu.memory_space<semaphore_mem>>
      tpu.enqueue_dma source(%arg5 : memref<128x128xf32, #tpu.memory_space<hbm>>) target(%arg17 : memref<128x128xf32, #tpu.memory_space<vmem>>) target_semaphore(%run_scoped3A : memref<!tpu.dma_semaphore, #tpu.memory_space<semaphore_mem>>)
      tpu.wait_dma2 semaphore(%run_scoped3A : memref<!tpu.dma_semaphore, #tpu.memory_space<semaphore_mem>>) src(%arg5 : memref<128x128xf32, #tpu.memory_space<hbm>>) dst(%arg17 : memref<128x128xf32, #tpu.memory_space<vmem>>)
      tpu.yield
    }) : () -> ()
    %mul3A_29 = arith.constant 640 : i32
    %mul3A_30 = arith.muli %arg1, %mul3A_29 : i32
    %add3A_31 = arith.constant 0 : i32
    %add3A_32 = arith.addi %mul3A_30, %add3A_31 : i32
    "tpu.region"() ({
      %run_scoped3A = tpu.sem_alloc : memref<!tpu.dma_semaphore, #tpu.memory_space<semaphore_mem>>
      %dma_start3A_115 = arith.constant 0 : i32
      %dma_start3A_116 = tpu.memref_slice %arg8[%add3A_32, %dma_start3A_115] : memref<10240x128xf32, #tpu.memory_space<vmem_shared>> -> memref<128x128xf32, #tpu.memory_space<vmem_shared>>
      %dma_start3A_117 = arith.constant 0 : i32
      %dma_start3A_118 = tpu.memref_slice %arg8[%add3A_32, %dma_start3A_117] : memref<10240x128xf32, #tpu.memory_space<vmem_shared>> -> memref<128x128xf32, #tpu.memory_space<vmem_shared>>
      tpu.enqueue_dma source(%arg17 : memref<128x128xf32, #tpu.memory_space<vmem>>) target(%dma_start3A_118 : memref<128x128xf32, #tpu.memory_space<vmem_shared>>) target_semaphore(%run_scoped3A : memref<!tpu.dma_semaphore, #tpu.memory_space<semaphore_mem>>)
      %dma_wait3A_119 = arith.constant 0 : i32
      %dma_wait3A_120 = tpu.memref_slice %arg8[%add3A_32, %dma_wait3A_119] : memref<10240x128xf32, #tpu.memory_space<vmem_shared>> -> memref<128x128xf32, #tpu.memory_space<vmem_shared>>
      %dma_wait3A_121 = arith.constant 0 : i32
      %dma_wait3A_122 = tpu.memref_slice %arg8[%add3A_32, %dma_wait3A_121] : memref<10240x128xf32, #tpu.memory_space<vmem_shared>> -> memref<128x128xf32, #tpu.memory_space<vmem_shared>>
      tpu.wait_dma2 semaphore(%run_scoped3A : memref<!tpu.dma_semaphore, #tpu.memory_space<semaphore_mem>>) src(%arg17 : memref<128x128xf32, #tpu.memory_space<vmem>>) dst(%dma_wait3A_122 : memref<128x128xf32, #tpu.memory_space<vmem_shared>>)
      tpu.yield
    }) : () -> ()
    %mul3A_33 = arith.constant 640 : i32
    %mul3A_34 = arith.muli %arg1, %mul3A_33 : i32
    %add3A_35 = arith.constant 128 : i32
    %add3A_36 = arith.addi %mul3A_34, %add3A_35 : i32
    "tpu.region"() ({
      %run_scoped3A = tpu.sem_alloc : memref<!tpu.dma_semaphore, #tpu.memory_space<semaphore_mem>>
      %dma_start3A_115 = arith.constant 0 : i32
      %dma_start3A_116 = tpu.memref_slice %arg8[%add3A_36, %dma_start3A_115] : memref<10240x128xf32, #tpu.memory_space<vmem_shared>> -> memref<128x128xf32, #tpu.memory_space<vmem_shared>>
      %dma_start3A_117 = arith.constant 0 : i32
      %dma_start3A_118 = tpu.memref_slice %arg8[%add3A_36, %dma_start3A_117] : memref<10240x128xf32, #tpu.memory_space<vmem_shared>> -> memref<128x128xf32, #tpu.memory_space<vmem_shared>>
      tpu.enqueue_dma source(%arg17 : memref<128x128xf32, #tpu.memory_space<vmem>>) target(%dma_start3A_118 : memref<128x128xf32, #tpu.memory_space<vmem_shared>>) target_semaphore(%run_scoped3A : memref<!tpu.dma_semaphore, #tpu.memory_space<semaphore_mem>>)
      %dma_wait3A_119 = arith.constant 0 : i32
      %dma_wait3A_120 = tpu.memref_slice %arg8[%add3A_36, %dma_wait3A_119] : memref<10240x128xf32, #tpu.memory_space<vmem_shared>> -> memref<128x128xf32, #tpu.memory_space<vmem_shared>>
      %dma_wait3A_121 = arith.constant 0 : i32
      %dma_wait3A_122 = tpu.memref_slice %arg8[%add3A_36, %dma_wait3A_121] : memref<10240x128xf32, #tpu.memory_space<vmem_shared>> -> memref<128x128xf32, #tpu.memory_space<vmem_shared>>
      tpu.wait_dma2 semaphore(%run_scoped3A : memref<!tpu.dma_semaphore, #tpu.memory_space<semaphore_mem>>) src(%arg17 : memref<128x128xf32, #tpu.memory_space<vmem>>) dst(%dma_wait3A_122 : memref<128x128xf32, #tpu.memory_space<vmem_shared>>)
      tpu.yield
    }) : () -> ()
    %mul3A_37 = arith.constant 640 : i32
    %mul3A_38 = arith.muli %arg1, %mul3A_37 : i32
    %add3A_39 = arith.constant 256 : i32
    %add3A_40 = arith.addi %mul3A_38, %add3A_39 : i32
    "tpu.region"() ({
      %run_scoped3A = tpu.sem_alloc : memref<!tpu.dma_semaphore, #tpu.memory_space<semaphore_mem>>
      %dma_start3A_115 = arith.constant 0 : i32
      %dma_start3A_116 = tpu.memref_slice %arg8[%add3A_40, %dma_start3A_115] : memref<10240x128xf32, #tpu.memory_space<vmem_shared>> -> memref<128x128xf32, #tpu.memory_space<vmem_shared>>
      %dma_start3A_117 = arith.constant 0 : i32
      %dma_start3A_118 = tpu.memref_slice %arg8[%add3A_40, %dma_start3A_117] : memref<10240x128xf32, #tpu.memory_space<vmem_shared>> -> memref<128x128xf32, #tpu.memory_space<vmem_shared>>
      tpu.enqueue_dma source(%arg17 : memref<128x128xf32, #tpu.memory_space<vmem>>) target(%dma_start3A_118 : memref<128x128xf32, #tpu.memory_space<vmem_shared>>) target_semaphore(%run_scoped3A : memref<!tpu.dma_semaphore, #tpu.memory_space<semaphore_mem>>)
      %dma_wait3A_119 = arith.constant 0 : i32
      %dma_wait3A_120 = tpu.memref_slice %arg8[%add3A_40, %dma_wait3A_119] : memref<10240x128xf32, #tpu.memory_space<vmem_shared>> -> memref<128x128xf32, #tpu.memory_space<vmem_shared>>
      %dma_wait3A_121 = arith.constant 0 : i32
      %dma_wait3A_122 = tpu.memref_slice %arg8[%add3A_40, %dma_wait3A_121] : memref<10240x128xf32, #tpu.memory_space<vmem_shared>> -> memref<128x128xf32, #tpu.memory_space<vmem_shared>>
      tpu.wait_dma2 semaphore(%run_scoped3A : memref<!tpu.dma_semaphore, #tpu.memory_space<semaphore_mem>>) src(%arg17 : memref<128x128xf32, #tpu.memory_space<vmem>>) dst(%dma_wait3A_122 : memref<128x128xf32, #tpu.memory_space<vmem_shared>>)
      tpu.yield
    }) : () -> ()
    %mul3A_41 = arith.constant 640 : i32
    %mul3A_42 = arith.muli %arg1, %mul3A_41 : i32
    %add3A_43 = arith.constant 384 : i32
    %add3A_44 = arith.addi %mul3A_42, %add3A_43 : i32
    "tpu.region"() ({
      %run_scoped3A = tpu.sem_alloc : memref<!tpu.dma_semaphore, #tpu.memory_space<semaphore_mem>>
      %dma_start3A_115 = arith.constant 0 : i32
      %dma_start3A_116 = tpu.memref_slice %arg8[%add3A_44, %dma_start3A_115] : memref<10240x128xf32, #tpu.memory_space<vmem_shared>> -> memref<128x128xf32, #tpu.memory_space<vmem_shared>>
      %dma_start3A_117 = arith.constant 0 : i32
      %dma_start3A_118 = tpu.memref_slice %arg8[%add3A_44, %dma_start3A_117] : memref<10240x128xf32, #tpu.memory_space<vmem_shared>> -> memref<128x128xf32, #tpu.memory_space<vmem_shared>>
      tpu.enqueue_dma source(%arg17 : memref<128x128xf32, #tpu.memory_space<vmem>>) target(%dma_start3A_118 : memref<128x128xf32, #tpu.memory_space<vmem_shared>>) target_semaphore(%run_scoped3A : memref<!tpu.dma_semaphore, #tpu.memory_space<semaphore_mem>>)
      %dma_wait3A_119 = arith.constant 0 : i32
      %dma_wait3A_120 = tpu.memref_slice %arg8[%add3A_44, %dma_wait3A_119] : memref<10240x128xf32, #tpu.memory_space<vmem_shared>> -> memref<128x128xf32, #tpu.memory_space<vmem_shared>>
      %dma_wait3A_121 = arith.constant 0 : i32
      %dma_wait3A_122 = tpu.memref_slice %arg8[%add3A_44, %dma_wait3A_121] : memref<10240x128xf32, #tpu.memory_space<vmem_shared>> -> memref<128x128xf32, #tpu.memory_space<vmem_shared>>
      tpu.wait_dma2 semaphore(%run_scoped3A : memref<!tpu.dma_semaphore, #tpu.memory_space<semaphore_mem>>) src(%arg17 : memref<128x128xf32, #tpu.memory_space<vmem>>) dst(%dma_wait3A_122 : memref<128x128xf32, #tpu.memory_space<vmem_shared>>)
      tpu.yield
    }) : () -> ()
    %mul3A_45 = arith.constant 640 : i32
    %mul3A_46 = arith.muli %arg1, %mul3A_45 : i32
    %add3A_47 = arith.constant 512 : i32
    %add3A_48 = arith.addi %mul3A_46, %add3A_47 : i32
    "tpu.region"() ({
      %run_scoped3A = tpu.sem_alloc : memref<!tpu.dma_semaphore, #tpu.memory_space<semaphore_mem>>
      %dma_start3A_115 = arith.constant 0 : i32
      %dma_start3A_116 = tpu.memref_slice %arg8[%add3A_48, %dma_start3A_115] : memref<10240x128xf32, #tpu.memory_space<vmem_shared>> -> memref<128x128xf32, #tpu.memory_space<vmem_shared>>
      %dma_start3A_117 = arith.constant 0 : i32
      %dma_start3A_118 = tpu.memref_slice %arg8[%add3A_48, %dma_start3A_117] : memref<10240x128xf32, #tpu.memory_space<vmem_shared>> -> memref<128x128xf32, #tpu.memory_space<vmem_shared>>
      tpu.enqueue_dma source(%arg17 : memref<128x128xf32, #tpu.memory_space<vmem>>) target(%dma_start3A_118 : memref<128x128xf32, #tpu.memory_space<vmem_shared>>) target_semaphore(%run_scoped3A : memref<!tpu.dma_semaphore, #tpu.memory_space<semaphore_mem>>)
      %dma_wait3A_119 = arith.constant 0 : i32
      %dma_wait3A_120 = tpu.memref_slice %arg8[%add3A_48, %dma_wait3A_119] : memref<10240x128xf32, #tpu.memory_space<vmem_shared>> -> memref<128x128xf32, #tpu.memory_space<vmem_shared>>
      %dma_wait3A_121 = arith.constant 0 : i32
      %dma_wait3A_122 = tpu.memref_slice %arg8[%add3A_48, %dma_wait3A_121] : memref<10240x128xf32, #tpu.memory_space<vmem_shared>> -> memref<128x128xf32, #tpu.memory_space<vmem_shared>>
      tpu.wait_dma2 semaphore(%run_scoped3A : memref<!tpu.dma_semaphore, #tpu.memory_space<semaphore_mem>>) src(%arg17 : memref<128x128xf32, #tpu.memory_space<vmem>>) dst(%dma_wait3A_122 : memref<128x128xf32, #tpu.memory_space<vmem_shared>>)
      tpu.yield
    }) : () -> ()
    %scan3A = arith.constant 0 : i32
    %scan3A_49 = arith.constant 0 : i32
    %scan3A_50 = arith.constant 640 : i32
    %scan3A_51 = arith.addi %scan3A_49, %scan3A_50 : i32
    %scan3A_52 = arith.constant 1 : i32
    scf.for %scan3A_115 = %scan3A_49 to %scan3A_51 step %scan3A_52  : i32 {
      %broadcast_in_dim3A_116 = arith.constant 0.000000e+00 : f32
      %broadcast_in_dim3A_117 = vector.broadcast %broadcast_in_dim3A_116 : f32 to vector<16xf32>
      %mul3A_118 = arith.constant 16 : i32
      %mul3A_119 = arith.muli %scan3A_115, %mul3A_118 : i32
      %swap3A = arith.index_cast %mul3A_119 : i32 to index
      %swap3A_120 = tpu.vector_load %arg19[%swap3A] {strides = array<i32>} : memref<10240xf32, #tpu.memory_space<vmem>>, vector<16xf32>,
      tpu.vector_store %arg19[%swap3A], %broadcast_in_dim3A_117 {strides = array<i32>} : memref<10240xf32, #tpu.memory_space<vmem>>, vector<16xf32>,
    }
    %scan3A_53 = arith.constant 640 : i32
    %barrier3A = arith.constant 0 : index
    tpu.barrier barrier_id(%barrier3A)
    %broadcast_in_dim3A = arith.constant 1.000000e+00 : f32
    %broadcast_in_dim3A_54 = vector.broadcast %broadcast_in_dim3A : f32 to vector<16xf32>
    %add3A_55 = arith.constant 0 : i32
    %add3A_56 = arith.addi %mul3A_10, %add3A_55 : i32
    %multiple_of3A = tpu.assume_multiple %add3A_56, 8 : i32
    "tpu.region"() ({
      %run_scoped3A = tpu.sem_alloc : memref<!tpu.dma_semaphore, #tpu.memory_space<semaphore_mem>>
      %dma_start3A_115 = tpu.memref_slice %arg3[%multiple_of3A] : memref<655360xi32, #tpu.memory_space<hbm>> -> memref<128xi32, #tpu.memory_space<hbm>>
      %dma_start3A_116 = tpu.memref_slice %arg3[%multiple_of3A] : memref<655360xi32, #tpu.memory_space<hbm>> -> memref<128xi32, #tpu.memory_space<hbm>>
      tpu.enqueue_dma source(%dma_start3A_116 : memref<128xi32, #tpu.memory_space<hbm>>) target(%arg9 : memref<128xi32, #tpu.memory_space<vmem>>) target_semaphore(%run_scoped3A : memref<!tpu.dma_semaphore, #tpu.memory_space<semaphore_mem>>)
      %dma_wait3A_117 = tpu.memref_slice %arg3[%multiple_of3A] : memref<655360xi32, #tpu.memory_space<hbm>> -> memref<128xi32, #tpu.memory_space<hbm>>
      %dma_wait3A_118 = tpu.memref_slice %arg3[%multiple_of3A] : memref<655360xi32, #tpu.memory_space<hbm>> -> memref<128xi32, #tpu.memory_space<hbm>>
      tpu.wait_dma2 semaphore(%run_scoped3A : memref<!tpu.dma_semaphore, #tpu.memory_space<semaphore_mem>>) src(%dma_wait3A_118 : memref<128xi32, #tpu.memory_space<hbm>>) dst(%arg9 : memref<128xi32, #tpu.memory_space<vmem>>)
      tpu.yield
    }) : () -> ()
    %add3A_57 = arith.constant 0 : i32
    %add3A_58 = arith.addi %mul3A_10, %add3A_57 : i32
    %multiple_of3A_59 = tpu.assume_multiple %add3A_58, 8 : i32
    "tpu.region"() ({
      %run_scoped3A = tpu.sem_alloc : memref<!tpu.dma_semaphore, #tpu.memory_space<semaphore_mem>>
      %dma_start3A_115 = tpu.memref_slice %arg4[%multiple_of3A_59] : memref<655360xi32, #tpu.memory_space<hbm>> -> memref<128xi32, #tpu.memory_space<hbm>>
      %dma_start3A_116 = tpu.memref_slice %arg4[%multiple_of3A_59] : memref<655360xi32, #tpu.memory_space<hbm>> -> memref<128xi32, #tpu.memory_space<hbm>>
      tpu.enqueue_dma source(%dma_start3A_116 : memref<128xi32, #tpu.memory_space<hbm>>) target(%arg13 : memref<128xi32, #tpu.memory_space<vmem>>) target_semaphore(%run_scoped3A : memref<!tpu.dma_semaphore, #tpu.memory_space<semaphore_mem>>)
      %dma_wait3A_117 = tpu.memref_slice %arg4[%multiple_of3A_59] : memref<655360xi32, #tpu.memory_space<hbm>> -> memref<128xi32, #tpu.memory_space<hbm>>
      %dma_wait3A_118 = tpu.memref_slice %arg4[%multiple_of3A_59] : memref<655360xi32, #tpu.memory_space<hbm>> -> memref<128xi32, #tpu.memory_space<hbm>>
      tpu.wait_dma2 semaphore(%run_scoped3A : memref<!tpu.dma_semaphore, #tpu.memory_space<semaphore_mem>>) src(%dma_wait3A_118 : memref<128xi32, #tpu.memory_space<hbm>>) dst(%arg13 : memref<128xi32, #tpu.memory_space<vmem>>)
      tpu.yield
    }) : () -> ()
    %add3A_60 = arith.constant 128 : i32
    %add3A_61 = arith.addi %mul3A_10, %add3A_60 : i32
    %multiple_of3A_62 = tpu.assume_multiple %add3A_61, 8 : i32
    %dma_start3A = arith.constant 1 : i32
    %dma_start3A_63 = tpu.memref_slice %arg3[%multiple_of3A_62] : memref<655360xi32, #tpu.memory_space<hbm>> -> memref<128xi32, #tpu.memory_space<hbm>>
    %dma_start3A_64 = tpu.memref_slice %arg20[%dma_start3A] : memref<4x!tpu.dma_semaphore, #tpu.memory_space<semaphore_mem>> -> memref<1x!tpu.dma_semaphore, #tpu.memory_space<semaphore_mem>>
    %dma_start3A_65 = tpu.memref_squeeze %dma_start3A_64 : memref<1x!tpu.dma_semaphore, #tpu.memory_space<semaphore_mem>> -> memref<!tpu.dma_semaphore, #tpu.memory_space<semaphore_mem>>
    %dma_start3A_66 = tpu.memref_slice %arg3[%multiple_of3A_62] : memref<655360xi32, #tpu.memory_space<hbm>> -> memref<128xi32, #tpu.memory_space<hbm>>
    tpu.enqueue_dma source(%dma_start3A_66 : memref<128xi32, #tpu.memory_space<hbm>>) target(%arg10 : memref<128xi32, #tpu.memory_space<vmem>>) target_semaphore(%dma_start3A_65 : memref<!tpu.dma_semaphore, #tpu.memory_space<semaphore_mem>>)
    %add3A_67 = arith.constant 128 : i32
    %add3A_68 = arith.addi %mul3A_10, %add3A_67 : i32
    %multiple_of3A_69 = tpu.assume_multiple %add3A_68, 8 : i32
    %dma_start3A_70 = arith.constant 1 : i32
    %dma_start3A_71 = tpu.memref_slice %arg4[%multiple_of3A_69] : memref<655360xi32, #tpu.memory_space<hbm>> -> memref<128xi32, #tpu.memory_space<hbm>>
    %dma_start3A_72 = tpu.memref_slice %arg21[%dma_start3A_70] : memref<4x!tpu.dma_semaphore, #tpu.memory_space<semaphore_mem>> -> memref<1x!tpu.dma_semaphore, #tpu.memory_space<semaphore_mem>>
    %dma_start3A_73 = tpu.memref_squeeze %dma_start3A_72 : memref<1x!tpu.dma_semaphore, #tpu.memory_space<semaphore_mem>> -> memref<!tpu.dma_semaphore, #tpu.memory_space<semaphore_mem>>
    %dma_start3A_74 = tpu.memref_slice %arg4[%multiple_of3A_69] : memref<655360xi32, #tpu.memory_space<hbm>> -> memref<128xi32, #tpu.memory_space<hbm>>
    tpu.enqueue_dma source(%dma_start3A_74 : memref<128xi32, #tpu.memory_space<hbm>>) target(%arg14 : memref<128xi32, #tpu.memory_space<vmem>>) target_semaphore(%dma_start3A_73 : memref<!tpu.dma_semaphore, #tpu.memory_space<semaphore_mem>>)
    %dma_start3A_75 = arith.constant 0 : i32
    %dma_start3A_76 = arith.constant 0 : i32
    %dma_start3A_77 = arith.constant 0 : i32
    %dma_start3A_78 = tpu.memref_slice %arg2[%dma_start3A_76, %dma_start3A_77] : memref<10000x128xf32, #tpu.memory_space<hbm>> -> memref<10000x128xf32, #tpu.memory_space<hbm>>
    %dma_start3A_79 = tpu.memref_slice %arg22[%dma_start3A_75] : memref<2x!tpu.dma_semaphore, #tpu.memory_space<semaphore_mem>> -> memref<1x!tpu.dma_semaphore, #tpu.memory_space<semaphore_mem>>
    %dma_start3A_80 = tpu.memref_squeeze %dma_start3A_79 : memref<1x!tpu.dma_semaphore, #tpu.memory_space<semaphore_mem>> -> memref<!tpu.dma_semaphore, #tpu.memory_space<semaphore_mem>>
    tpu.enqueue_indirect_dma source(%dma_start3A_78 : memref<10000x128xf32, #tpu.memory_space<hbm>>) target(%arg17 : memref<128x128xf32, #tpu.memory_space<vmem>>) offsets(%arg9 : memref<128xi32, #tpu.memory_space<vmem>>) semaphore(%dma_start3A_80 : memref<!tpu.dma_semaphore, #tpu.memory_space<semaphore_mem>>)
    %while3A = arith.constant 0 : i32
    %while3A_81 = arith.constant 0 : i32
    %while3A_82 = arith.subi %select_n3A_28, %while3A_81 : i32
    %while3A_83 = arith.addi %while3A_81, %while3A_82 : i32
    %while3A_84 = arith.constant 1 : i32
    %while3A_85 = arith.divsi %while3A_82, %while3A_84 : i32
    %while3A_86 = arith.muli %while3A_85, %while3A_84 : i32
    %while3A_87 = arith.addi %while3A_81, %while3A_86 : i32
    %while3A_88 = arith.constant 1 : i32
    scf.for %while3A_115 = %while3A_81 to %while3A_87 step %while3A_88  : i32 {
      %mul3A_116 = arith.constant 4 : i32
      %mul3A_117 = arith.muli %mul3A_116, %while3A_115 : i32
      %add3A_118 = arith.constant 0 : i32
      %add3A_119 = arith.addi %mul3A_117, %add3A_118 : i32
      %dma_wait3A_120 = arith.constant 0 : i32
      %dma_wait3A_121 = arith.constant 0 : i32
      %dma_wait3A_122 = arith.constant 0 : i32
      %dma_wait3A_123 = tpu.memref_slice %arg2[%dma_wait3A_121, %dma_wait3A_122] : memref<10000x128xf32, #tpu.memory_space<hbm>> -> memref<10000x128xf32, #tpu.memory_space<hbm>>
      %dma_wait3A_124 = tpu.memref_slice %arg22[%dma_wait3A_120] : memref<2x!tpu.dma_semaphore, #tpu.memory_space<semaphore_mem>> -> memref<1x!tpu.dma_semaphore, #tpu.memory_space<semaphore_mem>>
      %dma_wait3A_125 = tpu.memref_squeeze %dma_wait3A_124 : memref<1x!tpu.dma_semaphore, #tpu.memory_space<semaphore_mem>> -> memref<!tpu.dma_semaphore, #tpu.memory_space<semaphore_mem>>
      tpu.wait_indirect_dma semaphore(%dma_wait3A_125 : memref<!tpu.dma_semaphore, #tpu.memory_space<semaphore_mem>>) src(%dma_wait3A_123 : memref<10000x128xf32, #tpu.memory_space<hbm>>) dst(%arg17 : memref<128x128xf32, #tpu.memory_space<vmem>>)
      %dma_start3A_126 = arith.constant 0 : i32
      %dma_start3A_127 = arith.constant 0 : i32
      %dma_start3A_128 = tpu.memref_slice %arg8[%dma_start3A_126, %dma_start3A_127] : memref<10240x128xf32, #tpu.memory_space<vmem_shared>> -> memref<10240x128xf32, #tpu.memory_space<vmem_shared>>
      tpu.enqueue_indirect_dma source(%arg17 : memref<128x128xf32, #tpu.memory_space<vmem>>) target(%dma_start3A_128 : memref<10240x128xf32, #tpu.memory_space<vmem_shared>>) offsets(%arg13 : memref<128xi32, #tpu.memory_space<vmem>>) semaphore(%arg23 : memref<!tpu.dma_semaphore, #tpu.memory_space<semaphore_mem>>) {add = true}
      %get3A = arith.constant 0 : index
      %get3A_129 = tpu.vector_load %arg13[%get3A] {strides = array<i32>} : memref<128xi32, #tpu.memory_space<vmem>>, vector<16xi32>,
      tpu.vector_store_idx %arg19[%get3A_129], %broadcast_in_dim3A_54 {add = true} : memref<10240xf32, #tpu.memory_space<vmem>>[vector<16xi32>], vector<16xf32>,
      %get3A_130 = arith.constant 16 : index
      %get3A_131 = tpu.vector_load %arg13[%get3A_130] {strides = array<i32>} : memref<128xi32, #tpu.memory_space<vmem>>, vector<16xi32>,
      tpu.vector_store_idx %arg19[%get3A_131], %broadcast_in_dim3A_54 {add = true} : memref<10240xf32, #tpu.memory_space<vmem>>[vector<16xi32>], vector<16xf32>,
      %get3A_132 = arith.constant 32 : index
      %get3A_133 = tpu.vector_load %arg13[%get3A_132] {strides = array<i32>} : memref<128xi32, #tpu.memory_space<vmem>>, vector<16xi32>,
      tpu.vector_store_idx %arg19[%get3A_133], %broadcast_in_dim3A_54 {add = true} : memref<10240xf32, #tpu.memory_space<vmem>>[vector<16xi32>], vector<16xf32>,
      %get3A_134 = arith.constant 48 : index
      %get3A_135 = tpu.vector_load %arg13[%get3A_134] {strides = array<i32>} : memref<128xi32, #tpu.memory_space<vmem>>, vector<16xi32>,
      tpu.vector_store_idx %arg19[%get3A_135], %broadcast_in_dim3A_54 {add = true} : memref<10240xf32, #tpu.memory_space<vmem>>[vector<16xi32>], vector<16xf32>,
      %get3A_136 = arith.constant 64 : index
      %get3A_137 = tpu.vector_load %arg13[%get3A_136] {strides = array<i32>} : memref<128xi32, #tpu.memory_space<vmem>>, vector<16xi32>,
      tpu.vector_store_idx %arg19[%get3A_137], %broadcast_in_dim3A_54 {add = true} : memref<10240xf32, #tpu.memory_space<vmem>>[vector<16xi32>], vector<16xf32>,
      %get3A_138 = arith.constant 80 : index
      %get3A_139 = tpu.vector_load %arg13[%get3A_138] {strides = array<i32>} : memref<128xi32, #tpu.memory_space<vmem>>, vector<16xi32>,
      tpu.vector_store_idx %arg19[%get3A_139], %broadcast_in_dim3A_54 {add = true} : memref<10240xf32, #tpu.memory_space<vmem>>[vector<16xi32>], vector<16xf32>,
      %get3A_140 = arith.constant 96 : index
      %get3A_141 = tpu.vector_load %arg13[%get3A_140] {strides = array<i32>} : memref<128xi32, #tpu.memory_space<vmem>>, vector<16xi32>,
      tpu.vector_store_idx %arg19[%get3A_141], %broadcast_in_dim3A_54 {add = true} : memref<10240xf32, #tpu.memory_space<vmem>>[vector<16xi32>], vector<16xf32>,
      %get3A_142 = arith.constant 112 : index
      %get3A_143 = tpu.vector_load %arg13[%get3A_142] {strides = array<i32>} : memref<128xi32, #tpu.memory_space<vmem>>, vector<16xi32>,
      tpu.vector_store_idx %arg19[%get3A_143], %broadcast_in_dim3A_54 {add = true} : memref<10240xf32, #tpu.memory_space<vmem>>[vector<16xi32>], vector<16xf32>,
      %gt3A = arith.constant 0 : i32
      %gt3A_144 = arith.cmpi sgt, %while3A_115, %gt3A : i32
      %convert_element_type3A = arith.extui %gt3A_144 : i1 to i32
      %cond3A = arith.constant 0 : i32
      %cond3A_145 = arith.cmpi ne, %convert_element_type3A, %cond3A : i32
      scf.if %cond3A_145 {
        %dma_wait3A_357 = arith.constant 0 : i32
        %dma_wait3A_358 = arith.constant 0 : i32
        %dma_wait3A_359 = tpu.memref_slice %arg8[%dma_wait3A_357, %dma_wait3A_358] : memref<10240x128xf32, #tpu.memory_space<vmem_shared>> -> memref<10240x128xf32, #tpu.memory_space<vmem_shared>>
        tpu.wait_indirect_dma semaphore(%arg23 : memref<!tpu.dma_semaphore, #tpu.memory_space<semaphore_mem>>) src(%arg18 : memref<128x128xf32, #tpu.memory_space<vmem>>) dst(%dma_wait3A_359 : memref<10240x128xf32, #tpu.memory_space<vmem_shared>>)
      } else {
      }
      %add3A_146 = arith.constant 2 : i32
      %add3A_147 = arith.addi %add3A_119, %add3A_146 : i32
      %mul3A_148 = arith.constant 128 : i32
      %mul3A_149 = arith.muli %add3A_147, %mul3A_148 : i32
      %add3A_150 = arith.addi %mul3A_10, %mul3A_149 : i32
      %multiple_of3A_151 = tpu.assume_multiple %add3A_150, 8 : i32
      %dma_start3A_152 = arith.constant 2 : i32
      %dma_start3A_153 = tpu.memref_slice %arg3[%multiple_of3A_151] : memref<655360xi32, #tpu.memory_space<hbm>> -> memref<128xi32, #tpu.memory_space<hbm>>
      %dma_start3A_154 = tpu.memref_slice %arg20[%dma_start3A_152] : memref<4x!tpu.dma_semaphore, #tpu.memory_space<semaphore_mem>> -> memref<1x!tpu.dma_semaphore, #tpu.memory_space<semaphore_mem>>
      %dma_start3A_155 = tpu.memref_squeeze %dma_start3A_154 : memref<1x!tpu.dma_semaphore, #tpu.memory_space<semaphore_mem>> -> memref<!tpu.dma_semaphore, #tpu.memory_space<semaphore_mem>>
      %dma_start3A_156 = tpu.memref_slice %arg3[%multiple_of3A_151] : memref<655360xi32, #tpu.memory_space<hbm>> -> memref<128xi32, #tpu.memory_space<hbm>>
      tpu.enqueue_dma source(%dma_start3A_156 : memref<128xi32, #tpu.memory_space<hbm>>) target(%arg11 : memref<128xi32, #tpu.memory_space<vmem>>) target_semaphore(%dma_start3A_155 : memref<!tpu.dma_semaphore, #tpu.memory_space<semaphore_mem>>)
      %dma_start3A_157 = arith.constant 2 : i32
      %dma_start3A_158 = tpu.memref_slice %arg4[%multiple_of3A_151] : memref<655360xi32, #tpu.memory_space<hbm>> -> memref<128xi32, #tpu.memory_space<hbm>>
      %dma_start3A_159 = tpu.memref_slice %arg21[%dma_start3A_157] : memref<4x!tpu.dma_semaphore, #tpu.memory_space<semaphore_mem>> -> memref<1x!tpu.dma_semaphore, #tpu.memory_space<semaphore_mem>>
      %dma_start3A_160 = tpu.memref_squeeze %dma_start3A_159 : memref<1x!tpu.dma_semaphore, #tpu.memory_space<semaphore_mem>> -> memref<!tpu.dma_semaphore, #tpu.memory_space<semaphore_mem>>
      %dma_start3A_161 = tpu.memref_slice %arg4[%multiple_of3A_151] : memref<655360xi32, #tpu.memory_space<hbm>> -> memref<128xi32, #tpu.memory_space<hbm>>
      tpu.enqueue_dma source(%dma_start3A_161 : memref<128xi32, #tpu.memory_space<hbm>>) target(%arg15 : memref<128xi32, #tpu.memory_space<vmem>>) target_semaphore(%dma_start3A_160 : memref<!tpu.dma_semaphore, #tpu.memory_space<semaphore_mem>>)
      %add3A_162 = arith.constant 1 : i32
      %add3A_163 = arith.addi %add3A_119, %add3A_162 : i32
      %mul3A_164 = arith.constant 128 : i32
      %mul3A_165 = arith.muli %add3A_163, %mul3A_164 : i32
      %add3A_166 = arith.addi %mul3A_10, %mul3A_165 : i32
      %multiple_of3A_167 = tpu.assume_multiple %add3A_166, 8 : i32
      %dma_wait3A_168 = arith.constant 1 : i32
      %dma_wait3A_169 = tpu.memref_slice %arg3[%multiple_of3A_167] : memref<655360xi32, #tpu.memory_space<hbm>> -> memref<128xi32, #tpu.memory_space<hbm>>
      %dma_wait3A_170 = tpu.memref_slice %arg20[%dma_wait3A_168] : memref<4x!tpu.dma_semaphore, #tpu.memory_space<semaphore_mem>> -> memref<1x!tpu.dma_semaphore, #tpu.memory_space<semaphore_mem>>
      %dma_wait3A_171 = tpu.memref_squeeze %dma_wait3A_170 : memref<1x!tpu.dma_semaphore, #tpu.memory_space<semaphore_mem>> -> memref<!tpu.dma_semaphore, #tpu.memory_space<semaphore_mem>>
      %dma_wait3A_172 = tpu.memref_slice %arg3[%multiple_of3A_167] : memref<655360xi32, #tpu.memory_space<hbm>> -> memref<128xi32, #tpu.memory_space<hbm>>
      tpu.wait_dma2 semaphore(%dma_wait3A_171 : memref<!tpu.dma_semaphore, #tpu.memory_space<semaphore_mem>>) src(%dma_wait3A_172 : memref<128xi32, #tpu.memory_space<hbm>>) dst(%arg10 : memref<128xi32, #tpu.memory_space<vmem>>)
      %dma_wait3A_173 = arith.constant 1 : i32
      %dma_wait3A_174 = tpu.memref_slice %arg4[%multiple_of3A_167] : memref<655360xi32, #tpu.memory_space<hbm>> -> memref<128xi32, #tpu.memory_space<hbm>>
      %dma_wait3A_175 = tpu.memref_slice %arg21[%dma_wait3A_173] : memref<4x!tpu.dma_semaphore, #tpu.memory_space<semaphore_mem>> -> memref<1x!tpu.dma_semaphore, #tpu.memory_space<semaphore_mem>>
      %dma_wait3A_176 = tpu.memref_squeeze %dma_wait3A_175 : memref<1x!tpu.dma_semaphore, #tpu.memory_space<semaphore_mem>> -> memref<!tpu.dma_semaphore, #tpu.memory_space<semaphore_mem>>
      %dma_wait3A_177 = tpu.memref_slice %arg4[%multiple_of3A_167] : memref<655360xi32, #tpu.memory_space<hbm>> -> memref<128xi32, #tpu.memory_space<hbm>>
      tpu.wait_dma2 semaphore(%dma_wait3A_176 : memref<!tpu.dma_semaphore, #tpu.memory_space<semaphore_mem>>) src(%dma_wait3A_177 : memref<128xi32, #tpu.memory_space<hbm>>) dst(%arg14 : memref<128xi32, #tpu.memory_space<vmem>>)
      %dma_start3A_178 = arith.constant 1 : i32
      %dma_start3A_179 = arith.constant 0 : i32
      %dma_start3A_180 = arith.constant 0 : i32
      %dma_start3A_181 = tpu.memref_slice %arg2[%dma_start3A_179, %dma_start3A_180] : memref<10000x128xf32, #tpu.memory_space<hbm>> -> memref<10000x128xf32, #tpu.memory_space<hbm>>
      %dma_start3A_182 = tpu.memref_slice %arg22[%dma_start3A_178] : memref<2x!tpu.dma_semaphore, #tpu.memory_space<semaphore_mem>> -> memref<1x!tpu.dma_semaphore, #tpu.memory_space<semaphore_mem>>
      %dma_start3A_183 = tpu.memref_squeeze %dma_start3A_182 : memref<1x!tpu.dma_semaphore, #tpu.memory_space<semaphore_mem>> -> memref<!tpu.dma_semaphore, #tpu.memory_space<semaphore_mem>>
      tpu.enqueue_indirect_dma source(%dma_start3A_181 : memref<10000x128xf32, #tpu.memory_space<hbm>>) target(%arg18 : memref<128x128xf32, #tpu.memory_space<vmem>>) offsets(%arg10 : memref<128xi32, #tpu.memory_space<vmem>>) semaphore(%dma_start3A_183 : memref<!tpu.dma_semaphore, #tpu.memory_space<semaphore_mem>>)
      %mul3A_184 = arith.constant 4 : i32
      %mul3A_185 = arith.muli %mul3A_184, %while3A_115 : i32
      %add3A_186 = arith.constant 1 : i32
      %add3A_187 = arith.addi %mul3A_185, %add3A_186 : i32
      %dma_wait3A_188 = arith.constant 1 : i32
      %dma_wait3A_189 = arith.constant 0 : i32
      %dma_wait3A_190 = arith.constant 0 : i32
      %dma_wait3A_191 = tpu.memref_slice %arg2[%dma_wait3A_189, %dma_wait3A_190] : memref<10000x128xf32, #tpu.memory_space<hbm>> -> memref<10000x128xf32, #tpu.memory_space<hbm>>
      %dma_wait3A_192 = tpu.memref_slice %arg22[%dma_wait3A_188] : memref<2x!tpu.dma_semaphore, #tpu.memory_space<semaphore_mem>> -> memref<1x!tpu.dma_semaphore, #tpu.memory_space<semaphore_mem>>
      %dma_wait3A_193 = tpu.memref_squeeze %dma_wait3A_192 : memref<1x!tpu.dma_semaphore, #tpu.memory_space<semaphore_mem>> -> memref<!tpu.dma_semaphore, #tpu.memory_space<semaphore_mem>>
      tpu.wait_indirect_dma semaphore(%dma_wait3A_193 : memref<!tpu.dma_semaphore, #tpu.memory_space<semaphore_mem>>) src(%dma_wait3A_191 : memref<10000x128xf32, #tpu.memory_space<hbm>>) dst(%arg18 : memref<128x128xf32, #tpu.memory_space<vmem>>)
      %dma_start3A_194 = arith.constant 0 : i32
      %dma_start3A_195 = arith.constant 0 : i32
      %dma_start3A_196 = tpu.memref_slice %arg8[%dma_start3A_194, %dma_start3A_195] : memref<10240x128xf32, #tpu.memory_space<vmem_shared>> -> memref<10240x128xf32, #tpu.memory_space<vmem_shared>>
      tpu.enqueue_indirect_dma source(%arg18 : memref<128x128xf32, #tpu.memory_space<vmem>>) target(%dma_start3A_196 : memref<10240x128xf32, #tpu.memory_space<vmem_shared>>) offsets(%arg14 : memref<128xi32, #tpu.memory_space<vmem>>) semaphore(%arg23 : memref<!tpu.dma_semaphore, #tpu.memory_space<semaphore_mem>>) {add = true}
      %get3A_197 = arith.constant 0 : index
      %get3A_198 = tpu.vector_load %arg14[%get3A_197] {strides = array<i32>} : memref<128xi32, #tpu.memory_space<vmem>>, vector<16xi32>,
      tpu.vector_store_idx %arg19[%get3A_198], %broadcast_in_dim3A_54 {add = true} : memref<10240xf32, #tpu.memory_space<vmem>>[vector<16xi32>], vector<16xf32>,
      %get3A_199 = arith.constant 16 : index
      %get3A_200 = tpu.vector_load %arg14[%get3A_199] {strides = array<i32>} : memref<128xi32, #tpu.memory_space<vmem>>, vector<16xi32>,
      tpu.vector_store_idx %arg19[%get3A_200], %broadcast_in_dim3A_54 {add = true} : memref<10240xf32, #tpu.memory_space<vmem>>[vector<16xi32>], vector<16xf32>,
      %get3A_201 = arith.constant 32 : index
      %get3A_202 = tpu.vector_load %arg14[%get3A_201] {strides = array<i32>} : memref<128xi32, #tpu.memory_space<vmem>>, vector<16xi32>,
      tpu.vector_store_idx %arg19[%get3A_202], %broadcast_in_dim3A_54 {add = true} : memref<10240xf32, #tpu.memory_space<vmem>>[vector<16xi32>], vector<16xf32>,
      %get3A_203 = arith.constant 48 : index
      %get3A_204 = tpu.vector_load %arg14[%get3A_203] {strides = array<i32>} : memref<128xi32, #tpu.memory_space<vmem>>, vector<16xi32>,
      tpu.vector_store_idx %arg19[%get3A_204], %broadcast_in_dim3A_54 {add = true} : memref<10240xf32, #tpu.memory_space<vmem>>[vector<16xi32>], vector<16xf32>,
      %get3A_205 = arith.constant 64 : index
      %get3A_206 = tpu.vector_load %arg14[%get3A_205] {strides = array<i32>} : memref<128xi32, #tpu.memory_space<vmem>>, vector<16xi32>,
      tpu.vector_store_idx %arg19[%get3A_206], %broadcast_in_dim3A_54 {add = true} : memref<10240xf32, #tpu.memory_space<vmem>>[vector<16xi32>], vector<16xf32>,
      %get3A_207 = arith.constant 80 : index
      %get3A_208 = tpu.vector_load %arg14[%get3A_207] {strides = array<i32>} : memref<128xi32, #tpu.memory_space<vmem>>, vector<16xi32>,
      tpu.vector_store_idx %arg19[%get3A_208], %broadcast_in_dim3A_54 {add = true} : memref<10240xf32, #tpu.memory_space<vmem>>[vector<16xi32>], vector<16xf32>,
      %get3A_209 = arith.constant 96 : index
      %get3A_210 = tpu.vector_load %arg14[%get3A_209] {strides = array<i32>} : memref<128xi32, #tpu.memory_space<vmem>>, vector<16xi32>,
      tpu.vector_store_idx %arg19[%get3A_210], %broadcast_in_dim3A_54 {add = true} : memref<10240xf32, #tpu.memory_space<vmem>>[vector<16xi32>], vector<16xf32>,
      %get3A_211 = arith.constant 112 : index
      %get3A_212 = tpu.vector_load %arg14[%get3A_211] {strides = array<i32>} : memref<128xi32, #tpu.memory_space<vmem>>, vector<16xi32>,
      tpu.vector_store_idx %arg19[%get3A_212], %broadcast_in_dim3A_54 {add = true} : memref<10240xf32, #tpu.memory_space<vmem>>[vector<16xi32>], vector<16xf32>,
      %dma_wait3A_213 = arith.constant 0 : i32
      %dma_wait3A_214 = arith.constant 0 : i32
      %dma_wait3A_215 = tpu.memref_slice %arg8[%dma_wait3A_213, %dma_wait3A_214] : memref<10240x128xf32, #tpu.memory_space<vmem_shared>> -> memref<10240x128xf32, #tpu.memory_space<vmem_shared>>
      tpu.wait_indirect_dma semaphore(%arg23 : memref<!tpu.dma_semaphore, #tpu.memory_space<semaphore_mem>>) src(%arg17 : memref<128x128xf32, #tpu.memory_space<vmem>>) dst(%dma_wait3A_215 : memref<10240x128xf32, #tpu.memory_space<vmem_shared>>)
      %add3A_216 = arith.constant 2 : i32
      %add3A_217 = arith.addi %add3A_187, %add3A_216 : i32
      %mul3A_218 = arith.constant 128 : i32
      %mul3A_219 = arith.muli %add3A_217, %mul3A_218 : i32
      %add3A_220 = arith.addi %mul3A_10, %mul3A_219 : i32
      %multiple_of3A_221 = tpu.assume_multiple %add3A_220, 8 : i32
      %dma_start3A_222 = arith.constant 3 : i32
      %dma_start3A_223 = tpu.memref_slice %arg3[%multiple_of3A_221] : memref<655360xi32, #tpu.memory_space<hbm>> -> memref<128xi32, #tpu.memory_space<hbm>>
      %dma_start3A_224 = tpu.memref_slice %arg20[%dma_start3A_222] : memref<4x!tpu.dma_semaphore, #tpu.memory_space<semaphore_mem>> -> memref<1x!tpu.dma_semaphore, #tpu.memory_space<semaphore_mem>>
      %dma_start3A_225 = tpu.memref_squeeze %dma_start3A_224 : memref<1x!tpu.dma_semaphore, #tpu.memory_space<semaphore_mem>> -> memref<!tpu.dma_semaphore, #tpu.memory_space<semaphore_mem>>
      %dma_start3A_226 = tpu.memref_slice %arg3[%multiple_of3A_221] : memref<655360xi32, #tpu.memory_space<hbm>> -> memref<128xi32, #tpu.memory_space<hbm>>
      tpu.enqueue_dma source(%dma_start3A_226 : memref<128xi32, #tpu.memory_space<hbm>>) target(%arg12 : memref<128xi32, #tpu.memory_space<vmem>>) target_semaphore(%dma_start3A_225 : memref<!tpu.dma_semaphore, #tpu.memory_space<semaphore_mem>>)
      %dma_start3A_227 = arith.constant 3 : i32
      %dma_start3A_228 = tpu.memref_slice %arg4[%multiple_of3A_221] : memref<655360xi32, #tpu.memory_space<hbm>> -> memref<128xi32, #tpu.memory_space<hbm>>
      %dma_start3A_229 = tpu.memref_slice %arg21[%dma_start3A_227] : memref<4x!tpu.dma_semaphore, #tpu.memory_space<semaphore_mem>> -> memref<1x!tpu.dma_semaphore, #tpu.memory_space<semaphore_mem>>
      %dma_start3A_230 = tpu.memref_squeeze %dma_start3A_229 : memref<1x!tpu.dma_semaphore, #tpu.memory_space<semaphore_mem>> -> memref<!tpu.dma_semaphore, #tpu.memory_space<semaphore_mem>>
      %dma_start3A_231 = tpu.memref_slice %arg4[%multiple_of3A_221] : memref<655360xi32, #tpu.memory_space<hbm>> -> memref<128xi32, #tpu.memory_space<hbm>>
      tpu.enqueue_dma source(%dma_start3A_231 : memref<128xi32, #tpu.memory_space<hbm>>) target(%arg16 : memref<128xi32, #tpu.memory_space<vmem>>) target_semaphore(%dma_start3A_230 : memref<!tpu.dma_semaphore, #tpu.memory_space<semaphore_mem>>)
      %add3A_232 = arith.constant 1 : i32
      %add3A_233 = arith.addi %add3A_187, %add3A_232 : i32
      %mul3A_234 = arith.constant 128 : i32
      %mul3A_235 = arith.muli %add3A_233, %mul3A_234 : i32
      %add3A_236 = arith.addi %mul3A_10, %mul3A_235 : i32
      %multiple_of3A_237 = tpu.assume_multiple %add3A_236, 8 : i32
      %dma_wait3A_238 = arith.constant 2 : i32
      %dma_wait3A_239 = tpu.memref_slice %arg3[%multiple_of3A_237] : memref<655360xi32, #tpu.memory_space<hbm>> -> memref<128xi32, #tpu.memory_space<hbm>>
      %dma_wait3A_240 = tpu.memref_slice %arg20[%dma_wait3A_238] : memref<4x!tpu.dma_semaphore, #tpu.memory_space<semaphore_mem>> -> memref<1x!tpu.dma_semaphore, #tpu.memory_space<semaphore_mem>>
      %dma_wait3A_241 = tpu.memref_squeeze %dma_wait3A_240 : memref<1x!tpu.dma_semaphore, #tpu.memory_space<semaphore_mem>> -> memref<!tpu.dma_semaphore, #tpu.memory_space<semaphore_mem>>
      %dma_wait3A_242 = tpu.memref_slice %arg3[%multiple_of3A_237] : memref<655360xi32, #tpu.memory_space<hbm>> -> memref<128xi32, #tpu.memory_space<hbm>>
      tpu.wait_dma2 semaphore(%dma_wait3A_241 : memref<!tpu.dma_semaphore, #tpu.memory_space<semaphore_mem>>) src(%dma_wait3A_242 : memref<128xi32, #tpu.memory_space<hbm>>) dst(%arg11 : memref<128xi32, #tpu.memory_space<vmem>>)
      %dma_wait3A_243 = arith.constant 2 : i32
      %dma_wait3A_244 = tpu.memref_slice %arg4[%multiple_of3A_237] : memref<655360xi32, #tpu.memory_space<hbm>> -> memref<128xi32, #tpu.memory_space<hbm>>
      %dma_wait3A_245 = tpu.memref_slice %arg21[%dma_wait3A_243] : memref<4x!tpu.dma_semaphore, #tpu.memory_space<semaphore_mem>> -> memref<1x!tpu.dma_semaphore, #tpu.memory_space<semaphore_mem>>
      %dma_wait3A_246 = tpu.memref_squeeze %dma_wait3A_245 : memref<1x!tpu.dma_semaphore, #tpu.memory_space<semaphore_mem>> -> memref<!tpu.dma_semaphore, #tpu.memory_space<semaphore_mem>>
      %dma_wait3A_247 = tpu.memref_slice %arg4[%multiple_of3A_237] : memref<655360xi32, #tpu.memory_space<hbm>> -> memref<128xi32, #tpu.memory_space<hbm>>
      tpu.wait_dma2 semaphore(%dma_wait3A_246 : memref<!tpu.dma_semaphore, #tpu.memory_space<semaphore_mem>>) src(%dma_wait3A_247 : memref<128xi32, #tpu.memory_space<hbm>>) dst(%arg15 : memref<128xi32, #tpu.memory_space<vmem>>)
      %dma_start3A_248 = arith.constant 0 : i32
      %dma_start3A_249 = arith.constant 0 : i32
      %dma_start3A_250 = arith.constant 0 : i32
      %dma_start3A_251 = tpu.memref_slice %arg2[%dma_start3A_249, %dma_start3A_250] : memref<10000x128xf32, #tpu.memory_space<hbm>> -> memref<10000x128xf32, #tpu.memory_space<hbm>>
      %dma_start3A_252 = tpu.memref_slice %arg22[%dma_start3A_248] : memref<2x!tpu.dma_semaphore, #tpu.memory_space<semaphore_mem>> -> memref<1x!tpu.dma_semaphore, #tpu.memory_space<semaphore_mem>>
      %dma_start3A_253 = tpu.memref_squeeze %dma_start3A_252 : memref<1x!tpu.dma_semaphore, #tpu.memory_space<semaphore_mem>> -> memref<!tpu.dma_semaphore, #tpu.memory_space<semaphore_mem>>
      tpu.enqueue_indirect_dma source(%dma_start3A_251 : memref<10000x128xf32, #tpu.memory_space<hbm>>) target(%arg17 : memref<128x128xf32, #tpu.memory_space<vmem>>) offsets(%arg11 : memref<128xi32, #tpu.memory_space<vmem>>) semaphore(%dma_start3A_253 : memref<!tpu.dma_semaphore, #tpu.memory_space<semaphore_mem>>)
      %mul3A_254 = arith.constant 4 : i32
      %mul3A_255 = arith.muli %mul3A_254, %while3A_115 : i32
      %add3A_256 = arith.constant 2 : i32
      %add3A_257 = arith.addi %mul3A_255, %add3A_256 : i32
      %dma_wait3A_258 = arith.constant 0 : i32
      %dma_wait3A_259 = arith.constant 0 : i32
      %dma_wait3A_260 = arith.constant 0 : i32
      %dma_wait3A_261 = tpu.memref_slice %arg2[%dma_wait3A_259, %dma_wait3A_260] : memref<10000x128xf32, #tpu.memory_space<hbm>> -> memref<10000x128xf32, #tpu.memory_space<hbm>>
      %dma_wait3A_262 = tpu.memref_slice %arg22[%dma_wait3A_258] : memref<2x!tpu.dma_semaphore, #tpu.memory_space<semaphore_mem>> -> memref<1x!tpu.dma_semaphore, #tpu.memory_space<semaphore_mem>>
      %dma_wait3A_263 = tpu.memref_squeeze %dma_wait3A_262 : memref<1x!tpu.dma_semaphore, #tpu.memory_space<semaphore_mem>> -> memref<!tpu.dma_semaphore, #tpu.memory_space<semaphore_mem>>
      tpu.wait_indirect_dma semaphore(%dma_wait3A_263 : memref<!tpu.dma_semaphore, #tpu.memory_space<semaphore_mem>>) src(%dma_wait3A_261 : memref<10000x128xf32, #tpu.memory_space<hbm>>) dst(%arg17 : memref<128x128xf32, #tpu.memory_space<vmem>>)
      %dma_start3A_264 = arith.constant 0 : i32
      %dma_start3A_265 = arith.constant 0 : i32
      %dma_start3A_266 = tpu.memref_slice %arg8[%dma_start3A_264, %dma_start3A_265] : memref<10240x128xf32, #tpu.memory_space<vmem_shared>> -> memref<10240x128xf32, #tpu.memory_space<vmem_shared>>
      tpu.enqueue_indirect_dma source(%arg17 : memref<128x128xf32, #tpu.memory_space<vmem>>) target(%dma_start3A_266 : memref<10240x128xf32, #tpu.memory_space<vmem_shared>>) offsets(%arg15 : memref<128xi32, #tpu.memory_space<vmem>>) semaphore(%arg23 : memref<!tpu.dma_semaphore, #tpu.memory_space<semaphore_mem>>) {add = true}
      %get3A_267 = arith.constant 0 : index
      %get3A_268 = tpu.vector_load %arg15[%get3A_267] {strides = array<i32>} : memref<128xi32, #tpu.memory_space<vmem>>, vector<16xi32>,
      tpu.vector_store_idx %arg19[%get3A_268], %broadcast_in_dim3A_54 {add = true} : memref<10240xf32, #tpu.memory_space<vmem>>[vector<16xi32>], vector<16xf32>,
      %get3A_269 = arith.constant 16 : index
      %get3A_270 = tpu.vector_load %arg15[%get3A_269] {strides = array<i32>} : memref<128xi32, #tpu.memory_space<vmem>>, vector<16xi32>,
      tpu.vector_store_idx %arg19[%get3A_270], %broadcast_in_dim3A_54 {add = true} : memref<10240xf32, #tpu.memory_space<vmem>>[vector<16xi32>], vector<16xf32>,
      %get3A_271 = arith.constant 32 : index
      %get3A_272 = tpu.vector_load %arg15[%get3A_271] {strides = array<i32>} : memref<128xi32, #tpu.memory_space<vmem>>, vector<16xi32>,
      tpu.vector_store_idx %arg19[%get3A_272], %broadcast_in_dim3A_54 {add = true} : memref<10240xf32, #tpu.memory_space<vmem>>[vector<16xi32>], vector<16xf32>,
      %get3A_273 = arith.constant 48 : index
      %get3A_274 = tpu.vector_load %arg15[%get3A_273] {strides = array<i32>} : memref<128xi32, #tpu.memory_space<vmem>>, vector<16xi32>,
      tpu.vector_store_idx %arg19[%get3A_274], %broadcast_in_dim3A_54 {add = true} : memref<10240xf32, #tpu.memory_space<vmem>>[vector<16xi32>], vector<16xf32>,
      %get3A_275 = arith.constant 64 : index
      %get3A_276 = tpu.vector_load %arg15[%get3A_275] {strides = array<i32>} : memref<128xi32, #tpu.memory_space<vmem>>, vector<16xi32>,
      tpu.vector_store_idx %arg19[%get3A_276], %broadcast_in_dim3A_54 {add = true} : memref<10240xf32, #tpu.memory_space<vmem>>[vector<16xi32>], vector<16xf32>,
      %get3A_277 = arith.constant 80 : index
      %get3A_278 = tpu.vector_load %arg15[%get3A_277] {strides = array<i32>} : memref<128xi32, #tpu.memory_space<vmem>>, vector<16xi32>,
      tpu.vector_store_idx %arg19[%get3A_278], %broadcast_in_dim3A_54 {add = true} : memref<10240xf32, #tpu.memory_space<vmem>>[vector<16xi32>], vector<16xf32>,
      %get3A_279 = arith.constant 96 : index
      %get3A_280 = tpu.vector_load %arg15[%get3A_279] {strides = array<i32>} : memref<128xi32, #tpu.memory_space<vmem>>, vector<16xi32>,
      tpu.vector_store_idx %arg19[%get3A_280], %broadcast_in_dim3A_54 {add = true} : memref<10240xf32, #tpu.memory_space<vmem>>[vector<16xi32>], vector<16xf32>,
      %get3A_281 = arith.constant 112 : index
      %get3A_282 = tpu.vector_load %arg15[%get3A_281] {strides = array<i32>} : memref<128xi32, #tpu.memory_space<vmem>>, vector<16xi32>,
      tpu.vector_store_idx %arg19[%get3A_282], %broadcast_in_dim3A_54 {add = true} : memref<10240xf32, #tpu.memory_space<vmem>>[vector<16xi32>], vector<16xf32>,
      %dma_wait3A_283 = arith.constant 0 : i32
      %dma_wait3A_284 = arith.constant 0 : i32
      %dma_wait3A_285 = tpu.memref_slice %arg8[%dma_wait3A_283, %dma_wait3A_284] : memref<10240x128xf32, #tpu.memory_space<vmem_shared>> -> memref<10240x128xf32, #tpu.memory_space<vmem_shared>>
      tpu.wait_indirect_dma semaphore(%arg23 : memref<!tpu.dma_semaphore, #tpu.memory_space<semaphore_mem>>) src(%arg18 : memref<128x128xf32, #tpu.memory_space<vmem>>) dst(%dma_wait3A_285 : memref<10240x128xf32, #tpu.memory_space<vmem_shared>>)
      %sub3A_286 = arith.constant 1 : i32
      %sub3A_287 = arith.subi %select_n3A_28, %sub3A_286 : i32
      %lt3A = arith.cmpi slt, %while3A_115, %sub3A_287 : i32
      %convert_element_type3A_288 = arith.extui %lt3A : i1 to i32
      %cond3A_289 = arith.constant 0 : i32
      %cond3A_290 = arith.cmpi ne, %convert_element_type3A_288, %cond3A_289 : i32
      scf.if %cond3A_290 {
        %add3A_357 = arith.constant 2 : i32
        %add3A_358 = arith.addi %add3A_257, %add3A_357 : i32
        %mul3A_359 = arith.constant 128 : i32
        %mul3A_360 = arith.muli %add3A_358, %mul3A_359 : i32
        %add3A_361 = arith.addi %mul3A_10, %mul3A_360 : i32
        %multiple_of3A_362 = tpu.assume_multiple %add3A_361, 8 : i32
        %dma_start3A_363 = arith.constant 0 : i32
        %dma_start3A_364 = tpu.memref_slice %arg3[%multiple_of3A_362] : memref<655360xi32, #tpu.memory_space<hbm>> -> memref<128xi32, #tpu.memory_space<hbm>>
        %dma_start3A_365 = tpu.memref_slice %arg20[%dma_start3A_363] : memref<4x!tpu.dma_semaphore, #tpu.memory_space<semaphore_mem>> -> memref<1x!tpu.dma_semaphore, #tpu.memory_space<semaphore_mem>>
        %dma_start3A_366 = tpu.memref_squeeze %dma_start3A_365 : memref<1x!tpu.dma_semaphore, #tpu.memory_space<semaphore_mem>> -> memref<!tpu.dma_semaphore, #tpu.memory_space<semaphore_mem>>
        %dma_start3A_367 = tpu.memref_slice %arg3[%multiple_of3A_362] : memref<655360xi32, #tpu.memory_space<hbm>> -> memref<128xi32, #tpu.memory_space<hbm>>
        tpu.enqueue_dma source(%dma_start3A_367 : memref<128xi32, #tpu.memory_space<hbm>>) target(%arg9 : memref<128xi32, #tpu.memory_space<vmem>>) target_semaphore(%dma_start3A_366 : memref<!tpu.dma_semaphore, #tpu.memory_space<semaphore_mem>>)
        %dma_start3A_368 = arith.constant 0 : i32
        %dma_start3A_369 = tpu.memref_slice %arg4[%multiple_of3A_362] : memref<655360xi32, #tpu.memory_space<hbm>> -> memref<128xi32, #tpu.memory_space<hbm>>
        %dma_start3A_370 = tpu.memref_slice %arg21[%dma_start3A_368] : memref<4x!tpu.dma_semaphore, #tpu.memory_space<semaphore_mem>> -> memref<1x!tpu.dma_semaphore, #tpu.memory_space<semaphore_mem>>
        %dma_start3A_371 = tpu.memref_squeeze %dma_start3A_370 : memref<1x!tpu.dma_semaphore, #tpu.memory_space<semaphore_mem>> -> memref<!tpu.dma_semaphore, #tpu.memory_space<semaphore_mem>>
        %dma_start3A_372 = tpu.memref_slice %arg4[%multiple_of3A_362] : memref<655360xi32, #tpu.memory_space<hbm>> -> memref<128xi32, #tpu.memory_space<hbm>>
        tpu.enqueue_dma source(%dma_start3A_372 : memref<128xi32, #tpu.memory_space<hbm>>) target(%arg13 : memref<128xi32, #tpu.memory_space<vmem>>) target_semaphore(%dma_start3A_371 : memref<!tpu.dma_semaphore, #tpu.memory_space<semaphore_mem>>)
      } else {
      }
      %add3A_291 = arith.constant 1 : i32
      %add3A_292 = arith.addi %add3A_257, %add3A_291 : i32
      %mul3A_293 = arith.constant 128 : i32
      %mul3A_294 = arith.muli %add3A_292, %mul3A_293 : i32
      %add3A_295 = arith.addi %mul3A_10, %mul3A_294 : i32
      %multiple_of3A_296 = tpu.assume_multiple %add3A_295, 8 : i32
      %dma_wait3A_297 = arith.constant 3 : i32
      %dma_wait3A_298 = tpu.memref_slice %arg3[%multiple_of3A_296] : memref<655360xi32, #tpu.memory_space<hbm>> -> memref<128xi32, #tpu.memory_space<hbm>>
      %dma_wait3A_299 = tpu.memref_slice %arg20[%dma_wait3A_297] : memref<4x!tpu.dma_semaphore, #tpu.memory_space<semaphore_mem>> -> memref<1x!tpu.dma_semaphore, #tpu.memory_space<semaphore_mem>>
      %dma_wait3A_300 = tpu.memref_squeeze %dma_wait3A_299 : memref<1x!tpu.dma_semaphore, #tpu.memory_space<semaphore_mem>> -> memref<!tpu.dma_semaphore, #tpu.memory_space<semaphore_mem>>
      %dma_wait3A_301 = tpu.memref_slice %arg3[%multiple_of3A_296] : memref<655360xi32, #tpu.memory_space<hbm>> -> memref<128xi32, #tpu.memory_space<hbm>>
      tpu.wait_dma2 semaphore(%dma_wait3A_300 : memref<!tpu.dma_semaphore, #tpu.memory_space<semaphore_mem>>) src(%dma_wait3A_301 : memref<128xi32, #tpu.memory_space<hbm>>) dst(%arg12 : memref<128xi32, #tpu.memory_space<vmem>>)
      %dma_wait3A_302 = arith.constant 3 : i32
      %dma_wait3A_303 = tpu.memref_slice %arg4[%multiple_of3A_296] : memref<655360xi32, #tpu.memory_space<hbm>> -> memref<128xi32, #tpu.memory_space<hbm>>
      %dma_wait3A_304 = tpu.memref_slice %arg21[%dma_wait3A_302] : memref<4x!tpu.dma_semaphore, #tpu.memory_space<semaphore_mem>> -> memref<1x!tpu.dma_semaphore, #tpu.memory_space<semaphore_mem>>
      %dma_wait3A_305 = tpu.memref_squeeze %dma_wait3A_304 : memref<1x!tpu.dma_semaphore, #tpu.memory_space<semaphore_mem>> -> memref<!tpu.dma_semaphore, #tpu.memory_space<semaphore_mem>>
      %dma_wait3A_306 = tpu.memref_slice %arg4[%multiple_of3A_296] : memref<655360xi32, #tpu.memory_space<hbm>> -> memref<128xi32, #tpu.memory_space<hbm>>
      tpu.wait_dma2 semaphore(%dma_wait3A_305 : memref<!tpu.dma_semaphore, #tpu.memory_space<semaphore_mem>>) src(%dma_wait3A_306 : memref<128xi32, #tpu.memory_space<hbm>>) dst(%arg16 : memref<128xi32, #tpu.memory_space<vmem>>)
      %dma_start3A_307 = arith.constant 1 : i32
      %dma_start3A_308 = arith.constant 0 : i32
      %dma_start3A_309 = arith.constant 0 : i32
      %dma_start3A_310 = tpu.memref_slice %arg2[%dma_start3A_308, %dma_start3A_309] : memref<10000x128xf32, #tpu.memory_space<hbm>> -> memref<10000x128xf32, #tpu.memory_space<hbm>>
      %dma_start3A_311 = tpu.memref_slice %arg22[%dma_start3A_307] : memref<2x!tpu.dma_semaphore, #tpu.memory_space<semaphore_mem>> -> memref<1x!tpu.dma_semaphore, #tpu.memory_space<semaphore_mem>>
      %dma_start3A_312 = tpu.memref_squeeze %dma_start3A_311 : memref<1x!tpu.dma_semaphore, #tpu.memory_space<semaphore_mem>> -> memref<!tpu.dma_semaphore, #tpu.memory_space<semaphore_mem>>
      tpu.enqueue_indirect_dma source(%dma_start3A_310 : memref<10000x128xf32, #tpu.memory_space<hbm>>) target(%arg18 : memref<128x128xf32, #tpu.memory_space<vmem>>) offsets(%arg12 : memref<128xi32, #tpu.memory_space<vmem>>) semaphore(%dma_start3A_312 : memref<!tpu.dma_semaphore, #tpu.memory_space<semaphore_mem>>)
      %mul3A_313 = arith.constant 4 : i32
      %mul3A_314 = arith.muli %mul3A_313, %while3A_115 : i32
      %add3A_315 = arith.constant 3 : i32
      %add3A_316 = arith.addi %mul3A_314, %add3A_315 : i32
      %dma_wait3A_317 = arith.constant 1 : i32
      %dma_wait3A_318 = arith.constant 0 : i32
      %dma_wait3A_319 = arith.constant 0 : i32
      %dma_wait3A_320 = tpu.memref_slice %arg2[%dma_wait3A_318, %dma_wait3A_319] : memref<10000x128xf32, #tpu.memory_space<hbm>> -> memref<10000x128xf32, #tpu.memory_space<hbm>>
      %dma_wait3A_321 = tpu.memref_slice %arg22[%dma_wait3A_317] : memref<2x!tpu.dma_semaphore, #tpu.memory_space<semaphore_mem>> -> memref<1x!tpu.dma_semaphore, #tpu.memory_space<semaphore_mem>>
      %dma_wait3A_322 = tpu.memref_squeeze %dma_wait3A_321 : memref<1x!tpu.dma_semaphore, #tpu.memory_space<semaphore_mem>> -> memref<!tpu.dma_semaphore, #tpu.memory_space<semaphore_mem>>
      tpu.wait_indirect_dma semaphore(%dma_wait3A_322 : memref<!tpu.dma_semaphore, #tpu.memory_space<semaphore_mem>>) src(%dma_wait3A_320 : memref<10000x128xf32, #tpu.memory_space<hbm>>) dst(%arg18 : memref<128x128xf32, #tpu.memory_space<vmem>>)
      %dma_start3A_323 = arith.constant 0 : i32
      %dma_start3A_324 = arith.constant 0 : i32
      %dma_start3A_325 = tpu.memref_slice %arg8[%dma_start3A_323, %dma_start3A_324] : memref<10240x128xf32, #tpu.memory_space<vmem_shared>> -> memref<10240x128xf32, #tpu.memory_space<vmem_shared>>
      tpu.enqueue_indirect_dma source(%arg18 : memref<128x128xf32, #tpu.memory_space<vmem>>) target(%dma_start3A_325 : memref<10240x128xf32, #tpu.memory_space<vmem_shared>>) offsets(%arg16 : memref<128xi32, #tpu.memory_space<vmem>>) semaphore(%arg23 : memref<!tpu.dma_semaphore, #tpu.memory_space<semaphore_mem>>) {add = true}
      %get3A_326 = arith.constant 0 : index
      %get3A_327 = tpu.vector_load %arg16[%get3A_326] {strides = array<i32>} : memref<128xi32, #tpu.memory_space<vmem>>, vector<16xi32>,
      tpu.vector_store_idx %arg19[%get3A_327], %broadcast_in_dim3A_54 {add = true} : memref<10240xf32, #tpu.memory_space<vmem>>[vector<16xi32>], vector<16xf32>,
      %get3A_328 = arith.constant 16 : index
      %get3A_329 = tpu.vector_load %arg16[%get3A_328] {strides = array<i32>} : memref<128xi32, #tpu.memory_space<vmem>>, vector<16xi32>,
      tpu.vector_store_idx %arg19[%get3A_329], %broadcast_in_dim3A_54 {add = true} : memref<10240xf32, #tpu.memory_space<vmem>>[vector<16xi32>], vector<16xf32>,
      %get3A_330 = arith.constant 32 : index
      %get3A_331 = tpu.vector_load %arg16[%get3A_330] {strides = array<i32>} : memref<128xi32, #tpu.memory_space<vmem>>, vector<16xi32>,
      tpu.vector_store_idx %arg19[%get3A_331], %broadcast_in_dim3A_54 {add = true} : memref<10240xf32, #tpu.memory_space<vmem>>[vector<16xi32>], vector<16xf32>,
      %get3A_332 = arith.constant 48 : index
      %get3A_333 = tpu.vector_load %arg16[%get3A_332] {strides = array<i32>} : memref<128xi32, #tpu.memory_space<vmem>>, vector<16xi32>,
      tpu.vector_store_idx %arg19[%get3A_333], %broadcast_in_dim3A_54 {add = true} : memref<10240xf32, #tpu.memory_space<vmem>>[vector<16xi32>], vector<16xf32>,
      %get3A_334 = arith.constant 64 : index
      %get3A_335 = tpu.vector_load %arg16[%get3A_334] {strides = array<i32>} : memref<128xi32, #tpu.memory_space<vmem>>, vector<16xi32>,
      tpu.vector_store_idx %arg19[%get3A_335], %broadcast_in_dim3A_54 {add = true} : memref<10240xf32, #tpu.memory_space<vmem>>[vector<16xi32>], vector<16xf32>,
      %get3A_336 = arith.constant 80 : index
      %get3A_337 = tpu.vector_load %arg16[%get3A_336] {strides = array<i32>} : memref<128xi32, #tpu.memory_space<vmem>>, vector<16xi32>,
      tpu.vector_store_idx %arg19[%get3A_337], %broadcast_in_dim3A_54 {add = true} : memref<10240xf32, #tpu.memory_space<vmem>>[vector<16xi32>], vector<16xf32>,
      %get3A_338 = arith.constant 96 : index
      %get3A_339 = tpu.vector_load %arg16[%get3A_338] {strides = array<i32>} : memref<128xi32, #tpu.memory_space<vmem>>, vector<16xi32>,
      tpu.vector_store_idx %arg19[%get3A_339], %broadcast_in_dim3A_54 {add = true} : memref<10240xf32, #tpu.memory_space<vmem>>[vector<16xi32>], vector<16xf32>,
      %get3A_340 = arith.constant 112 : index
      %get3A_341 = tpu.vector_load %arg16[%get3A_340] {strides = array<i32>} : memref<128xi32, #tpu.memory_space<vmem>>, vector<16xi32>,
      tpu.vector_store_idx %arg19[%get3A_341], %broadcast_in_dim3A_54 {add = true} : memref<10240xf32, #tpu.memory_space<vmem>>[vector<16xi32>], vector<16xf32>,
      %dma_wait3A_342 = arith.constant 0 : i32
      %dma_wait3A_343 = arith.constant 0 : i32
      %dma_wait3A_344 = tpu.memref_slice %arg8[%dma_wait3A_342, %dma_wait3A_343] : memref<10240x128xf32, #tpu.memory_space<vmem_shared>> -> memref<10240x128xf32, #tpu.memory_space<vmem_shared>>
      tpu.wait_indirect_dma semaphore(%arg23 : memref<!tpu.dma_semaphore, #tpu.memory_space<semaphore_mem>>) src(%arg17 : memref<128x128xf32, #tpu.memory_space<vmem>>) dst(%dma_wait3A_344 : memref<10240x128xf32, #tpu.memory_space<vmem_shared>>)
      %sub3A_345 = arith.constant 1 : i32
      %sub3A_346 = arith.subi %select_n3A_28, %sub3A_345 : i32
      %lt3A_347 = arith.cmpi slt, %while3A_115, %sub3A_346 : i32
      %convert_element_type3A_348 = arith.extui %lt3A_347 : i1 to i32
      %cond3A_349 = arith.constant 0 : i32
      %cond3A_350 = arith.cmpi ne, %convert_element_type3A_348, %cond3A_349 : i32
      scf.if %cond3A_350 {
        %add3A_357 = arith.constant 2 : i32
        %add3A_358 = arith.addi %add3A_316, %add3A_357 : i32
        %mul3A_359 = arith.constant 128 : i32
        %mul3A_360 = arith.muli %add3A_358, %mul3A_359 : i32
        %add3A_361 = arith.addi %mul3A_10, %mul3A_360 : i32
        %multiple_of3A_362 = tpu.assume_multiple %add3A_361, 8 : i32
        %dma_start3A_363 = arith.constant 1 : i32
        %dma_start3A_364 = tpu.memref_slice %arg3[%multiple_of3A_362] : memref<655360xi32, #tpu.memory_space<hbm>> -> memref<128xi32, #tpu.memory_space<hbm>>
        %dma_start3A_365 = tpu.memref_slice %arg20[%dma_start3A_363] : memref<4x!tpu.dma_semaphore, #tpu.memory_space<semaphore_mem>> -> memref<1x!tpu.dma_semaphore, #tpu.memory_space<semaphore_mem>>
        %dma_start3A_366 = tpu.memref_squeeze %dma_start3A_365 : memref<1x!tpu.dma_semaphore, #tpu.memory_space<semaphore_mem>> -> memref<!tpu.dma_semaphore, #tpu.memory_space<semaphore_mem>>
        %dma_start3A_367 = tpu.memref_slice %arg3[%multiple_of3A_362] : memref<655360xi32, #tpu.memory_space<hbm>> -> memref<128xi32, #tpu.memory_space<hbm>>
        tpu.enqueue_dma source(%dma_start3A_367 : memref<128xi32, #tpu.memory_space<hbm>>) target(%arg10 : memref<128xi32, #tpu.memory_space<vmem>>) target_semaphore(%dma_start3A_366 : memref<!tpu.dma_semaphore, #tpu.memory_space<semaphore_mem>>)
        %dma_start3A_368 = arith.constant 1 : i32
        %dma_start3A_369 = tpu.memref_slice %arg4[%multiple_of3A_362] : memref<655360xi32, #tpu.memory_space<hbm>> -> memref<128xi32, #tpu.memory_space<hbm>>
        %dma_start3A_370 = tpu.memref_slice %arg21[%dma_start3A_368] : memref<4x!tpu.dma_semaphore, #tpu.memory_space<semaphore_mem>> -> memref<1x!tpu.dma_semaphore, #tpu.memory_space<semaphore_mem>>
        %dma_start3A_371 = tpu.memref_squeeze %dma_start3A_370 : memref<1x!tpu.dma_semaphore, #tpu.memory_space<semaphore_mem>> -> memref<!tpu.dma_semaphore, #tpu.memory_space<semaphore_mem>>
        %dma_start3A_372 = tpu.memref_slice %arg4[%multiple_of3A_362] : memref<655360xi32, #tpu.memory_space<hbm>> -> memref<128xi32, #tpu.memory_space<hbm>>
        tpu.enqueue_dma source(%dma_start3A_372 : memref<128xi32, #tpu.memory_space<hbm>>) target(%arg14 : memref<128xi32, #tpu.memory_space<vmem>>) target_semaphore(%dma_start3A_371 : memref<!tpu.dma_semaphore, #tpu.memory_space<semaphore_mem>>)
      } else {
      }
      %sub3A_351 = arith.constant 1 : i32
      %sub3A_352 = arith.subi %select_n3A_28, %sub3A_351 : i32
      %lt3A_353 = arith.cmpi slt, %while3A_115, %sub3A_352 : i32
      %convert_element_type3A_354 = arith.extui %lt3A_353 : i1 to i32
      %cond3A_355 = arith.constant 0 : i32
      %cond3A_356 = arith.cmpi ne, %convert_element_type3A_354, %cond3A_355 : i32
      scf.if %cond3A_356 {
        %add3A_357 = arith.constant 1 : i32
        %add3A_358 = arith.addi %add3A_316, %add3A_357 : i32
        %mul3A_359 = arith.constant 128 : i32
        %mul3A_360 = arith.muli %add3A_358, %mul3A_359 : i32
        %add3A_361 = arith.addi %mul3A_10, %mul3A_360 : i32
        %multiple_of3A_362 = tpu.assume_multiple %add3A_361, 8 : i32
        %dma_wait3A_363 = arith.constant 0 : i32
        %dma_wait3A_364 = tpu.memref_slice %arg3[%multiple_of3A_362] : memref<655360xi32, #tpu.memory_space<hbm>> -> memref<128xi32, #tpu.memory_space<hbm>>
        %dma_wait3A_365 = tpu.memref_slice %arg20[%dma_wait3A_363] : memref<4x!tpu.dma_semaphore, #tpu.memory_space<semaphore_mem>> -> memref<1x!tpu.dma_semaphore, #tpu.memory_space<semaphore_mem>>
        %dma_wait3A_366 = tpu.memref_squeeze %dma_wait3A_365 : memref<1x!tpu.dma_semaphore, #tpu.memory_space<semaphore_mem>> -> memref<!tpu.dma_semaphore, #tpu.memory_space<semaphore_mem>>
        %dma_wait3A_367 = tpu.memref_slice %arg3[%multiple_of3A_362] : memref<655360xi32, #tpu.memory_space<hbm>> -> memref<128xi32, #tpu.memory_space<hbm>>
        tpu.wait_dma2 semaphore(%dma_wait3A_366 : memref<!tpu.dma_semaphore, #tpu.memory_space<semaphore_mem>>) src(%dma_wait3A_367 : memref<128xi32, #tpu.memory_space<hbm>>) dst(%arg9 : memref<128xi32, #tpu.memory_space<vmem>>)
        %dma_wait3A_368 = arith.constant 0 : i32
        %dma_wait3A_369 = tpu.memref_slice %arg4[%multiple_of3A_362] : memref<655360xi32, #tpu.memory_space<hbm>> -> memref<128xi32, #tpu.memory_space<hbm>>
        %dma_wait3A_370 = tpu.memref_slice %arg21[%dma_wait3A_368] : memref<4x!tpu.dma_semaphore, #tpu.memory_space<semaphore_mem>> -> memref<1x!tpu.dma_semaphore, #tpu.memory_space<semaphore_mem>>
        %dma_wait3A_371 = tpu.memref_squeeze %dma_wait3A_370 : memref<1x!tpu.dma_semaphore, #tpu.memory_space<semaphore_mem>> -> memref<!tpu.dma_semaphore, #tpu.memory_space<semaphore_mem>>
        %dma_wait3A_372 = tpu.memref_slice %arg4[%multiple_of3A_362] : memref<655360xi32, #tpu.memory_space<hbm>> -> memref<128xi32, #tpu.memory_space<hbm>>
        tpu.wait_dma2 semaphore(%dma_wait3A_371 : memref<!tpu.dma_semaphore, #tpu.memory_space<semaphore_mem>>) src(%dma_wait3A_372 : memref<128xi32, #tpu.memory_space<hbm>>) dst(%arg13 : memref<128xi32, #tpu.memory_space<vmem>>)
        %dma_start3A_373 = arith.constant 0 : i32
        %dma_start3A_374 = arith.constant 0 : i32
        %dma_start3A_375 = arith.constant 0 : i32
        %dma_start3A_376 = tpu.memref_slice %arg2[%dma_start3A_374, %dma_start3A_375] : memref<10000x128xf32, #tpu.memory_space<hbm>> -> memref<10000x128xf32, #tpu.memory_space<hbm>>
        %dma_start3A_377 = tpu.memref_slice %arg22[%dma_start3A_373] : memref<2x!tpu.dma_semaphore, #tpu.memory_space<semaphore_mem>> -> memref<1x!tpu.dma_semaphore, #tpu.memory_space<semaphore_mem>>
        %dma_start3A_378 = tpu.memref_squeeze %dma_start3A_377 : memref<1x!tpu.dma_semaphore, #tpu.memory_space<semaphore_mem>> -> memref<!tpu.dma_semaphore, #tpu.memory_space<semaphore_mem>>
        tpu.enqueue_indirect_dma source(%dma_start3A_376 : memref<10000x128xf32, #tpu.memory_space<hbm>>) target(%arg17 : memref<128x128xf32, #tpu.memory_space<vmem>>) offsets(%arg9 : memref<128xi32, #tpu.memory_space<vmem>>) semaphore(%dma_start3A_378 : memref<!tpu.dma_semaphore, #tpu.memory_space<semaphore_mem>>)
      } else {
      }
    }
    %while3A_89 = arith.constant 1 : i32
    scf.for %while3A_115 = %while3A_87 to %while3A_83 step %while3A_89  : i32 {
      %mul3A_116 = arith.constant 4 : i32
      %mul3A_117 = arith.muli %mul3A_116, %while3A_115 : i32
      %add3A_118 = arith.constant 0 : i32
      %add3A_119 = arith.addi %mul3A_117, %add3A_118 : i32
      %dma_wait3A_120 = arith.constant 0 : i32
      %dma_wait3A_121 = arith.constant 0 : i32
      %dma_wait3A_122 = arith.constant 0 : i32
      %dma_wait3A_123 = tpu.memref_slice %arg2[%dma_wait3A_121, %dma_wait3A_122] : memref<10000x128xf32, #tpu.memory_space<hbm>> -> memref<10000x128xf32, #tpu.memory_space<hbm>>
      %dma_wait3A_124 = tpu.memref_slice %arg22[%dma_wait3A_120] : memref<2x!tpu.dma_semaphore, #tpu.memory_space<semaphore_mem>> -> memref<1x!tpu.dma_semaphore, #tpu.memory_space<semaphore_mem>>
      %dma_wait3A_125 = tpu.memref_squeeze %dma_wait3A_124 : memref<1x!tpu.dma_semaphore, #tpu.memory_space<semaphore_mem>> -> memref<!tpu.dma_semaphore, #tpu.memory_space<semaphore_mem>>
      tpu.wait_indirect_dma semaphore(%dma_wait3A_125 : memref<!tpu.dma_semaphore, #tpu.memory_space<semaphore_mem>>) src(%dma_wait3A_123 : memref<10000x128xf32, #tpu.memory_space<hbm>>) dst(%arg17 : memref<128x128xf32, #tpu.memory_space<vmem>>)
      %dma_start3A_126 = arith.constant 0 : i32
      %dma_start3A_127 = arith.constant 0 : i32
      %dma_start3A_128 = tpu.memref_slice %arg8[%dma_start3A_126, %dma_start3A_127] : memref<10240x128xf32, #tpu.memory_space<vmem_shared>> -> memref<10240x128xf32, #tpu.memory_space<vmem_shared>>
      tpu.enqueue_indirect_dma source(%arg17 : memref<128x128xf32, #tpu.memory_space<vmem>>) target(%dma_start3A_128 : memref<10240x128xf32, #tpu.memory_space<vmem_shared>>) offsets(%arg13 : memref<128xi32, #tpu.memory_space<vmem>>) semaphore(%arg23 : memref<!tpu.dma_semaphore, #tpu.memory_space<semaphore_mem>>) {add = true}
      %get3A = arith.constant 0 : index
      %get3A_129 = tpu.vector_load %arg13[%get3A] {strides = array<i32>} : memref<128xi32, #tpu.memory_space<vmem>>, vector<16xi32>,
      tpu.vector_store_idx %arg19[%get3A_129], %broadcast_in_dim3A_54 {add = true} : memref<10240xf32, #tpu.memory_space<vmem>>[vector<16xi32>], vector<16xf32>,
      %get3A_130 = arith.constant 16 : index
      %get3A_131 = tpu.vector_load %arg13[%get3A_130] {strides = array<i32>} : memref<128xi32, #tpu.memory_space<vmem>>, vector<16xi32>,
      tpu.vector_store_idx %arg19[%get3A_131], %broadcast_in_dim3A_54 {add = true} : memref<10240xf32, #tpu.memory_space<vmem>>[vector<16xi32>], vector<16xf32>,
      %get3A_132 = arith.constant 32 : index
      %get3A_133 = tpu.vector_load %arg13[%get3A_132] {strides = array<i32>} : memref<128xi32, #tpu.memory_space<vmem>>, vector<16xi32>,
      tpu.vector_store_idx %arg19[%get3A_133], %broadcast_in_dim3A_54 {add = true} : memref<10240xf32, #tpu.memory_space<vmem>>[vector<16xi32>], vector<16xf32>,
      %get3A_134 = arith.constant 48 : index
      %get3A_135 = tpu.vector_load %arg13[%get3A_134] {strides = array<i32>} : memref<128xi32, #tpu.memory_space<vmem>>, vector<16xi32>,
      tpu.vector_store_idx %arg19[%get3A_135], %broadcast_in_dim3A_54 {add = true} : memref<10240xf32, #tpu.memory_space<vmem>>[vector<16xi32>], vector<16xf32>,
      %get3A_136 = arith.constant 64 : index
      %get3A_137 = tpu.vector_load %arg13[%get3A_136] {strides = array<i32>} : memref<128xi32, #tpu.memory_space<vmem>>, vector<16xi32>,
      tpu.vector_store_idx %arg19[%get3A_137], %broadcast_in_dim3A_54 {add = true} : memref<10240xf32, #tpu.memory_space<vmem>>[vector<16xi32>], vector<16xf32>,
      %get3A_138 = arith.constant 80 : index
      %get3A_139 = tpu.vector_load %arg13[%get3A_138] {strides = array<i32>} : memref<128xi32, #tpu.memory_space<vmem>>, vector<16xi32>,
      tpu.vector_store_idx %arg19[%get3A_139], %broadcast_in_dim3A_54 {add = true} : memref<10240xf32, #tpu.memory_space<vmem>>[vector<16xi32>], vector<16xf32>,
      %get3A_140 = arith.constant 96 : index
      %get3A_141 = tpu.vector_load %arg13[%get3A_140] {strides = array<i32>} : memref<128xi32, #tpu.memory_space<vmem>>, vector<16xi32>,
      tpu.vector_store_idx %arg19[%get3A_141], %broadcast_in_dim3A_54 {add = true} : memref<10240xf32, #tpu.memory_space<vmem>>[vector<16xi32>], vector<16xf32>,
      %get3A_142 = arith.constant 112 : index
      %get3A_143 = tpu.vector_load %arg13[%get3A_142] {strides = array<i32>} : memref<128xi32, #tpu.memory_space<vmem>>, vector<16xi32>,
      tpu.vector_store_idx %arg19[%get3A_143], %broadcast_in_dim3A_54 {add = true} : memref<10240xf32, #tpu.memory_space<vmem>>[vector<16xi32>], vector<16xf32>,
      %gt3A = arith.constant 0 : i32
      %gt3A_144 = arith.cmpi sgt, %while3A_115, %gt3A : i32
      %convert_element_type3A = arith.extui %gt3A_144 : i1 to i32
      %cond3A = arith.constant 0 : i32
      %cond3A_145 = arith.cmpi ne, %convert_element_type3A, %cond3A : i32
      scf.if %cond3A_145 {
        %dma_wait3A_357 = arith.constant 0 : i32
        %dma_wait3A_358 = arith.constant 0 : i32
        %dma_wait3A_359 = tpu.memref_slice %arg8[%dma_wait3A_357, %dma_wait3A_358] : memref<10240x128xf32, #tpu.memory_space<vmem_shared>> -> memref<10240x128xf32, #tpu.memory_space<vmem_shared>>
        tpu.wait_indirect_dma semaphore(%arg23 : memref<!tpu.dma_semaphore, #tpu.memory_space<semaphore_mem>>) src(%arg18 : memref<128x128xf32, #tpu.memory_space<vmem>>) dst(%dma_wait3A_359 : memref<10240x128xf32, #tpu.memory_space<vmem_shared>>)
      } else {
      }
      %add3A_146 = arith.constant 2 : i32
      %add3A_147 = arith.addi %add3A_119, %add3A_146 : i32
      %mul3A_148 = arith.constant 128 : i32
      %mul3A_149 = arith.muli %add3A_147, %mul3A_148 : i32
      %add3A_150 = arith.addi %mul3A_10, %mul3A_149 : i32
      %multiple_of3A_151 = tpu.assume_multiple %add3A_150, 8 : i32
      %dma_start3A_152 = arith.constant 2 : i32
      %dma_start3A_153 = tpu.memref_slice %arg3[%multiple_of3A_151] : memref<655360xi32, #tpu.memory_space<hbm>> -> memref<128xi32, #tpu.memory_space<hbm>>
      %dma_start3A_154 = tpu.memref_slice %arg20[%dma_start3A_152] : memref<4x!tpu.dma_semaphore, #tpu.memory_space<semaphore_mem>> -> memref<1x!tpu.dma_semaphore, #tpu.memory_space<semaphore_mem>>
      %dma_start3A_155 = tpu.memref_squeeze %dma_start3A_154 : memref<1x!tpu.dma_semaphore, #tpu.memory_space<semaphore_mem>> -> memref<!tpu.dma_semaphore, #tpu.memory_space<semaphore_mem>>
      %dma_start3A_156 = tpu.memref_slice %arg3[%multiple_of3A_151] : memref<655360xi32, #tpu.memory_space<hbm>> -> memref<128xi32, #tpu.memory_space<hbm>>
      tpu.enqueue_dma source(%dma_start3A_156 : memref<128xi32, #tpu.memory_space<hbm>>) target(%arg11 : memref<128xi32, #tpu.memory_space<vmem>>) target_semaphore(%dma_start3A_155 : memref<!tpu.dma_semaphore, #tpu.memory_space<semaphore_mem>>)
      %dma_start3A_157 = arith.constant 2 : i32
      %dma_start3A_158 = tpu.memref_slice %arg4[%multiple_of3A_151] : memref<655360xi32, #tpu.memory_space<hbm>> -> memref<128xi32, #tpu.memory_space<hbm>>
      %dma_start3A_159 = tpu.memref_slice %arg21[%dma_start3A_157] : memref<4x!tpu.dma_semaphore, #tpu.memory_space<semaphore_mem>> -> memref<1x!tpu.dma_semaphore, #tpu.memory_space<semaphore_mem>>
      %dma_start3A_160 = tpu.memref_squeeze %dma_start3A_159 : memref<1x!tpu.dma_semaphore, #tpu.memory_space<semaphore_mem>> -> memref<!tpu.dma_semaphore, #tpu.memory_space<semaphore_mem>>
      %dma_start3A_161 = tpu.memref_slice %arg4[%multiple_of3A_151] : memref<655360xi32, #tpu.memory_space<hbm>> -> memref<128xi32, #tpu.memory_space<hbm>>
      tpu.enqueue_dma source(%dma_start3A_161 : memref<128xi32, #tpu.memory_space<hbm>>) target(%arg15 : memref<128xi32, #tpu.memory_space<vmem>>) target_semaphore(%dma_start3A_160 : memref<!tpu.dma_semaphore, #tpu.memory_space<semaphore_mem>>)
      %add3A_162 = arith.constant 1 : i32
      %add3A_163 = arith.addi %add3A_119, %add3A_162 : i32
      %mul3A_164 = arith.constant 128 : i32
      %mul3A_165 = arith.muli %add3A_163, %mul3A_164 : i32
      %add3A_166 = arith.addi %mul3A_10, %mul3A_165 : i32
      %multiple_of3A_167 = tpu.assume_multiple %add3A_166, 8 : i32
      %dma_wait3A_168 = arith.constant 1 : i32
      %dma_wait3A_169 = tpu.memref_slice %arg3[%multiple_of3A_167] : memref<655360xi32, #tpu.memory_space<hbm>> -> memref<128xi32, #tpu.memory_space<hbm>>
      %dma_wait3A_170 = tpu.memref_slice %arg20[%dma_wait3A_168] : memref<4x!tpu.dma_semaphore, #tpu.memory_space<semaphore_mem>> -> memref<1x!tpu.dma_semaphore, #tpu.memory_space<semaphore_mem>>
      %dma_wait3A_171 = tpu.memref_squeeze %dma_wait3A_170 : memref<1x!tpu.dma_semaphore, #tpu.memory_space<semaphore_mem>> -> memref<!tpu.dma_semaphore, #tpu.memory_space<semaphore_mem>>
      %dma_wait3A_172 = tpu.memref_slice %arg3[%multiple_of3A_167] : memref<655360xi32, #tpu.memory_space<hbm>> -> memref<128xi32, #tpu.memory_space<hbm>>
      tpu.wait_dma2 semaphore(%dma_wait3A_171 : memref<!tpu.dma_semaphore, #tpu.memory_space<semaphore_mem>>) src(%dma_wait3A_172 : memref<128xi32, #tpu.memory_space<hbm>>) dst(%arg10 : memref<128xi32, #tpu.memory_space<vmem>>)
      %dma_wait3A_173 = arith.constant 1 : i32
      %dma_wait3A_174 = tpu.memref_slice %arg4[%multiple_of3A_167] : memref<655360xi32, #tpu.memory_space<hbm>> -> memref<128xi32, #tpu.memory_space<hbm>>
      %dma_wait3A_175 = tpu.memref_slice %arg21[%dma_wait3A_173] : memref<4x!tpu.dma_semaphore, #tpu.memory_space<semaphore_mem>> -> memref<1x!tpu.dma_semaphore, #tpu.memory_space<semaphore_mem>>
      %dma_wait3A_176 = tpu.memref_squeeze %dma_wait3A_175 : memref<1x!tpu.dma_semaphore, #tpu.memory_space<semaphore_mem>> -> memref<!tpu.dma_semaphore, #tpu.memory_space<semaphore_mem>>
      %dma_wait3A_177 = tpu.memref_slice %arg4[%multiple_of3A_167] : memref<655360xi32, #tpu.memory_space<hbm>> -> memref<128xi32, #tpu.memory_space<hbm>>
      tpu.wait_dma2 semaphore(%dma_wait3A_176 : memref<!tpu.dma_semaphore, #tpu.memory_space<semaphore_mem>>) src(%dma_wait3A_177 : memref<128xi32, #tpu.memory_space<hbm>>) dst(%arg14 : memref<128xi32, #tpu.memory_space<vmem>>)
      %dma_start3A_178 = arith.constant 1 : i32
      %dma_start3A_179 = arith.constant 0 : i32
      %dma_start3A_180 = arith.constant 0 : i32
      %dma_start3A_181 = tpu.memref_slice %arg2[%dma_start3A_179, %dma_start3A_180] : memref<10000x128xf32, #tpu.memory_space<hbm>> -> memref<10000x128xf32, #tpu.memory_space<hbm>>
      %dma_start3A_182 = tpu.memref_slice %arg22[%dma_start3A_178] : memref<2x!tpu.dma_semaphore, #tpu.memory_space<semaphore_mem>> -> memref<1x!tpu.dma_semaphore, #tpu.memory_space<semaphore_mem>>
      %dma_start3A_183 = tpu.memref_squeeze %dma_start3A_182 : memref<1x!tpu.dma_semaphore, #tpu.memory_space<semaphore_mem>> -> memref<!tpu.dma_semaphore, #tpu.memory_space<semaphore_mem>>
      tpu.enqueue_indirect_dma source(%dma_start3A_181 : memref<10000x128xf32, #tpu.memory_space<hbm>>) target(%arg18 : memref<128x128xf32, #tpu.memory_space<vmem>>) offsets(%arg10 : memref<128xi32, #tpu.memory_space<vmem>>) semaphore(%dma_start3A_183 : memref<!tpu.dma_semaphore, #tpu.memory_space<semaphore_mem>>)
      %mul3A_184 = arith.constant 4 : i32
      %mul3A_185 = arith.muli %mul3A_184, %while3A_115 : i32
      %add3A_186 = arith.constant 1 : i32
      %add3A_187 = arith.addi %mul3A_185, %add3A_186 : i32
      %dma_wait3A_188 = arith.constant 1 : i32
      %dma_wait3A_189 = arith.constant 0 : i32
      %dma_wait3A_190 = arith.constant 0 : i32
      %dma_wait3A_191 = tpu.memref_slice %arg2[%dma_wait3A_189, %dma_wait3A_190] : memref<10000x128xf32, #tpu.memory_space<hbm>> -> memref<10000x128xf32, #tpu.memory_space<hbm>>
      %dma_wait3A_192 = tpu.memref_slice %arg22[%dma_wait3A_188] : memref<2x!tpu.dma_semaphore, #tpu.memory_space<semaphore_mem>> -> memref<1x!tpu.dma_semaphore, #tpu.memory_space<semaphore_mem>>
      %dma_wait3A_193 = tpu.memref_squeeze %dma_wait3A_192 : memref<1x!tpu.dma_semaphore, #tpu.memory_space<semaphore_mem>> -> memref<!tpu.dma_semaphore, #tpu.memory_space<semaphore_mem>>
      tpu.wait_indirect_dma semaphore(%dma_wait3A_193 : memref<!tpu.dma_semaphore, #tpu.memory_space<semaphore_mem>>) src(%dma_wait3A_191 : memref<10000x128xf32, #tpu.memory_space<hbm>>) dst(%arg18 : memref<128x128xf32, #tpu.memory_space<vmem>>)
      %dma_start3A_194 = arith.constant 0 : i32
      %dma_start3A_195 = arith.constant 0 : i32
      %dma_start3A_196 = tpu.memref_slice %arg8[%dma_start3A_194, %dma_start3A_195] : memref<10240x128xf32, #tpu.memory_space<vmem_shared>> -> memref<10240x128xf32, #tpu.memory_space<vmem_shared>>
      tpu.enqueue_indirect_dma source(%arg18 : memref<128x128xf32, #tpu.memory_space<vmem>>) target(%dma_start3A_196 : memref<10240x128xf32, #tpu.memory_space<vmem_shared>>) offsets(%arg14 : memref<128xi32, #tpu.memory_space<vmem>>) semaphore(%arg23 : memref<!tpu.dma_semaphore, #tpu.memory_space<semaphore_mem>>) {add = true}
      %get3A_197 = arith.constant 0 : index
      %get3A_198 = tpu.vector_load %arg14[%get3A_197] {strides = array<i32>} : memref<128xi32, #tpu.memory_space<vmem>>, vector<16xi32>,
      tpu.vector_store_idx %arg19[%get3A_198], %broadcast_in_dim3A_54 {add = true} : memref<10240xf32, #tpu.memory_space<vmem>>[vector<16xi32>], vector<16xf32>,
      %get3A_199 = arith.constant 16 : index
      %get3A_200 = tpu.vector_load %arg14[%get3A_199] {strides = array<i32>} : memref<128xi32, #tpu.memory_space<vmem>>, vector<16xi32>,
      tpu.vector_store_idx %arg19[%get3A_200], %broadcast_in_dim3A_54 {add = true} : memref<10240xf32, #tpu.memory_space<vmem>>[vector<16xi32>], vector<16xf32>,
      %get3A_201 = arith.constant 32 : index
      %get3A_202 = tpu.vector_load %arg14[%get3A_201] {strides = array<i32>} : memref<128xi32, #tpu.memory_space<vmem>>, vector<16xi32>,
      tpu.vector_store_idx %arg19[%get3A_202], %broadcast_in_dim3A_54 {add = true} : memref<10240xf32, #tpu.memory_space<vmem>>[vector<16xi32>], vector<16xf32>,
      %get3A_203 = arith.constant 48 : index
      %get3A_204 = tpu.vector_load %arg14[%get3A_203] {strides = array<i32>} : memref<128xi32, #tpu.memory_space<vmem>>, vector<16xi32>,
      tpu.vector_store_idx %arg19[%get3A_204], %broadcast_in_dim3A_54 {add = true} : memref<10240xf32, #tpu.memory_space<vmem>>[vector<16xi32>], vector<16xf32>,
      %get3A_205 = arith.constant 64 : index
      %get3A_206 = tpu.vector_load %arg14[%get3A_205] {strides = array<i32>} : memref<128xi32, #tpu.memory_space<vmem>>, vector<16xi32>,
      tpu.vector_store_idx %arg19[%get3A_206], %broadcast_in_dim3A_54 {add = true} : memref<10240xf32, #tpu.memory_space<vmem>>[vector<16xi32>], vector<16xf32>,
      %get3A_207 = arith.constant 80 : index
      %get3A_208 = tpu.vector_load %arg14[%get3A_207] {strides = array<i32>} : memref<128xi32, #tpu.memory_space<vmem>>, vector<16xi32>,
      tpu.vector_store_idx %arg19[%get3A_208], %broadcast_in_dim3A_54 {add = true} : memref<10240xf32, #tpu.memory_space<vmem>>[vector<16xi32>], vector<16xf32>,
      %get3A_209 = arith.constant 96 : index
      %get3A_210 = tpu.vector_load %arg14[%get3A_209] {strides = array<i32>} : memref<128xi32, #tpu.memory_space<vmem>>, vector<16xi32>,
      tpu.vector_store_idx %arg19[%get3A_210], %broadcast_in_dim3A_54 {add = true} : memref<10240xf32, #tpu.memory_space<vmem>>[vector<16xi32>], vector<16xf32>,
      %get3A_211 = arith.constant 112 : index
      %get3A_212 = tpu.vector_load %arg14[%get3A_211] {strides = array<i32>} : memref<128xi32, #tpu.memory_space<vmem>>, vector<16xi32>,
      tpu.vector_store_idx %arg19[%get3A_212], %broadcast_in_dim3A_54 {add = true} : memref<10240xf32, #tpu.memory_space<vmem>>[vector<16xi32>], vector<16xf32>,
      %dma_wait3A_213 = arith.constant 0 : i32
      %dma_wait3A_214 = arith.constant 0 : i32
      %dma_wait3A_215 = tpu.memref_slice %arg8[%dma_wait3A_213, %dma_wait3A_214] : memref<10240x128xf32, #tpu.memory_space<vmem_shared>> -> memref<10240x128xf32, #tpu.memory_space<vmem_shared>>
      tpu.wait_indirect_dma semaphore(%arg23 : memref<!tpu.dma_semaphore, #tpu.memory_space<semaphore_mem>>) src(%arg17 : memref<128x128xf32, #tpu.memory_space<vmem>>) dst(%dma_wait3A_215 : memref<10240x128xf32, #tpu.memory_space<vmem_shared>>)
      %add3A_216 = arith.constant 2 : i32
      %add3A_217 = arith.addi %add3A_187, %add3A_216 : i32
      %mul3A_218 = arith.constant 128 : i32
      %mul3A_219 = arith.muli %add3A_217, %mul3A_218 : i32
      %add3A_220 = arith.addi %mul3A_10, %mul3A_219 : i32
      %multiple_of3A_221 = tpu.assume_multiple %add3A_220, 8 : i32
      %dma_start3A_222 = arith.constant 3 : i32
      %dma_start3A_223 = tpu.memref_slice %arg3[%multiple_of3A_221] : memref<655360xi32, #tpu.memory_space<hbm>> -> memref<128xi32, #tpu.memory_space<hbm>>
      %dma_start3A_224 = tpu.memref_slice %arg20[%dma_start3A_222] : memref<4x!tpu.dma_semaphore, #tpu.memory_space<semaphore_mem>> -> memref<1x!tpu.dma_semaphore, #tpu.memory_space<semaphore_mem>>
      %dma_start3A_225 = tpu.memref_squeeze %dma_start3A_224 : memref<1x!tpu.dma_semaphore, #tpu.memory_space<semaphore_mem>> -> memref<!tpu.dma_semaphore, #tpu.memory_space<semaphore_mem>>
      %dma_start3A_226 = tpu.memref_slice %arg3[%multiple_of3A_221] : memref<655360xi32, #tpu.memory_space<hbm>> -> memref<128xi32, #tpu.memory_space<hbm>>
      tpu.enqueue_dma source(%dma_start3A_226 : memref<128xi32, #tpu.memory_space<hbm>>) target(%arg12 : memref<128xi32, #tpu.memory_space<vmem>>) target_semaphore(%dma_start3A_225 : memref<!tpu.dma_semaphore, #tpu.memory_space<semaphore_mem>>)
      %dma_start3A_227 = arith.constant 3 : i32
      %dma_start3A_228 = tpu.memref_slice %arg4[%multiple_of3A_221] : memref<655360xi32, #tpu.memory_space<hbm>> -> memref<128xi32, #tpu.memory_space<hbm>>
      %dma_start3A_229 = tpu.memref_slice %arg21[%dma_start3A_227] : memref<4x!tpu.dma_semaphore, #tpu.memory_space<semaphore_mem>> -> memref<1x!tpu.dma_semaphore, #tpu.memory_space<semaphore_mem>>
      %dma_start3A_230 = tpu.memref_squeeze %dma_start3A_229 : memref<1x!tpu.dma_semaphore, #tpu.memory_space<semaphore_mem>> -> memref<!tpu.dma_semaphore, #tpu.memory_space<semaphore_mem>>
      %dma_start3A_231 = tpu.memref_slice %arg4[%multiple_of3A_221] : memref<655360xi32, #tpu.memory_space<hbm>> -> memref<128xi32, #tpu.memory_space<hbm>>
      tpu.enqueue_dma source(%dma_start3A_231 : memref<128xi32, #tpu.memory_space<hbm>>) target(%arg16 : memref<128xi32, #tpu.memory_space<vmem>>) target_semaphore(%dma_start3A_230 : memref<!tpu.dma_semaphore, #tpu.memory_space<semaphore_mem>>)
      %add3A_232 = arith.constant 1 : i32
      %add3A_233 = arith.addi %add3A_187, %add3A_232 : i32
      %mul3A_234 = arith.constant 128 : i32
      %mul3A_235 = arith.muli %add3A_233, %mul3A_234 : i32
      %add3A_236 = arith.addi %mul3A_10, %mul3A_235 : i32
      %multiple_of3A_237 = tpu.assume_multiple %add3A_236, 8 : i32
      %dma_wait3A_238 = arith.constant 2 : i32
      %dma_wait3A_239 = tpu.memref_slice %arg3[%multiple_of3A_237] : memref<655360xi32, #tpu.memory_space<hbm>> -> memref<128xi32, #tpu.memory_space<hbm>>
      %dma_wait3A_240 = tpu.memref_slice %arg20[%dma_wait3A_238] : memref<4x!tpu.dma_semaphore, #tpu.memory_space<semaphore_mem>> -> memref<1x!tpu.dma_semaphore, #tpu.memory_space<semaphore_mem>>
      %dma_wait3A_241 = tpu.memref_squeeze %dma_wait3A_240 : memref<1x!tpu.dma_semaphore, #tpu.memory_space<semaphore_mem>> -> memref<!tpu.dma_semaphore, #tpu.memory_space<semaphore_mem>>
      %dma_wait3A_242 = tpu.memref_slice %arg3[%multiple_of3A_237] : memref<655360xi32, #tpu.memory_space<hbm>> -> memref<128xi32, #tpu.memory_space<hbm>>
      tpu.wait_dma2 semaphore(%dma_wait3A_241 : memref<!tpu.dma_semaphore, #tpu.memory_space<semaphore_mem>>) src(%dma_wait3A_242 : memref<128xi32, #tpu.memory_space<hbm>>) dst(%arg11 : memref<128xi32, #tpu.memory_space<vmem>>)
      %dma_wait3A_243 = arith.constant 2 : i32
      %dma_wait3A_244 = tpu.memref_slice %arg4[%multiple_of3A_237] : memref<655360xi32, #tpu.memory_space<hbm>> -> memref<128xi32, #tpu.memory_space<hbm>>
      %dma_wait3A_245 = tpu.memref_slice %arg21[%dma_wait3A_243] : memref<4x!tpu.dma_semaphore, #tpu.memory_space<semaphore_mem>> -> memref<1x!tpu.dma_semaphore, #tpu.memory_space<semaphore_mem>>
      %dma_wait3A_246 = tpu.memref_squeeze %dma_wait3A_245 : memref<1x!tpu.dma_semaphore, #tpu.memory_space<semaphore_mem>> -> memref<!tpu.dma_semaphore, #tpu.memory_space<semaphore_mem>>
      %dma_wait3A_247 = tpu.memref_slice %arg4[%multiple_of3A_237] : memref<655360xi32, #tpu.memory_space<hbm>> -> memref<128xi32, #tpu.memory_space<hbm>>
      tpu.wait_dma2 semaphore(%dma_wait3A_246 : memref<!tpu.dma_semaphore, #tpu.memory_space<semaphore_mem>>) src(%dma_wait3A_247 : memref<128xi32, #tpu.memory_space<hbm>>) dst(%arg15 : memref<128xi32, #tpu.memory_space<vmem>>)
      %dma_start3A_248 = arith.constant 0 : i32
      %dma_start3A_249 = arith.constant 0 : i32
      %dma_start3A_250 = arith.constant 0 : i32
      %dma_start3A_251 = tpu.memref_slice %arg2[%dma_start3A_249, %dma_start3A_250] : memref<10000x128xf32, #tpu.memory_space<hbm>> -> memref<10000x128xf32, #tpu.memory_space<hbm>>
      %dma_start3A_252 = tpu.memref_slice %arg22[%dma_start3A_248] : memref<2x!tpu.dma_semaphore, #tpu.memory_space<semaphore_mem>> -> memref<1x!tpu.dma_semaphore, #tpu.memory_space<semaphore_mem>>
      %dma_start3A_253 = tpu.memref_squeeze %dma_start3A_252 : memref<1x!tpu.dma_semaphore, #tpu.memory_space<semaphore_mem>> -> memref<!tpu.dma_semaphore, #tpu.memory_space<semaphore_mem>>
      tpu.enqueue_indirect_dma source(%dma_start3A_251 : memref<10000x128xf32, #tpu.memory_space<hbm>>) target(%arg17 : memref<128x128xf32, #tpu.memory_space<vmem>>) offsets(%arg11 : memref<128xi32, #tpu.memory_space<vmem>>) semaphore(%dma_start3A_253 : memref<!tpu.dma_semaphore, #tpu.memory_space<semaphore_mem>>)
      %mul3A_254 = arith.constant 4 : i32
      %mul3A_255 = arith.muli %mul3A_254, %while3A_115 : i32
      %add3A_256 = arith.constant 2 : i32
      %add3A_257 = arith.addi %mul3A_255, %add3A_256 : i32
      %dma_wait3A_258 = arith.constant 0 : i32
      %dma_wait3A_259 = arith.constant 0 : i32
      %dma_wait3A_260 = arith.constant 0 : i32
      %dma_wait3A_261 = tpu.memref_slice %arg2[%dma_wait3A_259, %dma_wait3A_260] : memref<10000x128xf32, #tpu.memory_space<hbm>> -> memref<10000x128xf32, #tpu.memory_space<hbm>>
      %dma_wait3A_262 = tpu.memref_slice %arg22[%dma_wait3A_258] : memref<2x!tpu.dma_semaphore, #tpu.memory_space<semaphore_mem>> -> memref<1x!tpu.dma_semaphore, #tpu.memory_space<semaphore_mem>>
      %dma_wait3A_263 = tpu.memref_squeeze %dma_wait3A_262 : memref<1x!tpu.dma_semaphore, #tpu.memory_space<semaphore_mem>> -> memref<!tpu.dma_semaphore, #tpu.memory_space<semaphore_mem>>
      tpu.wait_indirect_dma semaphore(%dma_wait3A_263 : memref<!tpu.dma_semaphore, #tpu.memory_space<semaphore_mem>>) src(%dma_wait3A_261 : memref<10000x128xf32, #tpu.memory_space<hbm>>) dst(%arg17 : memref<128x128xf32, #tpu.memory_space<vmem>>)
      %dma_start3A_264 = arith.constant 0 : i32
      %dma_start3A_265 = arith.constant 0 : i32
      %dma_start3A_266 = tpu.memref_slice %arg8[%dma_start3A_264, %dma_start3A_265] : memref<10240x128xf32, #tpu.memory_space<vmem_shared>> -> memref<10240x128xf32, #tpu.memory_space<vmem_shared>>
      tpu.enqueue_indirect_dma source(%arg17 : memref<128x128xf32, #tpu.memory_space<vmem>>) target(%dma_start3A_266 : memref<10240x128xf32, #tpu.memory_space<vmem_shared>>) offsets(%arg15 : memref<128xi32, #tpu.memory_space<vmem>>) semaphore(%arg23 : memref<!tpu.dma_semaphore, #tpu.memory_space<semaphore_mem>>) {add = true}
      %get3A_267 = arith.constant 0 : index
      %get3A_268 = tpu.vector_load %arg15[%get3A_267] {strides = array<i32>} : memref<128xi32, #tpu.memory_space<vmem>>, vector<16xi32>,
      tpu.vector_store_idx %arg19[%get3A_268], %broadcast_in_dim3A_54 {add = true} : memref<10240xf32, #tpu.memory_space<vmem>>[vector<16xi32>], vector<16xf32>,
      %get3A_269 = arith.constant 16 : index
      %get3A_270 = tpu.vector_load %arg15[%get3A_269] {strides = array<i32>} : memref<128xi32, #tpu.memory_space<vmem>>, vector<16xi32>,
      tpu.vector_store_idx %arg19[%get3A_270], %broadcast_in_dim3A_54 {add = true} : memref<10240xf32, #tpu.memory_space<vmem>>[vector<16xi32>], vector<16xf32>,
      %get3A_271 = arith.constant 32 : index
      %get3A_272 = tpu.vector_load %arg15[%get3A_271] {strides = array<i32>} : memref<128xi32, #tpu.memory_space<vmem>>, vector<16xi32>,
      tpu.vector_store_idx %arg19[%get3A_272], %broadcast_in_dim3A_54 {add = true} : memref<10240xf32, #tpu.memory_space<vmem>>[vector<16xi32>], vector<16xf32>,
      %get3A_273 = arith.constant 48 : index
      %get3A_274 = tpu.vector_load %arg15[%get3A_273] {strides = array<i32>} : memref<128xi32, #tpu.memory_space<vmem>>, vector<16xi32>,
      tpu.vector_store_idx %arg19[%get3A_274], %broadcast_in_dim3A_54 {add = true} : memref<10240xf32, #tpu.memory_space<vmem>>[vector<16xi32>], vector<16xf32>,
      %get3A_275 = arith.constant 64 : index
      %get3A_276 = tpu.vector_load %arg15[%get3A_275] {strides = array<i32>} : memref<128xi32, #tpu.memory_space<vmem>>, vector<16xi32>,
      tpu.vector_store_idx %arg19[%get3A_276], %broadcast_in_dim3A_54 {add = true} : memref<10240xf32, #tpu.memory_space<vmem>>[vector<16xi32>], vector<16xf32>,
      %get3A_277 = arith.constant 80 : index
      %get3A_278 = tpu.vector_load %arg15[%get3A_277] {strides = array<i32>} : memref<128xi32, #tpu.memory_space<vmem>>, vector<16xi32>,
      tpu.vector_store_idx %arg19[%get3A_278], %broadcast_in_dim3A_54 {add = true} : memref<10240xf32, #tpu.memory_space<vmem>>[vector<16xi32>], vector<16xf32>,
      %get3A_279 = arith.constant 96 : index
      %get3A_280 = tpu.vector_load %arg15[%get3A_279] {strides = array<i32>} : memref<128xi32, #tpu.memory_space<vmem>>, vector<16xi32>,
      tpu.vector_store_idx %arg19[%get3A_280], %broadcast_in_dim3A_54 {add = true} : memref<10240xf32, #tpu.memory_space<vmem>>[vector<16xi32>], vector<16xf32>,
      %get3A_281 = arith.constant 112 : index
      %get3A_282 = tpu.vector_load %arg15[%get3A_281] {strides = array<i32>} : memref<128xi32, #tpu.memory_space<vmem>>, vector<16xi32>,
      tpu.vector_store_idx %arg19[%get3A_282], %broadcast_in_dim3A_54 {add = true} : memref<10240xf32, #tpu.memory_space<vmem>>[vector<16xi32>], vector<16xf32>,
      %dma_wait3A_283 = arith.constant 0 : i32
      %dma_wait3A_284 = arith.constant 0 : i32
      %dma_wait3A_285 = tpu.memref_slice %arg8[%dma_wait3A_283, %dma_wait3A_284] : memref<10240x128xf32, #tpu.memory_space<vmem_shared>> -> memref<10240x128xf32, #tpu.memory_space<vmem_shared>>
      tpu.wait_indirect_dma semaphore(%arg23 : memref<!tpu.dma_semaphore, #tpu.memory_space<semaphore_mem>>) src(%arg18 : memref<128x128xf32, #tpu.memory_space<vmem>>) dst(%dma_wait3A_285 : memref<10240x128xf32, #tpu.memory_space<vmem_shared>>)
      %sub3A_286 = arith.constant 1 : i32
      %sub3A_287 = arith.subi %select_n3A_28, %sub3A_286 : i32
      %lt3A = arith.cmpi slt, %while3A_115, %sub3A_287 : i32
      %convert_element_type3A_288 = arith.extui %lt3A : i1 to i32
      %cond3A_289 = arith.constant 0 : i32
      %cond3A_290 = arith.cmpi ne, %convert_element_type3A_288, %cond3A_289 : i32
      scf.if %cond3A_290 {
        %add3A_357 = arith.constant 2 : i32
        %add3A_358 = arith.addi %add3A_257, %add3A_357 : i32
        %mul3A_359 = arith.constant 128 : i32
        %mul3A_360 = arith.muli %add3A_358, %mul3A_359 : i32
        %add3A_361 = arith.addi %mul3A_10, %mul3A_360 : i32
        %multiple_of3A_362 = tpu.assume_multiple %add3A_361, 8 : i32
        %dma_start3A_363 = arith.constant 0 : i32
        %dma_start3A_364 = tpu.memref_slice %arg3[%multiple_of3A_362] : memref<655360xi32, #tpu.memory_space<hbm>> -> memref<128xi32, #tpu.memory_space<hbm>>
        %dma_start3A_365 = tpu.memref_slice %arg20[%dma_start3A_363] : memref<4x!tpu.dma_semaphore, #tpu.memory_space<semaphore_mem>> -> memref<1x!tpu.dma_semaphore, #tpu.memory_space<semaphore_mem>>
        %dma_start3A_366 = tpu.memref_squeeze %dma_start3A_365 : memref<1x!tpu.dma_semaphore, #tpu.memory_space<semaphore_mem>> -> memref<!tpu.dma_semaphore, #tpu.memory_space<semaphore_mem>>
        %dma_start3A_367 = tpu.memref_slice %arg3[%multiple_of3A_362] : memref<655360xi32, #tpu.memory_space<hbm>> -> memref<128xi32, #tpu.memory_space<hbm>>
        tpu.enqueue_dma source(%dma_start3A_367 : memref<128xi32, #tpu.memory_space<hbm>>) target(%arg9 : memref<128xi32, #tpu.memory_space<vmem>>) target_semaphore(%dma_start3A_366 : memref<!tpu.dma_semaphore, #tpu.memory_space<semaphore_mem>>)
        %dma_start3A_368 = arith.constant 0 : i32
        %dma_start3A_369 = tpu.memref_slice %arg4[%multiple_of3A_362] : memref<655360xi32, #tpu.memory_space<hbm>> -> memref<128xi32, #tpu.memory_space<hbm>>
        %dma_start3A_370 = tpu.memref_slice %arg21[%dma_start3A_368] : memref<4x!tpu.dma_semaphore, #tpu.memory_space<semaphore_mem>> -> memref<1x!tpu.dma_semaphore, #tpu.memory_space<semaphore_mem>>
        %dma_start3A_371 = tpu.memref_squeeze %dma_start3A_370 : memref<1x!tpu.dma_semaphore, #tpu.memory_space<semaphore_mem>> -> memref<!tpu.dma_semaphore, #tpu.memory_space<semaphore_mem>>
        %dma_start3A_372 = tpu.memref_slice %arg4[%multiple_of3A_362] : memref<655360xi32, #tpu.memory_space<hbm>> -> memref<128xi32, #tpu.memory_space<hbm>>
        tpu.enqueue_dma source(%dma_start3A_372 : memref<128xi32, #tpu.memory_space<hbm>>) target(%arg13 : memref<128xi32, #tpu.memory_space<vmem>>) target_semaphore(%dma_start3A_371 : memref<!tpu.dma_semaphore, #tpu.memory_space<semaphore_mem>>)
      } else {
      }
      %add3A_291 = arith.constant 1 : i32
      %add3A_292 = arith.addi %add3A_257, %add3A_291 : i32
      %mul3A_293 = arith.constant 128 : i32
      %mul3A_294 = arith.muli %add3A_292, %mul3A_293 : i32
      %add3A_295 = arith.addi %mul3A_10, %mul3A_294 : i32
      %multiple_of3A_296 = tpu.assume_multiple %add3A_295, 8 : i32
      %dma_wait3A_297 = arith.constant 3 : i32
      %dma_wait3A_298 = tpu.memref_slice %arg3[%multiple_of3A_296] : memref<655360xi32, #tpu.memory_space<hbm>> -> memref<128xi32, #tpu.memory_space<hbm>>
      %dma_wait3A_299 = tpu.memref_slice %arg20[%dma_wait3A_297] : memref<4x!tpu.dma_semaphore, #tpu.memory_space<semaphore_mem>> -> memref<1x!tpu.dma_semaphore, #tpu.memory_space<semaphore_mem>>
      %dma_wait3A_300 = tpu.memref_squeeze %dma_wait3A_299 : memref<1x!tpu.dma_semaphore, #tpu.memory_space<semaphore_mem>> -> memref<!tpu.dma_semaphore, #tpu.memory_space<semaphore_mem>>
      %dma_wait3A_301 = tpu.memref_slice %arg3[%multiple_of3A_296] : memref<655360xi32, #tpu.memory_space<hbm>> -> memref<128xi32, #tpu.memory_space<hbm>>
      tpu.wait_dma2 semaphore(%dma_wait3A_300 : memref<!tpu.dma_semaphore, #tpu.memory_space<semaphore_mem>>) src(%dma_wait3A_301 : memref<128xi32, #tpu.memory_space<hbm>>) dst(%arg12 : memref<128xi32, #tpu.memory_space<vmem>>)
      %dma_wait3A_302 = arith.constant 3 : i32
      %dma_wait3A_303 = tpu.memref_slice %arg4[%multiple_of3A_296] : memref<655360xi32, #tpu.memory_space<hbm>> -> memref<128xi32, #tpu.memory_space<hbm>>
      %dma_wait3A_304 = tpu.memref_slice %arg21[%dma_wait3A_302] : memref<4x!tpu.dma_semaphore, #tpu.memory_space<semaphore_mem>> -> memref<1x!tpu.dma_semaphore, #tpu.memory_space<semaphore_mem>>
      %dma_wait3A_305 = tpu.memref_squeeze %dma_wait3A_304 : memref<1x!tpu.dma_semaphore, #tpu.memory_space<semaphore_mem>> -> memref<!tpu.dma_semaphore, #tpu.memory_space<semaphore_mem>>
      %dma_wait3A_306 = tpu.memref_slice %arg4[%multiple_of3A_296] : memref<655360xi32, #tpu.memory_space<hbm>> -> memref<128xi32, #tpu.memory_space<hbm>>
      tpu.wait_dma2 semaphore(%dma_wait3A_305 : memref<!tpu.dma_semaphore, #tpu.memory_space<semaphore_mem>>) src(%dma_wait3A_306 : memref<128xi32, #tpu.memory_space<hbm>>) dst(%arg16 : memref<128xi32, #tpu.memory_space<vmem>>)
      %dma_start3A_307 = arith.constant 1 : i32
      %dma_start3A_308 = arith.constant 0 : i32
      %dma_start3A_309 = arith.constant 0 : i32
      %dma_start3A_310 = tpu.memref_slice %arg2[%dma_start3A_308, %dma_start3A_309] : memref<10000x128xf32, #tpu.memory_space<hbm>> -> memref<10000x128xf32, #tpu.memory_space<hbm>>
      %dma_start3A_311 = tpu.memref_slice %arg22[%dma_start3A_307] : memref<2x!tpu.dma_semaphore, #tpu.memory_space<semaphore_mem>> -> memref<1x!tpu.dma_semaphore, #tpu.memory_space<semaphore_mem>>
      %dma_start3A_312 = tpu.memref_squeeze %dma_start3A_311 : memref<1x!tpu.dma_semaphore, #tpu.memory_space<semaphore_mem>> -> memref<!tpu.dma_semaphore, #tpu.memory_space<semaphore_mem>>
      tpu.enqueue_indirect_dma source(%dma_start3A_310 : memref<10000x128xf32, #tpu.memory_space<hbm>>) target(%arg18 : memref<128x128xf32, #tpu.memory_space<vmem>>) offsets(%arg12 : memref<128xi32, #tpu.memory_space<vmem>>) semaphore(%dma_start3A_312 : memref<!tpu.dma_semaphore, #tpu.memory_space<semaphore_mem>>)
      %mul3A_313 = arith.constant 4 : i32
      %mul3A_314 = arith.muli %mul3A_313, %while3A_115 : i32
      %add3A_315 = arith.constant 3 : i32
      %add3A_316 = arith.addi %mul3A_314, %add3A_315 : i32
      %dma_wait3A_317 = arith.constant 1 : i32
      %dma_wait3A_318 = arith.constant 0 : i32
      %dma_wait3A_319 = arith.constant 0 : i32
      %dma_wait3A_320 = tpu.memref_slice %arg2[%dma_wait3A_318, %dma_wait3A_319] : memref<10000x128xf32, #tpu.memory_space<hbm>> -> memref<10000x128xf32, #tpu.memory_space<hbm>>
      %dma_wait3A_321 = tpu.memref_slice %arg22[%dma_wait3A_317] : memref<2x!tpu.dma_semaphore, #tpu.memory_space<semaphore_mem>> -> memref<1x!tpu.dma_semaphore, #tpu.memory_space<semaphore_mem>>
      %dma_wait3A_322 = tpu.memref_squeeze %dma_wait3A_321 : memref<1x!tpu.dma_semaphore, #tpu.memory_space<semaphore_mem>> -> memref<!tpu.dma_semaphore, #tpu.memory_space<semaphore_mem>>
      tpu.wait_indirect_dma semaphore(%dma_wait3A_322 : memref<!tpu.dma_semaphore, #tpu.memory_space<semaphore_mem>>) src(%dma_wait3A_320 : memref<10000x128xf32, #tpu.memory_space<hbm>>) dst(%arg18 : memref<128x128xf32, #tpu.memory_space<vmem>>)
      %dma_start3A_323 = arith.constant 0 : i32
      %dma_start3A_324 = arith.constant 0 : i32
      %dma_start3A_325 = tpu.memref_slice %arg8[%dma_start3A_323, %dma_start3A_324] : memref<10240x128xf32, #tpu.memory_space<vmem_shared>> -> memref<10240x128xf32, #tpu.memory_space<vmem_shared>>
      tpu.enqueue_indirect_dma source(%arg18 : memref<128x128xf32, #tpu.memory_space<vmem>>) target(%dma_start3A_325 : memref<10240x128xf32, #tpu.memory_space<vmem_shared>>) offsets(%arg16 : memref<128xi32, #tpu.memory_space<vmem>>) semaphore(%arg23 : memref<!tpu.dma_semaphore, #tpu.memory_space<semaphore_mem>>) {add = true}
      %get3A_326 = arith.constant 0 : index
      %get3A_327 = tpu.vector_load %arg16[%get3A_326] {strides = array<i32>} : memref<128xi32, #tpu.memory_space<vmem>>, vector<16xi32>,
      tpu.vector_store_idx %arg19[%get3A_327], %broadcast_in_dim3A_54 {add = true} : memref<10240xf32, #tpu.memory_space<vmem>>[vector<16xi32>], vector<16xf32>,
      %get3A_328 = arith.constant 16 : index
      %get3A_329 = tpu.vector_load %arg16[%get3A_328] {strides = array<i32>} : memref<128xi32, #tpu.memory_space<vmem>>, vector<16xi32>,
      tpu.vector_store_idx %arg19[%get3A_329], %broadcast_in_dim3A_54 {add = true} : memref<10240xf32, #tpu.memory_space<vmem>>[vector<16xi32>], vector<16xf32>,
      %get3A_330 = arith.constant 32 : index
      %get3A_331 = tpu.vector_load %arg16[%get3A_330] {strides = array<i32>} : memref<128xi32, #tpu.memory_space<vmem>>, vector<16xi32>,
      tpu.vector_store_idx %arg19[%get3A_331], %broadcast_in_dim3A_54 {add = true} : memref<10240xf32, #tpu.memory_space<vmem>>[vector<16xi32>], vector<16xf32>,
      %get3A_332 = arith.constant 48 : index
      %get3A_333 = tpu.vector_load %arg16[%get3A_332] {strides = array<i32>} : memref<128xi32, #tpu.memory_space<vmem>>, vector<16xi32>,
      tpu.vector_store_idx %arg19[%get3A_333], %broadcast_in_dim3A_54 {add = true} : memref<10240xf32, #tpu.memory_space<vmem>>[vector<16xi32>], vector<16xf32>,
      %get3A_334 = arith.constant 64 : index
      %get3A_335 = tpu.vector_load %arg16[%get3A_334] {strides = array<i32>} : memref<128xi32, #tpu.memory_space<vmem>>, vector<16xi32>,
      tpu.vector_store_idx %arg19[%get3A_335], %broadcast_in_dim3A_54 {add = true} : memref<10240xf32, #tpu.memory_space<vmem>>[vector<16xi32>], vector<16xf32>,
      %get3A_336 = arith.constant 80 : index
      %get3A_337 = tpu.vector_load %arg16[%get3A_336] {strides = array<i32>} : memref<128xi32, #tpu.memory_space<vmem>>, vector<16xi32>,
      tpu.vector_store_idx %arg19[%get3A_337], %broadcast_in_dim3A_54 {add = true} : memref<10240xf32, #tpu.memory_space<vmem>>[vector<16xi32>], vector<16xf32>,
      %get3A_338 = arith.constant 96 : index
      %get3A_339 = tpu.vector_load %arg16[%get3A_338] {strides = array<i32>} : memref<128xi32, #tpu.memory_space<vmem>>, vector<16xi32>,
      tpu.vector_store_idx %arg19[%get3A_339], %broadcast_in_dim3A_54 {add = true} : memref<10240xf32, #tpu.memory_space<vmem>>[vector<16xi32>], vector<16xf32>,
      %get3A_340 = arith.constant 112 : index
      %get3A_341 = tpu.vector_load %arg16[%get3A_340] {strides = array<i32>} : memref<128xi32, #tpu.memory_space<vmem>>, vector<16xi32>,
      tpu.vector_store_idx %arg19[%get3A_341], %broadcast_in_dim3A_54 {add = true} : memref<10240xf32, #tpu.memory_space<vmem>>[vector<16xi32>], vector<16xf32>,
      %dma_wait3A_342 = arith.constant 0 : i32
      %dma_wait3A_343 = arith.constant 0 : i32
      %dma_wait3A_344 = tpu.memref_slice %arg8[%dma_wait3A_342, %dma_wait3A_343] : memref<10240x128xf32, #tpu.memory_space<vmem_shared>> -> memref<10240x128xf32, #tpu.memory_space<vmem_shared>>
      tpu.wait_indirect_dma semaphore(%arg23 : memref<!tpu.dma_semaphore, #tpu.memory_space<semaphore_mem>>) src(%arg17 : memref<128x128xf32, #tpu.memory_space<vmem>>) dst(%dma_wait3A_344 : memref<10240x128xf32, #tpu.memory_space<vmem_shared>>)
      %sub3A_345 = arith.constant 1 : i32
      %sub3A_346 = arith.subi %select_n3A_28, %sub3A_345 : i32
      %lt3A_347 = arith.cmpi slt, %while3A_115, %sub3A_346 : i32
      %convert_element_type3A_348 = arith.extui %lt3A_347 : i1 to i32
      %cond3A_349 = arith.constant 0 : i32
      %cond3A_350 = arith.cmpi ne, %convert_element_type3A_348, %cond3A_349 : i32
      scf.if %cond3A_350 {
        %add3A_357 = arith.constant 2 : i32
        %add3A_358 = arith.addi %add3A_316, %add3A_357 : i32
        %mul3A_359 = arith.constant 128 : i32
        %mul3A_360 = arith.muli %add3A_358, %mul3A_359 : i32
        %add3A_361 = arith.addi %mul3A_10, %mul3A_360 : i32
        %multiple_of3A_362 = tpu.assume_multiple %add3A_361, 8 : i32
        %dma_start3A_363 = arith.constant 1 : i32
        %dma_start3A_364 = tpu.memref_slice %arg3[%multiple_of3A_362] : memref<655360xi32, #tpu.memory_space<hbm>> -> memref<128xi32, #tpu.memory_space<hbm>>
        %dma_start3A_365 = tpu.memref_slice %arg20[%dma_start3A_363] : memref<4x!tpu.dma_semaphore, #tpu.memory_space<semaphore_mem>> -> memref<1x!tpu.dma_semaphore, #tpu.memory_space<semaphore_mem>>
        %dma_start3A_366 = tpu.memref_squeeze %dma_start3A_365 : memref<1x!tpu.dma_semaphore, #tpu.memory_space<semaphore_mem>> -> memref<!tpu.dma_semaphore, #tpu.memory_space<semaphore_mem>>
        %dma_start3A_367 = tpu.memref_slice %arg3[%multiple_of3A_362] : memref<655360xi32, #tpu.memory_space<hbm>> -> memref<128xi32, #tpu.memory_space<hbm>>
        tpu.enqueue_dma source(%dma_start3A_367 : memref<128xi32, #tpu.memory_space<hbm>>) target(%arg10 : memref<128xi32, #tpu.memory_space<vmem>>) target_semaphore(%dma_start3A_366 : memref<!tpu.dma_semaphore, #tpu.memory_space<semaphore_mem>>)
        %dma_start3A_368 = arith.constant 1 : i32
        %dma_start3A_369 = tpu.memref_slice %arg4[%multiple_of3A_362] : memref<655360xi32, #tpu.memory_space<hbm>> -> memref<128xi32, #tpu.memory_space<hbm>>
        %dma_start3A_370 = tpu.memref_slice %arg21[%dma_start3A_368] : memref<4x!tpu.dma_semaphore, #tpu.memory_space<semaphore_mem>> -> memref<1x!tpu.dma_semaphore, #tpu.memory_space<semaphore_mem>>
        %dma_start3A_371 = tpu.memref_squeeze %dma_start3A_370 : memref<1x!tpu.dma_semaphore, #tpu.memory_space<semaphore_mem>> -> memref<!tpu.dma_semaphore, #tpu.memory_space<semaphore_mem>>
        %dma_start3A_372 = tpu.memref_slice %arg4[%multiple_of3A_362] : memref<655360xi32, #tpu.memory_space<hbm>> -> memref<128xi32, #tpu.memory_space<hbm>>
        tpu.enqueue_dma source(%dma_start3A_372 : memref<128xi32, #tpu.memory_space<hbm>>) target(%arg14 : memref<128xi32, #tpu.memory_space<vmem>>) target_semaphore(%dma_start3A_371 : memref<!tpu.dma_semaphore, #tpu.memory_space<semaphore_mem>>)
      } else {
      }
      %sub3A_351 = arith.constant 1 : i32
      %sub3A_352 = arith.subi %select_n3A_28, %sub3A_351 : i32
      %lt3A_353 = arith.cmpi slt, %while3A_115, %sub3A_352 : i32
      %convert_element_type3A_354 = arith.extui %lt3A_353 : i1 to i32
      %cond3A_355 = arith.constant 0 : i32
      %cond3A_356 = arith.cmpi ne, %convert_element_type3A_354, %cond3A_355 : i32
      scf.if %cond3A_356 {
        %add3A_357 = arith.constant 1 : i32
        %add3A_358 = arith.addi %add3A_316, %add3A_357 : i32
        %mul3A_359 = arith.constant 128 : i32
        %mul3A_360 = arith.muli %add3A_358, %mul3A_359 : i32
        %add3A_361 = arith.addi %mul3A_10, %mul3A_360 : i32
        %multiple_of3A_362 = tpu.assume_multiple %add3A_361, 8 : i32
        %dma_wait3A_363 = arith.constant 0 : i32
        %dma_wait3A_364 = tpu.memref_slice %arg3[%multiple_of3A_362] : memref<655360xi32, #tpu.memory_space<hbm>> -> memref<128xi32, #tpu.memory_space<hbm>>
        %dma_wait3A_365 = tpu.memref_slice %arg20[%dma_wait3A_363] : memref<4x!tpu.dma_semaphore, #tpu.memory_space<semaphore_mem>> -> memref<1x!tpu.dma_semaphore, #tpu.memory_space<semaphore_mem>>
        %dma_wait3A_366 = tpu.memref_squeeze %dma_wait3A_365 : memref<1x!tpu.dma_semaphore, #tpu.memory_space<semaphore_mem>> -> memref<!tpu.dma_semaphore, #tpu.memory_space<semaphore_mem>>
        %dma_wait3A_367 = tpu.memref_slice %arg3[%multiple_of3A_362] : memref<655360xi32, #tpu.memory_space<hbm>> -> memref<128xi32, #tpu.memory_space<hbm>>
        tpu.wait_dma2 semaphore(%dma_wait3A_366 : memref<!tpu.dma_semaphore, #tpu.memory_space<semaphore_mem>>) src(%dma_wait3A_367 : memref<128xi32, #tpu.memory_space<hbm>>) dst(%arg9 : memref<128xi32, #tpu.memory_space<vmem>>)
        %dma_wait3A_368 = arith.constant 0 : i32
        %dma_wait3A_369 = tpu.memref_slice %arg4[%multiple_of3A_362] : memref<655360xi32, #tpu.memory_space<hbm>> -> memref<128xi32, #tpu.memory_space<hbm>>
        %dma_wait3A_370 = tpu.memref_slice %arg21[%dma_wait3A_368] : memref<4x!tpu.dma_semaphore, #tpu.memory_space<semaphore_mem>> -> memref<1x!tpu.dma_semaphore, #tpu.memory_space<semaphore_mem>>
        %dma_wait3A_371 = tpu.memref_squeeze %dma_wait3A_370 : memref<1x!tpu.dma_semaphore, #tpu.memory_space<semaphore_mem>> -> memref<!tpu.dma_semaphore, #tpu.memory_space<semaphore_mem>>
        %dma_wait3A_372 = tpu.memref_slice %arg4[%multiple_of3A_362] : memref<655360xi32, #tpu.memory_space<hbm>> -> memref<128xi32, #tpu.memory_space<hbm>>
        tpu.wait_dma2 semaphore(%dma_wait3A_371 : memref<!tpu.dma_semaphore, #tpu.memory_space<semaphore_mem>>) src(%dma_wait3A_372 : memref<128xi32, #tpu.memory_space<hbm>>) dst(%arg13 : memref<128xi32, #tpu.memory_space<vmem>>)
        %dma_start3A_373 = arith.constant 0 : i32
        %dma_start3A_374 = arith.constant 0 : i32
        %dma_start3A_375 = arith.constant 0 : i32
        %dma_start3A_376 = tpu.memref_slice %arg2[%dma_start3A_374, %dma_start3A_375] : memref<10000x128xf32, #tpu.memory_space<hbm>> -> memref<10000x128xf32, #tpu.memory_space<hbm>>
        %dma_start3A_377 = tpu.memref_slice %arg22[%dma_start3A_373] : memref<2x!tpu.dma_semaphore, #tpu.memory_space<semaphore_mem>> -> memref<1x!tpu.dma_semaphore, #tpu.memory_space<semaphore_mem>>
        %dma_start3A_378 = tpu.memref_squeeze %dma_start3A_377 : memref<1x!tpu.dma_semaphore, #tpu.memory_space<semaphore_mem>> -> memref<!tpu.dma_semaphore, #tpu.memory_space<semaphore_mem>>
        tpu.enqueue_indirect_dma source(%dma_start3A_376 : memref<10000x128xf32, #tpu.memory_space<hbm>>) target(%arg17 : memref<128x128xf32, #tpu.memory_space<vmem>>) offsets(%arg9 : memref<128xi32, #tpu.memory_space<vmem>>) semaphore(%dma_start3A_378 : memref<!tpu.dma_semaphore, #tpu.memory_space<semaphore_mem>>)
      } else {
      }
    }
    %dma_wait3A = arith.constant 0 : i32
    %dma_wait3A_90 = arith.constant 0 : i32
    %dma_wait3A_91 = tpu.memref_slice %arg8[%dma_wait3A, %dma_wait3A_90] : memref<10240x128xf32, #tpu.memory_space<vmem_shared>> -> memref<10240x128xf32, #tpu.memory_space<vmem_shared>>
    tpu.wait_indirect_dma semaphore(%arg23 : memref<!tpu.dma_semaphore, #tpu.memory_space<semaphore_mem>>) src(%arg18 : memref<128x128xf32, #tpu.memory_space<vmem>>) dst(%dma_wait3A_91 : memref<10240x128xf32, #tpu.memory_space<vmem_shared>>)
    %barrier3A_92 = arith.constant 0 : index
    tpu.barrier barrier_id(%barrier3A_92)
    %mul3A_93 = arith.constant 640 : i32
    %mul3A_94 = arith.muli %arg1, %mul3A_93 : i32
    %add3A_95 = arith.constant 0 : i32
    %add3A_96 = arith.addi %mul3A_94, %add3A_95 : i32
    "tpu.region"() ({
      %run_scoped3A = tpu.sem_alloc : memref<!tpu.dma_semaphore, #tpu.memory_space<semaphore_mem>>
      %dma_start3A_115 = arith.constant 0 : i32
      %dma_start3A_116 = tpu.memref_slice %arg8[%add3A_96, %dma_start3A_115] : memref<10240x128xf32, #tpu.memory_space<vmem_shared>> -> memref<128x128xf32, #tpu.memory_space<vmem_shared>>
      %dma_start3A_117 = arith.constant 0 : i32
      %dma_start3A_118 = tpu.memref_slice %arg8[%add3A_96, %dma_start3A_117] : memref<10240x128xf32, #tpu.memory_space<vmem_shared>> -> memref<128x128xf32, #tpu.memory_space<vmem_shared>>
      tpu.enqueue_dma source(%dma_start3A_118 : memref<128x128xf32, #tpu.memory_space<vmem_shared>>) target(%arg17 : memref<128x128xf32, #tpu.memory_space<vmem>>) target_semaphore(%run_scoped3A : memref<!tpu.dma_semaphore, #tpu.memory_space<semaphore_mem>>)
      %dma_wait3A_119 = arith.constant 0 : i32
      %dma_wait3A_120 = tpu.memref_slice %arg8[%add3A_96, %dma_wait3A_119] : memref<10240x128xf32, #tpu.memory_space<vmem_shared>> -> memref<128x128xf32, #tpu.memory_space<vmem_shared>>
      %dma_wait3A_121 = arith.constant 0 : i32
      %dma_wait3A_122 = tpu.memref_slice %arg8[%add3A_96, %dma_wait3A_121] : memref<10240x128xf32, #tpu.memory_space<vmem_shared>> -> memref<128x128xf32, #tpu.memory_space<vmem_shared>>
      tpu.wait_dma2 semaphore(%run_scoped3A : memref<!tpu.dma_semaphore, #tpu.memory_space<semaphore_mem>>) src(%dma_wait3A_122 : memref<128x128xf32, #tpu.memory_space<vmem_shared>>) dst(%arg17 : memref<128x128xf32, #tpu.memory_space<vmem>>)
      tpu.yield
    }) : () -> ()
    "tpu.region"() ({
      %run_scoped3A = tpu.sem_alloc : memref<!tpu.dma_semaphore, #tpu.memory_space<semaphore_mem>>
      %dma_start3A_115 = arith.constant 0 : i32
      %dma_start3A_116 = arith.constant 0 : i32
      %dma_start3A_117 = tpu.memref_slice %arg6[%arg0, %dma_start3A_115, %dma_start3A_116] : memref<2x10240x128xf32, #tpu.memory_space<hbm>> -> memref<1x10240x128xf32, #tpu.memory_space<hbm>>
      %dma_start3A_118 = tpu.memref_squeeze %dma_start3A_117 : memref<1x10240x128xf32, #tpu.memory_space<hbm>> -> memref<10240x128xf32, #tpu.memory_space<hbm>>
      %dma_start3A_119 = arith.constant 0 : i32
      %dma_start3A_120 = tpu.memref_slice %dma_start3A_118[%add3A_96, %dma_start3A_119] : memref<10240x128xf32, #tpu.memory_space<hbm>> -> memref<128x128xf32, #tpu.memory_space<hbm>>
      %dma_start3A_121 = arith.constant 0 : i32
      %dma_start3A_122 = arith.constant 0 : i32
      %dma_start3A_123 = tpu.memref_slice %arg6[%arg0, %dma_start3A_121, %dma_start3A_122] : memref<2x10240x128xf32, #tpu.memory_space<hbm>> -> memref<1x10240x128xf32, #tpu.memory_space<hbm>>
      %dma_start3A_124 = tpu.memref_squeeze %dma_start3A_123 : memref<1x10240x128xf32, #tpu.memory_space<hbm>> -> memref<10240x128xf32, #tpu.memory_space<hbm>>
      %dma_start3A_125 = arith.constant 0 : i32
      %dma_start3A_126 = tpu.memref_slice %dma_start3A_124[%add3A_96, %dma_start3A_125] : memref<10240x128xf32, #tpu.memory_space<hbm>> -> memref<128x128xf32, #tpu.memory_space<hbm>>
      tpu.enqueue_dma source(%arg17 : memref<128x128xf32, #tpu.memory_space<vmem>>) target(%dma_start3A_126 : memref<128x128xf32, #tpu.memory_space<hbm>>) target_semaphore(%run_scoped3A : memref<!tpu.dma_semaphore, #tpu.memory_space<semaphore_mem>>)
      %dma_wait3A_127 = arith.constant 0 : i32
      %dma_wait3A_128 = arith.constant 0 : i32
      %dma_wait3A_129 = tpu.memref_slice %arg6[%arg0, %dma_wait3A_127, %dma_wait3A_128] : memref<2x10240x128xf32, #tpu.memory_space<hbm>> -> memref<1x10240x128xf32, #tpu.memory_space<hbm>>
      %dma_wait3A_130 = tpu.memref_squeeze %dma_wait3A_129 : memref<1x10240x128xf32, #tpu.memory_space<hbm>> -> memref<10240x128xf32, #tpu.memory_space<hbm>>
      %dma_wait3A_131 = arith.constant 0 : i32
      %dma_wait3A_132 = tpu.memref_slice %dma_wait3A_130[%add3A_96, %dma_wait3A_131] : memref<10240x128xf32, #tpu.memory_space<hbm>> -> memref<128x128xf32, #tpu.memory_space<hbm>>
      %dma_wait3A_133 = arith.constant 0 : i32
      %dma_wait3A_134 = arith.constant 0 : i32
      %dma_wait3A_135 = tpu.memref_slice %arg6[%arg0, %dma_wait3A_133, %dma_wait3A_134] : memref<2x10240x128xf32, #tpu.memory_space<hbm>> -> memref<1x10240x128xf32, #tpu.memory_space<hbm>>
      %dma_wait3A_136 = tpu.memref_squeeze %dma_wait3A_135 : memref<1x10240x128xf32, #tpu.memory_space<hbm>> -> memref<10240x128xf32, #tpu.memory_space<hbm>>
      %dma_wait3A_137 = arith.constant 0 : i32
      %dma_wait3A_138 = tpu.memref_slice %dma_wait3A_136[%add3A_96, %dma_wait3A_137] : memref<10240x128xf32, #tpu.memory_space<hbm>> -> memref<128x128xf32, #tpu.memory_space<hbm>>
      tpu.wait_dma2 semaphore(%run_scoped3A : memref<!tpu.dma_semaphore, #tpu.memory_space<semaphore_mem>>) src(%arg17 : memref<128x128xf32, #tpu.memory_space<vmem>>) dst(%dma_wait3A_138 : memref<128x128xf32, #tpu.memory_space<hbm>>)
      tpu.yield
    }) : () -> ()
    %mul3A_97 = arith.constant 640 : i32
    %mul3A_98 = arith.muli %arg1, %mul3A_97 : i32
    %add3A_99 = arith.constant 128 : i32
    %add3A_100 = arith.addi %mul3A_98, %add3A_99 : i32
    "tpu.region"() ({
      %run_scoped3A = tpu.sem_alloc : memref<!tpu.dma_semaphore, #tpu.memory_space<semaphore_mem>>
      %dma_start3A_115 = arith.constant 0 : i32
      %dma_start3A_116 = tpu.memref_slice %arg8[%add3A_100, %dma_start3A_115] : memref<10240x128xf32, #tpu.memory_space<vmem_shared>> -> memref<128x128xf32, #tpu.memory_space<vmem_shared>>
      %dma_start3A_117 = arith.constant 0 : i32
      %dma_start3A_118 = tpu.memref_slice %arg8[%add3A_100, %dma_start3A_117] : memref<10240x128xf32, #tpu.memory_space<vmem_shared>> -> memref<128x128xf32, #tpu.memory_space<vmem_shared>>
      tpu.enqueue_dma source(%dma_start3A_118 : memref<128x128xf32, #tpu.memory_space<vmem_shared>>) target(%arg17 : memref<128x128xf32, #tpu.memory_space<vmem>>) target_semaphore(%run_scoped3A : memref<!tpu.dma_semaphore, #tpu.memory_space<semaphore_mem>>)
      %dma_wait3A_119 = arith.constant 0 : i32
      %dma_wait3A_120 = tpu.memref_slice %arg8[%add3A_100, %dma_wait3A_119] : memref<10240x128xf32, #tpu.memory_space<vmem_shared>> -> memref<128x128xf32, #tpu.memory_space<vmem_shared>>
      %dma_wait3A_121 = arith.constant 0 : i32
      %dma_wait3A_122 = tpu.memref_slice %arg8[%add3A_100, %dma_wait3A_121] : memref<10240x128xf32, #tpu.memory_space<vmem_shared>> -> memref<128x128xf32, #tpu.memory_space<vmem_shared>>
      tpu.wait_dma2 semaphore(%run_scoped3A : memref<!tpu.dma_semaphore, #tpu.memory_space<semaphore_mem>>) src(%dma_wait3A_122 : memref<128x128xf32, #tpu.memory_space<vmem_shared>>) dst(%arg17 : memref<128x128xf32, #tpu.memory_space<vmem>>)
      tpu.yield
    }) : () -> ()
    "tpu.region"() ({
      %run_scoped3A = tpu.sem_alloc : memref<!tpu.dma_semaphore, #tpu.memory_space<semaphore_mem>>
      %dma_start3A_115 = arith.constant 0 : i32
      %dma_start3A_116 = arith.constant 0 : i32
      %dma_start3A_117 = tpu.memref_slice %arg6[%arg0, %dma_start3A_115, %dma_start3A_116] : memref<2x10240x128xf32, #tpu.memory_space<hbm>> -> memref<1x10240x128xf32, #tpu.memory_space<hbm>>
      %dma_start3A_118 = tpu.memref_squeeze %dma_start3A_117 : memref<1x10240x128xf32, #tpu.memory_space<hbm>> -> memref<10240x128xf32, #tpu.memory_space<hbm>>
      %dma_start3A_119 = arith.constant 0 : i32
      %dma_start3A_120 = tpu.memref_slice %dma_start3A_118[%add3A_100, %dma_start3A_119] : memref<10240x128xf32, #tpu.memory_space<hbm>> -> memref<128x128xf32, #tpu.memory_space<hbm>>
      %dma_start3A_121 = arith.constant 0 : i32
      %dma_start3A_122 = arith.constant 0 : i32
      %dma_start3A_123 = tpu.memref_slice %arg6[%arg0, %dma_start3A_121, %dma_start3A_122] : memref<2x10240x128xf32, #tpu.memory_space<hbm>> -> memref<1x10240x128xf32, #tpu.memory_space<hbm>>
      %dma_start3A_124 = tpu.memref_squeeze %dma_start3A_123 : memref<1x10240x128xf32, #tpu.memory_space<hbm>> -> memref<10240x128xf32, #tpu.memory_space<hbm>>
      %dma_start3A_125 = arith.constant 0 : i32
      %dma_start3A_126 = tpu.memref_slice %dma_start3A_124[%add3A_100, %dma_start3A_125] : memref<10240x128xf32, #tpu.memory_space<hbm>> -> memref<128x128xf32, #tpu.memory_space<hbm>>
      tpu.enqueue_dma source(%arg17 : memref<128x128xf32, #tpu.memory_space<vmem>>) target(%dma_start3A_126 : memref<128x128xf32, #tpu.memory_space<hbm>>) target_semaphore(%run_scoped3A : memref<!tpu.dma_semaphore, #tpu.memory_space<semaphore_mem>>)
      %dma_wait3A_127 = arith.constant 0 : i32
      %dma_wait3A_128 = arith.constant 0 : i32
      %dma_wait3A_129 = tpu.memref_slice %arg6[%arg0, %dma_wait3A_127, %dma_wait3A_128] : memref<2x10240x128xf32, #tpu.memory_space<hbm>> -> memref<1x10240x128xf32, #tpu.memory_space<hbm>>
      %dma_wait3A_130 = tpu.memref_squeeze %dma_wait3A_129 : memref<1x10240x128xf32, #tpu.memory_space<hbm>> -> memref<10240x128xf32, #tpu.memory_space<hbm>>
      %dma_wait3A_131 = arith.constant 0 : i32
      %dma_wait3A_132 = tpu.memref_slice %dma_wait3A_130[%add3A_100, %dma_wait3A_131] : memref<10240x128xf32, #tpu.memory_space<hbm>> -> memref<128x128xf32, #tpu.memory_space<hbm>>
      %dma_wait3A_133 = arith.constant 0 : i32
      %dma_wait3A_134 = arith.constant 0 : i32
      %dma_wait3A_135 = tpu.memref_slice %arg6[%arg0, %dma_wait3A_133, %dma_wait3A_134] : memref<2x10240x128xf32, #tpu.memory_space<hbm>> -> memref<1x10240x128xf32, #tpu.memory_space<hbm>>
      %dma_wait3A_136 = tpu.memref_squeeze %dma_wait3A_135 : memref<1x10240x128xf32, #tpu.memory_space<hbm>> -> memref<10240x128xf32, #tpu.memory_space<hbm>>
      %dma_wait3A_137 = arith.constant 0 : i32
      %dma_wait3A_138 = tpu.memref_slice %dma_wait3A_136[%add3A_100, %dma_wait3A_137] : memref<10240x128xf32, #tpu.memory_space<hbm>> -> memref<128x128xf32, #tpu.memory_space<hbm>>
      tpu.wait_dma2 semaphore(%run_scoped3A : memref<!tpu.dma_semaphore, #tpu.memory_space<semaphore_mem>>) src(%arg17 : memref<128x128xf32, #tpu.memory_space<vmem>>) dst(%dma_wait3A_138 : memref<128x128xf32, #tpu.memory_space<hbm>>)
      tpu.yield
    }) : () -> ()
    %mul3A_101 = arith.constant 640 : i32
    %mul3A_102 = arith.muli %arg1, %mul3A_101 : i32
    %add3A_103 = arith.constant 256 : i32
    %add3A_104 = arith.addi %mul3A_102, %add3A_103 : i32
    "tpu.region"() ({
      %run_scoped3A = tpu.sem_alloc : memref<!tpu.dma_semaphore, #tpu.memory_space<semaphore_mem>>
      %dma_start3A_115 = arith.constant 0 : i32
      %dma_start3A_116 = tpu.memref_slice %arg8[%add3A_104, %dma_start3A_115] : memref<10240x128xf32, #tpu.memory_space<vmem_shared>> -> memref<128x128xf32, #tpu.memory_space<vmem_shared>>
      %dma_start3A_117 = arith.constant 0 : i32
      %dma_start3A_118 = tpu.memref_slice %arg8[%add3A_104, %dma_start3A_117] : memref<10240x128xf32, #tpu.memory_space<vmem_shared>> -> memref<128x128xf32, #tpu.memory_space<vmem_shared>>
      tpu.enqueue_dma source(%dma_start3A_118 : memref<128x128xf32, #tpu.memory_space<vmem_shared>>) target(%arg17 : memref<128x128xf32, #tpu.memory_space<vmem>>) target_semaphore(%run_scoped3A : memref<!tpu.dma_semaphore, #tpu.memory_space<semaphore_mem>>)
      %dma_wait3A_119 = arith.constant 0 : i32
      %dma_wait3A_120 = tpu.memref_slice %arg8[%add3A_104, %dma_wait3A_119] : memref<10240x128xf32, #tpu.memory_space<vmem_shared>> -> memref<128x128xf32, #tpu.memory_space<vmem_shared>>
      %dma_wait3A_121 = arith.constant 0 : i32
      %dma_wait3A_122 = tpu.memref_slice %arg8[%add3A_104, %dma_wait3A_121] : memref<10240x128xf32, #tpu.memory_space<vmem_shared>> -> memref<128x128xf32, #tpu.memory_space<vmem_shared>>
      tpu.wait_dma2 semaphore(%run_scoped3A : memref<!tpu.dma_semaphore, #tpu.memory_space<semaphore_mem>>) src(%dma_wait3A_122 : memref<128x128xf32, #tpu.memory_space<vmem_shared>>) dst(%arg17 : memref<128x128xf32, #tpu.memory_space<vmem>>)
      tpu.yield
    }) : () -> ()
    "tpu.region"() ({
      %run_scoped3A = tpu.sem_alloc : memref<!tpu.dma_semaphore, #tpu.memory_space<semaphore_mem>>
      %dma_start3A_115 = arith.constant 0 : i32
      %dma_start3A_116 = arith.constant 0 : i32
      %dma_start3A_117 = tpu.memref_slice %arg6[%arg0, %dma_start3A_115, %dma_start3A_116] : memref<2x10240x128xf32, #tpu.memory_space<hbm>> -> memref<1x10240x128xf32, #tpu.memory_space<hbm>>
      %dma_start3A_118 = tpu.memref_squeeze %dma_start3A_117 : memref<1x10240x128xf32, #tpu.memory_space<hbm>> -> memref<10240x128xf32, #tpu.memory_space<hbm>>
      %dma_start3A_119 = arith.constant 0 : i32
      %dma_start3A_120 = tpu.memref_slice %dma_start3A_118[%add3A_104, %dma_start3A_119] : memref<10240x128xf32, #tpu.memory_space<hbm>> -> memref<128x128xf32, #tpu.memory_space<hbm>>
      %dma_start3A_121 = arith.constant 0 : i32
      %dma_start3A_122 = arith.constant 0 : i32
      %dma_start3A_123 = tpu.memref_slice %arg6[%arg0, %dma_start3A_121, %dma_start3A_122] : memref<2x10240x128xf32, #tpu.memory_space<hbm>> -> memref<1x10240x128xf32, #tpu.memory_space<hbm>>
      %dma_start3A_124 = tpu.memref_squeeze %dma_start3A_123 : memref<1x10240x128xf32, #tpu.memory_space<hbm>> -> memref<10240x128xf32, #tpu.memory_space<hbm>>
      %dma_start3A_125 = arith.constant 0 : i32
      %dma_start3A_126 = tpu.memref_slice %dma_start3A_124[%add3A_104, %dma_start3A_125] : memref<10240x128xf32, #tpu.memory_space<hbm>> -> memref<128x128xf32, #tpu.memory_space<hbm>>
      tpu.enqueue_dma source(%arg17 : memref<128x128xf32, #tpu.memory_space<vmem>>) target(%dma_start3A_126 : memref<128x128xf32, #tpu.memory_space<hbm>>) target_semaphore(%run_scoped3A : memref<!tpu.dma_semaphore, #tpu.memory_space<semaphore_mem>>)
      %dma_wait3A_127 = arith.constant 0 : i32
      %dma_wait3A_128 = arith.constant 0 : i32
      %dma_wait3A_129 = tpu.memref_slice %arg6[%arg0, %dma_wait3A_127, %dma_wait3A_128] : memref<2x10240x128xf32, #tpu.memory_space<hbm>> -> memref<1x10240x128xf32, #tpu.memory_space<hbm>>
      %dma_wait3A_130 = tpu.memref_squeeze %dma_wait3A_129 : memref<1x10240x128xf32, #tpu.memory_space<hbm>> -> memref<10240x128xf32, #tpu.memory_space<hbm>>
      %dma_wait3A_131 = arith.constant 0 : i32
      %dma_wait3A_132 = tpu.memref_slice %dma_wait3A_130[%add3A_104, %dma_wait3A_131] : memref<10240x128xf32, #tpu.memory_space<hbm>> -> memref<128x128xf32, #tpu.memory_space<hbm>>
      %dma_wait3A_133 = arith.constant 0 : i32
      %dma_wait3A_134 = arith.constant 0 : i32
      %dma_wait3A_135 = tpu.memref_slice %arg6[%arg0, %dma_wait3A_133, %dma_wait3A_134] : memref<2x10240x128xf32, #tpu.memory_space<hbm>> -> memref<1x10240x128xf32, #tpu.memory_space<hbm>>
      %dma_wait3A_136 = tpu.memref_squeeze %dma_wait3A_135 : memref<1x10240x128xf32, #tpu.memory_space<hbm>> -> memref<10240x128xf32, #tpu.memory_space<hbm>>
      %dma_wait3A_137 = arith.constant 0 : i32
      %dma_wait3A_138 = tpu.memref_slice %dma_wait3A_136[%add3A_104, %dma_wait3A_137] : memref<10240x128xf32, #tpu.memory_space<hbm>> -> memref<128x128xf32, #tpu.memory_space<hbm>>
      tpu.wait_dma2 semaphore(%run_scoped3A : memref<!tpu.dma_semaphore, #tpu.memory_space<semaphore_mem>>) src(%arg17 : memref<128x128xf32, #tpu.memory_space<vmem>>) dst(%dma_wait3A_138 : memref<128x128xf32, #tpu.memory_space<hbm>>)
      tpu.yield
    }) : () -> ()
    %mul3A_105 = arith.constant 640 : i32
    %mul3A_106 = arith.muli %arg1, %mul3A_105 : i32
    %add3A_107 = arith.constant 384 : i32
    %add3A_108 = arith.addi %mul3A_106, %add3A_107 : i32
    "tpu.region"() ({
      %run_scoped3A = tpu.sem_alloc : memref<!tpu.dma_semaphore, #tpu.memory_space<semaphore_mem>>
      %dma_start3A_115 = arith.constant 0 : i32
      %dma_start3A_116 = tpu.memref_slice %arg8[%add3A_108, %dma_start3A_115] : memref<10240x128xf32, #tpu.memory_space<vmem_shared>> -> memref<128x128xf32, #tpu.memory_space<vmem_shared>>
      %dma_start3A_117 = arith.constant 0 : i32
      %dma_start3A_118 = tpu.memref_slice %arg8[%add3A_108, %dma_start3A_117] : memref<10240x128xf32, #tpu.memory_space<vmem_shared>> -> memref<128x128xf32, #tpu.memory_space<vmem_shared>>
      tpu.enqueue_dma source(%dma_start3A_118 : memref<128x128xf32, #tpu.memory_space<vmem_shared>>) target(%arg17 : memref<128x128xf32, #tpu.memory_space<vmem>>) target_semaphore(%run_scoped3A : memref<!tpu.dma_semaphore, #tpu.memory_space<semaphore_mem>>)
      %dma_wait3A_119 = arith.constant 0 : i32
      %dma_wait3A_120 = tpu.memref_slice %arg8[%add3A_108, %dma_wait3A_119] : memref<10240x128xf32, #tpu.memory_space<vmem_shared>> -> memref<128x128xf32, #tpu.memory_space<vmem_shared>>
      %dma_wait3A_121 = arith.constant 0 : i32
      %dma_wait3A_122 = tpu.memref_slice %arg8[%add3A_108, %dma_wait3A_121] : memref<10240x128xf32, #tpu.memory_space<vmem_shared>> -> memref<128x128xf32, #tpu.memory_space<vmem_shared>>
      tpu.wait_dma2 semaphore(%run_scoped3A : memref<!tpu.dma_semaphore, #tpu.memory_space<semaphore_mem>>) src(%dma_wait3A_122 : memref<128x128xf32, #tpu.memory_space<vmem_shared>>) dst(%arg17 : memref<128x128xf32, #tpu.memory_space<vmem>>)
      tpu.yield
    }) : () -> ()
    "tpu.region"() ({
      %run_scoped3A = tpu.sem_alloc : memref<!tpu.dma_semaphore, #tpu.memory_space<semaphore_mem>>
      %dma_start3A_115 = arith.constant 0 : i32
      %dma_start3A_116 = arith.constant 0 : i32
      %dma_start3A_117 = tpu.memref_slice %arg6[%arg0, %dma_start3A_115, %dma_start3A_116] : memref<2x10240x128xf32, #tpu.memory_space<hbm>> -> memref<1x10240x128xf32, #tpu.memory_space<hbm>>
      %dma_start3A_118 = tpu.memref_squeeze %dma_start3A_117 : memref<1x10240x128xf32, #tpu.memory_space<hbm>> -> memref<10240x128xf32, #tpu.memory_space<hbm>>
      %dma_start3A_119 = arith.constant 0 : i32
      %dma_start3A_120 = tpu.memref_slice %dma_start3A_118[%add3A_108, %dma_start3A_119] : memref<10240x128xf32, #tpu.memory_space<hbm>> -> memref<128x128xf32, #tpu.memory_space<hbm>>
      %dma_start3A_121 = arith.constant 0 : i32
      %dma_start3A_122 = arith.constant 0 : i32
      %dma_start3A_123 = tpu.memref_slice %arg6[%arg0, %dma_start3A_121, %dma_start3A_122] : memref<2x10240x128xf32, #tpu.memory_space<hbm>> -> memref<1x10240x128xf32, #tpu.memory_space<hbm>>
      %dma_start3A_124 = tpu.memref_squeeze %dma_start3A_123 : memref<1x10240x128xf32, #tpu.memory_space<hbm>> -> memref<10240x128xf32, #tpu.memory_space<hbm>>
      %dma_start3A_125 = arith.constant 0 : i32
      %dma_start3A_126 = tpu.memref_slice %dma_start3A_124[%add3A_108, %dma_start3A_125] : memref<10240x128xf32, #tpu.memory_space<hbm>> -> memref<128x128xf32, #tpu.memory_space<hbm>>
      tpu.enqueue_dma source(%arg17 : memref<128x128xf32, #tpu.memory_space<vmem>>) target(%dma_start3A_126 : memref<128x128xf32, #tpu.memory_space<hbm>>) target_semaphore(%run_scoped3A : memref<!tpu.dma_semaphore, #tpu.memory_space<semaphore_mem>>)
      %dma_wait3A_127 = arith.constant 0 : i32
      %dma_wait3A_128 = arith.constant 0 : i32
      %dma_wait3A_129 = tpu.memref_slice %arg6[%arg0, %dma_wait3A_127, %dma_wait3A_128] : memref<2x10240x128xf32, #tpu.memory_space<hbm>> -> memref<1x10240x128xf32, #tpu.memory_space<hbm>>
      %dma_wait3A_130 = tpu.memref_squeeze %dma_wait3A_129 : memref<1x10240x128xf32, #tpu.memory_space<hbm>> -> memref<10240x128xf32, #tpu.memory_space<hbm>>
      %dma_wait3A_131 = arith.constant 0 : i32
      %dma_wait3A_132 = tpu.memref_slice %dma_wait3A_130[%add3A_108, %dma_wait3A_131] : memref<10240x128xf32, #tpu.memory_space<hbm>> -> memref<128x128xf32, #tpu.memory_space<hbm>>
      %dma_wait3A_133 = arith.constant 0 : i32
      %dma_wait3A_134 = arith.constant 0 : i32
      %dma_wait3A_135 = tpu.memref_slice %arg6[%arg0, %dma_wait3A_133, %dma_wait3A_134] : memref<2x10240x128xf32, #tpu.memory_space<hbm>> -> memref<1x10240x128xf32, #tpu.memory_space<hbm>>
      %dma_wait3A_136 = tpu.memref_squeeze %dma_wait3A_135 : memref<1x10240x128xf32, #tpu.memory_space<hbm>> -> memref<10240x128xf32, #tpu.memory_space<hbm>>
      %dma_wait3A_137 = arith.constant 0 : i32
      %dma_wait3A_138 = tpu.memref_slice %dma_wait3A_136[%add3A_108, %dma_wait3A_137] : memref<10240x128xf32, #tpu.memory_space<hbm>> -> memref<128x128xf32, #tpu.memory_space<hbm>>
      tpu.wait_dma2 semaphore(%run_scoped3A : memref<!tpu.dma_semaphore, #tpu.memory_space<semaphore_mem>>) src(%arg17 : memref<128x128xf32, #tpu.memory_space<vmem>>) dst(%dma_wait3A_138 : memref<128x128xf32, #tpu.memory_space<hbm>>)
      tpu.yield
    }) : () -> ()
    %mul3A_109 = arith.constant 640 : i32
    %mul3A_110 = arith.muli %arg1, %mul3A_109 : i32
    %add3A_111 = arith.constant 512 : i32
    %add3A_112 = arith.addi %mul3A_110, %add3A_111 : i32
    "tpu.region"() ({
      %run_scoped3A = tpu.sem_alloc : memref<!tpu.dma_semaphore, #tpu.memory_space<semaphore_mem>>
      %dma_start3A_115 = arith.constant 0 : i32
      %dma_start3A_116 = tpu.memref_slice %arg8[%add3A_112, %dma_start3A_115] : memref<10240x128xf32, #tpu.memory_space<vmem_shared>> -> memref<128x128xf32, #tpu.memory_space<vmem_shared>>
      %dma_start3A_117 = arith.constant 0 : i32
      %dma_start3A_118 = tpu.memref_slice %arg8[%add3A_112, %dma_start3A_117] : memref<10240x128xf32, #tpu.memory_space<vmem_shared>> -> memref<128x128xf32, #tpu.memory_space<vmem_shared>>
      tpu.enqueue_dma source(%dma_start3A_118 : memref<128x128xf32, #tpu.memory_space<vmem_shared>>) target(%arg17 : memref<128x128xf32, #tpu.memory_space<vmem>>) target_semaphore(%run_scoped3A : memref<!tpu.dma_semaphore, #tpu.memory_space<semaphore_mem>>)
      %dma_wait3A_119 = arith.constant 0 : i32
      %dma_wait3A_120 = tpu.memref_slice %arg8[%add3A_112, %dma_wait3A_119] : memref<10240x128xf32, #tpu.memory_space<vmem_shared>> -> memref<128x128xf32, #tpu.memory_space<vmem_shared>>
      %dma_wait3A_121 = arith.constant 0 : i32
      %dma_wait3A_122 = tpu.memref_slice %arg8[%add3A_112, %dma_wait3A_121] : memref<10240x128xf32, #tpu.memory_space<vmem_shared>> -> memref<128x128xf32, #tpu.memory_space<vmem_shared>>
      tpu.wait_dma2 semaphore(%run_scoped3A : memref<!tpu.dma_semaphore, #tpu.memory_space<semaphore_mem>>) src(%dma_wait3A_122 : memref<128x128xf32, #tpu.memory_space<vmem_shared>>) dst(%arg17 : memref<128x128xf32, #tpu.memory_space<vmem>>)
      tpu.yield
    }) : () -> ()
    "tpu.region"() ({
      %run_scoped3A = tpu.sem_alloc : memref<!tpu.dma_semaphore, #tpu.memory_space<semaphore_mem>>
      %dma_start3A_115 = arith.constant 0 : i32
      %dma_start3A_116 = arith.constant 0 : i32
      %dma_start3A_117 = tpu.memref_slice %arg6[%arg0, %dma_start3A_115, %dma_start3A_116] : memref<2x10240x128xf32, #tpu.memory_space<hbm>> -> memref<1x10240x128xf32, #tpu.memory_space<hbm>>
      %dma_start3A_118 = tpu.memref_squeeze %dma_start3A_117 : memref<1x10240x128xf32, #tpu.memory_space<hbm>> -> memref<10240x128xf32, #tpu.memory_space<hbm>>
      %dma_start3A_119 = arith.constant 0 : i32
      %dma_start3A_120 = tpu.memref_slice %dma_start3A_118[%add3A_112, %dma_start3A_119] : memref<10240x128xf32, #tpu.memory_space<hbm>> -> memref<128x128xf32, #tpu.memory_space<hbm>>
      %dma_start3A_121 = arith.constant 0 : i32
      %dma_start3A_122 = arith.constant 0 : i32
      %dma_start3A_123 = tpu.memref_slice %arg6[%arg0, %dma_start3A_121, %dma_start3A_122] : memref<2x10240x128xf32, #tpu.memory_space<hbm>> -> memref<1x10240x128xf32, #tpu.memory_space<hbm>>
      %dma_start3A_124 = tpu.memref_squeeze %dma_start3A_123 : memref<1x10240x128xf32, #tpu.memory_space<hbm>> -> memref<10240x128xf32, #tpu.memory_space<hbm>>
      %dma_start3A_125 = arith.constant 0 : i32
      %dma_start3A_126 = tpu.memref_slice %dma_start3A_124[%add3A_112, %dma_start3A_125] : memref<10240x128xf32, #tpu.memory_space<hbm>> -> memref<128x128xf32, #tpu.memory_space<hbm>>
      tpu.enqueue_dma source(%arg17 : memref<128x128xf32, #tpu.memory_space<vmem>>) target(%dma_start3A_126 : memref<128x128xf32, #tpu.memory_space<hbm>>) target_semaphore(%run_scoped3A : memref<!tpu.dma_semaphore, #tpu.memory_space<semaphore_mem>>)
      %dma_wait3A_127 = arith.constant 0 : i32
      %dma_wait3A_128 = arith.constant 0 : i32
      %dma_wait3A_129 = tpu.memref_slice %arg6[%arg0, %dma_wait3A_127, %dma_wait3A_128] : memref<2x10240x128xf32, #tpu.memory_space<hbm>> -> memref<1x10240x128xf32, #tpu.memory_space<hbm>>
      %dma_wait3A_130 = tpu.memref_squeeze %dma_wait3A_129 : memref<1x10240x128xf32, #tpu.memory_space<hbm>> -> memref<10240x128xf32, #tpu.memory_space<hbm>>
      %dma_wait3A_131 = arith.constant 0 : i32
      %dma_wait3A_132 = tpu.memref_slice %dma_wait3A_130[%add3A_112, %dma_wait3A_131] : memref<10240x128xf32, #tpu.memory_space<hbm>> -> memref<128x128xf32, #tpu.memory_space<hbm>>
      %dma_wait3A_133 = arith.constant 0 : i32
      %dma_wait3A_134 = arith.constant 0 : i32
      %dma_wait3A_135 = tpu.memref_slice %arg6[%arg0, %dma_wait3A_133, %dma_wait3A_134] : memref<2x10240x128xf32, #tpu.memory_space<hbm>> -> memref<1x10240x128xf32, #tpu.memory_space<hbm>>
      %dma_wait3A_136 = tpu.memref_squeeze %dma_wait3A_135 : memref<1x10240x128xf32, #tpu.memory_space<hbm>> -> memref<10240x128xf32, #tpu.memory_space<hbm>>
      %dma_wait3A_137 = arith.constant 0 : i32
      %dma_wait3A_138 = tpu.memref_slice %dma_wait3A_136[%add3A_112, %dma_wait3A_137] : memref<10240x128xf32, #tpu.memory_space<hbm>> -> memref<128x128xf32, #tpu.memory_space<hbm>>
      tpu.wait_dma2 semaphore(%run_scoped3A : memref<!tpu.dma_semaphore, #tpu.memory_space<semaphore_mem>>) src(%arg17 : memref<128x128xf32, #tpu.memory_space<vmem>>) dst(%dma_wait3A_138 : memref<128x128xf32, #tpu.memory_space<hbm>>)
      tpu.yield
    }) : () -> ()
    %mul3A_113 = arith.constant 10240 : i32
    %mul3A_114 = arith.muli %add3A, %mul3A_113 : i32
    "tpu.region"() ({
      %run_scoped3A = tpu.sem_alloc : memref<!tpu.dma_semaphore, #tpu.memory_space<semaphore_mem>>
      %dma_start3A_115 = tpu.memref_slice %arg7[%mul3A_114] : memref<327680xf32, #tpu.memory_space<hbm>> -> memref<10240xf32, #tpu.memory_space<hbm>>
      %dma_start3A_116 = tpu.memref_slice %arg7[%mul3A_114] : memref<327680xf32, #tpu.memory_space<hbm>> -> memref<10240xf32, #tpu.memory_space<hbm>>
      tpu.enqueue_dma source(%arg19 : memref<10240xf32, #tpu.memory_space<vmem>>) target(%dma_start3A_116 : memref<10240xf32, #tpu.memory_space<hbm>>) target_semaphore(%run_scoped3A : memref<!tpu.dma_semaphore, #tpu.memory_space<semaphore_mem>>)
      %dma_wait3A_117 = tpu.memref_slice %arg7[%mul3A_114] : memref<327680xf32, #tpu.memory_space<hbm>> -> memref<10240xf32, #tpu.memory_space<hbm>>
      %dma_wait3A_118 = tpu.memref_slice %arg7[%mul3A_114] : memref<327680xf32, #tpu.memory_space<hbm>> -> memref<10240xf32, #tpu.memory_space<hbm>>
      tpu.wait_dma2 semaphore(%run_scoped3A : memref<!tpu.dma_semaphore, #tpu.memory_space<semaphore_mem>>) src(%arg19 : memref<10240xf32, #tpu.memory_space<vmem>>) dst(%dma_wait3A_118 : memref<10240xf32, #tpu.memory_space<hbm>>)
      tpu.yield
    }) : () -> ()
    return
  }
}

module attributes {stable_mosaic.version = 14 : i64} {
  func.func @_tc_layer1_body(%arg0: memref<2x10240x128xf32, #tpu.memory_space<vmem>>, %arg1: memref<10000x1xf32, #tpu.memory_space<vmem>>, %arg2: memref<10000x128xf32, #tpu.memory_space<vmem>>, %arg3: memref<128x128xf32, #tpu.memory_space<vmem>>, %arg4: memref<1x128xf32, #tpu.memory_space<vmem>>, %arg5: memref<128x128xf32, #tpu.memory_space<vmem>>, %arg6: memref<1x128xf32, #tpu.memory_space<vmem>>, %arg7: memref<1x128xf32, #tpu.memory_space<vmem>>, %arg8: memref<10000x128xf32, #tpu.memory_space<vmem>>) attributes {dimension_semantics = [], scalar_prefetch = 0 : i64, scratch_operands = 0 : i64, tpu.core_type = #tpu.core_type<tc>} {
    %get3A = arith.constant 0 : index
    %get3A_0 = arith.constant 0 : index
    %get3A_1 = arith.constant 0 : index
    %get3A_2 = vector.load %arg0[%get3A, %get3A_0, %get3A_1] : memref<2x10240x128xf32, #tpu.memory_space<vmem>>, vector<1x10000x128xf32>
    %get3A_3 = vector.shape_cast %get3A_2 : vector<1x10000x128xf32> to vector<10000x128xf32>
    %get3A_4 = arith.constant 1 : index
    %get3A_5 = arith.constant 0 : index
    %get3A_6 = arith.constant 0 : index
    %get3A_7 = vector.load %arg0[%get3A_4, %get3A_5, %get3A_6] : memref<2x10240x128xf32, #tpu.memory_space<vmem>>, vector<1x10000x128xf32>
    %get3A_8 = vector.shape_cast %get3A_7 : vector<1x10000x128xf32> to vector<10000x128xf32>
    %add3A = arith.addf %get3A_3, %get3A_8 : vector<10000x128xf32>
    %get3A_9 = arith.constant 0 : index
    %get3A_10 = arith.constant 0 : index
    %get3A_11 = vector.load %arg1[%get3A_9, %get3A_10] : memref<10000x1xf32, #tpu.memory_space<vmem>>, vector<10000x1xf32>
    %max3A = arith.constant 1.000000e+00 : f32
    %max3A_12 = vector.broadcast %max3A : f32 to vector<10000x1xf32>
    %max3A_13 = arith.maximumf %get3A_11, %max3A_12 : vector<10000x1xf32>
    %div3A = vector.broadcast %max3A_13 : vector<10000x1xf32> to vector<10000x128xf32>
    %div3A_14 = arith.divf %add3A, %div3A : vector<10000x128xf32>
    %get3A_15 = arith.constant 0 : index
    %get3A_16 = arith.constant 0 : index
    %get3A_17 = vector.load %arg3[%get3A_15, %get3A_16] : memref<128x128xf32, #tpu.memory_space<vmem>>, vector<128x128xf32>
    %dot_general3A = arith.constant dense<0.000000e+00> : vector<10000x128xf32>
    %dot_general3A_18 = tpu.matmul %div3A_14, %get3A_17, %dot_general3A {dimension_numbers = #tpu.dot_dimension_numbers<[1], [1], [0], [0], [0, 0, 1, 0], [], []>, transpose_lhs_hint = false} : vector<10000x128xf32>, vector<128x128xf32>, vector<10000x128xf32> -> vector<10000x128xf32>
    %get3A_19 = arith.constant 0 : index
    %get3A_20 = arith.constant 0 : index
    %get3A_21 = vector.load %arg4[%get3A_19, %get3A_20] : memref<1x128xf32, #tpu.memory_space<vmem>>, vector<1x128xf32>
    %add3A_22 = vector.broadcast %get3A_21 : vector<1x128xf32> to vector<10000x128xf32>
    %add3A_23 = arith.addf %dot_general3A_18, %add3A_22 : vector<10000x128xf32>
    %get3A_24 = arith.constant 0 : index
    %get3A_25 = arith.constant 0 : index
    %get3A_26 = vector.load %arg2[%get3A_24, %get3A_25] : memref<10000x128xf32, #tpu.memory_space<vmem>>, vector<10000x128xf32>
    %get3A_27 = arith.constant 0 : index
    %get3A_28 = arith.constant 0 : index
    %get3A_29 = vector.load %arg5[%get3A_27, %get3A_28] : memref<128x128xf32, #tpu.memory_space<vmem>>, vector<128x128xf32>
    %dot_general3A_30 = arith.constant dense<0.000000e+00> : vector<10000x128xf32>
    %dot_general3A_31 = tpu.matmul %get3A_26, %get3A_29, %dot_general3A_30 {dimension_numbers = #tpu.dot_dimension_numbers<[1], [1], [0], [0], [0, 0, 1, 0], [], []>, transpose_lhs_hint = false} : vector<10000x128xf32>, vector<128x128xf32>, vector<10000x128xf32> -> vector<10000x128xf32>
    %add3A_32 = arith.addf %add3A_23, %dot_general3A_31 : vector<10000x128xf32>
    %reduce_sum3A = arith.constant dense<0.000000e+00> : vector<128xf32>
    %reduce_sum3A_33 = vector.multi_reduction <add>, %add3A_32, %reduce_sum3A [0] : vector<10000x128xf32> to vector<128xf32>
    %broadcast_in_dim3A = vector.shape_cast %reduce_sum3A_33 : vector<128xf32> to vector<1x128xf32>
    %div3A_34 = arith.constant 1.000000e+04 : f32
    %div3A_35 = vector.broadcast %div3A_34 : f32 to vector<1x128xf32>
    %div3A_36 = arith.divf %broadcast_in_dim3A, %div3A_35 : vector<1x128xf32>
    %sub3A = vector.broadcast %div3A_36 : vector<1x128xf32> to vector<10000x128xf32>
    %sub3A_37 = arith.subf %add3A_32, %sub3A : vector<10000x128xf32>
    %integer_pow3A = arith.mulf %sub3A_37, %sub3A_37 : vector<10000x128xf32>
    %reduce_sum3A_38 = arith.constant dense<0.000000e+00> : vector<128xf32>
    %reduce_sum3A_39 = vector.multi_reduction <add>, %integer_pow3A, %reduce_sum3A_38 [0] : vector<10000x128xf32> to vector<128xf32>
    %broadcast_in_dim3A_40 = vector.shape_cast %reduce_sum3A_39 : vector<128xf32> to vector<1x128xf32>
    %div3A_41 = arith.constant 1.000000e+04 : f32
    %div3A_42 = vector.broadcast %div3A_41 : f32 to vector<1x128xf32>
    %div3A_43 = arith.divf %broadcast_in_dim3A_40, %div3A_42 : vector<1x128xf32>
    %get3A_44 = arith.constant 0 : index
    %get3A_45 = arith.constant 0 : index
    %get3A_46 = vector.load %arg6[%get3A_44, %get3A_45] : memref<1x128xf32, #tpu.memory_space<vmem>>, vector<1x128xf32>
    %sub3A_47 = vector.broadcast %div3A_36 : vector<1x128xf32> to vector<10000x128xf32>
    %sub3A_48 = arith.subf %add3A_32, %sub3A_47 : vector<10000x128xf32>
    %mul3A = vector.broadcast %get3A_46 : vector<1x128xf32> to vector<10000x128xf32>
    %mul3A_49 = arith.mulf %mul3A, %sub3A_48 : vector<10000x128xf32>
    %add3A_50 = arith.constant 9.99999974E-6 : f32
    %add3A_51 = vector.broadcast %add3A_50 : f32 to vector<1x128xf32>
    %add3A_52 = arith.addf %div3A_43, %add3A_51 : vector<1x128xf32>
    %rsqrt3A = math.rsqrt %add3A_52 : vector<1x128xf32>
    %mul3A_53 = vector.broadcast %rsqrt3A : vector<1x128xf32> to vector<10000x128xf32>
    %mul3A_54 = arith.mulf %mul3A_49, %mul3A_53 : vector<10000x128xf32>
    %get3A_55 = arith.constant 0 : index
    %get3A_56 = arith.constant 0 : index
    %get3A_57 = vector.load %arg7[%get3A_55, %get3A_56] : memref<1x128xf32, #tpu.memory_space<vmem>>, vector<1x128xf32>
    %add3A_58 = vector.broadcast %get3A_57 : vector<1x128xf32> to vector<10000x128xf32>
    %add3A_59 = arith.addf %mul3A_54, %add3A_58 : vector<10000x128xf32>
    %max3A_60 = arith.constant 0.000000e+00 : f32
    %max3A_61 = vector.broadcast %max3A_60 : f32 to vector<10000x128xf32>
    %max3A_62 = arith.maximumf %add3A_59, %max3A_61 : vector<10000x128xf32>
    %swap3A = arith.constant 0 : index
    %swap3A_63 = arith.constant 0 : index
    %swap3A_64 = vector.load %arg8[%swap3A, %swap3A_63] : memref<10000x128xf32, #tpu.memory_space<vmem>>, vector<10000x128xf32>
    tpu.vector_store %arg8[%swap3A, %swap3A_63], %max3A_62 {strides = array<i32>} : memref<10000x128xf32, #tpu.memory_space<vmem>>, vector<10000x128xf32>,
    return
  }
}

module attributes {stable_mosaic.version = 14 : i64} {
  func.func @_tc_layer2_body(%arg0: memref<2x10240x128xf32, #tpu.memory_space<vmem>>, %arg1: memref<10000x1xf32, #tpu.memory_space<vmem>>, %arg2: memref<10000x128xf32, #tpu.memory_space<vmem>>, %arg3: memref<128x128xf32, #tpu.memory_space<vmem>>, %arg4: memref<1x128xf32, #tpu.memory_space<vmem>>, %arg5: memref<128x128xf32, #tpu.memory_space<vmem>>, %arg6: memref<128x128xf32, #tpu.memory_space<vmem>>, %arg7: memref<128x128xf32, #tpu.memory_space<vmem>>, %arg8: memref<1x128xf32, #tpu.memory_space<vmem>>, %arg9: memref<10000x128xf32, #tpu.memory_space<vmem>>, %arg10: memref<10000x128xf32, #tpu.memory_space<vmem>>) attributes {dimension_semantics = [], scalar_prefetch = 0 : i64, scratch_operands = 0 : i64, tpu.core_type = #tpu.core_type<tc>} {
    %get3A = arith.constant 0 : index
    %get3A_0 = arith.constant 0 : index
    %get3A_1 = arith.constant 0 : index
    %get3A_2 = vector.load %arg0[%get3A, %get3A_0, %get3A_1] : memref<2x10240x128xf32, #tpu.memory_space<vmem>>, vector<1x10000x128xf32>
    %get3A_3 = vector.shape_cast %get3A_2 : vector<1x10000x128xf32> to vector<10000x128xf32>
    %get3A_4 = arith.constant 1 : index
    %get3A_5 = arith.constant 0 : index
    %get3A_6 = arith.constant 0 : index
    %get3A_7 = vector.load %arg0[%get3A_4, %get3A_5, %get3A_6] : memref<2x10240x128xf32, #tpu.memory_space<vmem>>, vector<1x10000x128xf32>
    %get3A_8 = vector.shape_cast %get3A_7 : vector<1x10000x128xf32> to vector<10000x128xf32>
    %add3A = arith.addf %get3A_3, %get3A_8 : vector<10000x128xf32>
    %get3A_9 = arith.constant 0 : index
    %get3A_10 = arith.constant 0 : index
    %get3A_11 = vector.load %arg1[%get3A_9, %get3A_10] : memref<10000x1xf32, #tpu.memory_space<vmem>>, vector<10000x1xf32>
    %max3A = arith.constant 1.000000e+00 : f32
    %max3A_12 = vector.broadcast %max3A : f32 to vector<10000x1xf32>
    %max3A_13 = arith.maximumf %get3A_11, %max3A_12 : vector<10000x1xf32>
    %div3A = vector.broadcast %max3A_13 : vector<10000x1xf32> to vector<10000x128xf32>
    %div3A_14 = arith.divf %add3A, %div3A : vector<10000x128xf32>
    %get3A_15 = arith.constant 0 : index
    %get3A_16 = arith.constant 0 : index
    %get3A_17 = vector.load %arg3[%get3A_15, %get3A_16] : memref<128x128xf32, #tpu.memory_space<vmem>>, vector<128x128xf32>
    %dot_general3A = arith.constant dense<0.000000e+00> : vector<10000x128xf32>
    %dot_general3A_18 = tpu.matmul %div3A_14, %get3A_17, %dot_general3A {dimension_numbers = #tpu.dot_dimension_numbers<[1], [1], [0], [0], [0, 0, 1, 0], [], []>, transpose_lhs_hint = false} : vector<10000x128xf32>, vector<128x128xf32>, vector<10000x128xf32> -> vector<10000x128xf32>
    %get3A_19 = arith.constant 0 : index
    %get3A_20 = arith.constant 0 : index
    %get3A_21 = vector.load %arg4[%get3A_19, %get3A_20] : memref<1x128xf32, #tpu.memory_space<vmem>>, vector<1x128xf32>
    %add3A_22 = vector.broadcast %get3A_21 : vector<1x128xf32> to vector<10000x128xf32>
    %add3A_23 = arith.addf %dot_general3A_18, %add3A_22 : vector<10000x128xf32>
    %get3A_24 = arith.constant 0 : index
    %get3A_25 = arith.constant 0 : index
    %get3A_26 = vector.load %arg2[%get3A_24, %get3A_25] : memref<10000x128xf32, #tpu.memory_space<vmem>>, vector<10000x128xf32>
    %get3A_27 = arith.constant 0 : index
    %get3A_28 = arith.constant 0 : index
    %get3A_29 = vector.load %arg5[%get3A_27, %get3A_28] : memref<128x128xf32, #tpu.memory_space<vmem>>, vector<128x128xf32>
    %dot_general3A_30 = arith.constant dense<0.000000e+00> : vector<10000x128xf32>
    %dot_general3A_31 = tpu.matmul %get3A_26, %get3A_29, %dot_general3A_30 {dimension_numbers = #tpu.dot_dimension_numbers<[1], [1], [0], [0], [0, 0, 1, 0], [], []>, transpose_lhs_hint = false} : vector<10000x128xf32>, vector<128x128xf32>, vector<10000x128xf32> -> vector<10000x128xf32>
    %add3A_32 = arith.addf %add3A_23, %dot_general3A_31 : vector<10000x128xf32>
    %get3A_33 = arith.constant 0 : index
    %get3A_34 = arith.constant 0 : index
    %get3A_35 = vector.load %arg6[%get3A_33, %get3A_34] : memref<128x128xf32, #tpu.memory_space<vmem>>, vector<128x128xf32>
    %dot_general3A_36 = arith.constant dense<0.000000e+00> : vector<10000x128xf32>
    %dot_general3A_37 = tpu.matmul %add3A_32, %get3A_35, %dot_general3A_36 {dimension_numbers = #tpu.dot_dimension_numbers<[1], [1], [0], [0], [0, 0, 1, 0], [], []>, transpose_lhs_hint = false} : vector<10000x128xf32>, vector<128x128xf32>, vector<10000x128xf32> -> vector<10000x128xf32>
    %get3A_38 = arith.constant 0 : index
    %get3A_39 = arith.constant 0 : index
    %get3A_40 = vector.load %arg8[%get3A_38, %get3A_39] : memref<1x128xf32, #tpu.memory_space<vmem>>, vector<1x128xf32>
    %add3A_41 = vector.broadcast %get3A_40 : vector<1x128xf32> to vector<10000x128xf32>
    %add3A_42 = arith.addf %dot_general3A_37, %add3A_41 : vector<10000x128xf32>
    %swap3A = arith.constant 0 : index
    %swap3A_43 = arith.constant 0 : index
    %swap3A_44 = vector.load %arg9[%swap3A, %swap3A_43] : memref<10000x128xf32, #tpu.memory_space<vmem>>, vector<10000x128xf32>
    tpu.vector_store %arg9[%swap3A, %swap3A_43], %add3A_42 {strides = array<i32>} : memref<10000x128xf32, #tpu.memory_space<vmem>>, vector<10000x128xf32>,
    %get3A_45 = arith.constant 0 : index
    %get3A_46 = arith.constant 0 : index
    %get3A_47 = vector.load %arg7[%get3A_45, %get3A_46] : memref<128x128xf32, #tpu.memory_space<vmem>>, vector<128x128xf32>
    %dot_general3A_48 = arith.constant dense<0.000000e+00> : vector<10000x128xf32>
    %dot_general3A_49 = tpu.matmul %add3A_32, %get3A_47, %dot_general3A_48 {dimension_numbers = #tpu.dot_dimension_numbers<[1], [1], [0], [0], [0, 0, 1, 0], [], []>, transpose_lhs_hint = false} : vector<10000x128xf32>, vector<128x128xf32>, vector<10000x128xf32> -> vector<10000x128xf32>
    %swap3A_50 = arith.constant 0 : index
    %swap3A_51 = arith.constant 0 : index
    %swap3A_52 = vector.load %arg10[%swap3A_50, %swap3A_51] : memref<10000x128xf32, #tpu.memory_space<vmem>>, vector<10000x128xf32>
    tpu.vector_store %arg10[%swap3A_50, %swap3A_51], %dot_general3A_49 {strides = array<i32>} : memref<10000x128xf32, #tpu.memory_space<vmem>>, vector<10000x128xf32>,
    return
  }
}

module attributes {stable_mosaic.version = 14 : i64} {
  func.func @_tc_head_body(%arg0: i32, %arg1: memref<2048x128xf32, #tpu.memory_space<vmem>>, %arg2: memref<2048x128xf32, #tpu.memory_space<vmem>>, %arg3: memref<128x128xf32, #tpu.memory_space<vmem>>, %arg4: memref<1x128xf32, #tpu.memory_space<vmem>>, %arg5: memref<1x128xf32, #tpu.memory_space<vmem>>, %arg6: memref<2048x1xf32, #tpu.memory_space<vmem>>) attributes {dimension_semantics = [#tpu.dimension_semantics<arbitrary>], iteration_bounds = array<i64: 50>, scalar_prefetch = 0 : i64, scratch_operands = 0 : i64, tpu.core_type = #tpu.core_type<tc>, window_params = [{transform_indices = @transform_0, window_bounds = array<i64: 2048, 128>}, {transform_indices = @transform_1, window_bounds = array<i64: 2048, 128>}, {pipeline_mode = #tpu.pipeline_mode<synchronous>, transform_indices = @transform_2, window_bounds = array<i64: 128, 128>}, {pipeline_mode = #tpu.pipeline_mode<synchronous>, transform_indices = @transform_3, window_bounds = array<i64: 1, 128>}, {pipeline_mode = #tpu.pipeline_mode<synchronous>, transform_indices = @transform_4, window_bounds = array<i64: 1, 128>}, {transform_indices = @transform_5, window_bounds = array<i64: 2048, 1>}]} {
    %get3A = arith.constant 0 : index
    %get3A_0 = arith.constant 0 : index
    %get3A_1 = vector.load %arg1[%get3A, %get3A_0] : memref<2048x128xf32, #tpu.memory_space<vmem>>, vector<2048x128xf32>
    %get3A_2 = arith.constant 0 : index
    %get3A_3 = arith.constant 0 : index
    %get3A_4 = vector.load %arg2[%get3A_2, %get3A_3] : memref<2048x128xf32, #tpu.memory_space<vmem>>, vector<2048x128xf32>
    %add3A = arith.addf %get3A_1, %get3A_4 : vector<2048x128xf32>
    %max3A = arith.constant 0.000000e+00 : f32
    %max3A_5 = vector.broadcast %max3A : f32 to vector<2048x128xf32>
    %max3A_6 = arith.maximumf %add3A, %max3A_5 : vector<2048x128xf32>
    %get3A_7 = arith.constant 0 : index
    %get3A_8 = arith.constant 0 : index
    %get3A_9 = vector.load %arg3[%get3A_7, %get3A_8] : memref<128x128xf32, #tpu.memory_space<vmem>>, vector<128x128xf32>
    %dot_general3A = arith.constant dense<0.000000e+00> : vector<2048x128xf32>
    %dot_general3A_10 = tpu.matmul %max3A_6, %get3A_9, %dot_general3A {dimension_numbers = #tpu.dot_dimension_numbers<[1], [1], [0], [0], [0, 0, 1, 0], [], []>, transpose_lhs_hint = false} : vector<2048x128xf32>, vector<128x128xf32>, vector<2048x128xf32> -> vector<2048x128xf32>
    %get3A_11 = arith.constant 0 : index
    %get3A_12 = arith.constant 0 : index
    %get3A_13 = vector.load %arg4[%get3A_11, %get3A_12] : memref<1x128xf32, #tpu.memory_space<vmem>>, vector<1x128xf32>
    %add3A_14 = vector.broadcast %get3A_13 : vector<1x128xf32> to vector<2048x128xf32>
    %add3A_15 = arith.addf %dot_general3A_10, %add3A_14 : vector<2048x128xf32>
    %max3A_16 = arith.constant 0.000000e+00 : f32
    %max3A_17 = vector.broadcast %max3A_16 : f32 to vector<2048x128xf32>
    %max3A_18 = arith.maximumf %add3A_15, %max3A_17 : vector<2048x128xf32>
    %get3A_19 = arith.constant 0 : index
    %get3A_20 = arith.constant 0 : index
    %get3A_21 = vector.load %arg5[%get3A_19, %get3A_20] : memref<1x128xf32, #tpu.memory_space<vmem>>, vector<1x128xf32>
    %dot_general3A_22 = arith.constant dense<0.000000e+00> : vector<2048x1xf32>
    %dot_general3A_23 = tpu.matmul %max3A_18, %get3A_21, %dot_general3A_22 {dimension_numbers = #tpu.dot_dimension_numbers<[1], [1], [0], [0], [0, 0, 1, 0], [], []>, transpose_lhs_hint = false} : vector<2048x128xf32>, vector<1x128xf32>, vector<2048x1xf32> -> vector<2048x1xf32>
    %logistic3A = arith.negf %dot_general3A_23 : vector<2048x1xf32>
    %logistic3A_24 = math.exp %logistic3A : vector<2048x1xf32>
    %logistic3A_25 = arith.constant 1.000000e+00 : f32
    %logistic3A_26 = vector.broadcast %logistic3A_25 : f32 to vector<2048x1xf32>
    %logistic3A_27 = arith.addf %logistic3A_26, %logistic3A_24 : vector<2048x1xf32>
    %logistic3A_28 = arith.divf %logistic3A_26, %logistic3A_27 : vector<2048x1xf32>
    %swap3A = arith.constant 0 : index
    %swap3A_29 = arith.constant 0 : index
    %swap3A_30 = vector.load %arg6[%swap3A, %swap3A_29] : memref<2048x1xf32, #tpu.memory_space<vmem>>, vector<2048x1xf32>
    tpu.vector_store %arg6[%swap3A, %swap3A_29], %logistic3A_28 {strides = array<i32>} : memref<2048x1xf32, #tpu.memory_space<vmem>>, vector<2048x1xf32>,
    return
  }
  func.func @transform_0(%arg0: i32) -> (i32, i32) {
    %c0_i32 = arith.constant 0 : i32
    %c0_i32_0 = arith.constant 0 : i32
    return %arg0, %c0_i32 : i32, i32
  }
  func.func @transform_1(%arg0: i32) -> (i32, i32) {
    %c0_i32 = arith.constant 0 : i32
    %c0_i32_0 = arith.constant 0 : i32
    return %arg0, %c0_i32 : i32, i32
  }
  func.func @transform_2(%arg0: i32) -> (i32, i32) {
    %c0_i32 = arith.constant 0 : i32
    %c0_i32_0 = arith.constant 0 : i32
    %c0_i32_1 = arith.constant 0 : i32
    return %c0_i32, %c0_i32_0 : i32, i32
  }
  func.func @transform_3(%arg0: i32) -> (i32, i32) {
    %c0_i32 = arith.constant 0 : i32
    %c0_i32_0 = arith.constant 0 : i32
    %c0_i32_1 = arith.constant 0 : i32
    return %c0_i32, %c0_i32_0 : i32, i32
  }
  func.func @transform_4(%arg0: i32) -> (i32, i32) {
    %c0_i32 = arith.constant 0 : i32
    %c0_i32_0 = arith.constant 0 : i32
    %c0_i32_1 = arith.constant 0 : i32
    return %c0_i32, %c0_i32_0 : i32, i32
  }
  func.func @transform_5(%arg0: i32) -> (i32, i32) {
    %c0_i32 = arith.constant 0 : i32
    %c0_i32_0 = arith.constant 0 : i32
    return %arg0, %c0_i32 : i32, i32
  }
}

</mosaic_0001>

<sc_bundles>
// kernel: kernel.11.cloned.1.call-start
scs
__scs_entry_jumppad:
0x0: {  	(pc) =	sbr.rel $0x88, $3  }
0x1: {  	(tag) =	ssettag $0x0;
	lr =	simm.s32 $0x1  }
0x2: {  	[smem:$0x3F90] =	sst lr;
	_ =	strace $0xD0000000  }
0x3: {  	_ = 	snop  }
0x4: {  	_ = 	snop  }
0x5: {  	_ = 	snop  }
0x6: {  	_ = 	snop  }
0x7: {  	_ = 	snop  }
__scs_overlays_trampoline_lowered:
0x8: {  	[smem:$0x3F9F] =	sst s0  }
0x9: {  	[smem:$0x3FA0] =	sst s1  }
0xa: {  	[smem:$0x3FA1] =	sst s2  }
0xb: {  	[smem:$0x3FA2] =	sst s3  }
0xc: {  	[smem:$0x3FA3] =	sst s4  }
0xd: {  	[smem:$0x3FA4] =	sst s5  }
0xe: {  	[smem:$0x3FA5] =	sst s6  }
0xf: {  	[smem:$0x3FA6] =	sst s7  }
0x10: {  	[smem:$0x3FA7] =	sst s8  }
0x11: {  	[smem:$0x3FA8] =	sst s9;
	s0 =	simm.s32 @!p0 $0x0  }
0x12: {  	s1 =	sld [smem:$0x3F8E];
	s0 =	simm.s32 @p0 $0x1  }
0x13: {  	[smem:$0x3FA9] =	sst s0;
	s0 =	simm.s32 @!p1 $0x0  }
0x14: {  	s2 =	sld [smem:$0x3F8D];
	s0 =	simm.s32 @p1 $0x1  }
0x15: {  	[smem:$0x3FAA] =	sst s0;
	s0 =	simm.s32 @!p2 $0x0  }
0x16: {  	s3 =	sld [smem:$0x3FDB];
	s0 =	simm.s32 @p2 $0x1  }
0x17: {  	s4 =	simm.s32 $0x1BF5;
	[smem:$0x3FAC] =	sst s0  }
0x18: {  	s0 =	sld [smem:$0x3F8F];
	_ =	swait.ge [sflag:s4], $0x0  }
0x19: {  	s7 =	sld [smem:$0x3F90]  }
0x1a: {  	s8 =	sadd.s32 $0xFFFFE003, lr  }
0x1b: {  	s9 =	sadd.s32 $0xFFFFFEF7, lr;
	s5 =	simm.s32 $0xFFFFFFFF;
	p2 =	slt.u32 s8, $0xFFFFF086  }
0x1c: {  	p1 =	slt.u32 s9, $0xF7A;
	s5 =	simm.s32 @!p2 $0x0  }
0x1d: {  	s5 =	simm.s32 @p1 $0x1;
	p0 =	seq.s32 s7, s2  }
0x1e: {  	s7 =	smul.u32 @!p0 $0xF7A, s2;
	p2 =	seq.s32 @!p0 s5, $0x0  }
0x1f: {  	s9 =	smul.u32 $0xF7A, s1;
	s8 =	simm.s32 @!p0 $0x1BF5;
	p2 =	por !p2, p0  }
0x20: {  	[sflag:s8] =	ssyncset.s32 @!p0 $0xFFFFF086;
	s6 =	sadd.s32 @!p0 s3, s7;
	s7 =	simm.s32 @!p0 $0x108  }
0x21: {  	s3 =	sadd.s32 s3, s9;
	s6 =	sadd.s32 @!p0 $0x88, s6;
	s7 =	simm.s32 @p2 $0x1082  }
0x22: {  	[simem:s7], [sflag:s8] =	dma.local @!p0 [hbm:s6], $0xF7A  }
0x23: {  	s9 =	sor.u32 $0xD0000000, s2;
	s6 =	simm.s32 $0x108;
	_ =	swait.ge @!p0 [sflag:s8], $0x0  }
0x24: {  	s3 =	sadd.s32 $0x88, s3;
	s6 =	simm.s32 @!p1 $0x1082;
	[sflag:s4] =	ssyncset.s32 $0xFFFFF086  }
0x25: {  	[simem:s6], [sflag:s4] =	dma.local [hbm:s3], $0xF7A  }
0x26: {  	[smem:$0x3F90] =	sst s1;
	(tag) =	ssettag s2;
	_ =	strace s9  }
0x27: {  	s1 =	sld [smem:$0x3FA0]  }
0x28: {  	s2 =	sld [smem:$0x3FA1]  }
0x29: {  	s4 =	sld [smem:$0x3FA3]  }
0x2a: {  	p0 =	seq.s32 s5, $0x0;
	s5 =	sld [smem:$0x3FA4]  }
0x2b: {  	s6 =	sld [smem:$0x3FA5]  }
0x2c: {  	s7 =	sld [smem:$0x3FA6]  }
0x2d: {  	s3 =	simm.s32 $0x108;
	s8 =	sld [smem:$0x3FA7]  }
0x2e: {  	s3 =	simm.s32 @!p0 $0x1082;
	s9 =	sld [smem:$0x3FA8]  }
0x2f: {  	lr =	sadd.s32 s0, s3;
	s0 =	sld [smem:$0x3F9F]  }
0x30: {  	s3 =	sld [smem:$0x3FA2]  }
0x31: {  	[smem:$0x3FAB] =	sst s10  }
0x32: {  	s10 =	sld [smem:$0x3FA9];
	_ =	sdelay $0x3  }
0x33: {  	p0 =	seq.s32 s10, $0x1;
	s10 =	sld [smem:$0x3FAB];
	_ =	sdelay $0x3  }
0x34: {  	[smem:$0x3FAB] =	sst s10  }
0x35: {  	s10 =	sld [smem:$0x3FAA];
	_ =	sdelay $0x3  }
0x36: {  	p1 =	seq.s32 s10, $0x1;
	s10 =	sld [smem:$0x3FAB];
	_ =	sdelay $0x3  }
0x37: {  	[smem:$0x3FAB] =	sst s10  }
0x38: {  	s10 =	sld [smem:$0x3FAC]  }
0x39: {  	_ = 	snop;
	(pc) =	sbr.ind lr, $3  }
0x3a: {  	_ = 	snop  }
0x3b: {  	_ = 	snop  }
0x3c: {  	p2 =	seq.s32 s10, $0x1;
	s10 =	sld [smem:$0x3FAB]  }
0x3d: {  	_ =	shalt  }
0x3e: {  	_ =	shalt  }
0x3f: {  	_ =	shalt  }
0x40: {  	_ =	shalt  }
0x41: {  	_ =	shalt  }
0x42: {  	_ =	shalt  }
0x43: {  	_ =	shalt  }
0x44: {  	_ =	shalt  }
0x45: {  	_ =	shalt  }
0x46: {  	_ =	shalt  }
0x47: {  	_ =	shalt  }
0x48: {  	_ =	shalt  }
0x49: {  	_ =	shalt  }
0x4a: {  	_ =	shalt  }
0x4b: {  	_ =	shalt  }
0x4c: {  	_ =	shalt  }
0x4d: {  	_ =	shalt  }
0x4e: {  	_ =	shalt  }
0x4f: {  	_ =	shalt  }
0x50: {  	_ =	shalt  }
0x51: {  	_ =	shalt  }
0x52: {  	_ =	shalt  }
0x53: {  	_ =	shalt  }
0x54: {  	_ =	shalt  }
0x55: {  	_ =	shalt  }
0x56: {  	_ =	shalt  }
0x57: {  	_ =	shalt  }
0x58: {  	_ =	shalt  }
0x59: {  	_ =	shalt  }
0x5a: {  	_ =	shalt  }
0x5b: {  	_ =	shalt  }
0x5c: {  	_ =	shalt  }
0x5d: {  	_ =	shalt  }
0x5e: {  	_ =	shalt  }
0x5f: {  	_ =	shalt  }
0x60: {  	_ =	shalt  }
0x61: {  	_ =	shalt  }
0x62: {  	_ =	shalt  }
0x63: {  	_ =	shalt  }
0x64: {  	_ =	shalt  }
0x65: {  	_ =	shalt  }
0x66: {  	_ =	shalt  }
0x67: {  	_ =	shalt  }
0x68: {  	_ =	shalt  }
0x69: {  	_ =	shalt  }
0x6a: {  	_ =	shalt  }
0x6b: {  	_ =	shalt  }
0x6c: {  	_ =	shalt  }
0x6d: {  	_ =	shalt  }
0x6e: {  	_ =	shalt  }
0x6f: {  	_ =	shalt  }
0x70: {  	_ =	shalt  }
0x71: {  	_ =	shalt  }
0x72: {  	_ =	shalt  }
0x73: {  	_ =	shalt  }
0x74: {  	_ =	shalt  }
0x75: {  	_ =	shalt  }
0x76: {  	_ =	shalt  }
0x77: {  	_ =	shalt  }
0x78: {  	_ =	shalt  }
0x79: {  	_ =	shalt  }
0x7a: {  	_ =	shalt  }
0x7b: {  	_ =	shalt  }
0x7c: {  	_ =	shalt  }
0x7d: {  	_ =	shalt  }
0x7e: {  	_ =	shalt  }
0x7f: {  	_ =	shalt  }
0x80: {  	_ =	shalt  }
0x81: {  	_ =	shalt  }
0x82: {  	_ =	shalt  }
0x83: {  	_ =	shalt  }
0x84: {  	_ =	shalt  }
0x85: {  	_ =	shalt  }
0x86: {  	_ =	shalt  }
0x87: {  	_ =	shalt  }
.Lfunc_end0:
.L_simem_size_0:
called_computation.1_lowered:
.L_overlay_start_0:
0x88: {  	s2 =	sld [smem:$0x3FD9]  }
0x89: {  	s3 =	sld [smem:$0x3FFE];
	_ =	sdelay $0x1  }
0x8a: {  	s1 =	srdreg.scid  }
0x8b: {  	s0 =	sand.u32 $0x1, s1  }
0x8c: {  	s17 =	sshll.u32 s0, $0xA;
	s2 =	sadd.s32 s3, s2  }
0x8d: {  	s2 =	sadd.s32 s2, s17  }
0x8e: {  	[smem:$0x3FB7] =	sst s2  }
0x8f: {  	_ = 	snop  }
0x90: {  	s2 =	sld [smem:$0x3FD0];
	(tm) =	ssettm $0x1  }
0x91: {  	s18 =	sld [smem:$0x3FFB];
	_ =	sdelay $0x3  }
0x92: {  	_ =	strace s18  }
0x93: {  	s3 =	sld [smem:$0x3FFC];
	_ =	sdelay $0x3  }
0x94: {  	_ =	strace s3  }
0x95: {  	s3 =	sld [smem:$0x3FFD];
	_ =	sdelay $0x3  }
0x96: {  	_ =	strace s3  }
0x97: {  	_ =	strace $0x8FFFFFFF  }
0x98: {  	s19 =	sld [smem:$0x3FDB];
	_ =	sdelay $0x1  }
0x99: {  	s4 =	simm.s32 $_scs_section_size  }
0x9a: {  	s5 =	simm.s32 $_size__tile_overlayer_lowered;
	s6 =	simm.s32 $_tile_overlayer_lowered  }
0x9b: {  	s22 =	simm.s32 $0x1BFF;
	s21 =	sshll.u32 s6, $0x1;
	s3 =	sadd.s32 s4, s19  }
0x9c: {  	s7 =	simm.s32 $0x0;
	s20 =	sshll.u32 s5, $0x1;
	s5 =	sadd.s32 s21, s3  }
0x9d: {  	[timem:s7], [sflag:s22] =	dma.local [hbm:s5], s20  }
0x9e: {  	_ =	swait.ge [sflag:s22], s20  }
0x9f: {  	s4 =	ssub.s32 $0x0, s20;
	[sflag:s22] =	ssyncset.done $0x0  }
0xa0: {  	[sflag:s22] =	ssyncadd.s32 s4;
	_ =	sdelay $0x1  }
0xa1: {  	s23 =	simm.s32 $0x1B8B  }
0xa2: {  	_ =	swait.ge [sflag:s23], $0x1  }
0xa3: {  	[sflag:s23] =	ssyncset.done $0x0  }
0xa4: {  	s25 =	simm.s32 $0x1B8E;
	s24 =	sld [smem:$0x3FFE];
	[sflag:s23] =	ssyncadd.s32 $0xFFFFFFFF  }
0xa5: {  	s26 =	simm.s32 $execute0_lowered;
	[smem:$0x3FD2] =	sst s25  }
0xa6: {  	s5 =	sshll.u32 s26, $0x1;
	_ =	strace $0x80000049;
	[dreg:$0x1] =	wrdreg $0xFFFFFFFF  }
0xa7: {  	s28 =	simm.s32 $_size_execute0_lowered;
	s3 =	sadd.s32 s3, s5;
	[dreg:$0x0] =	wrdreg $0x0  }
0xa8: {  	s5 =	sshll.u32 s28, $0x1;
	[dreg:$0x2] =	wrdreg s3  }
0xa9: {  	[dreg:$0x3] =	wrdreg s5  }
0xaa: {  	[dreg:$0x4] =	wrdreg $0xC0  }
0xab: {  	_ =	task [dreg:s7], $0x5FFFF  }
0xac: {  	[dreg:$0x1] =	wrdreg $0xFFFFFFFF  }
0xad: {  	[dreg:$0x0] =	wrdreg $0x60  }
0xae: {  	[dreg:$0x2] =	wrdreg s24  }
0xaf: {  	[dreg:$0x3] =	wrdreg s2  }
0xb0: {  	[dreg:$0x4] =	wrdreg $0x0  }
0xb1: {  	[dreg:$0x5] =	wrdreg $0x9  }
0xb2: {  	_ =	task.clear_ibuf [dreg:s7], $0x6FFFF;
	_ =	strace $0x90000049  }
0xb3: {  	s29 =	simm.s32 $0x9;
	_ =	strace $0x8000004B  }
0xb4: {  	_ =	swait.ge [sflag:s29], $0x1  }
0xb5: {  	[sflag:s29] =	ssyncadd.s32 $0xFFFFFFFF  }
0xb6: {  	_ =	strace $0x9000004B  }
0xb7: {  	_ =	sfence  }
0xb8: {  	s30 =	sld [smem:$0x0];
	_ =	sdelay $0x2  }
0xb9: {  	s31 =	sshll.u32 s1, $0xD;
	s1 =	sshrl.u32 s1, $0x2  }
0xba: {  	s3 =	sand.u32 $0x4000, s31;
	s1 =	sadd.s32 s1, s30  }
0xbb: {  	s0 =	sor.u32 s3, s0;
	s1 =	sshll.u32 s1, $0x11  }
0xbc: {  	s0 =	sor.u32 s1, s0  }
0xbd: {  	s0 =	sadd.s32 $0x8F2B, s0  }
0xbe: {  	[sflag:s0] =	ssyncadd.remote.s32 $0x1  }
0xbf: {  	_ =	sfence.sel $0xFFFF  }
0xc0: {  	[dreg:$0x0] =	wrdreg $0xFFFFFFFF;
	(pc) =	sbr.abs _section_cstart, $3  }
0xc1: {  	[dreg:$0x1] =	wrdreg $0xFFFFFFFF  }
0xc2: {  	_ =	task.clear_ibuf [dreg:s7], $0x2FFFF;
	_ =	strace $0x9FFFFFFF  }
0xc3: {  	(tm) =	ssettm $0x7FFFFFFF  }
tec
execute0_lowered:
.L_overlay_start_1:
0x0: {  	(tag) =	ssettag $0x1  }
0x1: {  	s0 =	rddreg [dreg:$0x0]  }
0x2: {  	s3 =	srdreg.scid;
	s11 =	stileid.u32  }
0x3: {  	s1 =	rddreg [dreg:$0x2];
	s2 =	simm.s32 $0x0;
	s9 =	smul.u32 $0xA0, s11  }
0x4: {  	s30 =	simm.s32 $0x14400;
	s29 =	simm.s32 $0xB;
	s16 =	smul.u32 $0x14000, s11  }
0x5: {  	s28 =	simm.s32 $0x4;
	s3 =	sand.u32 $0x1, s3;
	s14 =	smul.u32 $0x5000, s11  }
0x6: {  	[smem:$0x7FF] =	sst s2;
	s5 =	sadd.s32 $0x18000, s0;
	s4 =	smul.u32 $0x28000, s3  }
0x7: {  	s7 =	sadd.s32 $0x4000, s0;
	s6 =	smul.u32 $0xA00, s3;
	s8 =	ssub.s32 $0x2, s3  }
0x8: {  	s3 =	smul.u32 $0x50000, s3;
	s10 =	sshrl.u32 s8, $0x1;
	s17 =	sadd.s32 $0x4000, s16  }
0x9: {  	s18 =	sadd.s32 $0x8000, s16;
	s19 =	sadd.s32 $0xC000, s16;
	s4 =	sadd.s32 s4, s0  }
0xa: {  	s8 =	ssub.s32 s8, s10;
	s6 =	sadd.s32 s9, s6;
	s3 =	sadd.s32 s14, s3  }
0xb: {  	s11 =	sshrl.u32 s18, $0x3;
	s6 =	sshll.u32 s6, $0x4;
	s22 =	sor.u32 $0x280, s3  }
0xc: {  	s4 =	sadd.s32 $0x53200, s4;
	s24 =	sor.u32 $0x200, s3;
	s26 =	sor.u32 $0x180, s3  }
0xd: {  	s3 =	sor.u32 $0x100, s3;
	s15 =	sadd.s32 s5, s6;
	s20 =	sadd.s32 s7, s6  }
0xe: {  	s6 =	sor.u32 $0x10, s6;
	s25 =	sshrl.u32 s24, $0x3;
	s13 =	sshrl.u32 s26, $0x3  }
0xf: {  	s3 =	sshrl.u32 s3, $0x3;
	s24 =	sadd.s32 s16, s1;
	[dreg:$0x4] =	wrdreg s15  }
0x10: {  	s26 =	sadd.s32 s18, s1;
	s18 =	simm.s32 $0x2;
	[dreg:$0x5] =	wrdreg s20  }
0x11: {  	s21 =	sadd.s32 s5, s6;
	s6 =	sadd.s32 s7, s6;
	s20 =	sshrl.u32 s16, $0x3  }
0x12: {  	s31 =	sadd.s32 s25, s7;
	s10 =	sadd.s32 s13, s7;
	[dreg:$0x6] =	wrdreg s21  }
0x13: {  	s13 =	sadd.s32 s13, s5;
	s14 =	sadd.s32 s3, s7;
	[dreg:$0x7] =	wrdreg s6  }
0x14: {  	s15 =	sadd.s32 s3, s5;
	s3 =	sadd.s32 s11, s4;
	[dreg:$0xa] =	wrdreg s31  }
0x15: {  	s6 =	sshrl.u32 s22, $0x3;
	s21 =	sshrl.u32 s17, $0x3;
	[dreg:$0x17] =	wrdreg s10  }
0x16: {  	s12 =	sadd.s32 s20, s4;
	[dreg:$0xe] =	wrdreg s3;
	s22 =	sshrl.u32 s19, $0x3  }
0x17: {  	s10 =	sadd.s32 s19, s1;
	s31 =	smax.u32 s8, $0x1;
	s19 =	simm.s32 $0x6  }
0x18: {  	s3 =	simm.s32 $0x1;
	s8 =	simm.s32 $0x5;
	s23 =	sadd.s32 s6, s7  }
0x19: {  	s6 =	sadd.s32 s6, s5;
	[dreg:$0xc] =	wrdreg s12;
	s20 =	sadd.s32 s21, s4  }
0x1a: {  	s21 =	sadd.s32 $0x10000, s16;
	s7 =	simm.s32 $0x14100;
	[dreg:$0x8] =	wrdreg s23  }
0x1b: {  	s16 =	simm.s32 $0x8;
	s12 =	simm.s32 $0x0;
	[dreg:$0x9] =	wrdreg s6  }
0x1c: {  	s6 =	sadd.s32 s25, s5;
	[dreg:$0xd] =	wrdreg s20;
	s5 =	sadd.s32 s22, s4  }
0x1d: {  	s23 =	sshrl.u32 s21, $0x3;
	s22 =	sadd.s32 $0x2C000, s0;
	[dreg:$0xb] =	wrdreg s6  }
0x1e: {  	s25 =	sadd.s32 s17, s1;
	[dreg:$0xf] =	wrdreg s5;
	s4 =	sadd.s32 s23, s4  }
0x1f: {  	s11 =	sadd.s32 s21, s1;
	s0 =	simm.s32 $0x14080;
	[dreg:$0x10] =	wrdreg s4  }
0x20: {  	s17 =	simm.s32 $0x14300;
	_ =	strace $0x8000004A;
	[dreg:$0x11] =	wrdreg s24  }
.Ltmp0:
0x21: {  	s20 =	simm.s32 $0x18400;
	[dreg:$0x12] =	wrdreg s25;
	(pc) =	sbr.rel .LBB2_1-.Ltmp0, $4  }
0x22: {  	s21 =	simm.s32 $0xA;
	s5 =	simm.s32 $0x80;
	[dreg:$0x13] =	wrdreg s26  }
0x23: {  	s6 =	simm.s32 $0x9;
	s23 =	simm.s32 $0x14180;
	[dreg:$0x16] =	wrdreg s31  }
0x24: {  	s4 =	simm.s32 $0x14280;
	s24 =	simm.s32 $0x14380;
	[dreg:$0x14] =	wrdreg s10  }
0x25: {  	s25 =	simm.s32 $0x3;
	s26 =	simm.s32 $0x7;
	[dreg:$0x15] =	wrdreg s11  }
.LBB2_4:
0x26: {  	_ =	swait.ge [sflag:s29], $0x4000  }
0x27: {  	[sflag:s29] =	ssyncset.done $0x0  }
0x28: {  	[sflag:s29] =	ssyncadd.s32 $0xFFFFC000  }
0x29: {  	[bflag:$0x0] =	sbarrier.arrive $0xFFFF  }
0x2a: {  	s31 =	simm.s32 $0xC;
	s9 =	rddreg [dreg:$0x11]  }
0x2b: {  	[tilespmem:s30], [sflag:$0xC] =	stream.linear.gather [spmem:s9], $0x4000, $0x38;
	[tilespmem:$0x1C400] =	vst v63  }
0x2c: {  	_ =	swait.ge [sflag:s31], $0x4000  }
0x2d: {  	[sflag:s31] =	ssyncset.done $0x0  }
0x2e: {  	s12 =	rddreg [dreg:$0xc];
	[sflag:s31] =	ssyncadd.s32 $0xFFFFC000  }
0x2f: {  	[hbm4b:s12+s2] =	stream.linear.scatter [tilespmem:s30], [sflag:$0xC], $0x4000, $0x38;
	[tilespmem:$0x1C400] =	vst v63  }
0x30: {  	_ =	swait.ge [sflag:s31], $0x4000  }
0x31: {  	[sflag:s31] =	ssyncset.done $0x0  }
0x32: {  	s10 =	rddreg [dreg:$0x12];
	[sflag:s31] =	ssyncadd.s32 $0xFFFFC000  }
0x33: {  	[tilespmem:s30], [sflag:$0xC] =	stream.linear.gather [spmem:s10], $0x4000, $0x38;
	[tilespmem:$0x1C400] =	vst v63  }
0x34: {  	_ =	swait.ge [sflag:s31], $0x4000  }
0x35: {  	[sflag:s31] =	ssyncset.done $0x0  }
0x36: {  	s11 =	rddreg [dreg:$0xd];
	[sflag:s31] =	ssyncadd.s32 $0xFFFFC000  }
0x37: {  	[hbm4b:s11+s2] =	stream.linear.scatter [tilespmem:s30], [sflag:$0xC], $0x4000, $0x38;
	[tilespmem:$0x1C400] =	vst v63  }
0x38: {  	_ =	swait.ge [sflag:s31], $0x4000  }
0x39: {  	[sflag:s31] =	ssyncset.done $0x0  }
0x3a: {  	s12 =	rddreg [dreg:$0x13];
	[sflag:s31] =	ssyncadd.s32 $0xFFFFC000  }
0x3b: {  	[tilespmem:s30], [sflag:$0xC] =	stream.linear.gather [spmem:s12], $0x4000, $0x38;
	[tilespmem:$0x1C400] =	vst v63  }
0x3c: {  	_ =	swait.ge [sflag:s31], $0x4000  }
0x3d: {  	[sflag:s31] =	ssyncset.done $0x0  }
0x3e: {  	s10 =	rddreg [dreg:$0xe];
	[sflag:s31] =	ssyncadd.s32 $0xFFFFC000  }
0x3f: {  	[hbm4b:s10+s2] =	stream.linear.scatter [tilespmem:s30], [sflag:$0xC], $0x4000, $0x38;
	[tilespmem:$0x1C400] =	vst v63  }
0x40: {  	_ =	swait.ge [sflag:s31], $0x4000  }
0x41: {  	[sflag:s31] =	ssyncset.done $0x0  }
0x42: {  	s10 =	rddreg [dreg:$0x14];
	[sflag:s31] =	ssyncadd.s32 $0xFFFFC000  }
0x43: {  	[tilespmem:s30], [sflag:$0xC] =	stream.linear.gather [spmem:s10], $0x4000, $0x38;
	[tilespmem:$0x1C400] =	vst v63  }
0x44: {  	_ =	swait.ge [sflag:s31], $0x4000  }
0x45: {  	[sflag:s31] =	ssyncset.done $0x0  }
0x46: {  	s11 =	rddreg [dreg:$0xf];
	[sflag:s31] =	ssyncadd.s32 $0xFFFFC000  }
0x47: {  	[hbm4b:s11+s2] =	stream.linear.scatter [tilespmem:s30], [sflag:$0xC], $0x4000, $0x38;
	[tilespmem:$0x1C400] =	vst v63  }
0x48: {  	_ =	swait.ge [sflag:s31], $0x4000  }
0x49: {  	[sflag:s31] =	ssyncset.done $0x0  }
0x4a: {  	s11 =	rddreg [dreg:$0x15];
	[sflag:s31] =	ssyncadd.s32 $0xFFFFC000  }
0x4b: {  	[tilespmem:s30], [sflag:$0xC] =	stream.linear.gather [spmem:s11], $0x4000, $0x38;
	[tilespmem:$0x1C400] =	vst v63  }
0x4c: {  	_ =	swait.ge [sflag:s31], $0x4000  }
0x4d: {  	[sflag:s31] =	ssyncset.done $0x0  }
0x4e: {  	s12 =	rddreg [dreg:$0x10];
	[sflag:s31] =	ssyncadd.s32 $0xFFFFC000  }
0x4f: {  	[hbm4b:s12+s2] =	stream.linear.scatter [tilespmem:s30], [sflag:$0xC], $0x4000, $0x38;
	[tilespmem:$0x1C400] =	vst v63  }
0x50: {  	_ =	swait.ge [sflag:s31], $0x4000  }
0x51: {  	s12 =	rddreg [dreg:$0x18]  }
0x52: {  	[sflag:s31] =	ssyncset.done $0x0;
	s31 =	rddreg [dreg:$0x16];
	s12 =	sadd.s32 $0x1, s12  }
0x53: {  	p0 =	sne.s32 s12, s31  }
.Ltmp1:
0x54: {  	_ = 	snop;
	(pc) =	sbr.rel @!p0 .LBB2_5-.Ltmp1, $3  }
0x55: {  	_ =	sdelay $0x1  }
0x56: {  	s31 =	simm.s32 $0xC  }
0x57: {  	[sflag:s31] =	ssyncadd.s32 $0xFFFFC000  }
.LBB2_1:
0x58: {  	[dreg:$0x18] =	wrdreg s12  }
0x59: {  	s31 =	simm.s32 $0xC;
	s9 =	rddreg [dreg:$0x1]  }
0x5a: {  	[tilespmem:s30], [sflag:$0xC] =	stream.linear.gather [hbm4b:s9+s2], $0x4000, $0x38;
	[tilespmem:$0x1C400] =	vst v63  }
0x5b: {  	_ =	swait.ge [sflag:s31], $0x4000  }
0x5c: {  	[sflag:s31] =	ssyncset.done $0x0  }
0x5d: {  	s12 =	rddreg [dreg:$0x11];
	[sflag:s31] =	ssyncadd.s32 $0xFFFFC000  }
0x5e: {  	[spmem:s12] =	stream.linear.scatter [tilespmem:s30], [sflag:$0xC], $0x4000, $0x38;
	[tilespmem:$0x1C400] =	vst v63  }
0x5f: {  	_ =	swait.ge [sflag:s31], $0x4000  }
0x60: {  	[sflag:s31] =	ssyncset.done $0x0  }
0x61: {  	s12 =	rddreg [dreg:$0x12];
	[sflag:s31] =	ssyncadd.s32 $0xFFFFC000  }
0x62: {  	[spmem:s12] =	stream.linear.scatter [tilespmem:s30], [sflag:$0xC], $0x4000, $0x38;
	[tilespmem:$0x1C400] =	vst v63  }
0x63: {  	_ =	swait.ge [sflag:s31], $0x4000  }
0x64: {  	[sflag:s31] =	ssyncset.done $0x0  }
0x65: {  	s12 =	rddreg [dreg:$0x13];
	[sflag:s31] =	ssyncadd.s32 $0xFFFFC000  }
0x66: {  	[spmem:s12] =	stream.linear.scatter [tilespmem:s30], [sflag:$0xC], $0x4000, $0x38;
	[tilespmem:$0x1C400] =	vst v63  }
0x67: {  	_ =	swait.ge [sflag:s31], $0x4000  }
0x68: {  	[sflag:s31] =	ssyncset.done $0x0  }
0x69: {  	[sflag:s31] =	ssyncadd.s32 $0xFFFFC000  }
0x6a: {  	[spmem:s10] =	stream.linear.scatter [tilespmem:s30], [sflag:$0xC], $0x4000, $0x38;
	[tilespmem:$0x1C400] =	vst v63  }
0x6b: {  	_ =	swait.ge [sflag:s31], $0x4000  }
0x6c: {  	[sflag:s31] =	ssyncset.done $0x0  }
0x6d: {  	[sflag:s31] =	ssyncadd.s32 $0xFFFFC000  }
0x6e: {  	[spmem:s11] =	stream.linear.scatter [tilespmem:s30], [sflag:$0xC], $0x4000, $0x38;
	[tilespmem:$0x1C400] =	vst v63  }
0x6f: {  	_ =	swait.ge [sflag:s31], $0x4000  }
0x70: {  	[sflag:s31] =	ssyncset.done $0x0  }
0x71: {  	[sflag:s31] =	ssyncadd.s32 $0xFFFFC000  }
0x72: {  	[bflag:$0x0] =	sbarrier.arrive $0xFFFF  }
0x73: {  	s10 =	simm.s32 $0x14000;
	s12 =	rddreg [dreg:$0x4]  }
0x74: {  	[tilespmem:s10], [sflag:$0xC] =	stream.linear.gather [hbm4b:s12+s2], $0x80, $0x38;
	[tilespmem:$0x1C400] =	vst v63  }
0x75: {  	_ =	swait.ge [sflag:s31], $0x80  }
0x76: {  	[sflag:s31] =	ssyncset.done $0x0  }
0x77: {  	s12 =	simm.s32 $0x14200;
	s11 =	rddreg [dreg:$0x5];
	[sflag:s31] =	ssyncadd.s32 $0xFFFFFF80  }
0x78: {  	[tilespmem:s12], [sflag:$0xC] =	stream.linear.gather [hbm4b:s11+s2], $0x80, $0x38;
	[tilespmem:$0x1C400] =	vst v63  }
0x79: {  	_ =	swait.ge [sflag:s31], $0x80  }
0x7a: {  	[sflag:s31] =	ssyncset.done $0x0  }
0x7b: {  	s11 =	rddreg [dreg:$0x6];
	[sflag:s31] =	ssyncadd.s32 $0xFFFFFF80  }
0x7c: {  	[tilespmem:s0], [sflag:$0x2] =	stream.linear.gather [hbm4b:s11+s2], $0x80, $0x38;
	[tilespmem:$0x1C400] =	vst v63  }
0x7d: {  	s12 =	rddreg [dreg:$0x7]  }
0x7e: {  	[tilespmem:s4], [sflag:$0x6] =	stream.linear.gather [hbm4b:s12+s2], $0x80, $0x38;
	[tilespmem:$0x1C400] =	vst v63  }
0x7f: {  	s31 =	simm.s32 $0x0;
	s12 =	simm.s32 $0x14000  }
0x80: {  	[tilespmem:s30], [sflag:$0x9] =	stream.indirect.gather [hbm4b:s22+s5], $0x80, s10, s5, $0xb8;
	[tilespmem:$0x1C400] =	vst v63  }
.LBB2_2:
0x81: {  	_ =	swait.ge [sflag:s6], $0x4000  }
0x82: {  	[sflag:s6] =	ssyncset.done $0x0  }
0x83: {  	s9 =	simm.s32 $0x14200;
	p0 =	seq.s32 s31, $0x0;
	[sflag:s6] =	ssyncadd.s32 $0xFFFFC000  }
0x84: {  	[spmem:s1] =	stream.indirect.scatter.add.f32 [tilespmem:s30], [sflag:$0xB], $0x80, s9, s5, $0xb8;
	[tilespmem:$0x1C400] =	vst v63  }
0x85: {  	s9 =	simm.s32 @!p0 $0xB  }
0x86: {  	_ =	swait.ge @!p0 [sflag:s9], $0x4000  }
0x87: {  	[sflag:s9] =	ssyncset.done @!p0 $0x0  }
0x88: {  	s10 =	sadd.s32 s31, s15;
	[sflag:s9] =	ssyncadd.s32 @!p0 $0xFFFFC000  }
0x89: {  	[tilespmem:s7], [sflag:$0x3] =	stream.linear.gather [hbm4b:s10+s2], $0x80, $0x38;
	[tilespmem:$0x1C400] =	vst v63  }
0x8a: {  	s11 =	sadd.s32 s31, s14  }
0x8b: {  	[tilespmem:s17], [sflag:$0x7] =	stream.linear.gather [hbm4b:s11+s2], $0x80, $0x38;
	[tilespmem:$0x1C400] =	vst v63  }
0x8c: {  	_ =	swait.ge [sflag:s18], $0x80  }
0x8d: {  	[sflag:s18] =	ssyncset.done $0x0  }
0x8e: {  	[sflag:s18] =	ssyncadd.s32 $0xFFFFFF80  }
0x8f: {  	_ =	swait.ge [sflag:s19], $0x80  }
0x90: {  	[sflag:s19] =	ssyncset.done $0x0  }
0x91: {  	[sflag:s19] =	ssyncadd.s32 $0xFFFFFF80  }
0x92: {  	[tilespmem:s20], [sflag:$0xA] =	stream.indirect.gather [hbm4b:s22+s5], $0x80, s0, s5, $0xb8;
	[tilespmem:$0x1C400] =	vst v63  }
0x93: {  	_ =	swait.ge [sflag:s21], $0x4000  }
0x94: {  	[sflag:s21] =	ssyncset.done $0x0  }
0x95: {  	[sflag:s21] =	ssyncadd.s32 $0xFFFFC000  }
0x96: {  	[spmem:s1] =	stream.indirect.scatter.add.f32 [tilespmem:s20], [sflag:$0xB], $0x80, s4, s5, $0xb8;
	[tilespmem:$0x1C400] =	vst v63  }
0x97: {  	_ =	swait.ge [sflag:s29], $0x4000  }
0x98: {  	[sflag:s29] =	ssyncset.done $0x0  }
0x99: {  	s10 =	sadd.s32 s31, s13;
	s11 =	rddreg [dreg:$0x17];
	[sflag:s29] =	ssyncadd.s32 $0xFFFFC000  }
0x9a: {  	[tilespmem:s23], [sflag:$0x4] =	stream.linear.gather [hbm4b:s10+s2], $0x80, $0x38;
	[tilespmem:$0x1C400] =	vst v63  }
0x9b: {  	s9 =	sadd.s32 s31, s11  }
0x9c: {  	[tilespmem:s24], [sflag:$0x8] =	stream.linear.gather [hbm4b:s9+s2], $0x80, $0x38;
	[tilespmem:$0x1C400] =	vst v63  }
0x9d: {  	_ =	swait.ge [sflag:s25], $0x80  }
0x9e: {  	[sflag:s25] =	ssyncset.done $0x0  }
0x9f: {  	[sflag:s25] =	ssyncadd.s32 $0xFFFFFF80  }
0xa0: {  	_ =	swait.ge [sflag:s26], $0x80  }
0xa1: {  	[sflag:s26] =	ssyncset.done $0x0  }
0xa2: {  	[sflag:s26] =	ssyncadd.s32 $0xFFFFFF80  }
0xa3: {  	[tilespmem:s30], [sflag:$0x9] =	stream.indirect.gather [hbm4b:s22+s5], $0x80, s7, s5, $0xb8;
	[tilespmem:$0x1C400] =	vst v63  }
0xa4: {  	_ =	swait.ge [sflag:s6], $0x4000  }
0xa5: {  	[sflag:s6] =	ssyncset.done $0x0  }
0xa6: {  	[sflag:s6] =	ssyncadd.s32 $0xFFFFC000  }
0xa7: {  	[spmem:s1] =	stream.indirect.scatter.add.f32 [tilespmem:s30], [sflag:$0xB], $0x80, s17, s5, $0xb8;
	[tilespmem:$0x1C400] =	vst v63  }
0xa8: {  	p0 =	seq.s32 s31, $0x9C0;
	_ =	swait.ge [sflag:s29], $0x4000  }
0xa9: {  	s11 =	simm.s32 @!p0 $0x14000;
	[sflag:s29] =	ssyncset.done $0x0;
	s9 =	rddreg [dreg:$0xb]  }
0xaa: {  	s10 =	simm.s32 @!p0 $0x0;
	[sflag:s29] =	ssyncadd.s32 $0xFFFFC000;
	s9 =	sadd.s32 @!p0 s31, s9  }
0xab: {  	[tilespmem:s11], [sflag:$0x1] =	stream.linear.gather @!p0 [hbm4b:s9+s10], $0x80, $0x38;
	[tilespmem:$0x1C400] =	vst v63  }
0xac: {  	s9 =	rddreg [dreg:$0xa]  }
0xad: {  	s11 =	simm.s32 @!p0 $0x14200;
	s9 =	sadd.s32 @!p0 s31, s9  }
0xae: {  	[tilespmem:s11], [sflag:$0x5] =	stream.linear.gather @!p0 [hbm4b:s9+s10], $0x80, $0x38;
	[tilespmem:$0x1C400] =	vst v63  }
0xaf: {  	_ =	swait.ge [sflag:s28], $0x80  }
0xb0: {  	[sflag:s28] =	ssyncset.done $0x0  }
0xb1: {  	[sflag:s28] =	ssyncadd.s32 $0xFFFFFF80  }
0xb2: {  	_ =	swait.ge [sflag:s16], $0x80  }
0xb3: {  	[sflag:s16] =	ssyncset.done $0x0  }
0xb4: {  	[sflag:s16] =	ssyncadd.s32 $0xFFFFFF80  }
0xb5: {  	[tilespmem:s20], [sflag:$0xA] =	stream.indirect.gather [hbm4b:s22+s5], $0x80, s23, s5, $0xb8;
	[tilespmem:$0x1C400] =	vst v63  }
0xb6: {  	_ =	swait.ge [sflag:s21], $0x4000  }
0xb7: {  	[sflag:s21] =	ssyncset.done $0x0  }
.Ltmp2:
0xb8: {  	[sflag:s21] =	ssyncadd.s32 $0xFFFFC000;
	(pc) =	sbr.rel @p0 .LBB2_4-.Ltmp2, $4  }
0xb9: {  	[spmem:s1] =	stream.indirect.scatter.add.f32 [tilespmem:s20], [sflag:$0xB], $0x80, s24, s5, $0xb8;
	[tilespmem:$0x1C400] =	vst v63  }
0xba: {  	_ =	swait.ge [sflag:s29], $0x4000  }
0xbb: {  	[sflag:s29] =	ssyncset.done $0x0  }
0xbc: {  	[sflag:s29] =	ssyncadd.s32 $0xFFFFC000  }
0xbd: {  	s9 =	rddreg [dreg:$0x9]  }
0xbe: {  	s11 =	rddreg [dreg:$0x8];
	s9 =	sadd.s32 s31, s9  }
0xbf: {  	[tilespmem:s0], [sflag:$0x2] =	stream.linear.gather [hbm4b:s9+s2], $0x80, $0x38;
	[tilespmem:$0x1C400] =	vst v63  }
0xc0: {  	s9 =	sadd.s32 s31, s11  }
0xc1: {  	[tilespmem:s4], [sflag:$0x6] =	stream.linear.gather [hbm4b:s9+s2], $0x80, $0x38;
	[tilespmem:$0x1C400] =	vst v63  }
0xc2: {  	_ =	swait.ge [sflag:s3], $0x80  }
0xc3: {  	[sflag:s3] =	ssyncset.done $0x0  }
.Ltmp3:
0xc4: {  	[sflag:s3] =	ssyncadd.s32 $0xFFFFFF80;
	(pc) =	sbr.rel .LBB2_2-.Ltmp3, $4  }
0xc5: {  	_ =	swait.ge [sflag:s8], $0x80  }
0xc6: {  	[sflag:s8] =	ssyncset.done $0x0  }
0xc7: {  	s31 =	sadd.s32 $0x40, s31;
	[sflag:s8] =	ssyncadd.s32 $0xFFFFFF80  }
0xc8: {  	[tilespmem:s30], [sflag:$0x9] =	stream.indirect.gather [hbm4b:s22+s5], $0x80, s12, s5, $0xb8;
	[tilespmem:$0x1C400] =	vst v63  }
.LBB2_5:
0xc9: {  	_ =	sfence.sel $0x180000  }
0xca: {  	[bflag:$0x0] =	sbarrier.arrive $0xFFFF  }
0xcb: {  	_ =	strace $0x9000004A  }
0xcc: {  	s0 =	stileid.u32;
	[bflag:$0x2] =	sbarrier.arrive $0xFFFF  }
0xcd: {  	p0 =	sne.s32 s0, $0x0;
	s0 =	rddreg [dreg:$0x3]  }
0xce: {  	s0 =	sadd.s32 @!p0 $0x100000, s0  }
0xcf: {  	[sflag:s0] =	ssyncadd.tile.s32 @!p0 $0x1;
	_ =	shalt  }
.Lfunc_end2:
_tile_overlayer_lowered:
.L_overlay_start_2:
0xd0: {  	(tag) =	ssettag $0x2  }
0xd1: {  	s0 =	rddreg [dreg:$0x0];
	s2 =	stileid.u32  }
0xd2: {  	s1 =	rddreg [dreg:$0x1];
	p0 =	sne.s32 s2, $0x0  }
0xd3: {  	s3 =	rddreg [dreg:$0x2];
	[bflag:$0x3] =	sbarrier.arrive $0xFFFF;
	s2 =	simm.s32 @!p0 $0x1C0C  }
0xd4: {  	[timem:s3], [sflag:s2] =	dma.local @!p0 [hbm:s0], s1  }
0xd5: {  	s0 =	simm.s32 @!p0 $0xC  }
0xd6: {  	_ =	swait.ge @!p0 [sflag:s0], s1  }
0xd7: {  	s1 =	ssub.s32 @!p0 $0x0, s1;
	[sflag:s0] =	ssyncset.done @!p0 $0x0  }
0xd8: {  	[sflag:s0] =	ssyncadd.s32 @!p0 s1  }
0xd9: {  	[bflag:$0x3] =	sbarrier.arrive $0xFFFF  }
0xda: {  	_ =	shalt  }

// kernel: kernel.14.cloned.1.call-start
scs
__scs_entry_jumppad:
0x0: {  	(pc) =	sbr.rel $0x88, $3  }
0x1: {  	(tag) =	ssettag $0x0;
	lr =	simm.s32 $0x1  }
0x2: {  	[smem:$0x3F90] =	sst lr;
	_ =	strace $0xD0000000  }
0x3: {  	_ = 	snop  }
0x4: {  	_ = 	snop  }
0x5: {  	_ = 	snop  }
0x6: {  	_ = 	snop  }
0x7: {  	_ = 	snop  }
__scs_overlays_trampoline_lowered:
0x8: {  	[smem:$0x3F9F] =	sst s0  }
0x9: {  	[smem:$0x3FA0] =	sst s1  }
0xa: {  	[smem:$0x3FA1] =	sst s2  }
0xb: {  	[smem:$0x3FA2] =	sst s3  }
0xc: {  	[smem:$0x3FA3] =	sst s4  }
0xd: {  	[smem:$0x3FA4] =	sst s5  }
0xe: {  	[smem:$0x3FA5] =	sst s6  }
0xf: {  	[smem:$0x3FA6] =	sst s7  }
0x10: {  	[smem:$0x3FA7] =	sst s8  }
0x11: {  	[smem:$0x3FA8] =	sst s9;
	s0 =	simm.s32 @!p0 $0x0  }
0x12: {  	s1 =	sld [smem:$0x3F8E];
	s0 =	simm.s32 @p0 $0x1  }
0x13: {  	[smem:$0x3FA9] =	sst s0;
	s0 =	simm.s32 @!p1 $0x0  }
0x14: {  	s2 =	sld [smem:$0x3F8D];
	s0 =	simm.s32 @p1 $0x1  }
0x15: {  	[smem:$0x3FAA] =	sst s0;
	s0 =	simm.s32 @!p2 $0x0  }
0x16: {  	s3 =	sld [smem:$0x3FDB];
	s0 =	simm.s32 @p2 $0x1  }
0x17: {  	s4 =	simm.s32 $0x1BF5;
	[smem:$0x3FAC] =	sst s0  }
0x18: {  	s0 =	sld [smem:$0x3F8F];
	_ =	swait.ge [sflag:s4], $0x0  }
0x19: {  	s7 =	sld [smem:$0x3F90]  }
0x1a: {  	s8 =	sadd.s32 $0xFFFFE003, lr  }
0x1b: {  	s9 =	sadd.s32 $0xFFFFFEF7, lr;
	s5 =	simm.s32 $0xFFFFFFFF;
	p2 =	slt.u32 s8, $0xFFFFF086  }
0x1c: {  	p1 =	slt.u32 s9, $0xF7A;
	s5 =	simm.s32 @!p2 $0x0  }
0x1d: {  	s5 =	simm.s32 @p1 $0x1;
	p0 =	seq.s32 s7, s2  }
0x1e: {  	s7 =	smul.u32 @!p0 $0xF7A, s2;
	p2 =	seq.s32 @!p0 s5, $0x0  }
0x1f: {  	s9 =	smul.u32 $0xF7A, s1;
	s8 =	simm.s32 @!p0 $0x1BF5;
	p2 =	por !p2, p0  }
0x20: {  	[sflag:s8] =	ssyncset.s32 @!p0 $0xFFFFF086;
	s6 =	sadd.s32 @!p0 s3, s7;
	s7 =	simm.s32 @!p0 $0x108  }
0x21: {  	s3 =	sadd.s32 s3, s9;
	s6 =	sadd.s32 @!p0 $0x88, s6;
	s7 =	simm.s32 @p2 $0x1082  }
0x22: {  	[simem:s7], [sflag:s8] =	dma.local @!p0 [hbm:s6], $0xF7A  }
0x23: {  	s9 =	sor.u32 $0xD0000000, s2;
	s6 =	simm.s32 $0x108;
	_ =	swait.ge @!p0 [sflag:s8], $0x0  }
0x24: {  	s3 =	sadd.s32 $0x88, s3;
	s6 =	simm.s32 @!p1 $0x1082;
	[sflag:s4] =	ssyncset.s32 $0xFFFFF086  }
0x25: {  	[simem:s6], [sflag:s4] =	dma.local [hbm:s3], $0xF7A  }
0x26: {  	[smem:$0x3F90] =	sst s1;
	(tag) =	ssettag s2;
	_ =	strace s9  }
0x27: {  	s1 =	sld [smem:$0x3FA0]  }
0x28: {  	s2 =	sld [smem:$0x3FA1]  }
0x29: {  	s4 =	sld [smem:$0x3FA3]  }
0x2a: {  	p0 =	seq.s32 s5, $0x0;
	s5 =	sld [smem:$0x3FA4]  }
0x2b: {  	s6 =	sld [smem:$0x3FA5]  }
0x2c: {  	s7 =	sld [smem:$0x3FA6]  }
0x2d: {  	s3 =	simm.s32 $0x108;
	s8 =	sld [smem:$0x3FA7]  }
0x2e: {  	s3 =	simm.s32 @!p0 $0x1082;
	s9 =	sld [smem:$0x3FA8]  }
0x2f: {  	lr =	sadd.s32 s0, s3;
	s0 =	sld [smem:$0x3F9F]  }
0x30: {  	s3 =	sld [smem:$0x3FA2]  }
0x31: {  	[smem:$0x3FAB] =	sst s10  }
0x32: {  	s10 =	sld [smem:$0x3FA9];
	_ =	sdelay $0x3  }
0x33: {  	p0 =	seq.s32 s10, $0x1;
	s10 =	sld [smem:$0x3FAB];
	_ =	sdelay $0x3  }
0x34: {  	[smem:$0x3FAB] =	sst s10  }
0x35: {  	s10 =	sld [smem:$0x3FAA];
	_ =	sdelay $0x3  }
0x36: {  	p1 =	seq.s32 s10, $0x1;
	s10 =	sld [smem:$0x3FAB];
	_ =	sdelay $0x3  }
0x37: {  	[smem:$0x3FAB] =	sst s10  }
0x38: {  	s10 =	sld [smem:$0x3FAC]  }
0x39: {  	_ = 	snop;
	(pc) =	sbr.ind lr, $3  }
0x3a: {  	_ = 	snop  }
0x3b: {  	_ = 	snop  }
0x3c: {  	p2 =	seq.s32 s10, $0x1;
	s10 =	sld [smem:$0x3FAB]  }
0x3d: {  	_ =	shalt  }
0x3e: {  	_ =	shalt  }
0x3f: {  	_ =	shalt  }
0x40: {  	_ =	shalt  }
0x41: {  	_ =	shalt  }
0x42: {  	_ =	shalt  }
0x43: {  	_ =	shalt  }
0x44: {  	_ =	shalt  }
0x45: {  	_ =	shalt  }
0x46: {  	_ =	shalt  }
0x47: {  	_ =	shalt  }
0x48: {  	_ =	shalt  }
0x49: {  	_ =	shalt  }
0x4a: {  	_ =	shalt  }
0x4b: {  	_ =	shalt  }
0x4c: {  	_ =	shalt  }
0x4d: {  	_ =	shalt  }
0x4e: {  	_ =	shalt  }
0x4f: {  	_ =	shalt  }
0x50: {  	_ =	shalt  }
0x51: {  	_ =	shalt  }
0x52: {  	_ =	shalt  }
0x53: {  	_ =	shalt  }
0x54: {  	_ =	shalt  }
0x55: {  	_ =	shalt  }
0x56: {  	_ =	shalt  }
0x57: {  	_ =	shalt  }
0x58: {  	_ =	shalt  }
0x59: {  	_ =	shalt  }
0x5a: {  	_ =	shalt  }
0x5b: {  	_ =	shalt  }
0x5c: {  	_ =	shalt  }
0x5d: {  	_ =	shalt  }
0x5e: {  	_ =	shalt  }
0x5f: {  	_ =	shalt  }
0x60: {  	_ =	shalt  }
0x61: {  	_ =	shalt  }
0x62: {  	_ =	shalt  }
0x63: {  	_ =	shalt  }
0x64: {  	_ =	shalt  }
0x65: {  	_ =	shalt  }
0x66: {  	_ =	shalt  }
0x67: {  	_ =	shalt  }
0x68: {  	_ =	shalt  }
0x69: {  	_ =	shalt  }
0x6a: {  	_ =	shalt  }
0x6b: {  	_ =	shalt  }
0x6c: {  	_ =	shalt  }
0x6d: {  	_ =	shalt  }
0x6e: {  	_ =	shalt  }
0x6f: {  	_ =	shalt  }
0x70: {  	_ =	shalt  }
0x71: {  	_ =	shalt  }
0x72: {  	_ =	shalt  }
0x73: {  	_ =	shalt  }
0x74: {  	_ =	shalt  }
0x75: {  	_ =	shalt  }
0x76: {  	_ =	shalt  }
0x77: {  	_ =	shalt  }
0x78: {  	_ =	shalt  }
0x79: {  	_ =	shalt  }
0x7a: {  	_ =	shalt  }
0x7b: {  	_ =	shalt  }
0x7c: {  	_ =	shalt  }
0x7d: {  	_ =	shalt  }
0x7e: {  	_ =	shalt  }
0x7f: {  	_ =	shalt  }
0x80: {  	_ =	shalt  }
0x81: {  	_ =	shalt  }
0x82: {  	_ =	shalt  }
0x83: {  	_ =	shalt  }
0x84: {  	_ =	shalt  }
0x85: {  	_ =	shalt  }
0x86: {  	_ =	shalt  }
0x87: {  	_ =	shalt  }
.Lfunc_end0:
.L_simem_size_0:
called_computation.2_lowered:
.L_overlay_start_0:
0x88: {  	s2 =	sld [smem:$0x3FD9]  }
0x89: {  	s3 =	sld [smem:$0x3FFE];
	_ =	sdelay $0x1  }
0x8a: {  	s1 =	srdreg.scid  }
0x8b: {  	s0 =	sand.u32 $0x1, s1  }
0x8c: {  	s16 =	sshll.u32 s0, $0xA;
	s2 =	sadd.s32 s3, s2  }
0x8d: {  	s2 =	sadd.s32 s2, s16  }
0x8e: {  	[smem:$0x3FB7] =	sst s2  }
0x8f: {  	_ = 	snop  }
0x90: {  	(tm) =	ssettm $0x1  }
0x91: {  	s17 =	sld [smem:$0x3FFB];
	_ =	sdelay $0x3  }
0x92: {  	_ =	strace s17  }
0x93: {  	s2 =	sld [smem:$0x3FFC];
	_ =	sdelay $0x3  }
0x94: {  	_ =	strace s2  }
0x95: {  	s2 =	sld [smem:$0x3FFD];
	_ =	sdelay $0x3  }
0x96: {  	_ =	strace s2  }
0x97: {  	_ =	strace $0x8FFFFFFF  }
0x98: {  	s18 =	sld [smem:$0x3FDB];
	_ =	sdelay $0x1  }
0x99: {  	s19 =	simm.s32 $_scs_section_size  }
0x9a: {  	s4 =	simm.s32 $_size__tile_overlayer_lowered;
	s5 =	simm.s32 $_tile_overlayer_lowered  }
0x9b: {  	s22 =	simm.s32 $0x1BFF;
	s21 =	sshll.u32 s5, $0x1;
	s2 =	sadd.s32 s19, s18  }
0x9c: {  	s6 =	simm.s32 $0x0;
	s20 =	sshll.u32 s4, $0x1;
	s4 =	sadd.s32 s21, s2  }
0x9d: {  	[timem:s6], [sflag:s22] =	dma.local [hbm:s4], s20  }
0x9e: {  	_ =	swait.ge [sflag:s22], s20  }
0x9f: {  	s3 =	ssub.s32 $0x0, s20;
	[sflag:s22] =	ssyncset.done $0x0  }
0xa0: {  	[sflag:s22] =	ssyncadd.s32 s3;
	_ =	sdelay $0x1  }
0xa1: {  	s23 =	simm.s32 $0x1B8B  }
0xa2: {  	_ =	swait.ge [sflag:s23], $0x1  }
0xa3: {  	[sflag:s23] =	ssyncset.done $0x0  }
0xa4: {  	s25 =	simm.s32 $0x1B8E;
	s24 =	sld [smem:$0x3FFE];
	[sflag:s23] =	ssyncadd.s32 $0xFFFFFFFF  }
0xa5: {  	s26 =	simm.s32 $execute0_lowered;
	[smem:$0x3FD2] =	sst s25  }
0xa6: {  	s4 =	sshll.u32 s26, $0x1;
	_ =	strace $0x8000004C;
	[dreg:$0x1] =	wrdreg $0xFFFFFFFF  }
0xa7: {  	s28 =	simm.s32 $_size_execute0_lowered;
	s2 =	sadd.s32 s2, s4;
	[dreg:$0x0] =	wrdreg $0x0  }
0xa8: {  	s4 =	sshll.u32 s28, $0x1;
	[dreg:$0x2] =	wrdreg s2  }
0xa9: {  	[dreg:$0x3] =	wrdreg s4  }
0xaa: {  	[dreg:$0x4] =	wrdreg $0xC0  }
0xab: {  	_ =	task [dreg:s6], $0x5FFFF  }
0xac: {  	[dreg:$0x1] =	wrdreg $0xFFFFFFFF  }
0xad: {  	[dreg:$0x0] =	wrdreg $0x60  }
0xae: {  	[dreg:$0x2] =	wrdreg s24  }
0xaf: {  	[dreg:$0x3] =	wrdreg $0x9  }
0xb0: {  	_ =	task.clear_ibuf [dreg:s6], $0x4FFFF;
	_ =	strace $0x9000004C  }
0xb1: {  	s29 =	simm.s32 $0x9;
	_ =	strace $0x8000004E  }
0xb2: {  	_ =	swait.ge [sflag:s29], $0x1  }
0xb3: {  	[sflag:s29] =	ssyncadd.s32 $0xFFFFFFFF  }
0xb4: {  	_ =	strace $0x9000004E  }
0xb5: {  	_ =	sfence  }
0xb6: {  	s30 =	sld [smem:$0x0];
	_ =	sdelay $0x2  }
0xb7: {  	s31 =	sshll.u32 s1, $0xD;
	s1 =	sshrl.u32 s1, $0x2  }
0xb8: {  	s3 =	sand.u32 $0x4000, s31;
	s1 =	sadd.s32 s1, s30  }
0xb9: {  	s0 =	sor.u32 s3, s0;
	s1 =	sshll.u32 s1, $0x11  }
0xba: {  	s0 =	sor.u32 s1, s0  }
0xbb: {  	s0 =	sadd.s32 $0x8F2B, s0  }
0xbc: {  	[sflag:s0] =	ssyncadd.remote.s32 $0x1  }
0xbd: {  	_ =	sfence.sel $0xFFFF  }
0xbe: {  	[dreg:$0x0] =	wrdreg $0xFFFFFFFF;
	(pc) =	sbr.abs _section_cstart, $3  }
0xbf: {  	[dreg:$0x1] =	wrdreg $0xFFFFFFFF  }
0xc0: {  	_ =	task.clear_ibuf [dreg:s6], $0x2FFFF;
	_ =	strace $0x9FFFFFFF  }
0xc1: {  	(tm) =	ssettm $0x7FFFFFFF  }
tec
execute0_lowered:
.L_overlay_start_1:
0x0: {  	(tag) =	ssettag $0x1  }
0x1: {  	s0 =	rddreg [dreg:$0x0];
	s2 =	simm.s32 $0x0;
	s1 =	srdreg.scid  }
0x2: {  	s10 =	stileid.u32;
	s29 =	simm.s32 $0x280;
	s30 =	simm.s32 $0x5280  }
0x3: {  	s31 =	simm.s32 $0x9;
	[smem:$0x7FF] =	sst s2;
	s1 =	sand.u32 $0x1, s1  }
0x4: {  	s6 =	smul.u32 $0xC80, s10;
	s3 =	sadd.s32 $0x4000, s0;
	s4 =	sadd.s32 $0x2B200, s0  }
0x5: {  	s11 =	sadd.s32 $0xA6400, s0;
	s12 =	sadd.s32 $0xA3200, s0;
	s14 =	sadd.s32 $0xA9600, s0  }
0x6: {  	s0 =	sadd.s32 $0x239600, s0;
	s25 =	smul.u32 $0xC800, s10;
	s10 =	simm.s32 $0x2A80  }
0x7: {  	s5 =	smul.u32 $0xC800, s1;
	_ =	strace $0x8000004D;
	s7 =	ssub.s32 $0x2, s1  }
0x8: {  	[dreg:$0x2] =	wrdreg s11;
	s1 =	smul.u32 $0xC8000, s1;
	s8 =	sshrl.u32 s7, $0x1  }
0x9: {  	[dreg:$0x3] =	wrdreg s12;
	s5 =	sadd.s32 s6, s5;
	s7 =	ssub.s32 s7, s8  }
0xa: {  	s28 =	sadd.s32 s1, s14;
	s9 =	sshrl.u32 s5, $0x3;
	s17 =	sadd.s32 $0x190, s5  }
0xb: {  	s18 =	sadd.s32 $0xF0, s5;
	s7 =	smax.u32 s7, $0x1;
	s20 =	sadd.s32 $0x140, s5  }
0xc: {  	s22 =	sshll.u32 s5, $0x4;
	s5 =	sadd.s32 $0xA0, s5;
	s15 =	sor.u32 $0xA, s9  }
0xd: {  	s13 =	sadd.s32 s11, s9;
	s9 =	sadd.s32 s12, s9;
	[dreg:$0x8] =	wrdreg s7  }
0xe: {  	s19 =	sshll.u32 s18, $0x4;
	[dreg:$0x9] =	wrdreg s20;
	s23 =	sor.u32 $0x500, s22  }
0xf: {  	s24 =	sshll.u32 s5, $0x4;
	s20 =	simm.s32 $0x230;
	[dreg:$0x4] =	wrdreg s13  }
0x10: {  	[dreg:$0x5] =	wrdreg s9;
	s16 =	sadd.s32 s11, s15;
	s8 =	sadd.s32 s12, s15  }
0x11: {  	s12 =	sshrl.u32 s17, $0x3;
	s21 =	sadd.s32 s19, s14;
	s7 =	sadd.s32 s19, s0  }
0x12: {  	s26 =	sadd.s32 s24, s14;
	s11 =	simm.s32 $0x7A80;
	[dreg:$0x6] =	wrdreg s16  }
0x13: {  	s13 =	simm.s32 $0xA;
	s15 =	simm.s32 $0x7;
	[dreg:$0x7] =	wrdreg s8  }
0x14: {  	s17 =	simm.s32 $0x4;
	s9 =	simm.s32 $0x1E0;
	[dreg:$0xa] =	wrdreg s21  }
0x15: {  	s19 =	simm.s32 $0xF0;
	[dreg:$0xb] =	wrdreg s7;
	s16 =	sshrl.u32 s18, $0x3  }
0x16: {  	s8 =	sadd.s32 s23, s14;
	s7 =	sadd.s32 s23, s0;
	[dreg:$0xe] =	wrdreg s26  }
0x17: {  	s21 =	sshrl.u32 s5, $0x3;
	s26 =	simm.s32 $0x50;
	s14 =	simm.s32 $0x3  }
.Ltmp0:
0x18: {  	s18 =	simm.s32 $0x8;
	[dreg:$0xc] =	wrdreg s8;
	(pc) =	sbr.rel .LBB2_1-.Ltmp0, $4  }
0x19: {  	[dreg:$0xd] =	wrdreg s7;
	s7 =	sadd.s32 s24, s0;
	s0 =	sadd.s32 s1, s0  }
0x1a: {  	s5 =	simm.s32 $0x0;
	[dreg:$0xf] =	wrdreg s7;
	s0 =	sadd.s32 s25, s0  }
0x1b: {  	s24 =	simm.s32 $0xC;
	[dreg:$0x10] =	wrdreg s0;
	s0 =	sadd.s32 s25, s28  }
0x1c: {  	s25 =	simm.s32 $0xD;
	[dreg:$0x11] =	wrdreg s0;
	s0 =	simm.s32 $0xB  }
.LBB2_4:
0x1d: {  	_ =	swait.ge [sflag:s25], $0x2800  }
0x1e: {  	[sflag:s25] =	ssyncset.done $0x0  }
0x1f: {  	[sflag:s25] =	ssyncadd.s32 $0xFFFFD800  }
0x20: {  	_ =	swait.ge [sflag:s25], $0x2800  }
0x21: {  	s5 =	rddreg [dreg:$0x12]  }
0x22: {  	s1 =	rddreg [dreg:$0x8];
	s5 =	sadd.s32 $0x1, s5  }
0x23: {  	p0 =	sne.s32 s5, s1  }
.Ltmp1:
0x24: {  	_ = 	snop;
	(pc) =	sbr.rel @!p0 .LBB2_5-.Ltmp1, $3  }
0x25: {  	_ =	sdelay $0x1  }
0x26: {  	[sflag:s25] =	ssyncset.done $0x0  }
0x27: {  	[sflag:s25] =	ssyncadd.s32 $0xFFFFD800  }
.LBB2_1:
0x28: {  	[dreg:$0x12] =	wrdreg s5  }
0x29: {  	s1 =	rddreg [dreg:$0x4];
	s23 =	simm.s32 $0xE  }
0x2a: {  	[tilespmem:s2], [sflag:$0xE] =	stream.linear.gather [hbm4b:s1+s2], $0x50, $0x38;
	[tilespmem:$0xA280] =	vst v63  }
0x2b: {  	_ =	swait.ge [sflag:s23], $0x50  }
0x2c: {  	[sflag:s23] =	ssyncset.done $0x0  }
0x2d: {  	s6 =	simm.s32 $0x140;
	s7 =	rddreg [dreg:$0x5];
	[sflag:s23] =	ssyncadd.s32 $0xFFFFFFB0  }
0x2e: {  	[tilespmem:s6], [sflag:$0xE] =	stream.linear.gather [hbm4b:s7+s2], $0x50, $0x38;
	[tilespmem:$0xA280] =	vst v63  }
0x2f: {  	_ =	swait.ge [sflag:s23], $0x50  }
0x30: {  	[sflag:s23] =	ssyncset.done $0x0  }
0x31: {  	s8 =	rddreg [dreg:$0x6];
	[sflag:s23] =	ssyncadd.s32 $0xFFFFFFB0  }
0x32: {  	[tilespmem:s26], [sflag:$0x2] =	stream.linear.gather [hbm4b:s8+s2], $0x50, $0x38;
	[tilespmem:$0xA280] =	vst v63  }
0x33: {  	s22 =	rddreg [dreg:$0x7];
	s23 =	simm.s32 $0x190  }
0x34: {  	[tilespmem:s23], [sflag:$0x6] =	stream.linear.gather [hbm4b:s22+s2], $0x50, $0x38;
	[tilespmem:$0xA280] =	vst v63  }
0x35: {  	s28 =	rddreg [dreg:$0x3]  }
0x36: {  	[tilespmem:s29], [sflag:$0x9] =	stream.indirect.gather [hbm4b:s3+s26], $0x80, s2, s26, $0xb8;
	[tilespmem:$0xA280] =	vst v63  }
0x37: {  	s22 =	rddreg [dreg:$0x9]  }
0x38: {  	[tilespmem:s30], [sflag:$0xB] =	stream.indirect.gather [hbm4b:s4+s26], $0x80, s6, s26, $0xb8;
	[tilespmem:$0xA280] =	vst v63  }
0x39: {  	s1 =	simm.s32 $0x0;
	s23 =	rddreg [dreg:$0x2];
	s6 =	simm.s32 $0x190  }
.LBB2_2:
0x3a: {  	_ =	swait.ge [sflag:s31], $0x2800  }
0x3b: {  	[sflag:s31] =	ssyncset.done $0x0  }
0x3c: {  	[sflag:s31] =	ssyncadd.s32 $0xFFFFD800  }
0x3d: {  	_ =	swait.ge [sflag:s0], $0x2800  }
0x3e: {  	[sflag:s0] =	ssyncset.done $0x0;
	s5 =	rddreg [dreg:$0x11]  }
0x3f: {  	[sflag:s0] =	ssyncadd.s32 $0xFFFFD800;
	s7 =	sadd.s32 s1, s5  }
0x40: {  	[hbm4b:s7+s2] =	stream.linear.scatter [tilespmem:s29], [sflag:$0xD], $0x2800, $0x38;
	[tilespmem:$0xA280] =	vst v63  }
0x41: {  	p0 =	seq.s32 s1, $0x0;
	s7 =	rddreg [dreg:$0x10]  }
0x42: {  	s8 =	sadd.s32 s1, s7;
	s7 =	simm.s32 @!p0 $0xD  }
0x43: {  	[hbm4b:s8+s2] =	stream.linear.scatter [tilespmem:s30], [sflag:$0xD], $0x2800, $0x38;
	[tilespmem:$0xA280] =	vst v63  }
0x44: {  	_ =	swait.ge @!p0 [sflag:s7], $0x2800  }
0x45: {  	[sflag:s7] =	ssyncset.done @!p0 $0x0  }
0x46: {  	[sflag:s7] =	ssyncadd.s32 @!p0 $0xFFFFD800  }
0x47: {  	_ =	swait.ge @!p0 [sflag:s7], $0x2800  }
0x48: {  	[sflag:s7] =	ssyncset.done @!p0 $0x0  }
0x49: {  	s5 =	sadd.s32 s23, s21;
	s8 =	simm.s32 $0xA0;
	[sflag:s7] =	ssyncadd.s32 @!p0 $0xFFFFD800  }
0x4a: {  	[tilespmem:s8], [sflag:$0x3] =	stream.linear.gather [hbm4b:s5+s2], $0x50, $0x38;
	[tilespmem:$0xA280] =	vst v63  }
0x4b: {  	s7 =	simm.s32 $0x2;
	s5 =	sadd.s32 s28, s21  }
0x4c: {  	[tilespmem:s9], [sflag:$0x7] =	stream.linear.gather [hbm4b:s5+s2], $0x50, $0x38;
	[tilespmem:$0xA280] =	vst v63  }
0x4d: {  	_ =	swait.ge [sflag:s7], $0x50  }
0x4e: {  	[sflag:s7] =	ssyncset.done $0x0  }
0x4f: {  	[sflag:s7] =	ssyncadd.s32 $0xFFFFFFB0;
	s7 =	simm.s32 $0x6  }
0x50: {  	_ =	swait.ge [sflag:s7], $0x50  }
0x51: {  	[sflag:s7] =	ssyncset.done $0x0  }
0x52: {  	[sflag:s7] =	ssyncadd.s32 $0xFFFFFFB0  }
0x53: {  	[tilespmem:s10], [sflag:$0xA] =	stream.indirect.gather [hbm4b:s3+s26], $0x80, s26, s26, $0xb8;
	[tilespmem:$0xA280] =	vst v63  }
0x54: {  	_ = 	snop  }
0x55: {  	[tilespmem:s11], [sflag:$0xC] =	stream.indirect.gather [hbm4b:s4+s26], $0x80, s6, s26, $0xb8;
	[tilespmem:$0xA280] =	vst v63  }
0x56: {  	_ =	swait.ge [sflag:s13], $0x2800  }
0x57: {  	[sflag:s13] =	ssyncset.done $0x0  }
0x58: {  	[sflag:s13] =	ssyncadd.s32 $0xFFFFD800  }
0x59: {  	_ =	swait.ge [sflag:s24], $0x2800  }
0x5a: {  	[sflag:s24] =	ssyncset.done $0x0;
	s7 =	rddreg [dreg:$0xc]  }
0x5b: {  	[sflag:s24] =	ssyncadd.s32 $0xFFFFD800;
	s6 =	sadd.s32 s1, s7;
	s7 =	rddreg [dreg:$0xd]  }
0x5c: {  	[hbm4b:s6+s2] =	stream.linear.scatter [tilespmem:s10], [sflag:$0xD], $0x2800, $0x38;
	[tilespmem:$0xA280] =	vst v63  }
0x5d: {  	s6 =	sadd.s32 s1, s7  }
0x5e: {  	[hbm4b:s6+s2] =	stream.linear.scatter [tilespmem:s11], [sflag:$0xD], $0x2800, $0x38;
	[tilespmem:$0xA280] =	vst v63  }
0x5f: {  	_ =	swait.ge [sflag:s25], $0x2800  }
0x60: {  	[sflag:s25] =	ssyncset.done $0x0  }
0x61: {  	[sflag:s25] =	ssyncadd.s32 $0xFFFFD800  }
0x62: {  	_ =	swait.ge [sflag:s25], $0x2800  }
0x63: {  	[sflag:s25] =	ssyncset.done $0x0  }
0x64: {  	s5 =	sadd.s32 s23, s16;
	[sflag:s25] =	ssyncadd.s32 $0xFFFFD800  }
0x65: {  	[tilespmem:s19], [sflag:$0x4] =	stream.linear.gather [hbm4b:s5+s2], $0x50, $0x38;
	[tilespmem:$0xA280] =	vst v63  }
0x66: {  	s6 =	sadd.s32 s28, s16  }
0x67: {  	[tilespmem:s20], [sflag:$0x8] =	stream.linear.gather [hbm4b:s6+s2], $0x50, $0x38;
	[tilespmem:$0xA280] =	vst v63  }
0x68: {  	_ =	swait.ge [sflag:s14], $0x50  }
0x69: {  	[sflag:s14] =	ssyncset.done $0x0  }
0x6a: {  	[sflag:s14] =	ssyncadd.s32 $0xFFFFFFB0  }
0x6b: {  	_ =	swait.ge [sflag:s15], $0x50  }
0x6c: {  	[sflag:s15] =	ssyncset.done $0x0  }
0x6d: {  	[sflag:s15] =	ssyncadd.s32 $0xFFFFFFB0  }
0x6e: {  	[tilespmem:s29], [sflag:$0x9] =	stream.indirect.gather [hbm4b:s3+s26], $0x80, s8, s26, $0xb8;
	[tilespmem:$0xA280] =	vst v63  }
0x6f: {  	_ = 	snop  }
0x70: {  	[tilespmem:s30], [sflag:$0xB] =	stream.indirect.gather [hbm4b:s4+s26], $0x80, s9, s26, $0xb8;
	[tilespmem:$0xA280] =	vst v63  }
0x71: {  	_ =	swait.ge [sflag:s31], $0x2800  }
0x72: {  	[sflag:s31] =	ssyncset.done $0x0  }
0x73: {  	[sflag:s31] =	ssyncadd.s32 $0xFFFFD800  }
0x74: {  	_ =	swait.ge [sflag:s0], $0x2800  }
0x75: {  	[sflag:s0] =	ssyncset.done $0x0;
	s8 =	rddreg [dreg:$0xe]  }
0x76: {  	[sflag:s0] =	ssyncadd.s32 $0xFFFFD800;
	s6 =	sadd.s32 s1, s8;
	s8 =	rddreg [dreg:$0xf]  }
0x77: {  	[hbm4b:s6+s2] =	stream.linear.scatter [tilespmem:s29], [sflag:$0xD], $0x2800, $0x38;
	[tilespmem:$0xA280] =	vst v63  }
0x78: {  	s5 =	sadd.s32 s1, s8  }
0x79: {  	[hbm4b:s5+s2] =	stream.linear.scatter [tilespmem:s30], [sflag:$0xD], $0x2800, $0x38;
	[tilespmem:$0xA280] =	vst v63  }
0x7a: {  	_ =	swait.ge [sflag:s25], $0x2800  }
0x7b: {  	[sflag:s25] =	ssyncset.done $0x0  }
0x7c: {  	[sflag:s25] =	ssyncadd.s32 $0xFFFFD800  }
0x7d: {  	p0 =	seq.s32 s1, $0xB400;
	_ =	swait.ge [sflag:s25], $0x2800  }
0x7e: {  	s7 =	sshrl.u32 @!p0 s22, $0x3;
	[sflag:s25] =	ssyncset.done $0x0;
	s5 =	rddreg [dreg:$0x2]  }
0x7f: {  	s6 =	simm.s32 @!p0 $0x0;
	[sflag:s25] =	ssyncadd.s32 $0xFFFFD800;
	s5 =	sadd.s32 @!p0 s5, s7  }
0x80: {  	[tilespmem:s6], [sflag:$0x1] =	stream.linear.gather @!p0 [hbm4b:s5+s6], $0x50, $0x38;
	[tilespmem:$0xA280] =	vst v63  }
0x81: {  	s5 =	rddreg [dreg:$0x3]  }
0x82: {  	s5 =	sadd.s32 @!p0 s5, s7;
	s7 =	simm.s32 @!p0 $0x140  }
0x83: {  	[tilespmem:s7], [sflag:$0x5] =	stream.linear.gather @!p0 [hbm4b:s5+s6], $0x50, $0x38;
	[tilespmem:$0xA280] =	vst v63  }
0x84: {  	_ =	swait.ge [sflag:s17], $0x50  }
0x85: {  	[sflag:s17] =	ssyncset.done $0x0  }
0x86: {  	[sflag:s17] =	ssyncadd.s32 $0xFFFFFFB0  }
0x87: {  	_ =	swait.ge [sflag:s18], $0x50  }
0x88: {  	[sflag:s18] =	ssyncset.done $0x0  }
0x89: {  	[sflag:s18] =	ssyncadd.s32 $0xFFFFFFB0  }
0x8a: {  	[tilespmem:s10], [sflag:$0xA] =	stream.indirect.gather [hbm4b:s3+s26], $0x80, s19, s26, $0xb8;
	[tilespmem:$0xA280] =	vst v63  }
0x8b: {  	_ = 	snop  }
0x8c: {  	[tilespmem:s11], [sflag:$0xC] =	stream.indirect.gather [hbm4b:s4+s26], $0x80, s20, s26, $0xb8;
	[tilespmem:$0xA280] =	vst v63  }
0x8d: {  	_ =	swait.ge [sflag:s13], $0x2800  }
0x8e: {  	[sflag:s13] =	ssyncset.done $0x0  }
0x8f: {  	[sflag:s13] =	ssyncadd.s32 $0xFFFFD800  }
0x90: {  	_ =	swait.ge [sflag:s24], $0x2800  }
0x91: {  	[sflag:s24] =	ssyncset.done $0x0;
	s6 =	rddreg [dreg:$0xa]  }
0x92: {  	s7 =	rddreg [dreg:$0xb];
	[sflag:s24] =	ssyncadd.s32 $0xFFFFD800;
	s5 =	sadd.s32 s1, s6  }
0x93: {  	[hbm4b:s5+s2] =	stream.linear.scatter [tilespmem:s10], [sflag:$0xD], $0x2800, $0x38;
	[tilespmem:$0xA280] =	vst v63  }
0x94: {  	s5 =	sadd.s32 s1, s7  }
0x95: {  	[hbm4b:s5+s2] =	stream.linear.scatter [tilespmem:s11], [sflag:$0xD], $0x2800, $0x38;
	[tilespmem:$0xA280] =	vst v63  }
0x96: {  	_ =	swait.ge [sflag:s25], $0x2800  }
.Ltmp2:
0x97: {  	[sflag:s25] =	ssyncset.done $0x0;
	(pc) =	sbr.rel @p0 .LBB2_4-.Ltmp2, $4  }
0x98: {  	[sflag:s25] =	ssyncadd.s32 $0xFFFFD800  }
0x99: {  	_ =	swait.ge [sflag:s25], $0x2800  }
0x9a: {  	[sflag:s25] =	ssyncset.done $0x0  }
0x9b: {  	s8 =	simm.s32 $0x190;
	[sflag:s25] =	ssyncadd.s32 $0xFFFFD800  }
0x9c: {  	s5 =	sadd.s32 s23, s12  }
0x9d: {  	[tilespmem:s26], [sflag:$0x2] =	stream.linear.gather [hbm4b:s5+s2], $0x50, $0x38;
	[tilespmem:$0xA280] =	vst v63  }
0x9e: {  	s7 =	sadd.s32 s28, s12;
	s6 =	simm.s32 $0x1  }
0x9f: {  	[tilespmem:s8], [sflag:$0x6] =	stream.linear.gather [hbm4b:s7+s2], $0x50, $0x38;
	[tilespmem:$0xA280] =	vst v63  }
0xa0: {  	_ =	swait.ge [sflag:s6], $0x50  }
0xa1: {  	[sflag:s6] =	ssyncset.done $0x0  }
0xa2: {  	s7 =	simm.s32 $0x5;
	[sflag:s6] =	ssyncadd.s32 $0xFFFFFFB0  }
0xa3: {  	_ =	swait.ge [sflag:s7], $0x50  }
.Ltmp3:
0xa4: {  	s1 =	sadd.s32 $0x1400, s1;
	[sflag:s7] =	ssyncset.done $0x0;
	(pc) =	sbr.rel .LBB2_2-.Ltmp3, $4  }
0xa5: {  	s28 =	sadd.s32 $0x28, s28;
	s23 =	sadd.s32 $0x28, s23;
	[sflag:s7] =	ssyncadd.s32 $0xFFFFFFB0  }
0xa6: {  	[tilespmem:s29], [sflag:$0x9] =	stream.indirect.gather [hbm4b:s3+s26], $0x80, s2, s26, $0xb8;
	[tilespmem:$0xA280] =	vst v63  }
0xa7: {  	s22 =	sadd.s32 $0x140, s22;
	s8 =	simm.s32 $0x140;
	s6 =	simm.s32 $0x190  }
0xa8: {  	[tilespmem:s30], [sflag:$0xB] =	stream.indirect.gather [hbm4b:s4+s26], $0x80, s8, s26, $0xb8;
	[tilespmem:$0xA280] =	vst v63  }
.LBB2_5:
0xa9: {  	_ =	sfence.sel $0x180000  }
0xaa: {  	[bflag:$0x0] =	sbarrier.arrive $0xFFFF  }
0xab: {  	_ =	strace $0x9000004D  }
0xac: {  	s0 =	stileid.u32;
	[bflag:$0x2] =	sbarrier.arrive $0xFFFF  }
0xad: {  	p0 =	sne.s32 s0, $0x0;
	s0 =	rddreg [dreg:$0x1]  }
0xae: {  	s0 =	sadd.s32 @!p0 $0x100000, s0  }
0xaf: {  	[sflag:s0] =	ssyncadd.tile.s32 @!p0 $0x1;
	_ =	shalt  }
.Lfunc_end2:
_tile_overlayer_lowered:
.L_overlay_start_2:
0xb0: {  	(tag) =	ssettag $0x2  }
0xb1: {  	s0 =	rddreg [dreg:$0x0];
	s2 =	stileid.u32  }
0xb2: {  	s1 =	rddreg [dreg:$0x1];
	p0 =	sne.s32 s2, $0x0  }
0xb3: {  	s3 =	rddreg [dreg:$0x2];
	[bflag:$0x3] =	sbarrier.arrive $0xFFFF;
	s2 =	simm.s32 @!p0 $0x1C0E  }
0xb4: {  	[timem:s3], [sflag:s2] =	dma.local @!p0 [hbm:s0], s1  }
0xb5: {  	s0 =	simm.s32 @!p0 $0xE  }
0xb6: {  	_ =	swait.ge @!p0 [sflag:s0], s1  }
0xb7: {  	s1 =	ssub.s32 @!p0 $0x0, s1;
	[sflag:s0] =	ssyncset.done @!p0 $0x0  }
0xb8: {  	[sflag:s0] =	ssyncadd.s32 @!p0 s1  }
0xb9: {  	[bflag:$0x3] =	sbarrier.arrive $0xFFFF  }
0xba: {  	_ =	shalt  }

// kernel: kernel.8.cloned.1.call-start
scs
__scs_entry_jumppad:
0x0: {  	(pc) =	sbr.rel $0x88, $3  }
0x1: {  	(tag) =	ssettag $0x0;
	lr =	simm.s32 $0x1  }
0x2: {  	[smem:$0x3F90] =	sst lr;
	_ =	strace $0xD0000000  }
0x3: {  	_ = 	snop  }
0x4: {  	_ = 	snop  }
0x5: {  	_ = 	snop  }
0x6: {  	_ = 	snop  }
0x7: {  	_ = 	snop  }
__scs_overlays_trampoline_lowered:
0x8: {  	[smem:$0x3F9F] =	sst s0  }
0x9: {  	[smem:$0x3FA0] =	sst s1  }
0xa: {  	[smem:$0x3FA1] =	sst s2  }
0xb: {  	[smem:$0x3FA2] =	sst s3  }
0xc: {  	[smem:$0x3FA3] =	sst s4  }
0xd: {  	[smem:$0x3FA4] =	sst s5  }
0xe: {  	[smem:$0x3FA5] =	sst s6  }
0xf: {  	[smem:$0x3FA6] =	sst s7  }
0x10: {  	[smem:$0x3FA7] =	sst s8  }
0x11: {  	[smem:$0x3FA8] =	sst s9;
	s0 =	simm.s32 @!p0 $0x0  }
0x12: {  	s1 =	sld [smem:$0x3F8E];
	s0 =	simm.s32 @p0 $0x1  }
0x13: {  	[smem:$0x3FA9] =	sst s0;
	s0 =	simm.s32 @!p1 $0x0  }
0x14: {  	s2 =	sld [smem:$0x3F8D];
	s0 =	simm.s32 @p1 $0x1  }
0x15: {  	[smem:$0x3FAA] =	sst s0;
	s0 =	simm.s32 @!p2 $0x0  }
0x16: {  	s3 =	sld [smem:$0x3FDB];
	s0 =	simm.s32 @p2 $0x1  }
0x17: {  	s4 =	simm.s32 $0x1BF5;
	[smem:$0x3FAC] =	sst s0  }
0x18: {  	s0 =	sld [smem:$0x3F8F];
	_ =	swait.ge [sflag:s4], $0x0  }
0x19: {  	s7 =	sld [smem:$0x3F90]  }
0x1a: {  	s8 =	sadd.s32 $0xFFFFE003, lr  }
0x1b: {  	s9 =	sadd.s32 $0xFFFFFEF7, lr;
	s5 =	simm.s32 $0xFFFFFFFF;
	p2 =	slt.u32 s8, $0xFFFFF086  }
0x1c: {  	p1 =	slt.u32 s9, $0xF7A;
	s5 =	simm.s32 @!p2 $0x0  }
0x1d: {  	s5 =	simm.s32 @p1 $0x1;
	p0 =	seq.s32 s7, s2  }
0x1e: {  	s7 =	smul.u32 @!p0 $0xF7A, s2;
	p2 =	seq.s32 @!p0 s5, $0x0  }
0x1f: {  	s9 =	smul.u32 $0xF7A, s1;
	s8 =	simm.s32 @!p0 $0x1BF5;
	p2 =	por !p2, p0  }
0x20: {  	[sflag:s8] =	ssyncset.s32 @!p0 $0xFFFFF086;
	s6 =	sadd.s32 @!p0 s3, s7;
	s7 =	simm.s32 @!p0 $0x108  }
0x21: {  	s3 =	sadd.s32 s3, s9;
	s6 =	sadd.s32 @!p0 $0x88, s6;
	s7 =	simm.s32 @p2 $0x1082  }
0x22: {  	[simem:s7], [sflag:s8] =	dma.local @!p0 [hbm:s6], $0xF7A  }
0x23: {  	s9 =	sor.u32 $0xD0000000, s2;
	s6 =	simm.s32 $0x108;
	_ =	swait.ge @!p0 [sflag:s8], $0x0  }
0x24: {  	s3 =	sadd.s32 $0x88, s3;
	s6 =	simm.s32 @!p1 $0x1082;
	[sflag:s4] =	ssyncset.s32 $0xFFFFF086  }
0x25: {  	[simem:s6], [sflag:s4] =	dma.local [hbm:s3], $0xF7A  }
0x26: {  	[smem:$0x3F90] =	sst s1;
	(tag) =	ssettag s2;
	_ =	strace s9  }
0x27: {  	s1 =	sld [smem:$0x3FA0]  }
0x28: {  	s2 =	sld [smem:$0x3FA1]  }
0x29: {  	s4 =	sld [smem:$0x3FA3]  }
0x2a: {  	p0 =	seq.s32 s5, $0x0;
	s5 =	sld [smem:$0x3FA4]  }
0x2b: {  	s6 =	sld [smem:$0x3FA5]  }
0x2c: {  	s7 =	sld [smem:$0x3FA6]  }
0x2d: {  	s3 =	simm.s32 $0x108;
	s8 =	sld [smem:$0x3FA7]  }
0x2e: {  	s3 =	simm.s32 @!p0 $0x1082;
	s9 =	sld [smem:$0x3FA8]  }
0x2f: {  	lr =	sadd.s32 s0, s3;
	s0 =	sld [smem:$0x3F9F]  }
0x30: {  	s3 =	sld [smem:$0x3FA2]  }
0x31: {  	[smem:$0x3FAB] =	sst s10  }
0x32: {  	s10 =	sld [smem:$0x3FA9];
	_ =	sdelay $0x3  }
0x33: {  	p0 =	seq.s32 s10, $0x1;
	s10 =	sld [smem:$0x3FAB];
	_ =	sdelay $0x3  }
0x34: {  	[smem:$0x3FAB] =	sst s10  }
0x35: {  	s10 =	sld [smem:$0x3FAA];
	_ =	sdelay $0x3  }
0x36: {  	p1 =	seq.s32 s10, $0x1;
	s10 =	sld [smem:$0x3FAB];
	_ =	sdelay $0x3  }
0x37: {  	[smem:$0x3FAB] =	sst s10  }
0x38: {  	s10 =	sld [smem:$0x3FAC]  }
0x39: {  	_ = 	snop;
	(pc) =	sbr.ind lr, $3  }
0x3a: {  	_ = 	snop  }
0x3b: {  	_ = 	snop  }
0x3c: {  	p2 =	seq.s32 s10, $0x1;
	s10 =	sld [smem:$0x3FAB]  }
0x3d: {  	_ =	shalt  }
0x3e: {  	_ =	shalt  }
0x3f: {  	_ =	shalt  }
0x40: {  	_ =	shalt  }
0x41: {  	_ =	shalt  }
0x42: {  	_ =	shalt  }
0x43: {  	_ =	shalt  }
0x44: {  	_ =	shalt  }
0x45: {  	_ =	shalt  }
0x46: {  	_ =	shalt  }
0x47: {  	_ =	shalt  }
0x48: {  	_ =	shalt  }
0x49: {  	_ =	shalt  }
0x4a: {  	_ =	shalt  }
0x4b: {  	_ =	shalt  }
0x4c: {  	_ =	shalt  }
0x4d: {  	_ =	shalt  }
0x4e: {  	_ =	shalt  }
0x4f: {  	_ =	shalt  }
0x50: {  	_ =	shalt  }
0x51: {  	_ =	shalt  }
0x52: {  	_ =	shalt  }
0x53: {  	_ =	shalt  }
0x54: {  	_ =	shalt  }
0x55: {  	_ =	shalt  }
0x56: {  	_ =	shalt  }
0x57: {  	_ =	shalt  }
0x58: {  	_ =	shalt  }
0x59: {  	_ =	shalt  }
0x5a: {  	_ =	shalt  }
0x5b: {  	_ =	shalt  }
0x5c: {  	_ =	shalt  }
0x5d: {  	_ =	shalt  }
0x5e: {  	_ =	shalt  }
0x5f: {  	_ =	shalt  }
0x60: {  	_ =	shalt  }
0x61: {  	_ =	shalt  }
0x62: {  	_ =	shalt  }
0x63: {  	_ =	shalt  }
0x64: {  	_ =	shalt  }
0x65: {  	_ =	shalt  }
0x66: {  	_ =	shalt  }
0x67: {  	_ =	shalt  }
0x68: {  	_ =	shalt  }
0x69: {  	_ =	shalt  }
0x6a: {  	_ =	shalt  }
0x6b: {  	_ =	shalt  }
0x6c: {  	_ =	shalt  }
0x6d: {  	_ =	shalt  }
0x6e: {  	_ =	shalt  }
0x6f: {  	_ =	shalt  }
0x70: {  	_ =	shalt  }
0x71: {  	_ =	shalt  }
0x72: {  	_ =	shalt  }
0x73: {  	_ =	shalt  }
0x74: {  	_ =	shalt  }
0x75: {  	_ =	shalt  }
0x76: {  	_ =	shalt  }
0x77: {  	_ =	shalt  }
0x78: {  	_ =	shalt  }
0x79: {  	_ =	shalt  }
0x7a: {  	_ =	shalt  }
0x7b: {  	_ =	shalt  }
0x7c: {  	_ =	shalt  }
0x7d: {  	_ =	shalt  }
0x7e: {  	_ =	shalt  }
0x7f: {  	_ =	shalt  }
0x80: {  	_ =	shalt  }
0x81: {  	_ =	shalt  }
0x82: {  	_ =	shalt  }
0x83: {  	_ =	shalt  }
0x84: {  	_ =	shalt  }
0x85: {  	_ =	shalt  }
0x86: {  	_ =	shalt  }
0x87: {  	_ =	shalt  }
.Lfunc_end0:
.L_simem_size_0:
called_computation_lowered:
.L_overlay_start_0:
0x88: {  	s2 =	sld [smem:$0x3FD9]  }
0x89: {  	s3 =	sld [smem:$0x3FFE];
	_ =	sdelay $0x1  }
0x8a: {  	s1 =	srdreg.scid  }
0x8b: {  	s0 =	sand.u32 $0x1, s1  }
0x8c: {  	s17 =	sshll.u32 s0, $0xA;
	s2 =	sadd.s32 s3, s2  }
0x8d: {  	s2 =	sadd.s32 s2, s17  }
0x8e: {  	[smem:$0x3FB7] =	sst s2  }
0x8f: {  	_ = 	snop  }
0x90: {  	s2 =	sld [smem:$0x3FC9]  }
0x91: {  	s18 =	sld [smem:$0x3FD0];
	(tm) =	ssettm $0x1  }
0x92: {  	s4 =	sld [smem:$0x3FFB];
	_ =	sdelay $0x3  }
0x93: {  	_ =	strace s4  }
0x94: {  	s4 =	sld [smem:$0x3FFC];
	_ =	sdelay $0x3  }
0x95: {  	_ =	strace s4  }
0x96: {  	s4 =	sld [smem:$0x3FFD];
	_ =	sdelay $0x3  }
0x97: {  	_ =	strace s4  }
0x98: {  	_ =	strace $0x8FFFFFFF  }
0x99: {  	s19 =	sld [smem:$0x3FDB];
	_ =	sdelay $0x1  }
0x9a: {  	s5 =	simm.s32 $_scs_section_size  }
0x9b: {  	s6 =	simm.s32 $_size__tile_overlayer_lowered;
	s7 =	simm.s32 $_tile_overlayer_lowered  }
0x9c: {  	s22 =	simm.s32 $0x1BFF;
	s21 =	sshll.u32 s7, $0x1;
	s4 =	sadd.s32 s5, s19  }
0x9d: {  	s8 =	simm.s32 $0x0;
	s20 =	sshll.u32 s6, $0x1;
	s6 =	sadd.s32 s21, s4  }
0x9e: {  	[timem:s8], [sflag:s22] =	dma.local [hbm:s6], s20  }
0x9f: {  	_ =	swait.ge [sflag:s22], s20  }
0xa0: {  	s5 =	ssub.s32 $0x0, s20;
	[sflag:s22] =	ssyncset.done $0x0  }
0xa1: {  	[sflag:s22] =	ssyncadd.s32 s5;
	_ =	sdelay $0x1  }
0xa2: {  	s23 =	simm.s32 $0x1B8B  }
0xa3: {  	_ =	swait.ge [sflag:s23], $0x1  }
0xa4: {  	[sflag:s23] =	ssyncset.done $0x0  }
0xa5: {  	s25 =	simm.s32 $0x1B8E;
	s24 =	sld [smem:$0x3FFE];
	[sflag:s23] =	ssyncadd.s32 $0xFFFFFFFF  }
0xa6: {  	s26 =	simm.s32 $execute0_lowered;
	[smem:$0x3FD2] =	sst s25  }
0xa7: {  	s6 =	sshll.u32 s26, $0x1;
	_ =	strace $0x80000046;
	[dreg:$0x1] =	wrdreg $0xFFFFFFFF  }
0xa8: {  	s28 =	simm.s32 $_size_execute0_lowered;
	s4 =	sadd.s32 s4, s6;
	[dreg:$0x0] =	wrdreg $0x0  }
0xa9: {  	s6 =	sshll.u32 s28, $0x1;
	[dreg:$0x2] =	wrdreg s4  }
0xaa: {  	[dreg:$0x3] =	wrdreg s6  }
0xab: {  	[dreg:$0x4] =	wrdreg $0xC0  }
0xac: {  	_ =	task [dreg:s8], $0x5FFFF  }
0xad: {  	[dreg:$0x1] =	wrdreg $0xFFFFFFFF  }
0xae: {  	[dreg:$0x0] =	wrdreg $0x60  }
0xaf: {  	[dreg:$0x2] =	wrdreg s2  }
0xb0: {  	[dreg:$0x3] =	wrdreg s24  }
0xb1: {  	[dreg:$0x4] =	wrdreg s18  }
0xb2: {  	[dreg:$0x5] =	wrdreg $0x0  }
0xb3: {  	[dreg:$0x6] =	wrdreg $0x9  }
0xb4: {  	_ =	task.clear_ibuf [dreg:s8], $0x7FFFF;
	_ =	strace $0x90000046  }
0xb5: {  	s29 =	simm.s32 $0x9;
	_ =	strace $0x80000048  }
0xb6: {  	_ =	swait.ge [sflag:s29], $0x1  }
0xb7: {  	[sflag:s29] =	ssyncadd.s32 $0xFFFFFFFF  }
0xb8: {  	_ =	strace $0x90000048  }
0xb9: {  	_ =	sfence  }
0xba: {  	s30 =	sld [smem:$0x0];
	_ =	sdelay $0x2  }
0xbb: {  	s31 =	sshll.u32 s1, $0xD;
	s1 =	sshrl.u32 s1, $0x2  }
0xbc: {  	s3 =	sand.u32 $0x4000, s31;
	s1 =	sadd.s32 s1, s30  }
0xbd: {  	s0 =	sor.u32 s3, s0;
	s1 =	sshll.u32 s1, $0x11  }
0xbe: {  	s0 =	sor.u32 s1, s0  }
0xbf: {  	s0 =	sadd.s32 $0x8F2B, s0  }
0xc0: {  	[sflag:s0] =	ssyncadd.remote.s32 $0x1  }
0xc1: {  	_ =	sfence.sel $0xFFFF  }
0xc2: {  	[dreg:$0x0] =	wrdreg $0xFFFFFFFF;
	(pc) =	sbr.abs _section_cstart, $3  }
0xc3: {  	[dreg:$0x1] =	wrdreg $0xFFFFFFFF  }
0xc4: {  	_ =	task.clear_ibuf [dreg:s8], $0x2FFFF;
	_ =	strace $0x9FFFFFFF  }
0xc5: {  	(tm) =	ssettm $0x7FFFFFFF  }
tec
execute0_lowered:
.L_overlay_start_1:
0x0: {  	(tag) =	ssettag $0x1  }
0x1: {  	s0 =	srdreg.scid  }
0x2: {  	s1 =	rddreg [dreg:$0x0];
	s12 =	stileid.u32  }
0x3: {  	s4 =	rddreg [dreg:$0x1];
	s3 =	simm.s32 $0x0;
	s10 =	smul.u32 $0xA0, s12  }
0x4: {  	s31 =	simm.s32 $0x14400;
	s29 =	simm.s32 $0x18400;
	s16 =	smul.u32 $0x14000, s12  }
0x5: {  	s30 =	simm.s32 $0xA;
	s0 =	sand.u32 $0x1, s0;
	s15 =	smul.u32 $0x5000, s12  }
0x6: {  	s28 =	simm.s32 $0x7;
	[smem:$0x7FF] =	sst s3;
	s5 =	smul.u32 $0x28000, s0  }
0x7: {  	s6 =	sadd.s32 $0x18000, s4;
	s8 =	sadd.s32 $0x4000, s4;
	s7 =	smul.u32 $0xA00, s0  }
0x8: {  	s2 =	sshll.u32 s0, $0x4;
	s9 =	ssub.s32 $0x2, s0;
	s0 =	smul.u32 $0x50000, s0  }
0x9: {  	s2 =	sor.u32 s12, s2;
	s11 =	sshrl.u32 s9, $0x1;
	s17 =	sadd.s32 $0xC000, s16  }
0xa: {  	s21 =	sshrl.u32 s16, $0x3;
	s2 =	smul.u32 $0x500, s2;
	s5 =	sadd.s32 s5, s4  }
0xb: {  	s7 =	sadd.s32 s10, s7;
	s10 =	sadd.s32 $0x8000, s16;
	s0 =	sadd.s32 s15, s0  }
0xc: {  	s7 =	sshll.u32 s7, $0x4;
	s5 =	sadd.s32 $0x36000, s5;
	s22 =	sor.u32 $0x200, s0  }
0xd: {  	s24 =	sor.u32 $0x180, s0;
	s2 =	sadd.s32 s2, s4;
	s4 =	ssub.s32 s9, s11  }
0xe: {  	s9 =	sadd.s32 $0x4000, s16;
	s18 =	sadd.s32 s6, s7;
	s19 =	sadd.s32 s8, s7  }
0xf: {  	s7 =	sor.u32 $0x10, s7;
	s11 =	sor.u32 $0x280, s0;
	s23 =	sshrl.u32 s22, $0x3  }
0x10: {  	s0 =	sor.u32 $0x100, s0;
	s25 =	sshrl.u32 s24, $0x3;
	[dreg:$0x5] =	wrdreg s18  }
0x11: {  	[dreg:$0x6] =	wrdreg s19;
	s20 =	sadd.s32 s6, s7;
	s7 =	sadd.s32 s8, s7  }
0x12: {  	s18 =	sshrl.u32 s9, $0x3;
	s11 =	sshrl.u32 s11, $0x3;
	[dreg:$0x7] =	wrdreg s20  }
0x13: {  	s12 =	sadd.s32 s23, s8;
	s0 =	sshrl.u32 s0, $0x3;
	[dreg:$0x8] =	wrdreg s7  }
0x14: {  	s26 =	sadd.s32 s25, s8;
	s19 =	sshrl.u32 s17, $0x3;
	[dreg:$0xb] =	wrdreg s12  }
0x15: {  	s13 =	sadd.s32 s11, s8;
	s11 =	sadd.s32 s11, s6;
	[dreg:$0xd] =	wrdreg s26  }
0x16: {  	s14 =	sadd.s32 s0, s8;
	s15 =	sadd.s32 s0, s6;
	s8 =	sshrl.u32 s10, $0x3  }
0x17: {  	s12 =	sadd.s32 s18, s5;
	s18 =	sadd.s32 $0x10000, s16;
	s20 =	rddreg [dreg:$0x3]  }
0x18: {  	s26 =	smax.u32 s4, $0x1;
	s4 =	simm.s32 $0x14080;
	[dreg:$0x9] =	wrdreg s13  }
0x19: {  	s7 =	simm.s32 $0x9;
	[dreg:$0xa] =	wrdreg s11;
	s11 =	sadd.s32 s23, s6  }
0x1a: {  	s13 =	sadd.s32 s25, s6;
	[dreg:$0xf] =	wrdreg s12;
	s0 =	sadd.s32 s8, s5  }
0x1b: {  	s6 =	sadd.s32 s19, s5;
	s22 =	sadd.s32 s9, s20;
	s23 =	sadd.s32 s10, s20  }
0x1c: {  	s24 =	sadd.s32 s17, s20;
	s12 =	sadd.s32 s18, s20;
	[dreg:$0xc] =	wrdreg s11  }
0x1d: {  	s25 =	sadd.s32 $0x2C000, s2;
	s19 =	simm.s32 $0xC;
	[dreg:$0x10] =	wrdreg s0  }
0x1e: {  	s11 =	sadd.s32 s21, s5;
	s21 =	sshrl.u32 s18, $0x3;
	[dreg:$0x11] =	wrdreg s6  }
0x1f: {  	s17 =	simm.s32 $0x14100;
	[dreg:$0xe] =	wrdreg s11;
	s5 =	sadd.s32 s21, s5  }
0x20: {  	s2 =	simm.s32 $0x8;
	s8 =	simm.s32 $0x1;
	[dreg:$0x12] =	wrdreg s5  }
0x21: {  	s9 =	simm.s32 $0x5;
	_ =	strace $0x80000047;
	[dreg:$0x14] =	wrdreg s22  }
0x22: {  	s10 =	simm.s32 $0x0;
	s6 =	simm.s32 $0x80;
	[dreg:$0x15] =	wrdreg s23  }
0x23: {  	s18 =	simm.s32 $0x14300;
	s0 =	simm.s32 $0x4;
	[dreg:$0x16] =	wrdreg s24  }
.Ltmp0:
0x24: {  	s11 =	sadd.s32 s16, s20;
	[dreg:$0x18] =	wrdreg s25;
	(pc) =	sbr.rel .LBB2_1-.Ltmp0, $4  }
0x25: {  	s16 =	simm.s32 $0x1C400;
	s21 =	simm.s32 $0x2;
	[dreg:$0x19] =	wrdreg s26  }
0x26: {  	s5 =	simm.s32 $0x14280;
	s22 =	simm.s32 $0x6;
	[dreg:$0x1a] =	wrdreg s10  }
0x27: {  	s23 =	simm.s32 $0xB;
	s24 =	simm.s32 $0x14180;
	[dreg:$0x13] =	wrdreg s11  }
0x28: {  	v0 =	vimm.f32 $0.0e+00;
	v1 =	vimm.f32 $1.000000000e+00;
	s25 =	simm.s32 $0x14380;
	s26 =	simm.s32 $0x3;
	[dreg:$0x17] =	wrdreg s12  }
.LBB2_6:
0x29: {  	_ =	swait.ge [sflag:s23], $0x4000  }
0x2a: {  	[sflag:s23] =	ssyncset.done $0x0  }
0x2b: {  	[sflag:s23] =	ssyncadd.s32 $0xFFFFC000  }
0x2c: {  	[bflag:$0x0] =	sbarrier.arrive $0xFFFF  }
0x2d: {  	s19 =	simm.s32 $0xC;
	s10 =	rddreg [dreg:$0x13]  }
0x2e: {  	[tilespmem:s31], [sflag:$0xC] =	stream.linear.gather [spmem:s10], $0x4000, $0x38;
	[tilespmem:$0x1EC00] =	vst v63  }
0x2f: {  	_ =	swait.ge [sflag:s19], $0x4000  }
0x30: {  	[sflag:s19] =	ssyncset.done $0x0  }
0x31: {  	s12 =	rddreg [dreg:$0xe];
	[sflag:s19] =	ssyncadd.s32 $0xFFFFC000  }
0x32: {  	[hbm4b:s12+s3] =	stream.linear.scatter [tilespmem:s31], [sflag:$0xC], $0x4000, $0x38;
	[tilespmem:$0x1EC00] =	vst v63  }
0x33: {  	_ =	swait.ge [sflag:s19], $0x4000  }
0x34: {  	[sflag:s19] =	ssyncset.done $0x0  }
0x35: {  	s11 =	rddreg [dreg:$0x14];
	[sflag:s19] =	ssyncadd.s32 $0xFFFFC000  }
0x36: {  	[tilespmem:s31], [sflag:$0xC] =	stream.linear.gather [spmem:s11], $0x4000, $0x38;
	[tilespmem:$0x1EC00] =	vst v63  }
0x37: {  	_ =	swait.ge [sflag:s19], $0x4000  }
0x38: {  	[sflag:s19] =	ssyncset.done $0x0  }
0x39: {  	s12 =	rddreg [dreg:$0xf];
	[sflag:s19] =	ssyncadd.s32 $0xFFFFC000  }
0x3a: {  	[hbm4b:s12+s3] =	stream.linear.scatter [tilespmem:s31], [sflag:$0xC], $0x4000, $0x38;
	[tilespmem:$0x1EC00] =	vst v63  }
0x3b: {  	_ =	swait.ge [sflag:s19], $0x4000  }
0x3c: {  	[sflag:s19] =	ssyncset.done $0x0  }
0x3d: {  	s11 =	rddreg [dreg:$0x15];
	[sflag:s19] =	ssyncadd.s32 $0xFFFFC000  }
0x3e: {  	[tilespmem:s31], [sflag:$0xC] =	stream.linear.gather [spmem:s11], $0x4000, $0x38;
	[tilespmem:$0x1EC00] =	vst v63  }
0x3f: {  	_ =	swait.ge [sflag:s19], $0x4000  }
0x40: {  	[sflag:s19] =	ssyncset.done $0x0  }
0x41: {  	s12 =	rddreg [dreg:$0x10];
	[sflag:s19] =	ssyncadd.s32 $0xFFFFC000  }
0x42: {  	[hbm4b:s12+s3] =	stream.linear.scatter [tilespmem:s31], [sflag:$0xC], $0x4000, $0x38;
	[tilespmem:$0x1EC00] =	vst v63  }
0x43: {  	_ =	swait.ge [sflag:s19], $0x4000  }
0x44: {  	[sflag:s19] =	ssyncset.done $0x0  }
0x45: {  	s11 =	rddreg [dreg:$0x16];
	[sflag:s19] =	ssyncadd.s32 $0xFFFFC000  }
0x46: {  	[tilespmem:s31], [sflag:$0xC] =	stream.linear.gather [spmem:s11], $0x4000, $0x38;
	[tilespmem:$0x1EC00] =	vst v63  }
0x47: {  	_ =	swait.ge [sflag:s19], $0x4000  }
0x48: {  	[sflag:s19] =	ssyncset.done $0x0  }
0x49: {  	s12 =	rddreg [dreg:$0x11];
	[sflag:s19] =	ssyncadd.s32 $0xFFFFC000  }
0x4a: {  	[hbm4b:s12+s3] =	stream.linear.scatter [tilespmem:s31], [sflag:$0xC], $0x4000, $0x38;
	[tilespmem:$0x1EC00] =	vst v63  }
0x4b: {  	_ =	swait.ge [sflag:s19], $0x4000  }
0x4c: {  	[sflag:s19] =	ssyncset.done $0x0  }
0x4d: {  	s12 =	rddreg [dreg:$0x17];
	[sflag:s19] =	ssyncadd.s32 $0xFFFFC000  }
0x4e: {  	[tilespmem:s31], [sflag:$0xC] =	stream.linear.gather [spmem:s12], $0x4000, $0x38;
	[tilespmem:$0x1EC00] =	vst v63  }
0x4f: {  	_ =	swait.ge [sflag:s19], $0x4000  }
0x50: {  	[sflag:s19] =	ssyncset.done $0x0  }
0x51: {  	s11 =	rddreg [dreg:$0x12];
	[sflag:s19] =	ssyncadd.s32 $0xFFFFC000  }
0x52: {  	[hbm4b:s11+s3] =	stream.linear.scatter [tilespmem:s31], [sflag:$0xC], $0x4000, $0x38;
	[tilespmem:$0x1EC00] =	vst v63  }
0x53: {  	_ =	swait.ge [sflag:s19], $0x4000  }
0x54: {  	[sflag:s19] =	ssyncset.done $0x0  }
0x55: {  	s11 =	rddreg [dreg:$0x18];
	[sflag:s19] =	ssyncadd.s32 $0xFFFFC000  }
0x56: {  	[hbm4b:s11+s3] =	stream.linear.scatter [tilespmem:s16], [sflag:$0xC], $0x2800, $0x38;
	[tilespmem:$0x1EC00] =	vst v63  }
0x57: {  	_ =	swait.ge [sflag:s19], $0x2800  }
0x58: {  	s11 =	rddreg [dreg:$0x1a]  }
0x59: {  	s10 =	rddreg [dreg:$0x19];
	s11 =	sadd.s32 $0x1, s11  }
0x5a: {  	p0 =	sne.s32 s11, s10  }
.Ltmp1:
0x5b: {  	_ = 	snop;
	(pc) =	sbr.rel @!p0 .LBB2_7-.Ltmp1, $3  }
0x5c: {  	_ =	sdelay $0x1  }
0x5d: {  	[sflag:s19] =	ssyncset.done $0x0;
	[dreg:$0x1a] =	wrdreg s11  }
0x5e: {  	[sflag:s19] =	ssyncadd.s32 $0xFFFFD800;
	s11 =	rddreg [dreg:$0x13]  }
.LBB2_1:
0x5f: {  	s10 =	rddreg [dreg:$0x2]  }
0x60: {  	[tilespmem:s31], [sflag:$0xC] =	stream.linear.gather [hbm4b:s10+s3], $0x4000, $0x38;
	[tilespmem:$0x1EC00] =	vst v63  }
0x61: {  	_ =	swait.ge [sflag:s19], $0x4000  }
0x62: {  	[sflag:s19] =	ssyncset.done $0x0  }
0x63: {  	[sflag:s19] =	ssyncadd.s32 $0xFFFFC000  }
0x64: {  	[spmem:s11] =	stream.linear.scatter [tilespmem:s31], [sflag:$0xC], $0x4000, $0x38;
	[tilespmem:$0x1EC00] =	vst v63  }
0x65: {  	_ =	swait.ge [sflag:s19], $0x4000  }
0x66: {  	[sflag:s19] =	ssyncset.done $0x0  }
0x67: {  	s11 =	rddreg [dreg:$0x14];
	[sflag:s19] =	ssyncadd.s32 $0xFFFFC000  }
0x68: {  	[spmem:s11] =	stream.linear.scatter [tilespmem:s31], [sflag:$0xC], $0x4000, $0x38;
	[tilespmem:$0x1EC00] =	vst v63  }
0x69: {  	_ =	swait.ge [sflag:s19], $0x4000  }
0x6a: {  	[sflag:s19] =	ssyncset.done $0x0  }
0x6b: {  	s11 =	rddreg [dreg:$0x15];
	[sflag:s19] =	ssyncadd.s32 $0xFFFFC000  }
0x6c: {  	[spmem:s11] =	stream.linear.scatter [tilespmem:s31], [sflag:$0xC], $0x4000, $0x38;
	[tilespmem:$0x1EC00] =	vst v63  }
0x6d: {  	_ =	swait.ge [sflag:s19], $0x4000  }
0x6e: {  	[sflag:s19] =	ssyncset.done $0x0  }
0x6f: {  	s11 =	rddreg [dreg:$0x16];
	[sflag:s19] =	ssyncadd.s32 $0xFFFFC000  }
0x70: {  	[spmem:s11] =	stream.linear.scatter [tilespmem:s31], [sflag:$0xC], $0x4000, $0x38;
	[tilespmem:$0x1EC00] =	vst v63  }
0x71: {  	_ =	swait.ge [sflag:s19], $0x4000  }
0x72: {  	[sflag:s19] =	ssyncset.done $0x0  }
0x73: {  	[sflag:s19] =	ssyncadd.s32 $0xFFFFC000  }
0x74: {  	[spmem:s12] =	stream.linear.scatter [tilespmem:s31], [sflag:$0xC], $0x4000, $0x38;
	[tilespmem:$0x1EC00] =	vst v63  }
0x75: {  	_ =	swait.ge [sflag:s19], $0x4000  }
0x76: {  	s10 =	simm.s32 $0x0;
	[sflag:s19] =	ssyncset.done $0x0  }
0x77: {  	s11 =	simm.s32 $0xC;
	[sflag:s19] =	ssyncadd.s32 $0xFFFFC000;
	s19 =	simm.s32 $0x40  }
.LBB2_2:
0x78: {  	p0 =	sne.s32 s19, $0x9FC0;
	[tilespmem:s10+$0x1C400] =	vst v0;
	s10 =	smov.u32 s19;
	s19 =	sadd.s32 $0x40, s19  }
.Ltmp2:
0x79: {  	(pc) =	sbr.rel @p0 .LBB2_2-.Ltmp2, $2  }
0x7a: {  	_ =	sdelay $0x2  }
0x7b: {  	s10 =	sshra.s32 s10, $0x2  }
0x7c: {  	[tilespmem:s10+$0x1C400] =	vst v0  }
0x7d: {  	[bflag:$0x0] =	sbarrier.arrive $0xFFFF  }
0x7e: {  	s19 =	simm.s32 $0x0;
	s12 =	simm.s32 $0x14000;
	s10 =	rddreg [dreg:$0x5]  }
0x7f: {  	[tilespmem:s12], [sflag:$0xC] =	stream.linear.gather [hbm4b:s10+s19], $0x80, $0x38;
	[tilespmem:$0x1EC00] =	vst v63  }
0x80: {  	_ =	swait.ge [sflag:s11], $0x80  }
0x81: {  	[sflag:s11] =	ssyncset.done $0x0  }
0x82: {  	s12 =	simm.s32 $0x14200;
	s10 =	rddreg [dreg:$0x6];
	[sflag:s11] =	ssyncadd.s32 $0xFFFFFF80  }
0x83: {  	[tilespmem:s12], [sflag:$0xC] =	stream.linear.gather [hbm4b:s10+s19], $0x80, $0x38;
	[tilespmem:$0x1EC00] =	vst v63  }
0x84: {  	_ =	swait.ge [sflag:s11], $0x80  }
0x85: {  	[sflag:s11] =	ssyncset.done $0x0  }
0x86: {  	s12 =	rddreg [dreg:$0x7];
	[sflag:s11] =	ssyncadd.s32 $0xFFFFFF80  }
0x87: {  	[tilespmem:s4], [sflag:$0x2] =	stream.linear.gather [hbm4b:s12+s19], $0x80, $0x38;
	[tilespmem:$0x1EC00] =	vst v63  }
0x88: {  	s11 =	rddreg [dreg:$0x8]  }
0x89: {  	[tilespmem:s5], [sflag:$0x6] =	stream.linear.gather [hbm4b:s11+s19], $0x80, $0x38;
	[tilespmem:$0x1EC00] =	vst v63  }
0x8a: {  	s12 =	simm.s32 $0x14000  }
0x8b: {  	[tilespmem:s31], [sflag:$0x9] =	stream.indirect.gather [hbm4b:s1+s6], $0x80, s12, s6, $0xb8;
	[tilespmem:$0x1EC00] =	vst v63  }
.LBB2_4:
0x8c: {  	_ =	swait.ge [sflag:s7], $0x4000  }
0x8d: {  	[sflag:s7] =	ssyncset.done $0x0  }
0x8e: {  	s10 =	simm.s32 $0x14200;
	[sflag:s7] =	ssyncadd.s32 $0xFFFFC000  }
0x8f: {  	[spmem:s20] =	stream.indirect.scatter.add.f32 [tilespmem:s31], [sflag:$0xB], $0x80, s10, s6, $0xb8;
	[tilespmem:$0x1EC00] =	vst v63  }
0x90: {  	v2 =	vld [tilespmem:$0x14200];
	_ =	sdelay $0x7  }
0x91: {  	[tilespmem:v2+s16+$0x0] =	vst.idx.add.f32.msk $0xffff, v1  }
0x92: {  	v2 =	vld [tilespmem:$0x14210];
	_ =	sdelay $0x7  }
0x93: {  	[tilespmem:v2+s16+$0x0] =	vst.idx.add.f32.msk $0xffff, v1  }
0x94: {  	v2 =	vld [tilespmem:$0x14220];
	_ =	sdelay $0x7  }
0x95: {  	[tilespmem:v2+s16+$0x0] =	vst.idx.add.f32.msk $0xffff, v1  }
0x96: {  	v2 =	vld [tilespmem:$0x14230];
	_ =	sdelay $0x7  }
0x97: {  	[tilespmem:v2+s16+$0x0] =	vst.idx.add.f32.msk $0xffff, v1  }
0x98: {  	v2 =	vld [tilespmem:$0x14240];
	_ =	sdelay $0x7  }
0x99: {  	[tilespmem:v2+s16+$0x0] =	vst.idx.add.f32.msk $0xffff, v1  }
0x9a: {  	v2 =	vld [tilespmem:$0x14250];
	_ =	sdelay $0x7  }
0x9b: {  	[tilespmem:v2+s16+$0x0] =	vst.idx.add.f32.msk $0xffff, v1  }
0x9c: {  	v2 =	vld [tilespmem:$0x14260];
	_ =	sdelay $0x7  }
0x9d: {  	[tilespmem:v2+s16+$0x0] =	vst.idx.add.f32.msk $0xffff, v1  }
0x9e: {  	v2 =	vld [tilespmem:$0x14270];
	_ =	sdelay $0x6  }
0x9f: {  	p0 =	seq.s32 s19, $0x0  }
0xa0: {  	s10 =	simm.s32 @!p0 $0xB;
	[tilespmem:v2+s16+$0x0] =	vst.idx.add.f32.msk $0xffff, v1  }
0xa1: {  	_ =	swait.ge @!p0 [sflag:s10], $0x4000  }
0xa2: {  	[sflag:s10] =	ssyncset.done @!p0 $0x0  }
0xa3: {  	s11 =	sadd.s32 s19, s15;
	[sflag:s10] =	ssyncadd.s32 @!p0 $0xFFFFC000  }
0xa4: {  	[tilespmem:s17], [sflag:$0x3] =	stream.linear.gather [hbm4b:s11+s3], $0x80, $0x38;
	[tilespmem:$0x1EC00] =	vst v63  }
0xa5: {  	s12 =	sadd.s32 s19, s14  }
0xa6: {  	[tilespmem:s18], [sflag:$0x7] =	stream.linear.gather [hbm4b:s12+s3], $0x80, $0x38;
	[tilespmem:$0x1EC00] =	vst v63  }
0xa7: {  	_ =	swait.ge [sflag:s21], $0x80  }
0xa8: {  	[sflag:s21] =	ssyncset.done $0x0  }
0xa9: {  	[sflag:s21] =	ssyncadd.s32 $0xFFFFFF80  }
0xaa: {  	_ =	swait.ge [sflag:s22], $0x80  }
0xab: {  	[sflag:s22] =	ssyncset.done $0x0  }
0xac: {  	[sflag:s22] =	ssyncadd.s32 $0xFFFFFF80  }
0xad: {  	[tilespmem:s29], [sflag:$0xA] =	stream.indirect.gather [hbm4b:s1+s6], $0x80, s4, s6, $0xb8;
	[tilespmem:$0x1EC00] =	vst v63  }
0xae: {  	_ =	swait.ge [sflag:s30], $0x4000  }
0xaf: {  	[sflag:s30] =	ssyncset.done $0x0  }
0xb0: {  	[sflag:s30] =	ssyncadd.s32 $0xFFFFC000  }
0xb1: {  	[spmem:s20] =	stream.indirect.scatter.add.f32 [tilespmem:s29], [sflag:$0xB], $0x80, s5, s6, $0xb8;
	[tilespmem:$0x1EC00] =	vst v63  }
0xb2: {  	v2 =	vld [tilespmem:$0x14280];
	_ =	sdelay $0x7  }
0xb3: {  	[tilespmem:v2+s16+$0x0] =	vst.idx.add.f32.msk $0xffff, v1  }
0xb4: {  	v2 =	vld [tilespmem:$0x14290];
	_ =	sdelay $0x7  }
0xb5: {  	[tilespmem:v2+s16+$0x0] =	vst.idx.add.f32.msk $0xffff, v1  }
0xb6: {  	v2 =	vld [tilespmem:$0x142A0];
	_ =	sdelay $0x7  }
0xb7: {  	[tilespmem:v2+s16+$0x0] =	vst.idx.add.f32.msk $0xffff, v1  }
0xb8: {  	v2 =	vld [tilespmem:$0x142B0];
	_ =	sdelay $0x7  }
0xb9: {  	[tilespmem:v2+s16+$0x0] =	vst.idx.add.f32.msk $0xffff, v1  }
0xba: {  	v2 =	vld [tilespmem:$0x142C0];
	_ =	sdelay $0x7  }
0xbb: {  	[tilespmem:v2+s16+$0x0] =	vst.idx.add.f32.msk $0xffff, v1  }
0xbc: {  	v2 =	vld [tilespmem:$0x142D0];
	_ =	sdelay $0x7  }
0xbd: {  	[tilespmem:v2+s16+$0x0] =	vst.idx.add.f32.msk $0xffff, v1  }
0xbe: {  	v2 =	vld [tilespmem:$0x142E0];
	_ =	sdelay $0x7  }
0xbf: {  	[tilespmem:v2+s16+$0x0] =	vst.idx.add.f32.msk $0xffff, v1  }
0xc0: {  	v2 =	vld [tilespmem:$0x142F0];
	_ =	sdelay $0x7  }
0xc1: {  	[tilespmem:v2+s16+$0x0] =	vst.idx.add.f32.msk $0xffff, v1  }
0xc2: {  	_ =	swait.ge [sflag:s23], $0x4000  }
0xc3: {  	[sflag:s23] =	ssyncset.done $0x0  }
0xc4: {  	s11 =	sadd.s32 s19, s13;
	s12 =	rddreg [dreg:$0xd];
	[sflag:s23] =	ssyncadd.s32 $0xFFFFC000  }
0xc5: {  	[tilespmem:s24], [sflag:$0x4] =	stream.linear.gather [hbm4b:s11+s3], $0x80, $0x38;
	[tilespmem:$0x1EC00] =	vst v63  }
0xc6: {  	s10 =	sadd.s32 s19, s12  }
0xc7: {  	[tilespmem:s25], [sflag:$0x8] =	stream.linear.gather [hbm4b:s10+s3], $0x80, $0x38;
	[tilespmem:$0x1EC00] =	vst v63  }
0xc8: {  	_ =	swait.ge [sflag:s26], $0x80  }
0xc9: {  	[sflag:s26] =	ssyncset.done $0x0  }
0xca: {  	[sflag:s26] =	ssyncadd.s32 $0xFFFFFF80  }
0xcb: {  	_ =	swait.ge [sflag:s28], $0x80  }
0xcc: {  	[sflag:s28] =	ssyncset.done $0x0  }
0xcd: {  	[sflag:s28] =	ssyncadd.s32 $0xFFFFFF80  }
0xce: {  	[tilespmem:s31], [sflag:$0x9] =	stream.indirect.gather [hbm4b:s1+s6], $0x80, s17, s6, $0xb8;
	[tilespmem:$0x1EC00] =	vst v63  }
0xcf: {  	_ =	swait.ge [sflag:s7], $0x4000  }
0xd0: {  	[sflag:s7] =	ssyncset.done $0x0  }
0xd1: {  	[sflag:s7] =	ssyncadd.s32 $0xFFFFC000  }
0xd2: {  	[spmem:s20] =	stream.indirect.scatter.add.f32 [tilespmem:s31], [sflag:$0xB], $0x80, s18, s6, $0xb8;
	[tilespmem:$0x1EC00] =	vst v63  }
0xd3: {  	v2 =	vld [tilespmem:$0x14300];
	_ =	sdelay $0x7  }
0xd4: {  	[tilespmem:v2+s16+$0x0] =	vst.idx.add.f32.msk $0xffff, v1  }
0xd5: {  	v2 =	vld [tilespmem:$0x14310];
	_ =	sdelay $0x7  }
0xd6: {  	[tilespmem:v2+s16+$0x0] =	vst.idx.add.f32.msk $0xffff, v1  }
0xd7: {  	v2 =	vld [tilespmem:$0x14320];
	_ =	sdelay $0x7  }
0xd8: {  	[tilespmem:v2+s16+$0x0] =	vst.idx.add.f32.msk $0xffff, v1  }
0xd9: {  	v2 =	vld [tilespmem:$0x14330];
	_ =	sdelay $0x7  }
0xda: {  	[tilespmem:v2+s16+$0x0] =	vst.idx.add.f32.msk $0xffff, v1  }
0xdb: {  	v2 =	vld [tilespmem:$0x14340];
	_ =	sdelay $0x7  }
0xdc: {  	[tilespmem:v2+s16+$0x0] =	vst.idx.add.f32.msk $0xffff, v1  }
0xdd: {  	v2 =	vld [tilespmem:$0x14350];
	_ =	sdelay $0x7  }
0xde: {  	[tilespmem:v2+s16+$0x0] =	vst.idx.add.f32.msk $0xffff, v1  }
0xdf: {  	v2 =	vld [tilespmem:$0x14360];
	_ =	sdelay $0x7  }
0xe0: {  	[tilespmem:v2+s16+$0x0] =	vst.idx.add.f32.msk $0xffff, v1  }
0xe1: {  	v2 =	vld [tilespmem:$0x14370];
	_ =	sdelay $0x7  }
0xe2: {  	[tilespmem:v2+s16+$0x0] =	vst.idx.add.f32.msk $0xffff, v1  }
0xe3: {  	p0 =	seq.s32 s19, $0x9C0;
	_ =	swait.ge [sflag:s23], $0x4000  }
0xe4: {  	s12 =	simm.s32 @!p0 $0x14000;
	[sflag:s23] =	ssyncset.done $0x0;
	s10 =	rddreg [dreg:$0xc]  }
0xe5: {  	s11 =	simm.s32 @!p0 $0x0;
	[sflag:s23] =	ssyncadd.s32 $0xFFFFC000;
	s10 =	sadd.s32 @!p0 s19, s10  }
0xe6: {  	[tilespmem:s12], [sflag:$0x1] =	stream.linear.gather @!p0 [hbm4b:s10+s11], $0x80, $0x38;
	[tilespmem:$0x1EC00] =	vst v63  }
0xe7: {  	s10 =	rddreg [dreg:$0xb]  }
0xe8: {  	s12 =	simm.s32 @!p0 $0x14200;
	s10 =	sadd.s32 @!p0 s19, s10  }
0xe9: {  	[tilespmem:s12], [sflag:$0x5] =	stream.linear.gather @!p0 [hbm4b:s10+s11], $0x80, $0x38;
	[tilespmem:$0x1EC00] =	vst v63  }
0xea: {  	_ =	swait.ge [sflag:s0], $0x80  }
0xeb: {  	[sflag:s0] =	ssyncset.done $0x0  }
0xec: {  	[sflag:s0] =	ssyncadd.s32 $0xFFFFFF80  }
0xed: {  	_ =	swait.ge [sflag:s2], $0x80  }
0xee: {  	[sflag:s2] =	ssyncset.done $0x0  }
0xef: {  	[sflag:s2] =	ssyncadd.s32 $0xFFFFFF80  }
0xf0: {  	[tilespmem:s29], [sflag:$0xA] =	stream.indirect.gather [hbm4b:s1+s6], $0x80, s24, s6, $0xb8;
	[tilespmem:$0x1EC00] =	vst v63  }
0xf1: {  	_ =	swait.ge [sflag:s30], $0x4000  }
0xf2: {  	[sflag:s30] =	ssyncset.done $0x0  }
0xf3: {  	[sflag:s30] =	ssyncadd.s32 $0xFFFFC000  }
0xf4: {  	[spmem:s20] =	stream.indirect.scatter.add.f32 [tilespmem:s29], [sflag:$0xB], $0x80, s25, s6, $0xb8;
	[tilespmem:$0x1EC00] =	vst v63  }
0xf5: {  	v2 =	vld [tilespmem:$0x14380];
	_ =	sdelay $0x7  }
0xf6: {  	[tilespmem:v2+s16+$0x0] =	vst.idx.add.f32.msk $0xffff, v1  }
0xf7: {  	v2 =	vld [tilespmem:$0x14390];
	_ =	sdelay $0x7  }
0xf8: {  	[tilespmem:v2+s16+$0x0] =	vst.idx.add.f32.msk $0xffff, v1  }
0xf9: {  	v2 =	vld [tilespmem:$0x143A0];
	_ =	sdelay $0x7  }
0xfa: {  	[tilespmem:v2+s16+$0x0] =	vst.idx.add.f32.msk $0xffff, v1  }
0xfb: {  	v2 =	vld [tilespmem:$0x143B0];
	_ =	sdelay $0x7  }
0xfc: {  	[tilespmem:v2+s16+$0x0] =	vst.idx.add.f32.msk $0xffff, v1  }
0xfd: {  	v2 =	vld [tilespmem:$0x143C0];
	_ =	sdelay $0x7  }
0xfe: {  	[tilespmem:v2+s16+$0x0] =	vst.idx.add.f32.msk $0xffff, v1  }
0xff: {  	v2 =	vld [tilespmem:$0x143D0];
	_ =	sdelay $0x7  }
0x100: {  	[tilespmem:v2+s16+$0x0] =	vst.idx.add.f32.msk $0xffff, v1  }
0x101: {  	v2 =	vld [tilespmem:$0x143E0];
	_ =	sdelay $0x7  }
0x102: {  	[tilespmem:v2+s16+$0x0] =	vst.idx.add.f32.msk $0xffff, v1  }
0x103: {  	v2 =	vld [tilespmem:$0x143F0];
	_ =	sdelay $0x6  }
.Ltmp3:
0x104: {  	_ = 	snop;
	(pc) =	sbr.rel @p0 .LBB2_6-.Ltmp3, $4  }
0x105: {  	[tilespmem:v2+s16+$0x0] =	vst.idx.add.f32.msk $0xffff, v1  }
0x106: {  	_ =	swait.ge [sflag:s23], $0x4000  }
0x107: {  	[sflag:s23] =	ssyncset.done $0x0  }
0x108: {  	[sflag:s23] =	ssyncadd.s32 $0xFFFFC000  }
0x109: {  	s10 =	rddreg [dreg:$0xa]  }
0x10a: {  	s11 =	rddreg [dreg:$0x9];
	s10 =	sadd.s32 s19, s10  }
0x10b: {  	[tilespmem:s4], [sflag:$0x2] =	stream.linear.gather [hbm4b:s10+s3], $0x80, $0x38;
	[tilespmem:$0x1EC00] =	vst v63  }
0x10c: {  	s10 =	sadd.s32 s19, s11  }
0x10d: {  	[tilespmem:s5], [sflag:$0x6] =	stream.linear.gather [hbm4b:s10+s3], $0x80, $0x38;
	[tilespmem:$0x1EC00] =	vst v63  }
0x10e: {  	_ =	swait.ge [sflag:s8], $0x80  }
0x10f: {  	[sflag:s8] =	ssyncset.done $0x0  }
.Ltmp4:
0x110: {  	[sflag:s8] =	ssyncadd.s32 $0xFFFFFF80;
	(pc) =	sbr.rel .LBB2_4-.Ltmp4, $4  }
0x111: {  	_ =	swait.ge [sflag:s9], $0x80  }
0x112: {  	[sflag:s9] =	ssyncset.done $0x0  }
0x113: {  	s12 =	simm.s32 $0x14000;
	s19 =	sadd.s32 $0x40, s19;
	[sflag:s9] =	ssyncadd.s32 $0xFFFFFF80  }
0x114: {  	[tilespmem:s31], [sflag:$0x9] =	stream.indirect.gather [hbm4b:s1+s6], $0x80, s12, s6, $0xb8;
	[tilespmem:$0x1EC00] =	vst v63  }
.LBB2_7:
0x115: {  	_ =	sfence.sel $0x180000  }
0x116: {  	[bflag:$0x0] =	sbarrier.arrive $0xFFFF  }
0x117: {  	_ =	strace $0x90000047  }
0x118: {  	s0 =	stileid.u32;
	[bflag:$0x2] =	sbarrier.arrive $0xFFFF  }
0x119: {  	p0 =	sne.s32 s0, $0x0;
	s0 =	rddreg [dreg:$0x4]  }
0x11a: {  	s0 =	sadd.s32 @!p0 $0x100000, s0  }
0x11b: {  	[sflag:s0] =	ssyncadd.tile.s32 @!p0 $0x1;
	_ =	shalt  }
.Lfunc_end2:
_tile_overlayer_lowered:
.L_overlay_start_2:
0x11c: {  	(tag) =	ssettag $0x2  }
0x11d: {  	s0 =	rddreg [dreg:$0x0];
	s2 =	stileid.u32  }
0x11e: {  	s1 =	rddreg [dreg:$0x1];
	p0 =	sne.s32 s2, $0x0  }
0x11f: {  	s3 =	rddreg [dreg:$0x2];
	[bflag:$0x3] =	sbarrier.arrive $0xFFFF;
	s2 =	simm.s32 @!p0 $0x1C0C  }
0x120: {  	[timem:s3], [sflag:s2] =	dma.local @!p0 [hbm:s0], s1  }
0x121: {  	s0 =	simm.s32 @!p0 $0xC  }
0x122: {  	_ =	swait.ge @!p0 [sflag:s0], s1  }
0x123: {  	s1 =	ssub.s32 @!p0 $0x0, s1;
	[sflag:s0] =	ssyncset.done @!p0 $0x0  }
0x124: {  	[sflag:s0] =	ssyncadd.s32 @!p0 s1  }
0x125: {  	[bflag:$0x3] =	sbarrier.arrive $0xFFFF  }
0x126: {  	_ =	shalt  }

</sc_bundles>
